<compile_context>
chip_gen: v7x
topology: tpu7x:2x2x1
jax: 0.10.2.dev20260603
libtpu: 0.0.44.dev20260713+nightly
codegen_flags: <defaults>
</compile_context>

<pallas_src>
import functools

import jax
import jax.numpy as jnp
from jax import lax
from jax.experimental import pallas as pl
from jax.experimental.pallas import tpu as pltpu
from jax.experimental.pallas import tpu_sc as plsc

N_N = 100000
N_E = 1600000
MAXDEG = 8
NW = 32
NLP = 3136
RB = 2000
NROUND = (N_E // 16) // RB
MC = 128
EPW = N_E // NW
CH2 = 2000
NCH2 = EPW // CH2
BIG = 1e30

_mesh = plsc.VectorSubcoreMesh(core_axis_name="c", subcore_axis_name="s")


def _vperm(x, idx):
    return lax.gather(
        x, idx[:, None],
        lax.GatherDimensionNumbers(offset_dims=(), collapsed_slice_dims=(0,),
                                   start_index_map=(0,)),
        (1,), mode=lax.GatherScatterMode.PROMISE_IN_BOUNDS)


@functools.partial(
    pl.kernel,
    mesh=_mesh,
    compiler_params=pltpu.CompilerParams(needs_layout_passes=False),
    out_type=[
        jax.ShapeDtypeStruct((NW * NLP,), jnp.float32),
        jax.ShapeDtypeStruct((NW * NLP,), jnp.int32),
        jax.ShapeDtypeStruct((NW * NLP,), jnp.int32),
    ],
    scratch_types=[
        pltpu.VMEM((2 * RB,), jnp.float32),
        pltpu.VMEM((2 * RB,), jnp.int32),
        pltpu.SemaphoreType.DMA,
        pltpu.SemaphoreType.DMA,
        pltpu.VMEM((17 * MC * 3,), jnp.int32),
        pltpu.VMEM((16 * MC * 3,), jnp.int32),
        pltpu.VMEM((32,), jnp.int32),
        pltpu.VMEM((256,), jnp.int32),
        pltpu.VMEM((16,), jnp.int32),
        pltpu.VMEM((NLP,), jnp.float32),
        pltpu.VMEM((NLP,), jnp.int32),
        pltpu.VMEM((NLP,), jnp.float32),
        pltpu.VMEM((NLP,), jnp.int32),
        pltpu.VMEM((NLP,), jnp.float32),
        pltpu.VMEM((NLP,), jnp.int32),
        pltpu.VMEM((NLP,), jnp.int32),
        pltpu.VMEM((16 * 8 * 16,), jnp.int32),
        pltpu.VMEM((256,), jnp.int32),
        pltpu.VMEM_SHARED((16 * 16 * MC * 3,), jnp.int32),
        pltpu.VMEM_SHARED((256,), jnp.int32),
    ],
)
def _build(v_hbm, d_hbm, den_out, r1_out, r2_out,
           vbuf, dbuf, lsem, fsem, stage, drainb, cntarr, cntbuf, svec,
           m1, i1, m2, i2, den, deg, scr, rbuf, abuf, mb_sh, cnt_sh):
    c = lax.axis_index("c")
    sid = lax.axis_index("s")
    w = sid * 2 + c
    lanes = lax.broadcasted_iota(jnp.int32, (16,), 0)
    z16 = jnp.zeros((16,), jnp.int32)

    def init(k, carry):
        sl = pl.ds(k * 16, 16)
        m1[sl] = jnp.full((16,), BIG, jnp.float32)
        m2[sl] = jnp.full((16,), BIG, jnp.float32)
        i1[sl] = jnp.full((16,), N_E, jnp.int32)
        i2[sl] = jnp.full((16,), N_E, jnp.int32)
        den[sl] = jnp.zeros((16,), jnp.float32)
        deg[sl] = jnp.zeros((16,), jnp.int32)
        return carry

    lax.fori_loop(0, NLP // 16, init, 0)

    def initrow(k, carry):
        stage[pl.ds(k * 16, 16)] = z16
        return carry

    lax.fori_loop(0, 17 * MC * 3 // 16, initrow, 0)

    chunk_base = sid * (N_E // 16)

    def start_load(k, slot):
        eb = chunk_base + k * RB
        pltpu.async_copy(v_hbm.at[pl.ds(eb, RB)], vbuf.at[pl.ds(slot * RB, RB)], lsem)
        pltpu.async_copy(d_hbm.at[pl.ds(eb, RB)], dbuf.at[pl.ds(slot * RB, RB)], lsem)

    def wait_load(slot):
        pltpu.make_async_copy(v_hbm.at[pl.ds(0, RB)],
                              vbuf.at[pl.ds(slot * RB, RB)], lsem).wait()
        pltpu.make_async_copy(d_hbm.at[pl.ds(0, RB)],
                              dbuf.at[pl.ds(slot * RB, RB)], lsem).wait()

    start_load(0, 0)

    def round_body2(g, carry0):
        for slot in range(2):
            _round_one(2 * g + slot, slot)
        return carry0

    def _round_one(k, slot):
        ebase = chunk_base + k * RB
        wait_load(slot)

        @pl.when(k + 1 < NROUND)
        def _pf():
            start_load(k + 1, 1 - slot)

        vchunk = vbuf.at[pl.ds(slot * RB, RB)]
        dchunk = dbuf.at[pl.ds(slot * RB, RB)]
        cntarr[pl.ds(0, 16)] = z16
        cntarr[pl.ds(16, 16)] = z16

        def reader_vreg(j, acc):
            sl = pl.ds(j * 16, 16)
            dv = dchunk[sl]
            pm = (dv & 1) == c
            key = jnp.where(pm, lax.shift_right_logical(dv, 1) & 15, 16)
            key_s, lane_s = plsc.sort_key_val(key, lanes)
            prev = _vperm(key_s, jnp.maximum(lanes - 1, 0))
            nxt = _vperm(key_s, jnp.minimum(lanes + 1, 15))
            is_start = (lanes == 0) | (key_s != prev)
            is_end = (lanes == 15) | (key_s != nxt)
            run_start = plsc.cummax(jnp.where(is_start, lanes, 0))
            rank = lanes - run_start
            cvals = plsc.load_gather(cntarr, [key_s])
            pos = jnp.minimum(cvals + rank, MC - 1)
            plsc.store_scatter(cntarr, [key_s],
                               jnp.minimum(cvals + rank + 1, MC), mask=is_end)
            v_s = plsc.bitcast(_vperm(vchunk[sl], lane_s), jnp.int32)
            l_s = lax.shift_right_logical(_vperm(dv, lane_s), 5)
            ei_s = ebase + j * 16 + lane_s
            sidx = (key_s * MC + pos) * 3
            plsc.store_scatter(stage, [sidx], v_s)
            plsc.store_scatter(stage, [sidx + 1], l_s)
            plsc.store_scatter(stage, [sidx + 2], ei_s)
            return acc

        lax.fori_loop(0, RB // 16, reader_vreg, 0)

        SEG = MC * 3
        for o in range(16):
            pltpu.async_copy(stage.at[pl.ds(o * SEG, SEG)],
                             mb_sh.at[pl.ds((o * 16 + sid) * SEG, SEG)], fsem)
        for o in range(16):
            pltpu.make_async_copy(
                stage.at[pl.ds(o * SEG, SEG)],
                mb_sh.at[pl.ds((o * 16 + sid) * SEG, SEG)], fsem).wait()
        pltpu.sync_copy(cntarr.at[pl.ds(0, 16)], cnt_sh.at[pl.ds(sid * 16, 16)])
        plsc.subcore_barrier()

        pltpu.sync_copy(mb_sh.at[pl.ds(sid * 16 * SEG, 16 * SEG)], drainb)
        pltpu.sync_copy(cnt_sh, cntbuf)

        def rmw_round(mi, vv, lid, ei):
            m = mi != 0
            ex = jnp.exp(vv)
            plsc.store_scatter(scr, [lid], lanes, mask=m)
            got = plsc.load_gather(scr, [lid], mask=m)
            win = m & (got == lanes)
            d0 = plsc.load_gather(den, [lid], mask=win)
            plsc.store_scatter(den, [lid], d0 + ex, mask=win)
            g0 = plsc.load_gather(deg, [lid], mask=win)
            plsc.store_scatter(deg, [lid], g0 + 1, mask=win)
            a1 = plsc.load_gather(m1, [lid], mask=win)
            b1 = plsc.load_gather(i1, [lid], mask=win)
            a2 = plsc.load_gather(m2, [lid], mask=win)
            b2 = plsc.load_gather(i2, [lid], mask=win)
            lt1 = (vv < a1) | ((vv == a1) & (ei < b1))
            lt2 = (vv < a2) | ((vv == a2) & (ei < b2))
            nm1 = jnp.where(lt1, vv, a1)
            nb1 = jnp.where(lt1, ei, b1)
            nm2 = jnp.where(lt1, a1, jnp.where(lt2, vv, a2))
            nb2 = jnp.where(lt1, b1, jnp.where(lt2, ei, b2))
            plsc.store_scatter(m1, [lid], nm1, mask=win)
            plsc.store_scatter(i1, [lid], nb1, mask=win)
            plsc.store_scatter(m2, [lid], nm2, mask=win)
            plsc.store_scatter(i2, [lid], nb2, mask=win)
            return jnp.where(win, 0, mi)

        def fields(rr, jj):
            slot = jj * 16 + lanes
            valid = plsc.load_gather(cntbuf, [z16 + rr * 16 + sid])
            msk = slot < valid
            didx = (rr * MC + slot) * 3
            vv = plsc.bitcast(
                plsc.load_gather(drainb, [didx], mask=msk), jnp.float32)
            lid = plsc.load_gather(drainb, [didx + 1], mask=msk)
            ei = plsc.load_gather(drainb, [didx + 2], mask=msk)
            lid = jnp.where(msk, lid, 0)
            ei = jnp.where(msk, ei, 0)
            vv = jnp.where(msk, vv, jnp.float32(0))
            return msk, vv, lid, ei

        def drain_r(rr, acc):
            def drain_vreg(jj, acc2):
                msk, vv, lid, ei = fields(rr, jj)
                rem = rmw_round(jnp.where(msk, 1, 0), vv, lid, ei)
                rbuf[pl.ds((rr * 8 + jj) * 16, 16)] = rem
                return acc2 | rem

            accr = lax.fori_loop(0, MC // 16, drain_vreg, z16)
            abuf[pl.ds(rr * 16, 16)] = accr
            return acc | accr

        lax.fori_loop(0, 16, drain_r, z16)

        def retry_rr(rr, carry4):
            @pl.when(jnp.any(abuf[pl.ds(rr * 16, 16)] != 0))
            def _retry():
                def retry_body(jj, carry3):
                    mi0 = rbuf[pl.ds((rr * 8 + jj) * 16, 16)]

                    def retry_round(mi):
                        msk, vv, lid, ei = fields(rr, jj)
                        del msk
                        return rmw_round(mi, vv, lid, ei)

                    lax.while_loop(lambda t2: jnp.any(t2 != 0),
                                   retry_round, mi0)
                    return carry3

                lax.fori_loop(0, MC // 16, retry_body, 0)

            return carry4

        lax.fori_loop(0, 16, retry_rr, 0)

        plsc.subcore_barrier()

    lax.fori_loop(0, NROUND // 2, round_body2, 0)

    def fold(k, carry):
        sl = pl.ds(k * 16, 16)
        over = deg[sl] > MAXDEG
        i1[sl] = jnp.where(over, i1[sl], -1)
        i2[sl] = jnp.where(over, i2[sl], -1)
        return carry

    lax.fori_loop(0, NLP // 16, fold, 0)

    off = w * NLP
    pltpu.sync_copy(den, den_out.at[pl.ds(off, NLP)])
    pltpu.sync_copy(i1, r1_out.at[pl.ds(off, NLP)])
    pltpu.sync_copy(i2, r2_out.at[pl.ds(off, NLP)])


@functools.partial(
    pl.kernel,
    mesh=_mesh,
    compiler_params=pltpu.CompilerParams(needs_layout_passes=False),
    out_type=[
        jax.ShapeDtypeStruct((N_E,), jnp.float32),
        jax.ShapeDtypeStruct((N_E,), jnp.int32),
    ],
    scratch_types=[
        pltpu.VMEM((NW * NLP,), jnp.float32),
        pltpu.VMEM((2 * CH2,), jnp.float32),
        pltpu.VMEM((2 * CH2,), jnp.int32),
        pltpu.VMEM((CH2,), jnp.int32),
        pltpu.VMEM((2 * CH2,), jnp.float32),
        pltpu.VMEM((CH2,), jnp.int32),
        pltpu.VMEM((CH2,), jnp.int32),
        pltpu.VMEM((2 * CH2,), jnp.int32),
        pltpu.SemaphoreType.DMA,
        pltpu.SemaphoreType.DMA,
        pltpu.SemaphoreType.DMA,
    ],
)
def _emit(v_hbm, d_hbm, den_t, r1_t, r2_t, soft_out, keep_out,
          tab, vbuf, dbuf, fbuf, sbuf, r1b, r2b, kbuf, lsem, gsem, osem):
    w = lax.axis_index("s") * 2 + lax.axis_index("c")
    lanes = lax.broadcasted_iota(jnp.int32, (16,), 0)
    pltpu.sync_copy(den_t, tab)
    wbase = w * EPW

    def start_load(c, slot):
        base = wbase + c * CH2
        pltpu.async_copy(v_hbm.at[pl.ds(base, CH2)],
                         vbuf.at[pl.ds(slot * CH2, CH2)], lsem)
        pltpu.async_copy(d_hbm.at[pl.ds(base, CH2)],
                         dbuf.at[pl.ds(slot * CH2, CH2)], lsem)

    def wait_load(slot):
        pltpu.make_async_copy(v_hbm.at[pl.ds(0, CH2)],
                              vbuf.at[pl.ds(slot * CH2, CH2)], lsem).wait()
        pltpu.make_async_copy(d_hbm.at[pl.ds(0, CH2)],
                              dbuf.at[pl.ds(slot * CH2, CH2)], lsem).wait()

    start_load(0, 0)

    def _chunk_one(c, slot):
        base = wbase + c * CH2
        wait_load(slot)

        @pl.when(c + 1 < NCH2)
        def _pf():
            start_load(c + 1, 1 - slot)

        vchunk = vbuf.at[pl.ds(slot * CH2, CH2)]
        dchunk = dbuf.at[pl.ds(slot * CH2, CH2)]
        sc_out = sbuf.at[pl.ds(slot * CH2, CH2)]
        kc_out = kbuf.at[pl.ds(slot * CH2, CH2)]

        @pl.when(c >= 2)
        def _wo():
            pltpu.make_async_copy(sc_out, soft_out.at[pl.ds(0, CH2)],
                                  osem).wait()
            pltpu.make_async_copy(kc_out, keep_out.at[pl.ds(0, CH2)],
                                  osem).wait()

        def f_body(j, carry2):
            sl = pl.ds(j * 16, 16)
            dv = dchunk[sl]
            fi = (dv & 31) * NLP + lax.shift_right_logical(dv, 5)
            fbuf[sl] = fi
            dn = plsc.load_gather(tab, [fi])
            sc_out[sl] = jnp.exp(vchunk[sl]) / dn
            return carry2

        lax.fori_loop(0, CH2 // 16, f_body, 0)

        h1 = pltpu.async_copy(r1_t.at[fbuf], r1b, gsem)
        h2 = pltpu.async_copy(r2_t.at[fbuf], r2b, gsem)
        h1.wait()
        h2.wait()

        def k_body(j, carry2):
            sl = pl.ds(j * 16, 16)
            ei = base + j * 16 + lanes
            kc_out[sl] = jnp.where((ei != r1b[sl]) & (ei != r2b[sl]), 1, 0)
            return carry2

        lax.fori_loop(0, CH2 // 16, k_body, 0)

        pltpu.async_copy(sc_out, soft_out.at[pl.ds(base, CH2)], osem)
        pltpu.async_copy(kc_out, keep_out.at[pl.ds(base, CH2)], osem)

    def chunk2(g, carry0):
        for slot in range(2):
            _chunk_one(2 * g + slot, slot)
        return carry0

    lax.fori_loop(0, NCH2 // 2, chunk2, 0)
    _chunk_one(NCH2 - 1, 0)
    for _ in range(4):
        pltpu.make_async_copy(sbuf.at[pl.ds(0, CH2)],
                              soft_out.at[pl.ds(0, CH2)], osem).wait()


def kernel(edge_vals, edge_index, desc_start, desc_end):
    dst = edge_index[1]
    den_t, r1_t, r2_t = _build(edge_vals, dst)
    soft, keep_i = _emit(edge_vals, dst, den_t, r1_t, r2_t)
    return keep_i.astype(jnp.bool_), soft

# --- scband reference (transcript-rebuilt; emitter-appended) ---
"""Pipeline reference for scband-edge-del-40132174414078 (READ-ONLY COPY).

The authoritative reference and input builder live on the scoring server;
editing this copy changes nothing except your own understanding.
"""

import jax, jax.numpy as jnp
import numpy as np

N_NODES = 100000
N_EDGES = 1600000
MAX_EDGES_NUM = 8


def setup_inputs(seed: int = 0) -> dict:
    key = jax.random.key(seed)
    k1, k2 = jax.random.split(key)
    edge_index = jax.random.randint(k1, (2, N_EDGES), 0, N_NODES, dtype=jnp.int32)
    edge_vals = jax.random.normal(k2, (N_EDGES,), dtype=jnp.float32)
    return {
        "edge_vals": edge_vals,
        "edge_index": edge_index,
        "desc_start": 0,
        "desc_end": N_NODES,
    }


def reference(edge_vals, edge_index, desc_start, desc_end):
    # Faithful vectorized translation of edge_del.forward:
    # For each destination node in [desc_start, desc_end): gather incoming edge
    # values 'e', softmax over them, and if in-degree > max_edges_num, mark the
    # 2 edges with the smallest softmax value (topk(2, largest=False)) for
    # deletion. DGL's in-place g.remove_edges is represented as a keep-mask.
    dst = edge_index[1]
    E = edge_vals.shape[0]
    in_range = (dst >= desc_start) & (dst < desc_end)
    NEG = jnp.float32(-1e30)
    BIG = jnp.float32(1e30)

    # per-destination (segment) softmax over incoming edge values
    vals_m = jnp.where(in_range, edge_vals, NEG)
    seg_max = jax.ops.segment_max(vals_m, dst, num_segments=N_NODES)
    seg_max = jnp.where(jnp.isfinite(seg_max), seg_max, jnp.float32(0.0))
    ex = jnp.where(in_range, jnp.exp(edge_vals - seg_max[dst]), jnp.float32(0.0))
    denom = jax.ops.segment_sum(ex, dst, num_segments=N_NODES)
    soft = jnp.where(in_range, ex / jnp.maximum(denom[dst], 1e-30), jnp.float32(0.0))

    # in-degree per destination node
    deg = jax.ops.segment_sum(in_range.astype(jnp.int32), dst, num_segments=N_NODES)

    # bottom-2 softmax values per destination (topk(2, largest=False))
    eidx = jnp.arange(E)
    s1 = jnp.where(in_range, soft, BIG)
    min1 = jax.ops.segment_min(s1, dst, num_segments=N_NODES)
    is_min1 = in_range & (s1 <= min1[dst])
    first1 = jax.ops.segment_min(jnp.where(is_min1, eidx, E), dst, num_segments=N_NODES)
    sel1 = eidx == first1[dst]

    s2 = jnp.where(sel1, BIG, s1)
    min2 = jax.ops.segment_min(s2, dst, num_segments=N_NODES)
    is_min2 = in_range & jnp.logical_not(sel1) & (s2 <= min2[dst])
    first2 = jax.ops.segment_min(jnp.where(is_min2, eidx, E), dst, num_segments=N_NODES)
    sel2 = eidx == first2[dst]

    over = deg > MAX_EDGES_NUM
    remove = (sel1 | sel2) & over[dst]
    keep = jnp.logical_not(remove)
    return keep, soft

if __name__ == "__main__":
    import jax
    _d = setup_inputs()
    print(jax.jit(kernel)(*tuple(_d.values())))

</pallas_src>

<mosaic_0001>
#map = affine_map<(d0, d1) -> (0)>
module attributes {stable_mosaic.version = 14 : i64} {
  func.func @_build(%arg0: i32, %arg1: i32, %arg2: memref<1600000xf32, #tpu.memory_space<hbm>>, %arg3: memref<1600000xi32, #tpu.memory_space<hbm>>, %arg4: memref<100352xf32, #tpu.memory_space<hbm>>, %arg5: memref<100352xi32, #tpu.memory_space<hbm>>, %arg6: memref<100352xi32, #tpu.memory_space<hbm>>, %arg7: memref<4000xf32, #tpu.memory_space<vmem>>, %arg8: memref<4000xi32, #tpu.memory_space<vmem>>, %arg9: memref<!tpu.dma_semaphore, #tpu.memory_space<semaphore_mem>>, %arg10: memref<!tpu.dma_semaphore, #tpu.memory_space<semaphore_mem>>, %arg11: memref<6528xi32, #tpu.memory_space<vmem>>, %arg12: memref<6144xi32, #tpu.memory_space<vmem>>, %arg13: memref<32xi32, #tpu.memory_space<vmem>>, %arg14: memref<256xi32, #tpu.memory_space<vmem>>, %arg15: memref<16xi32, #tpu.memory_space<vmem>>, %arg16: memref<3136xf32, #tpu.memory_space<vmem>>, %arg17: memref<3136xi32, #tpu.memory_space<vmem>>, %arg18: memref<3136xf32, #tpu.memory_space<vmem>>, %arg19: memref<3136xi32, #tpu.memory_space<vmem>>, %arg20: memref<3136xf32, #tpu.memory_space<vmem>>, %arg21: memref<3136xi32, #tpu.memory_space<vmem>>, %arg22: memref<3136xi32, #tpu.memory_space<vmem>>, %arg23: memref<2048xi32, #tpu.memory_space<vmem>>, %arg24: memref<256xi32, #tpu.memory_space<vmem>>, %arg25: memref<98304xi32, #tpu.memory_space<vmem_shared>>, %arg26: memref<256xi32, #tpu.memory_space<vmem_shared>>) attributes {dimension_semantics = [#tpu.dimension_semantics<core_parallel>, #tpu.dimension_semantics<subcore_parallel>], iteration_bounds = array<i64: 2, 16>, scalar_prefetch = 0 : i64, scratch_operands = 20 : i64, tpu.core_type = #tpu.core_type<sc_vector_subcore>, window_params = [{transform_indices = #map}, {transform_indices = #map}, {transform_indices = #map}, {transform_indices = #map}, {transform_indices = #map}]} {
    %mul3A = arith.constant 2 : i32
    %mul3A_0 = arith.muli %arg1, %mul3A : i32
    %add3A = arith.addi %mul3A_0, %arg0 : i32
    %iota3A = tpu.iota {dimensions = array<i32: 0>} : vector<16xi32>
    %broadcast_in_dim3A = arith.constant 0 : i32
    %broadcast_in_dim3A_1 = vector.broadcast %broadcast_in_dim3A : i32 to vector<16xi32>
    %scan3A = arith.constant 0 : i32
    %scan3A_2 = arith.constant 0 : i32
    %scan3A_3 = arith.constant 196 : i32
    %scan3A_4 = arith.addi %scan3A_2, %scan3A_3 : i32
    %scan3A_5 = arith.constant 1 : i32
    scf.for %scan3A_42 = %scan3A_2 to %scan3A_4 step %scan3A_5  : i32 {
      %mul3A_43 = arith.constant 16 : i32
      %mul3A_44 = arith.muli %scan3A_42, %mul3A_43 : i32
      %broadcast_in_dim3A_45 = arith.constant 1.000000e+30 : f32
      %broadcast_in_dim3A_46 = vector.broadcast %broadcast_in_dim3A_45 : f32 to vector<16xf32>
      %swap3A = arith.index_cast %mul3A_44 : i32 to index
      %swap3A_47 = tpu.vector_load %arg16[%swap3A] {strides = array<i32>} : memref<3136xf32, #tpu.memory_space<vmem>>, vector<16xf32>,
      tpu.vector_store %arg16[%swap3A], %broadcast_in_dim3A_46 {strides = array<i32>} : memref<3136xf32, #tpu.memory_space<vmem>>, vector<16xf32>,
      %broadcast_in_dim3A_48 = arith.constant 1.000000e+30 : f32
      %broadcast_in_dim3A_49 = vector.broadcast %broadcast_in_dim3A_48 : f32 to vector<16xf32>
      %swap3A_50 = arith.index_cast %mul3A_44 : i32 to index
      %swap3A_51 = tpu.vector_load %arg18[%swap3A_50] {strides = array<i32>} : memref<3136xf32, #tpu.memory_space<vmem>>, vector<16xf32>,
      tpu.vector_store %arg18[%swap3A_50], %broadcast_in_dim3A_49 {strides = array<i32>} : memref<3136xf32, #tpu.memory_space<vmem>>, vector<16xf32>,
      %broadcast_in_dim3A_52 = arith.constant 1600000 : i32
      %broadcast_in_dim3A_53 = vector.broadcast %broadcast_in_dim3A_52 : i32 to vector<16xi32>
      %swap3A_54 = arith.index_cast %mul3A_44 : i32 to index
      %swap3A_55 = tpu.vector_load %arg17[%swap3A_54] {strides = array<i32>} : memref<3136xi32, #tpu.memory_space<vmem>>, vector<16xi32>,
      tpu.vector_store %arg17[%swap3A_54], %broadcast_in_dim3A_53 {strides = array<i32>} : memref<3136xi32, #tpu.memory_space<vmem>>, vector<16xi32>,
      %broadcast_in_dim3A_56 = arith.constant 1600000 : i32
      %broadcast_in_dim3A_57 = vector.broadcast %broadcast_in_dim3A_56 : i32 to vector<16xi32>
      %swap3A_58 = arith.index_cast %mul3A_44 : i32 to index
      %swap3A_59 = tpu.vector_load %arg19[%swap3A_58] {strides = array<i32>} : memref<3136xi32, #tpu.memory_space<vmem>>, vector<16xi32>,
      tpu.vector_store %arg19[%swap3A_58], %broadcast_in_dim3A_57 {strides = array<i32>} : memref<3136xi32, #tpu.memory_space<vmem>>, vector<16xi32>,
      %broadcast_in_dim3A_60 = arith.constant 0.000000e+00 : f32
      %broadcast_in_dim3A_61 = vector.broadcast %broadcast_in_dim3A_60 : f32 to vector<16xf32>
      %swap3A_62 = arith.index_cast %mul3A_44 : i32 to index
      %swap3A_63 = tpu.vector_load %arg20[%swap3A_62] {strides = array<i32>} : memref<3136xf32, #tpu.memory_space<vmem>>, vector<16xf32>,
      tpu.vector_store %arg20[%swap3A_62], %broadcast_in_dim3A_61 {strides = array<i32>} : memref<3136xf32, #tpu.memory_space<vmem>>, vector<16xf32>,
      %broadcast_in_dim3A_64 = arith.constant 0 : i32
      %broadcast_in_dim3A_65 = vector.broadcast %broadcast_in_dim3A_64 : i32 to vector<16xi32>
      %swap3A_66 = arith.index_cast %mul3A_44 : i32 to index
      %swap3A_67 = tpu.vector_load %arg21[%swap3A_66] {strides = array<i32>} : memref<3136xi32, #tpu.memory_space<vmem>>, vector<16xi32>,
      tpu.vector_store %arg21[%swap3A_66], %broadcast_in_dim3A_65 {strides = array<i32>} : memref<3136xi32, #tpu.memory_space<vmem>>, vector<16xi32>,
    }
    %scan3A_6 = arith.constant 196 : i32
    %scan3A_7 = arith.constant 0 : i32
    %scan3A_8 = arith.constant 0 : i32
    %scan3A_9 = arith.constant 408 : i32
    %scan3A_10 = arith.addi %scan3A_8, %scan3A_9 : i32
    %scan3A_11 = arith.constant 1 : i32
    scf.for %scan3A_42 = %scan3A_8 to %scan3A_10 step %scan3A_11  : i32 {
      %mul3A_43 = arith.constant 16 : i32
      %mul3A_44 = arith.muli %scan3A_42, %mul3A_43 : i32
      %swap3A = arith.index_cast %mul3A_44 : i32 to index
      %swap3A_45 = tpu.vector_load %arg11[%swap3A] {strides = array<i32>} : memref<6528xi32, #tpu.memory_space<vmem>>, vector<16xi32>,
      tpu.vector_store %arg11[%swap3A], %broadcast_in_dim3A_1 {strides = array<i32>} : memref<6528xi32, #tpu.memory_space<vmem>>, vector<16xi32>,
    }
    %scan3A_12 = arith.constant 408 : i32
    %mul3A_13 = arith.constant 100000 : i32
    %mul3A_14 = arith.muli %arg1, %mul3A_13 : i32
    %add3A_15 = arith.constant 0 : i32
    %add3A_16 = arith.addi %mul3A_14, %add3A_15 : i32
    %dma_start3A = arith.constant 0 : i32
    %dma_start3A_17 = tpu.memref_slice %arg7[%dma_start3A] : memref<4000xf32, #tpu.memory_space<vmem>> -> memref<2000xf32, #tpu.memory_space<vmem>>
    %dma_start3A_18 = tpu.memref_slice %arg2[%add3A_16] : memref<1600000xf32, #tpu.memory_space<hbm>> -> memref<2000xf32, #tpu.memory_space<hbm>>
    %dma_start3A_19 = arith.constant 0 : i32
    %dma_start3A_20 = tpu.memref_slice %arg7[%dma_start3A_19] : memref<4000xf32, #tpu.memory_space<vmem>> -> memref<2000xf32, #tpu.memory_space<vmem>>
    %dma_start3A_21 = tpu.memref_slice %arg2[%add3A_16] : memref<1600000xf32, #tpu.memory_space<hbm>> -> memref<2000xf32, #tpu.memory_space<hbm>>
    tpu.enqueue_dma source(%dma_start3A_21 : memref<2000xf32, #tpu.memory_space<hbm>>) target(%dma_start3A_20 : memref<2000xf32, #tpu.memory_space<vmem>>) target_semaphore(%arg9 : memref<!tpu.dma_semaphore, #tpu.memory_space<semaphore_mem>>)
    %dma_start3A_22 = arith.constant 0 : i32
    %dma_start3A_23 = tpu.memref_slice %arg8[%dma_start3A_22] : memref<4000xi32, #tpu.memory_space<vmem>> -> memref<2000xi32, #tpu.memory_space<vmem>>
    %dma_start3A_24 = tpu.memref_slice %arg3[%add3A_16] : memref<1600000xi32, #tpu.memory_space<hbm>> -> memref<2000xi32, #tpu.memory_space<hbm>>
    %dma_start3A_25 = arith.constant 0 : i32
    %dma_start3A_26 = tpu.memref_slice %arg8[%dma_start3A_25] : memref<4000xi32, #tpu.memory_space<vmem>> -> memref<2000xi32, #tpu.memory_space<vmem>>
    %dma_start3A_27 = tpu.memref_slice %arg3[%add3A_16] : memref<1600000xi32, #tpu.memory_space<hbm>> -> memref<2000xi32, #tpu.memory_space<hbm>>
    tpu.enqueue_dma source(%dma_start3A_27 : memref<2000xi32, #tpu.memory_space<hbm>>) target(%dma_start3A_26 : memref<2000xi32, #tpu.memory_space<vmem>>) target_semaphore(%arg9 : memref<!tpu.dma_semaphore, #tpu.memory_space<semaphore_mem>>)
    %scan3A_28 = arith.constant 0 : i32
    %scan3A_29 = arith.constant 0 : i32
    %scan3A_30 = arith.constant 25 : i32
    %scan3A_31 = arith.addi %scan3A_29, %scan3A_30 : i32
    %scan3A_32 = arith.constant 1 : i32
    scf.for %scan3A_42 = %scan3A_29 to %scan3A_31 step %scan3A_32  : i32 {
      %mul3A_43 = arith.constant 2 : i32
      %mul3A_44 = arith.muli %mul3A_43, %scan3A_42 : i32
      %add3A_45 = arith.constant 0 : i32
      %add3A_46 = arith.addi %mul3A_44, %add3A_45 : i32
      %mul3A_47 = arith.constant 2000 : i32
      %mul3A_48 = arith.muli %add3A_46, %mul3A_47 : i32
      %add3A_49 = arith.addi %mul3A_14, %mul3A_48 : i32
      %dma_wait3A = arith.constant 0 : i32
      %dma_wait3A_50 = tpu.memref_slice %arg7[%dma_wait3A] : memref<4000xf32, #tpu.memory_space<vmem>> -> memref<2000xf32, #tpu.memory_space<vmem>>
      %dma_wait3A_51 = arith.constant 0 : i32
      %dma_wait3A_52 = tpu.memref_slice %arg2[%dma_wait3A_51] : memref<1600000xf32, #tpu.memory_space<hbm>> -> memref<2000xf32, #tpu.memory_space<hbm>>
      %dma_wait3A_53 = arith.constant 0 : i32
      %dma_wait3A_54 = tpu.memref_slice %arg7[%dma_wait3A_53] : memref<4000xf32, #tpu.memory_space<vmem>> -> memref<2000xf32, #tpu.memory_space<vmem>>
      %dma_wait3A_55 = arith.constant 0 : i32
      %dma_wait3A_56 = tpu.memref_slice %arg2[%dma_wait3A_55] : memref<1600000xf32, #tpu.memory_space<hbm>> -> memref<2000xf32, #tpu.memory_space<hbm>>
      tpu.wait_dma2 semaphore(%arg9 : memref<!tpu.dma_semaphore, #tpu.memory_space<semaphore_mem>>) src(%dma_wait3A_56 : memref<2000xf32, #tpu.memory_space<hbm>>) dst(%dma_wait3A_54 : memref<2000xf32, #tpu.memory_space<vmem>>)
      %dma_wait3A_57 = arith.constant 0 : i32
      %dma_wait3A_58 = tpu.memref_slice %arg8[%dma_wait3A_57] : memref<4000xi32, #tpu.memory_space<vmem>> -> memref<2000xi32, #tpu.memory_space<vmem>>
      %dma_wait3A_59 = arith.constant 0 : i32
      %dma_wait3A_60 = tpu.memref_slice %arg3[%dma_wait3A_59] : memref<1600000xi32, #tpu.memory_space<hbm>> -> memref<2000xi32, #tpu.memory_space<hbm>>
      %dma_wait3A_61 = arith.constant 0 : i32
      %dma_wait3A_62 = tpu.memref_slice %arg8[%dma_wait3A_61] : memref<4000xi32, #tpu.memory_space<vmem>> -> memref<2000xi32, #tpu.memory_space<vmem>>
      %dma_wait3A_63 = arith.constant 0 : i32
      %dma_wait3A_64 = tpu.memref_slice %arg3[%dma_wait3A_63] : memref<1600000xi32, #tpu.memory_space<hbm>> -> memref<2000xi32, #tpu.memory_space<hbm>>
      tpu.wait_dma2 semaphore(%arg9 : memref<!tpu.dma_semaphore, #tpu.memory_space<semaphore_mem>>) src(%dma_wait3A_64 : memref<2000xi32, #tpu.memory_space<hbm>>) dst(%dma_wait3A_62 : memref<2000xi32, #tpu.memory_space<vmem>>)
      %add3A_65 = arith.constant 1 : i32
      %add3A_66 = arith.addi %add3A_46, %add3A_65 : i32
      %lt3A = arith.constant 50 : i32
      %lt3A_67 = arith.cmpi slt, %add3A_66, %lt3A : i32
      %convert_element_type3A = arith.extui %lt3A_67 : i1 to i32
      %cond3A = arith.constant 0 : i32
      %cond3A_68 = arith.cmpi ne, %convert_element_type3A, %cond3A : i32
      scf.if %cond3A_68 {
        %add3A_797 = arith.constant 1 : i32
        %add3A_798 = arith.addi %add3A_46, %add3A_797 : i32
        %mul3A_799 = arith.constant 2000 : i32
        %mul3A_800 = arith.muli %add3A_798, %mul3A_799 : i32
        %add3A_801 = arith.addi %mul3A_14, %mul3A_800 : i32
        %dma_start3A_802 = arith.constant 2000 : i32
        %dma_start3A_803 = tpu.memref_slice %arg7[%dma_start3A_802] : memref<4000xf32, #tpu.memory_space<vmem>> -> memref<2000xf32, #tpu.memory_space<vmem>>
        %dma_start3A_804 = tpu.memref_slice %arg2[%add3A_801] : memref<1600000xf32, #tpu.memory_space<hbm>> -> memref<2000xf32, #tpu.memory_space<hbm>>
        %dma_start3A_805 = arith.constant 2000 : i32
        %dma_start3A_806 = tpu.memref_slice %arg7[%dma_start3A_805] : memref<4000xf32, #tpu.memory_space<vmem>> -> memref<2000xf32, #tpu.memory_space<vmem>>
        %dma_start3A_807 = tpu.memref_slice %arg2[%add3A_801] : memref<1600000xf32, #tpu.memory_space<hbm>> -> memref<2000xf32, #tpu.memory_space<hbm>>
        tpu.enqueue_dma source(%dma_start3A_807 : memref<2000xf32, #tpu.memory_space<hbm>>) target(%dma_start3A_806 : memref<2000xf32, #tpu.memory_space<vmem>>) target_semaphore(%arg9 : memref<!tpu.dma_semaphore, #tpu.memory_space<semaphore_mem>>)
        %dma_start3A_808 = arith.constant 2000 : i32
        %dma_start3A_809 = tpu.memref_slice %arg8[%dma_start3A_808] : memref<4000xi32, #tpu.memory_space<vmem>> -> memref<2000xi32, #tpu.memory_space<vmem>>
        %dma_start3A_810 = tpu.memref_slice %arg3[%add3A_801] : memref<1600000xi32, #tpu.memory_space<hbm>> -> memref<2000xi32, #tpu.memory_space<hbm>>
        %dma_start3A_811 = arith.constant 2000 : i32
        %dma_start3A_812 = tpu.memref_slice %arg8[%dma_start3A_811] : memref<4000xi32, #tpu.memory_space<vmem>> -> memref<2000xi32, #tpu.memory_space<vmem>>
        %dma_start3A_813 = tpu.memref_slice %arg3[%add3A_801] : memref<1600000xi32, #tpu.memory_space<hbm>> -> memref<2000xi32, #tpu.memory_space<hbm>>
        tpu.enqueue_dma source(%dma_start3A_813 : memref<2000xi32, #tpu.memory_space<hbm>>) target(%dma_start3A_812 : memref<2000xi32, #tpu.memory_space<vmem>>) target_semaphore(%arg9 : memref<!tpu.dma_semaphore, #tpu.memory_space<semaphore_mem>>)
      } else {
      }
      %swap3A = arith.constant 0 : index
      %swap3A_69 = tpu.vector_load %arg13[%swap3A] {strides = array<i32>} : memref<32xi32, #tpu.memory_space<vmem>>, vector<16xi32>,
      tpu.vector_store %arg13[%swap3A], %broadcast_in_dim3A_1 {strides = array<i32>} : memref<32xi32, #tpu.memory_space<vmem>>, vector<16xi32>,
      %swap3A_70 = arith.constant 16 : index
      %swap3A_71 = tpu.vector_load %arg13[%swap3A_70] {strides = array<i32>} : memref<32xi32, #tpu.memory_space<vmem>>, vector<16xi32>,
      tpu.vector_store %arg13[%swap3A_70], %broadcast_in_dim3A_1 {strides = array<i32>} : memref<32xi32, #tpu.memory_space<vmem>>, vector<16xi32>,
      %scan3A_72 = arith.constant 0 : i32
      %scan3A_73 = arith.constant 0 : i32
      %scan3A_74 = arith.constant 125 : i32
      %scan3A_75 = arith.addi %scan3A_73, %scan3A_74 : i32
      %scan3A_76 = arith.constant 1 : i32
      scf.for %scan3A_797 = %scan3A_73 to %scan3A_75 step %scan3A_76  : i32 {
        %mul3A_798 = arith.constant 16 : i32
        %mul3A_799 = arith.muli %scan3A_797, %mul3A_798 : i32
        %get3A = arith.constant 0 : i32
        %get3A_800 = tpu.memref_slice %arg8[%get3A] : memref<4000xi32, #tpu.memory_space<vmem>> -> memref<2000xi32, #tpu.memory_space<vmem>>
        %get3A_801 = arith.index_cast %mul3A_799 : i32 to index
        %get3A_802 = tpu.vector_load %get3A_800[%get3A_801] {strides = array<i32>} : memref<2000xi32, #tpu.memory_space<vmem>>, vector<16xi32>,
        %and3A = arith.constant 1 : i32
        %and3A_803 = vector.broadcast %and3A : i32 to vector<16xi32>
        %and3A_804 = arith.andi %get3A_802, %and3A_803 : vector<16xi32>
        %eq3A = vector.broadcast %arg0 : i32 to vector<16xi32>
        %eq3A_805 = arith.cmpi eq, %and3A_804, %eq3A : vector<16xi32>
        %shift_right_logical3A = arith.constant 1 : i32
        %shift_right_logical3A_806 = vector.broadcast %shift_right_logical3A : i32 to vector<16xi32>
        %shift_right_logical3A_807 = arith.shrui %get3A_802, %shift_right_logical3A_806 : vector<16xi32>
        %and3A_808 = arith.constant 15 : i32
        %and3A_809 = vector.broadcast %and3A_808 : i32 to vector<16xi32>
        %and3A_810 = arith.andi %shift_right_logical3A_807, %and3A_809 : vector<16xi32>
        %jit3A = arith.constant 16 : i32
        %broadcast_in_dim3A_811 = vector.broadcast %jit3A : i32 to vector<16xi32>
        %select_n3A = arith.select %eq3A_805, %and3A_810, %broadcast_in_dim3A_811 : vector<16xi1>, vector<16xi32>
        %masked_sort3A = arith.constant dense<true> : vector<16xi1>
        %masked_sort3A_812 = arith.constant -2147483648 : i32
        %masked_sort3A_813 = vector.broadcast %masked_sort3A_812 : i32 to vector<16xi32>
        %masked_sort3A_814 = arith.xori %select_n3A, %masked_sort3A_813 : vector<16xi32>
        %masked_sort3A_815, %masked_sort3A_816, %masked_sort3A_817 = tpu.sort %masked_sort3A_814, %iota3A masked %masked_sort3A : (vector<16xi32>, vector<16xi32>, vector<16xi1>) -> (vector<16xi1>, vector<16xi32>, vector<16xi32>)
        %masked_sort3A_818 = arith.xori %masked_sort3A_816, %masked_sort3A_813 : vector<16xi32>
        %sub3A = arith.constant 1 : i32
        %sub3A_819 = vector.broadcast %sub3A : i32 to vector<16xi32>
        %sub3A_820 = arith.subi %iota3A, %sub3A_819 : vector<16xi32>
        %max3A = arith.constant 0 : i32
        %max3A_821 = vector.broadcast %max3A : i32 to vector<16xi32>
        %max3A_822 = arith.maxsi %sub3A_820, %max3A_821 : vector<16xi32>
        %broadcast_in_dim3A_823 = vector.shape_cast %max3A_822 : vector<16xi32> to vector<16x1xi32>
        %gather3A = vector.shape_cast %broadcast_in_dim3A_823 : vector<16x1xi32> to vector<16xi32>
        %gather3A_824 = tpu.dynamic_gather %masked_sort3A_818[%gather3A] in [0] : vector<16xi32>, vector<16xi32> -> vector<16xi32>
        %add3A_825 = arith.constant 1 : i32
        %add3A_826 = vector.broadcast %add3A_825 : i32 to vector<16xi32>
        %add3A_827 = arith.addi %iota3A, %add3A_826 : vector<16xi32>
        %min3A = arith.constant 15 : i32
        %min3A_828 = vector.broadcast %min3A : i32 to vector<16xi32>
        %min3A_829 = arith.minsi %add3A_827, %min3A_828 : vector<16xi32>
        %broadcast_in_dim3A_830 = vector.shape_cast %min3A_829 : vector<16xi32> to vector<16x1xi32>
        %gather3A_831 = vector.shape_cast %broadcast_in_dim3A_830 : vector<16x1xi32> to vector<16xi32>
        %gather3A_832 = tpu.dynamic_gather %masked_sort3A_818[%gather3A_831] in [0] : vector<16xi32>, vector<16xi32> -> vector<16xi32>
        %eq3A_833 = arith.constant 0 : i32
        %eq3A_834 = vector.broadcast %eq3A_833 : i32 to vector<16xi32>
        %eq3A_835 = arith.cmpi eq, %iota3A, %eq3A_834 : vector<16xi32>
        %ne3A = arith.cmpi ne, %masked_sort3A_818, %gather3A_824 : vector<16xi32>
        %or3A = arith.ori %eq3A_835, %ne3A : vector<16xi1>
        %eq3A_836 = arith.constant 15 : i32
        %eq3A_837 = vector.broadcast %eq3A_836 : i32 to vector<16xi32>
        %eq3A_838 = arith.cmpi eq, %iota3A, %eq3A_837 : vector<16xi32>
        %ne3A_839 = arith.cmpi ne, %masked_sort3A_818, %gather3A_832 : vector<16xi32>
        %or3A_840 = arith.ori %eq3A_838, %ne3A_839 : vector<16xi1>
        %jit3A_841 = arith.constant 0 : i32
        %broadcast_in_dim3A_842 = vector.broadcast %jit3A_841 : i32 to vector<16xi32>
        %select_n3A_843 = arith.select %or3A, %iota3A, %broadcast_in_dim3A_842 : vector<16xi1>, vector<16xi32>
        %broadcast_in_dim3A_844 = arith.constant true
        %broadcast_in_dim3A_845 = vector.broadcast %broadcast_in_dim3A_844 : i1 to vector<16xi1>
        %masked_cummax3A = arith.constant -2147483648 : i32
        %masked_cummax3A_846 = vector.broadcast %masked_cummax3A : i32 to vector<16xi32>
        %masked_cummax3A_847 = arith.xori %select_n3A_843, %masked_cummax3A_846 : vector<16xi32>
        %masked_cummax3A_848 = tpu.scan <max>, %masked_cummax3A_847 masked %broadcast_in_dim3A_845 : vector<16xi32>, vector<16xi1> -> vector<16xi32>
        %masked_cummax3A_849 = arith.xori %masked_cummax3A_848, %masked_cummax3A_846 : vector<16xi32>
        %sub3A_850 = arith.subi %iota3A, %masked_cummax3A_849 : vector<16xi32>
        %gather3A_851 = tpu.vector_load_idx %arg13[%masked_sort3A_818] : memref<32xi32, #tpu.memory_space<vmem>>[vector<16xi32>], vector<16xi32>,
        %add3A_852 = arith.addi %gather3A_851, %sub3A_850 : vector<16xi32>
        %min3A_853 = arith.constant 127 : i32
        %min3A_854 = vector.broadcast %min3A_853 : i32 to vector<16xi32>
        %min3A_855 = arith.minsi %add3A_852, %min3A_854 : vector<16xi32>
        %add3A_856 = arith.addi %gather3A_851, %sub3A_850 : vector<16xi32>
        %add3A_857 = arith.constant 1 : i32
        %add3A_858 = vector.broadcast %add3A_857 : i32 to vector<16xi32>
        %add3A_859 = arith.addi %add3A_856, %add3A_858 : vector<16xi32>
        %min3A_860 = arith.constant 128 : i32
        %min3A_861 = vector.broadcast %min3A_860 : i32 to vector<16xi32>
        %min3A_862 = arith.minsi %add3A_859, %min3A_861 : vector<16xi32>
        tpu.vector_store_idx %arg13[%masked_sort3A_818], %min3A_862 masked %or3A_840 : memref<32xi32, #tpu.memory_space<vmem>>[vector<16xi32>], vector<16xi32>, vector<16xi1>
        %get3A_863 = arith.constant 0 : i32
        %get3A_864 = tpu.memref_slice %arg7[%get3A_863] : memref<4000xf32, #tpu.memory_space<vmem>> -> memref<2000xf32, #tpu.memory_space<vmem>>
        %get3A_865 = arith.index_cast %mul3A_799 : i32 to index
        %get3A_866 = tpu.vector_load %get3A_864[%get3A_865] {strides = array<i32>} : memref<2000xf32, #tpu.memory_space<vmem>>, vector<16xf32>,
        %broadcast_in_dim3A_867 = vector.shape_cast %masked_sort3A_817 : vector<16xi32> to vector<16x1xi32>
        %gather3A_868 = vector.shape_cast %broadcast_in_dim3A_867 : vector<16x1xi32> to vector<16xi32>
        %gather3A_869 = tpu.dynamic_gather %get3A_866[%gather3A_868] in [0] : vector<16xf32>, vector<16xi32> -> vector<16xf32>
        %bitcast3A = vector.bitcast %gather3A_869 : vector<16xf32> to vector<16xi32>
        %broadcast_in_dim3A_870 = vector.shape_cast %masked_sort3A_817 : vector<16xi32> to vector<16x1xi32>
        %gather3A_871 = vector.shape_cast %broadcast_in_dim3A_870 : vector<16x1xi32> to vector<16xi32>
        %gather3A_872 = tpu.dynamic_gather %get3A_802[%gather3A_871] in [0] : vector<16xi32>, vector<16xi32> -> vector<16xi32>
        %shift_right_logical3A_873 = arith.constant 5 : i32
        %shift_right_logical3A_874 = vector.broadcast %shift_right_logical3A_873 : i32 to vector<16xi32>
        %shift_right_logical3A_875 = arith.shrui %gather3A_872, %shift_right_logical3A_874 : vector<16xi32>
        %mul3A_876 = arith.constant 16 : i32
        %mul3A_877 = arith.muli %scan3A_797, %mul3A_876 : i32
        %add3A_878 = arith.addi %add3A_49, %mul3A_877 : i32
        %add3A_879 = vector.broadcast %add3A_878 : i32 to vector<16xi32>
        %add3A_880 = arith.addi %add3A_879, %masked_sort3A_817 : vector<16xi32>
        %mul3A_881 = arith.constant 128 : i32
        %mul3A_882 = vector.broadcast %mul3A_881 : i32 to vector<16xi32>
        %mul3A_883 = arith.muli %masked_sort3A_818, %mul3A_882 : vector<16xi32>
        %add3A_884 = arith.addi %mul3A_883, %min3A_855 : vector<16xi32>
        %mul3A_885 = arith.constant 3 : i32
        %mul3A_886 = vector.broadcast %mul3A_885 : i32 to vector<16xi32>
        %mul3A_887 = arith.muli %add3A_884, %mul3A_886 : vector<16xi32>
        tpu.vector_store_idx %arg11[%mul3A_887], %bitcast3A : memref<6528xi32, #tpu.memory_space<vmem>>[vector<16xi32>], vector<16xi32>,
        %add3A_888 = arith.constant 1 : i32
        %add3A_889 = vector.broadcast %add3A_888 : i32 to vector<16xi32>
        %add3A_890 = arith.addi %mul3A_887, %add3A_889 : vector<16xi32>
        tpu.vector_store_idx %arg11[%add3A_890], %shift_right_logical3A_875 : memref<6528xi32, #tpu.memory_space<vmem>>[vector<16xi32>], vector<16xi32>,
        %add3A_891 = arith.constant 2 : i32
        %add3A_892 = vector.broadcast %add3A_891 : i32 to vector<16xi32>
        %add3A_893 = arith.addi %mul3A_887, %add3A_892 : vector<16xi32>
        tpu.vector_store_idx %arg11[%add3A_893], %add3A_880 : memref<6528xi32, #tpu.memory_space<vmem>>[vector<16xi32>], vector<16xi32>,
      }
      %scan3A_77 = arith.constant 125 : i32
      %add3A_78 = arith.constant 0 : i32
      %add3A_79 = arith.addi %add3A_78, %arg1 : i32
      %mul3A_80 = arith.constant 384 : i32
      %mul3A_81 = arith.muli %add3A_79, %mul3A_80 : i32
      %dma_start3A_82 = arith.constant 0 : i32
      %dma_start3A_83 = tpu.memref_slice %arg11[%dma_start3A_82] : memref<6528xi32, #tpu.memory_space<vmem>> -> memref<384xi32, #tpu.memory_space<vmem>>
      %dma_start3A_84 = tpu.memref_slice %arg25[%mul3A_81] : memref<98304xi32, #tpu.memory_space<vmem_shared>> -> memref<384xi32, #tpu.memory_space<vmem_shared>>
      %dma_start3A_85 = tpu.memref_slice %arg25[%mul3A_81] : memref<98304xi32, #tpu.memory_space<vmem_shared>> -> memref<384xi32, #tpu.memory_space<vmem_shared>>
      %dma_start3A_86 = arith.constant 0 : i32
      %dma_start3A_87 = tpu.memref_slice %arg11[%dma_start3A_86] : memref<6528xi32, #tpu.memory_space<vmem>> -> memref<384xi32, #tpu.memory_space<vmem>>
      tpu.enqueue_dma source(%dma_start3A_87 : memref<384xi32, #tpu.memory_space<vmem>>) target(%dma_start3A_85 : memref<384xi32, #tpu.memory_space<vmem_shared>>) target_semaphore(%arg10 : memref<!tpu.dma_semaphore, #tpu.memory_space<semaphore_mem>>)
      %add3A_88 = arith.constant 16 : i32
      %add3A_89 = arith.addi %add3A_88, %arg1 : i32
      %mul3A_90 = arith.constant 384 : i32
      %mul3A_91 = arith.muli %add3A_89, %mul3A_90 : i32
      %dma_start3A_92 = arith.constant 384 : i32
      %dma_start3A_93 = tpu.memref_slice %arg11[%dma_start3A_92] : memref<6528xi32, #tpu.memory_space<vmem>> -> memref<384xi32, #tpu.memory_space<vmem>>
      %dma_start3A_94 = tpu.memref_slice %arg25[%mul3A_91] : memref<98304xi32, #tpu.memory_space<vmem_shared>> -> memref<384xi32, #tpu.memory_space<vmem_shared>>
      %dma_start3A_95 = tpu.memref_slice %arg25[%mul3A_91] : memref<98304xi32, #tpu.memory_space<vmem_shared>> -> memref<384xi32, #tpu.memory_space<vmem_shared>>
      %dma_start3A_96 = arith.constant 384 : i32
      %dma_start3A_97 = tpu.memref_slice %arg11[%dma_start3A_96] : memref<6528xi32, #tpu.memory_space<vmem>> -> memref<384xi32, #tpu.memory_space<vmem>>
      tpu.enqueue_dma source(%dma_start3A_97 : memref<384xi32, #tpu.memory_space<vmem>>) target(%dma_start3A_95 : memref<384xi32, #tpu.memory_space<vmem_shared>>) target_semaphore(%arg10 : memref<!tpu.dma_semaphore, #tpu.memory_space<semaphore_mem>>)
      %add3A_98 = arith.constant 32 : i32
      %add3A_99 = arith.addi %add3A_98, %arg1 : i32
      %mul3A_100 = arith.constant 384 : i32
      %mul3A_101 = arith.muli %add3A_99, %mul3A_100 : i32
      %dma_start3A_102 = arith.constant 768 : i32
      %dma_start3A_103 = tpu.memref_slice %arg11[%dma_start3A_102] : memref<6528xi32, #tpu.memory_space<vmem>> -> memref<384xi32, #tpu.memory_space<vmem>>
      %dma_start3A_104 = tpu.memref_slice %arg25[%mul3A_101] : memref<98304xi32, #tpu.memory_space<vmem_shared>> -> memref<384xi32, #tpu.memory_space<vmem_shared>>
      %dma_start3A_105 = tpu.memref_slice %arg25[%mul3A_101] : memref<98304xi32, #tpu.memory_space<vmem_shared>> -> memref<384xi32, #tpu.memory_space<vmem_shared>>
      %dma_start3A_106 = arith.constant 768 : i32
      %dma_start3A_107 = tpu.memref_slice %arg11[%dma_start3A_106] : memref<6528xi32, #tpu.memory_space<vmem>> -> memref<384xi32, #tpu.memory_space<vmem>>
      tpu.enqueue_dma source(%dma_start3A_107 : memref<384xi32, #tpu.memory_space<vmem>>) target(%dma_start3A_105 : memref<384xi32, #tpu.memory_space<vmem_shared>>) target_semaphore(%arg10 : memref<!tpu.dma_semaphore, #tpu.memory_space<semaphore_mem>>)
      %add3A_108 = arith.constant 48 : i32
      %add3A_109 = arith.addi %add3A_108, %arg1 : i32
      %mul3A_110 = arith.constant 384 : i32
      %mul3A_111 = arith.muli %add3A_109, %mul3A_110 : i32
      %dma_start3A_112 = arith.constant 1152 : i32
      %dma_start3A_113 = tpu.memref_slice %arg11[%dma_start3A_112] : memref<6528xi32, #tpu.memory_space<vmem>> -> memref<384xi32, #tpu.memory_space<vmem>>
      %dma_start3A_114 = tpu.memref_slice %arg25[%mul3A_111] : memref<98304xi32, #tpu.memory_space<vmem_shared>> -> memref<384xi32, #tpu.memory_space<vmem_shared>>
      %dma_start3A_115 = tpu.memref_slice %arg25[%mul3A_111] : memref<98304xi32, #tpu.memory_space<vmem_shared>> -> memref<384xi32, #tpu.memory_space<vmem_shared>>
      %dma_start3A_116 = arith.constant 1152 : i32
      %dma_start3A_117 = tpu.memref_slice %arg11[%dma_start3A_116] : memref<6528xi32, #tpu.memory_space<vmem>> -> memref<384xi32, #tpu.memory_space<vmem>>
      tpu.enqueue_dma source(%dma_start3A_117 : memref<384xi32, #tpu.memory_space<vmem>>) target(%dma_start3A_115 : memref<384xi32, #tpu.memory_space<vmem_shared>>) target_semaphore(%arg10 : memref<!tpu.dma_semaphore, #tpu.memory_space<semaphore_mem>>)
      %add3A_118 = arith.constant 64 : i32
      %add3A_119 = arith.addi %add3A_118, %arg1 : i32
      %mul3A_120 = arith.constant 384 : i32
      %mul3A_121 = arith.muli %add3A_119, %mul3A_120 : i32
      %dma_start3A_122 = arith.constant 1536 : i32
      %dma_start3A_123 = tpu.memref_slice %arg11[%dma_start3A_122] : memref<6528xi32, #tpu.memory_space<vmem>> -> memref<384xi32, #tpu.memory_space<vmem>>
      %dma_start3A_124 = tpu.memref_slice %arg25[%mul3A_121] : memref<98304xi32, #tpu.memory_space<vmem_shared>> -> memref<384xi32, #tpu.memory_space<vmem_shared>>
      %dma_start3A_125 = tpu.memref_slice %arg25[%mul3A_121] : memref<98304xi32, #tpu.memory_space<vmem_shared>> -> memref<384xi32, #tpu.memory_space<vmem_shared>>
      %dma_start3A_126 = arith.constant 1536 : i32
      %dma_start3A_127 = tpu.memref_slice %arg11[%dma_start3A_126] : memref<6528xi32, #tpu.memory_space<vmem>> -> memref<384xi32, #tpu.memory_space<vmem>>
      tpu.enqueue_dma source(%dma_start3A_127 : memref<384xi32, #tpu.memory_space<vmem>>) target(%dma_start3A_125 : memref<384xi32, #tpu.memory_space<vmem_shared>>) target_semaphore(%arg10 : memref<!tpu.dma_semaphore, #tpu.memory_space<semaphore_mem>>)
      %add3A_128 = arith.constant 80 : i32
      %add3A_129 = arith.addi %add3A_128, %arg1 : i32
      %mul3A_130 = arith.constant 384 : i32
      %mul3A_131 = arith.muli %add3A_129, %mul3A_130 : i32
      %dma_start3A_132 = arith.constant 1920 : i32
      %dma_start3A_133 = tpu.memref_slice %arg11[%dma_start3A_132] : memref<6528xi32, #tpu.memory_space<vmem>> -> memref<384xi32, #tpu.memory_space<vmem>>
      %dma_start3A_134 = tpu.memref_slice %arg25[%mul3A_131] : memref<98304xi32, #tpu.memory_space<vmem_shared>> -> memref<384xi32, #tpu.memory_space<vmem_shared>>
      %dma_start3A_135 = tpu.memref_slice %arg25[%mul3A_131] : memref<98304xi32, #tpu.memory_space<vmem_shared>> -> memref<384xi32, #tpu.memory_space<vmem_shared>>
      %dma_start3A_136 = arith.constant 1920 : i32
      %dma_start3A_137 = tpu.memref_slice %arg11[%dma_start3A_136] : memref<6528xi32, #tpu.memory_space<vmem>> -> memref<384xi32, #tpu.memory_space<vmem>>
      tpu.enqueue_dma source(%dma_start3A_137 : memref<384xi32, #tpu.memory_space<vmem>>) target(%dma_start3A_135 : memref<384xi32, #tpu.memory_space<vmem_shared>>) target_semaphore(%arg10 : memref<!tpu.dma_semaphore, #tpu.memory_space<semaphore_mem>>)
      %add3A_138 = arith.constant 96 : i32
      %add3A_139 = arith.addi %add3A_138, %arg1 : i32
      %mul3A_140 = arith.constant 384 : i32
      %mul3A_141 = arith.muli %add3A_139, %mul3A_140 : i32
      %dma_start3A_142 = arith.constant 2304 : i32
      %dma_start3A_143 = tpu.memref_slice %arg11[%dma_start3A_142] : memref<6528xi32, #tpu.memory_space<vmem>> -> memref<384xi32, #tpu.memory_space<vmem>>
      %dma_start3A_144 = tpu.memref_slice %arg25[%mul3A_141] : memref<98304xi32, #tpu.memory_space<vmem_shared>> -> memref<384xi32, #tpu.memory_space<vmem_shared>>
      %dma_start3A_145 = tpu.memref_slice %arg25[%mul3A_141] : memref<98304xi32, #tpu.memory_space<vmem_shared>> -> memref<384xi32, #tpu.memory_space<vmem_shared>>
      %dma_start3A_146 = arith.constant 2304 : i32
      %dma_start3A_147 = tpu.memref_slice %arg11[%dma_start3A_146] : memref<6528xi32, #tpu.memory_space<vmem>> -> memref<384xi32, #tpu.memory_space<vmem>>
      tpu.enqueue_dma source(%dma_start3A_147 : memref<384xi32, #tpu.memory_space<vmem>>) target(%dma_start3A_145 : memref<384xi32, #tpu.memory_space<vmem_shared>>) target_semaphore(%arg10 : memref<!tpu.dma_semaphore, #tpu.memory_space<semaphore_mem>>)
      %add3A_148 = arith.constant 112 : i32
      %add3A_149 = arith.addi %add3A_148, %arg1 : i32
      %mul3A_150 = arith.constant 384 : i32
      %mul3A_151 = arith.muli %add3A_149, %mul3A_150 : i32
      %dma_start3A_152 = arith.constant 2688 : i32
      %dma_start3A_153 = tpu.memref_slice %arg11[%dma_start3A_152] : memref<6528xi32, #tpu.memory_space<vmem>> -> memref<384xi32, #tpu.memory_space<vmem>>
      %dma_start3A_154 = tpu.memref_slice %arg25[%mul3A_151] : memref<98304xi32, #tpu.memory_space<vmem_shared>> -> memref<384xi32, #tpu.memory_space<vmem_shared>>
      %dma_start3A_155 = tpu.memref_slice %arg25[%mul3A_151] : memref<98304xi32, #tpu.memory_space<vmem_shared>> -> memref<384xi32, #tpu.memory_space<vmem_shared>>
      %dma_start3A_156 = arith.constant 2688 : i32
      %dma_start3A_157 = tpu.memref_slice %arg11[%dma_start3A_156] : memref<6528xi32, #tpu.memory_space<vmem>> -> memref<384xi32, #tpu.memory_space<vmem>>
      tpu.enqueue_dma source(%dma_start3A_157 : memref<384xi32, #tpu.memory_space<vmem>>) target(%dma_start3A_155 : memref<384xi32, #tpu.memory_space<vmem_shared>>) target_semaphore(%arg10 : memref<!tpu.dma_semaphore, #tpu.memory_space<semaphore_mem>>)
      %add3A_158 = arith.constant 128 : i32
      %add3A_159 = arith.addi %add3A_158, %arg1 : i32
      %mul3A_160 = arith.constant 384 : i32
      %mul3A_161 = arith.muli %add3A_159, %mul3A_160 : i32
      %dma_start3A_162 = arith.constant 3072 : i32
      %dma_start3A_163 = tpu.memref_slice %arg11[%dma_start3A_162] : memref<6528xi32, #tpu.memory_space<vmem>> -> memref<384xi32, #tpu.memory_space<vmem>>
      %dma_start3A_164 = tpu.memref_slice %arg25[%mul3A_161] : memref<98304xi32, #tpu.memory_space<vmem_shared>> -> memref<384xi32, #tpu.memory_space<vmem_shared>>
      %dma_start3A_165 = tpu.memref_slice %arg25[%mul3A_161] : memref<98304xi32, #tpu.memory_space<vmem_shared>> -> memref<384xi32, #tpu.memory_space<vmem_shared>>
      %dma_start3A_166 = arith.constant 3072 : i32
      %dma_start3A_167 = tpu.memref_slice %arg11[%dma_start3A_166] : memref<6528xi32, #tpu.memory_space<vmem>> -> memref<384xi32, #tpu.memory_space<vmem>>
      tpu.enqueue_dma source(%dma_start3A_167 : memref<384xi32, #tpu.memory_space<vmem>>) target(%dma_start3A_165 : memref<384xi32, #tpu.memory_space<vmem_shared>>) target_semaphore(%arg10 : memref<!tpu.dma_semaphore, #tpu.memory_space<semaphore_mem>>)
      %add3A_168 = arith.constant 144 : i32
      %add3A_169 = arith.addi %add3A_168, %arg1 : i32
      %mul3A_170 = arith.constant 384 : i32
      %mul3A_171 = arith.muli %add3A_169, %mul3A_170 : i32
      %dma_start3A_172 = arith.constant 3456 : i32
      %dma_start3A_173 = tpu.memref_slice %arg11[%dma_start3A_172] : memref<6528xi32, #tpu.memory_space<vmem>> -> memref<384xi32, #tpu.memory_space<vmem>>
      %dma_start3A_174 = tpu.memref_slice %arg25[%mul3A_171] : memref<98304xi32, #tpu.memory_space<vmem_shared>> -> memref<384xi32, #tpu.memory_space<vmem_shared>>
      %dma_start3A_175 = tpu.memref_slice %arg25[%mul3A_171] : memref<98304xi32, #tpu.memory_space<vmem_shared>> -> memref<384xi32, #tpu.memory_space<vmem_shared>>
      %dma_start3A_176 = arith.constant 3456 : i32
      %dma_start3A_177 = tpu.memref_slice %arg11[%dma_start3A_176] : memref<6528xi32, #tpu.memory_space<vmem>> -> memref<384xi32, #tpu.memory_space<vmem>>
      tpu.enqueue_dma source(%dma_start3A_177 : memref<384xi32, #tpu.memory_space<vmem>>) target(%dma_start3A_175 : memref<384xi32, #tpu.memory_space<vmem_shared>>) target_semaphore(%arg10 : memref<!tpu.dma_semaphore, #tpu.memory_space<semaphore_mem>>)
      %add3A_178 = arith.constant 160 : i32
      %add3A_179 = arith.addi %add3A_178, %arg1 : i32
      %mul3A_180 = arith.constant 384 : i32
      %mul3A_181 = arith.muli %add3A_179, %mul3A_180 : i32
      %dma_start3A_182 = arith.constant 3840 : i32
      %dma_start3A_183 = tpu.memref_slice %arg11[%dma_start3A_182] : memref<6528xi32, #tpu.memory_space<vmem>> -> memref<384xi32, #tpu.memory_space<vmem>>
      %dma_start3A_184 = tpu.memref_slice %arg25[%mul3A_181] : memref<98304xi32, #tpu.memory_space<vmem_shared>> -> memref<384xi32, #tpu.memory_space<vmem_shared>>
      %dma_start3A_185 = tpu.memref_slice %arg25[%mul3A_181] : memref<98304xi32, #tpu.memory_space<vmem_shared>> -> memref<384xi32, #tpu.memory_space<vmem_shared>>
      %dma_start3A_186 = arith.constant 3840 : i32
      %dma_start3A_187 = tpu.memref_slice %arg11[%dma_start3A_186] : memref<6528xi32, #tpu.memory_space<vmem>> -> memref<384xi32, #tpu.memory_space<vmem>>
      tpu.enqueue_dma source(%dma_start3A_187 : memref<384xi32, #tpu.memory_space<vmem>>) target(%dma_start3A_185 : memref<384xi32, #tpu.memory_space<vmem_shared>>) target_semaphore(%arg10 : memref<!tpu.dma_semaphore, #tpu.memory_space<semaphore_mem>>)
      %add3A_188 = arith.constant 176 : i32
      %add3A_189 = arith.addi %add3A_188, %arg1 : i32
      %mul3A_190 = arith.constant 384 : i32
      %mul3A_191 = arith.muli %add3A_189, %mul3A_190 : i32
      %dma_start3A_192 = arith.constant 4224 : i32
      %dma_start3A_193 = tpu.memref_slice %arg11[%dma_start3A_192] : memref<6528xi32, #tpu.memory_space<vmem>> -> memref<384xi32, #tpu.memory_space<vmem>>
      %dma_start3A_194 = tpu.memref_slice %arg25[%mul3A_191] : memref<98304xi32, #tpu.memory_space<vmem_shared>> -> memref<384xi32, #tpu.memory_space<vmem_shared>>
      %dma_start3A_195 = tpu.memref_slice %arg25[%mul3A_191] : memref<98304xi32, #tpu.memory_space<vmem_shared>> -> memref<384xi32, #tpu.memory_space<vmem_shared>>
      %dma_start3A_196 = arith.constant 4224 : i32
      %dma_start3A_197 = tpu.memref_slice %arg11[%dma_start3A_196] : memref<6528xi32, #tpu.memory_space<vmem>> -> memref<384xi32, #tpu.memory_space<vmem>>
      tpu.enqueue_dma source(%dma_start3A_197 : memref<384xi32, #tpu.memory_space<vmem>>) target(%dma_start3A_195 : memref<384xi32, #tpu.memory_space<vmem_shared>>) target_semaphore(%arg10 : memref<!tpu.dma_semaphore, #tpu.memory_space<semaphore_mem>>)
      %add3A_198 = arith.constant 192 : i32
      %add3A_199 = arith.addi %add3A_198, %arg1 : i32
      %mul3A_200 = arith.constant 384 : i32
      %mul3A_201 = arith.muli %add3A_199, %mul3A_200 : i32
      %dma_start3A_202 = arith.constant 4608 : i32
      %dma_start3A_203 = tpu.memref_slice %arg11[%dma_start3A_202] : memref<6528xi32, #tpu.memory_space<vmem>> -> memref<384xi32, #tpu.memory_space<vmem>>
      %dma_start3A_204 = tpu.memref_slice %arg25[%mul3A_201] : memref<98304xi32, #tpu.memory_space<vmem_shared>> -> memref<384xi32, #tpu.memory_space<vmem_shared>>
      %dma_start3A_205 = tpu.memref_slice %arg25[%mul3A_201] : memref<98304xi32, #tpu.memory_space<vmem_shared>> -> memref<384xi32, #tpu.memory_space<vmem_shared>>
      %dma_start3A_206 = arith.constant 4608 : i32
      %dma_start3A_207 = tpu.memref_slice %arg11[%dma_start3A_206] : memref<6528xi32, #tpu.memory_space<vmem>> -> memref<384xi32, #tpu.memory_space<vmem>>
      tpu.enqueue_dma source(%dma_start3A_207 : memref<384xi32, #tpu.memory_space<vmem>>) target(%dma_start3A_205 : memref<384xi32, #tpu.memory_space<vmem_shared>>) target_semaphore(%arg10 : memref<!tpu.dma_semaphore, #tpu.memory_space<semaphore_mem>>)
      %add3A_208 = arith.constant 208 : i32
      %add3A_209 = arith.addi %add3A_208, %arg1 : i32
      %mul3A_210 = arith.constant 384 : i32
      %mul3A_211 = arith.muli %add3A_209, %mul3A_210 : i32
      %dma_start3A_212 = arith.constant 4992 : i32
      %dma_start3A_213 = tpu.memref_slice %arg11[%dma_start3A_212] : memref<6528xi32, #tpu.memory_space<vmem>> -> memref<384xi32, #tpu.memory_space<vmem>>
      %dma_start3A_214 = tpu.memref_slice %arg25[%mul3A_211] : memref<98304xi32, #tpu.memory_space<vmem_shared>> -> memref<384xi32, #tpu.memory_space<vmem_shared>>
      %dma_start3A_215 = tpu.memref_slice %arg25[%mul3A_211] : memref<98304xi32, #tpu.memory_space<vmem_shared>> -> memref<384xi32, #tpu.memory_space<vmem_shared>>
      %dma_start3A_216 = arith.constant 4992 : i32
      %dma_start3A_217 = tpu.memref_slice %arg11[%dma_start3A_216] : memref<6528xi32, #tpu.memory_space<vmem>> -> memref<384xi32, #tpu.memory_space<vmem>>
      tpu.enqueue_dma source(%dma_start3A_217 : memref<384xi32, #tpu.memory_space<vmem>>) target(%dma_start3A_215 : memref<384xi32, #tpu.memory_space<vmem_shared>>) target_semaphore(%arg10 : memref<!tpu.dma_semaphore, #tpu.memory_space<semaphore_mem>>)
      %add3A_218 = arith.constant 224 : i32
      %add3A_219 = arith.addi %add3A_218, %arg1 : i32
      %mul3A_220 = arith.constant 384 : i32
      %mul3A_221 = arith.muli %add3A_219, %mul3A_220 : i32
      %dma_start3A_222 = arith.constant 5376 : i32
      %dma_start3A_223 = tpu.memref_slice %arg11[%dma_start3A_222] : memref<6528xi32, #tpu.memory_space<vmem>> -> memref<384xi32, #tpu.memory_space<vmem>>
      %dma_start3A_224 = tpu.memref_slice %arg25[%mul3A_221] : memref<98304xi32, #tpu.memory_space<vmem_shared>> -> memref<384xi32, #tpu.memory_space<vmem_shared>>
      %dma_start3A_225 = tpu.memref_slice %arg25[%mul3A_221] : memref<98304xi32, #tpu.memory_space<vmem_shared>> -> memref<384xi32, #tpu.memory_space<vmem_shared>>
      %dma_start3A_226 = arith.constant 5376 : i32
      %dma_start3A_227 = tpu.memref_slice %arg11[%dma_start3A_226] : memref<6528xi32, #tpu.memory_space<vmem>> -> memref<384xi32, #tpu.memory_space<vmem>>
      tpu.enqueue_dma source(%dma_start3A_227 : memref<384xi32, #tpu.memory_space<vmem>>) target(%dma_start3A_225 : memref<384xi32, #tpu.memory_space<vmem_shared>>) target_semaphore(%arg10 : memref<!tpu.dma_semaphore, #tpu.memory_space<semaphore_mem>>)
      %add3A_228 = arith.constant 240 : i32
      %add3A_229 = arith.addi %add3A_228, %arg1 : i32
      %mul3A_230 = arith.constant 384 : i32
      %mul3A_231 = arith.muli %add3A_229, %mul3A_230 : i32
      %dma_start3A_232 = arith.constant 5760 : i32
      %dma_start3A_233 = tpu.memref_slice %arg11[%dma_start3A_232] : memref<6528xi32, #tpu.memory_space<vmem>> -> memref<384xi32, #tpu.memory_space<vmem>>
      %dma_start3A_234 = tpu.memref_slice %arg25[%mul3A_231] : memref<98304xi32, #tpu.memory_space<vmem_shared>> -> memref<384xi32, #tpu.memory_space<vmem_shared>>
      %dma_start3A_235 = tpu.memref_slice %arg25[%mul3A_231] : memref<98304xi32, #tpu.memory_space<vmem_shared>> -> memref<384xi32, #tpu.memory_space<vmem_shared>>
      %dma_start3A_236 = arith.constant 5760 : i32
      %dma_start3A_237 = tpu.memref_slice %arg11[%dma_start3A_236] : memref<6528xi32, #tpu.memory_space<vmem>> -> memref<384xi32, #tpu.memory_space<vmem>>
      tpu.enqueue_dma source(%dma_start3A_237 : memref<384xi32, #tpu.memory_space<vmem>>) target(%dma_start3A_235 : memref<384xi32, #tpu.memory_space<vmem_shared>>) target_semaphore(%arg10 : memref<!tpu.dma_semaphore, #tpu.memory_space<semaphore_mem>>)
      %add3A_238 = arith.constant 0 : i32
      %add3A_239 = arith.addi %add3A_238, %arg1 : i32
      %mul3A_240 = arith.constant 384 : i32
      %mul3A_241 = arith.muli %add3A_239, %mul3A_240 : i32
      %dma_wait3A_242 = arith.constant 0 : i32
      %dma_wait3A_243 = tpu.memref_slice %arg11[%dma_wait3A_242] : memref<6528xi32, #tpu.memory_space<vmem>> -> memref<384xi32, #tpu.memory_space<vmem>>
      %dma_wait3A_244 = tpu.memref_slice %arg25[%mul3A_241] : memref<98304xi32, #tpu.memory_space<vmem_shared>> -> memref<384xi32, #tpu.memory_space<vmem_shared>>
      %dma_wait3A_245 = tpu.memref_slice %arg25[%mul3A_241] : memref<98304xi32, #tpu.memory_space<vmem_shared>> -> memref<384xi32, #tpu.memory_space<vmem_shared>>
      %dma_wait3A_246 = arith.constant 0 : i32
      %dma_wait3A_247 = tpu.memref_slice %arg11[%dma_wait3A_246] : memref<6528xi32, #tpu.memory_space<vmem>> -> memref<384xi32, #tpu.memory_space<vmem>>
      tpu.wait_dma2 semaphore(%arg10 : memref<!tpu.dma_semaphore, #tpu.memory_space<semaphore_mem>>) src(%dma_wait3A_247 : memref<384xi32, #tpu.memory_space<vmem>>) dst(%dma_wait3A_245 : memref<384xi32, #tpu.memory_space<vmem_shared>>)
      %add3A_248 = arith.constant 16 : i32
      %add3A_249 = arith.addi %add3A_248, %arg1 : i32
      %mul3A_250 = arith.constant 384 : i32
      %mul3A_251 = arith.muli %add3A_249, %mul3A_250 : i32
      %dma_wait3A_252 = arith.constant 384 : i32
      %dma_wait3A_253 = tpu.memref_slice %arg11[%dma_wait3A_252] : memref<6528xi32, #tpu.memory_space<vmem>> -> memref<384xi32, #tpu.memory_space<vmem>>
      %dma_wait3A_254 = tpu.memref_slice %arg25[%mul3A_251] : memref<98304xi32, #tpu.memory_space<vmem_shared>> -> memref<384xi32, #tpu.memory_space<vmem_shared>>
      %dma_wait3A_255 = tpu.memref_slice %arg25[%mul3A_251] : memref<98304xi32, #tpu.memory_space<vmem_shared>> -> memref<384xi32, #tpu.memory_space<vmem_shared>>
      %dma_wait3A_256 = arith.constant 384 : i32
      %dma_wait3A_257 = tpu.memref_slice %arg11[%dma_wait3A_256] : memref<6528xi32, #tpu.memory_space<vmem>> -> memref<384xi32, #tpu.memory_space<vmem>>
      tpu.wait_dma2 semaphore(%arg10 : memref<!tpu.dma_semaphore, #tpu.memory_space<semaphore_mem>>) src(%dma_wait3A_257 : memref<384xi32, #tpu.memory_space<vmem>>) dst(%dma_wait3A_255 : memref<384xi32, #tpu.memory_space<vmem_shared>>)
      %add3A_258 = arith.constant 32 : i32
      %add3A_259 = arith.addi %add3A_258, %arg1 : i32
      %mul3A_260 = arith.constant 384 : i32
      %mul3A_261 = arith.muli %add3A_259, %mul3A_260 : i32
      %dma_wait3A_262 = arith.constant 768 : i32
      %dma_wait3A_263 = tpu.memref_slice %arg11[%dma_wait3A_262] : memref<6528xi32, #tpu.memory_space<vmem>> -> memref<384xi32, #tpu.memory_space<vmem>>
      %dma_wait3A_264 = tpu.memref_slice %arg25[%mul3A_261] : memref<98304xi32, #tpu.memory_space<vmem_shared>> -> memref<384xi32, #tpu.memory_space<vmem_shared>>
      %dma_wait3A_265 = tpu.memref_slice %arg25[%mul3A_261] : memref<98304xi32, #tpu.memory_space<vmem_shared>> -> memref<384xi32, #tpu.memory_space<vmem_shared>>
      %dma_wait3A_266 = arith.constant 768 : i32
      %dma_wait3A_267 = tpu.memref_slice %arg11[%dma_wait3A_266] : memref<6528xi32, #tpu.memory_space<vmem>> -> memref<384xi32, #tpu.memory_space<vmem>>
      tpu.wait_dma2 semaphore(%arg10 : memref<!tpu.dma_semaphore, #tpu.memory_space<semaphore_mem>>) src(%dma_wait3A_267 : memref<384xi32, #tpu.memory_space<vmem>>) dst(%dma_wait3A_265 : memref<384xi32, #tpu.memory_space<vmem_shared>>)
      %add3A_268 = arith.constant 48 : i32
      %add3A_269 = arith.addi %add3A_268, %arg1 : i32
      %mul3A_270 = arith.constant 384 : i32
      %mul3A_271 = arith.muli %add3A_269, %mul3A_270 : i32
      %dma_wait3A_272 = arith.constant 1152 : i32
      %dma_wait3A_273 = tpu.memref_slice %arg11[%dma_wait3A_272] : memref<6528xi32, #tpu.memory_space<vmem>> -> memref<384xi32, #tpu.memory_space<vmem>>
      %dma_wait3A_274 = tpu.memref_slice %arg25[%mul3A_271] : memref<98304xi32, #tpu.memory_space<vmem_shared>> -> memref<384xi32, #tpu.memory_space<vmem_shared>>
      %dma_wait3A_275 = tpu.memref_slice %arg25[%mul3A_271] : memref<98304xi32, #tpu.memory_space<vmem_shared>> -> memref<384xi32, #tpu.memory_space<vmem_shared>>
      %dma_wait3A_276 = arith.constant 1152 : i32
      %dma_wait3A_277 = tpu.memref_slice %arg11[%dma_wait3A_276] : memref<6528xi32, #tpu.memory_space<vmem>> -> memref<384xi32, #tpu.memory_space<vmem>>
      tpu.wait_dma2 semaphore(%arg10 : memref<!tpu.dma_semaphore, #tpu.memory_space<semaphore_mem>>) src(%dma_wait3A_277 : memref<384xi32, #tpu.memory_space<vmem>>) dst(%dma_wait3A_275 : memref<384xi32, #tpu.memory_space<vmem_shared>>)
      %add3A_278 = arith.constant 64 : i32
      %add3A_279 = arith.addi %add3A_278, %arg1 : i32
      %mul3A_280 = arith.constant 384 : i32
      %mul3A_281 = arith.muli %add3A_279, %mul3A_280 : i32
      %dma_wait3A_282 = arith.constant 1536 : i32
      %dma_wait3A_283 = tpu.memref_slice %arg11[%dma_wait3A_282] : memref<6528xi32, #tpu.memory_space<vmem>> -> memref<384xi32, #tpu.memory_space<vmem>>
      %dma_wait3A_284 = tpu.memref_slice %arg25[%mul3A_281] : memref<98304xi32, #tpu.memory_space<vmem_shared>> -> memref<384xi32, #tpu.memory_space<vmem_shared>>
      %dma_wait3A_285 = tpu.memref_slice %arg25[%mul3A_281] : memref<98304xi32, #tpu.memory_space<vmem_shared>> -> memref<384xi32, #tpu.memory_space<vmem_shared>>
      %dma_wait3A_286 = arith.constant 1536 : i32
      %dma_wait3A_287 = tpu.memref_slice %arg11[%dma_wait3A_286] : memref<6528xi32, #tpu.memory_space<vmem>> -> memref<384xi32, #tpu.memory_space<vmem>>
      tpu.wait_dma2 semaphore(%arg10 : memref<!tpu.dma_semaphore, #tpu.memory_space<semaphore_mem>>) src(%dma_wait3A_287 : memref<384xi32, #tpu.memory_space<vmem>>) dst(%dma_wait3A_285 : memref<384xi32, #tpu.memory_space<vmem_shared>>)
      %add3A_288 = arith.constant 80 : i32
      %add3A_289 = arith.addi %add3A_288, %arg1 : i32
      %mul3A_290 = arith.constant 384 : i32
      %mul3A_291 = arith.muli %add3A_289, %mul3A_290 : i32
      %dma_wait3A_292 = arith.constant 1920 : i32
      %dma_wait3A_293 = tpu.memref_slice %arg11[%dma_wait3A_292] : memref<6528xi32, #tpu.memory_space<vmem>> -> memref<384xi32, #tpu.memory_space<vmem>>
      %dma_wait3A_294 = tpu.memref_slice %arg25[%mul3A_291] : memref<98304xi32, #tpu.memory_space<vmem_shared>> -> memref<384xi32, #tpu.memory_space<vmem_shared>>
      %dma_wait3A_295 = tpu.memref_slice %arg25[%mul3A_291] : memref<98304xi32, #tpu.memory_space<vmem_shared>> -> memref<384xi32, #tpu.memory_space<vmem_shared>>
      %dma_wait3A_296 = arith.constant 1920 : i32
      %dma_wait3A_297 = tpu.memref_slice %arg11[%dma_wait3A_296] : memref<6528xi32, #tpu.memory_space<vmem>> -> memref<384xi32, #tpu.memory_space<vmem>>
      tpu.wait_dma2 semaphore(%arg10 : memref<!tpu.dma_semaphore, #tpu.memory_space<semaphore_mem>>) src(%dma_wait3A_297 : memref<384xi32, #tpu.memory_space<vmem>>) dst(%dma_wait3A_295 : memref<384xi32, #tpu.memory_space<vmem_shared>>)
      %add3A_298 = arith.constant 96 : i32
      %add3A_299 = arith.addi %add3A_298, %arg1 : i32
      %mul3A_300 = arith.constant 384 : i32
      %mul3A_301 = arith.muli %add3A_299, %mul3A_300 : i32
      %dma_wait3A_302 = arith.constant 2304 : i32
      %dma_wait3A_303 = tpu.memref_slice %arg11[%dma_wait3A_302] : memref<6528xi32, #tpu.memory_space<vmem>> -> memref<384xi32, #tpu.memory_space<vmem>>
      %dma_wait3A_304 = tpu.memref_slice %arg25[%mul3A_301] : memref<98304xi32, #tpu.memory_space<vmem_shared>> -> memref<384xi32, #tpu.memory_space<vmem_shared>>
      %dma_wait3A_305 = tpu.memref_slice %arg25[%mul3A_301] : memref<98304xi32, #tpu.memory_space<vmem_shared>> -> memref<384xi32, #tpu.memory_space<vmem_shared>>
      %dma_wait3A_306 = arith.constant 2304 : i32
      %dma_wait3A_307 = tpu.memref_slice %arg11[%dma_wait3A_306] : memref<6528xi32, #tpu.memory_space<vmem>> -> memref<384xi32, #tpu.memory_space<vmem>>
      tpu.wait_dma2 semaphore(%arg10 : memref<!tpu.dma_semaphore, #tpu.memory_space<semaphore_mem>>) src(%dma_wait3A_307 : memref<384xi32, #tpu.memory_space<vmem>>) dst(%dma_wait3A_305 : memref<384xi32, #tpu.memory_space<vmem_shared>>)
      %add3A_308 = arith.constant 112 : i32
      %add3A_309 = arith.addi %add3A_308, %arg1 : i32
      %mul3A_310 = arith.constant 384 : i32
      %mul3A_311 = arith.muli %add3A_309, %mul3A_310 : i32
      %dma_wait3A_312 = arith.constant 2688 : i32
      %dma_wait3A_313 = tpu.memref_slice %arg11[%dma_wait3A_312] : memref<6528xi32, #tpu.memory_space<vmem>> -> memref<384xi32, #tpu.memory_space<vmem>>
      %dma_wait3A_314 = tpu.memref_slice %arg25[%mul3A_311] : memref<98304xi32, #tpu.memory_space<vmem_shared>> -> memref<384xi32, #tpu.memory_space<vmem_shared>>
      %dma_wait3A_315 = tpu.memref_slice %arg25[%mul3A_311] : memref<98304xi32, #tpu.memory_space<vmem_shared>> -> memref<384xi32, #tpu.memory_space<vmem_shared>>
      %dma_wait3A_316 = arith.constant 2688 : i32
      %dma_wait3A_317 = tpu.memref_slice %arg11[%dma_wait3A_316] : memref<6528xi32, #tpu.memory_space<vmem>> -> memref<384xi32, #tpu.memory_space<vmem>>
      tpu.wait_dma2 semaphore(%arg10 : memref<!tpu.dma_semaphore, #tpu.memory_space<semaphore_mem>>) src(%dma_wait3A_317 : memref<384xi32, #tpu.memory_space<vmem>>) dst(%dma_wait3A_315 : memref<384xi32, #tpu.memory_space<vmem_shared>>)
      %add3A_318 = arith.constant 128 : i32
      %add3A_319 = arith.addi %add3A_318, %arg1 : i32
      %mul3A_320 = arith.constant 384 : i32
      %mul3A_321 = arith.muli %add3A_319, %mul3A_320 : i32
      %dma_wait3A_322 = arith.constant 3072 : i32
      %dma_wait3A_323 = tpu.memref_slice %arg11[%dma_wait3A_322] : memref<6528xi32, #tpu.memory_space<vmem>> -> memref<384xi32, #tpu.memory_space<vmem>>
      %dma_wait3A_324 = tpu.memref_slice %arg25[%mul3A_321] : memref<98304xi32, #tpu.memory_space<vmem_shared>> -> memref<384xi32, #tpu.memory_space<vmem_shared>>
      %dma_wait3A_325 = tpu.memref_slice %arg25[%mul3A_321] : memref<98304xi32, #tpu.memory_space<vmem_shared>> -> memref<384xi32, #tpu.memory_space<vmem_shared>>
      %dma_wait3A_326 = arith.constant 3072 : i32
      %dma_wait3A_327 = tpu.memref_slice %arg11[%dma_wait3A_326] : memref<6528xi32, #tpu.memory_space<vmem>> -> memref<384xi32, #tpu.memory_space<vmem>>
      tpu.wait_dma2 semaphore(%arg10 : memref<!tpu.dma_semaphore, #tpu.memory_space<semaphore_mem>>) src(%dma_wait3A_327 : memref<384xi32, #tpu.memory_space<vmem>>) dst(%dma_wait3A_325 : memref<384xi32, #tpu.memory_space<vmem_shared>>)
      %add3A_328 = arith.constant 144 : i32
      %add3A_329 = arith.addi %add3A_328, %arg1 : i32
      %mul3A_330 = arith.constant 384 : i32
      %mul3A_331 = arith.muli %add3A_329, %mul3A_330 : i32
      %dma_wait3A_332 = arith.constant 3456 : i32
      %dma_wait3A_333 = tpu.memref_slice %arg11[%dma_wait3A_332] : memref<6528xi32, #tpu.memory_space<vmem>> -> memref<384xi32, #tpu.memory_space<vmem>>
      %dma_wait3A_334 = tpu.memref_slice %arg25[%mul3A_331] : memref<98304xi32, #tpu.memory_space<vmem_shared>> -> memref<384xi32, #tpu.memory_space<vmem_shared>>
      %dma_wait3A_335 = tpu.memref_slice %arg25[%mul3A_331] : memref<98304xi32, #tpu.memory_space<vmem_shared>> -> memref<384xi32, #tpu.memory_space<vmem_shared>>
      %dma_wait3A_336 = arith.constant 3456 : i32
      %dma_wait3A_337 = tpu.memref_slice %arg11[%dma_wait3A_336] : memref<6528xi32, #tpu.memory_space<vmem>> -> memref<384xi32, #tpu.memory_space<vmem>>
      tpu.wait_dma2 semaphore(%arg10 : memref<!tpu.dma_semaphore, #tpu.memory_space<semaphore_mem>>) src(%dma_wait3A_337 : memref<384xi32, #tpu.memory_space<vmem>>) dst(%dma_wait3A_335 : memref<384xi32, #tpu.memory_space<vmem_shared>>)
      %add3A_338 = arith.constant 160 : i32
      %add3A_339 = arith.addi %add3A_338, %arg1 : i32
      %mul3A_340 = arith.constant 384 : i32
      %mul3A_341 = arith.muli %add3A_339, %mul3A_340 : i32
      %dma_wait3A_342 = arith.constant 3840 : i32
      %dma_wait3A_343 = tpu.memref_slice %arg11[%dma_wait3A_342] : memref<6528xi32, #tpu.memory_space<vmem>> -> memref<384xi32, #tpu.memory_space<vmem>>
      %dma_wait3A_344 = tpu.memref_slice %arg25[%mul3A_341] : memref<98304xi32, #tpu.memory_space<vmem_shared>> -> memref<384xi32, #tpu.memory_space<vmem_shared>>
      %dma_wait3A_345 = tpu.memref_slice %arg25[%mul3A_341] : memref<98304xi32, #tpu.memory_space<vmem_shared>> -> memref<384xi32, #tpu.memory_space<vmem_shared>>
      %dma_wait3A_346 = arith.constant 3840 : i32
      %dma_wait3A_347 = tpu.memref_slice %arg11[%dma_wait3A_346] : memref<6528xi32, #tpu.memory_space<vmem>> -> memref<384xi32, #tpu.memory_space<vmem>>
      tpu.wait_dma2 semaphore(%arg10 : memref<!tpu.dma_semaphore, #tpu.memory_space<semaphore_mem>>) src(%dma_wait3A_347 : memref<384xi32, #tpu.memory_space<vmem>>) dst(%dma_wait3A_345 : memref<384xi32, #tpu.memory_space<vmem_shared>>)
      %add3A_348 = arith.constant 176 : i32
      %add3A_349 = arith.addi %add3A_348, %arg1 : i32
      %mul3A_350 = arith.constant 384 : i32
      %mul3A_351 = arith.muli %add3A_349, %mul3A_350 : i32
      %dma_wait3A_352 = arith.constant 4224 : i32
      %dma_wait3A_353 = tpu.memref_slice %arg11[%dma_wait3A_352] : memref<6528xi32, #tpu.memory_space<vmem>> -> memref<384xi32, #tpu.memory_space<vmem>>
      %dma_wait3A_354 = tpu.memref_slice %arg25[%mul3A_351] : memref<98304xi32, #tpu.memory_space<vmem_shared>> -> memref<384xi32, #tpu.memory_space<vmem_shared>>
      %dma_wait3A_355 = tpu.memref_slice %arg25[%mul3A_351] : memref<98304xi32, #tpu.memory_space<vmem_shared>> -> memref<384xi32, #tpu.memory_space<vmem_shared>>
      %dma_wait3A_356 = arith.constant 4224 : i32
      %dma_wait3A_357 = tpu.memref_slice %arg11[%dma_wait3A_356] : memref<6528xi32, #tpu.memory_space<vmem>> -> memref<384xi32, #tpu.memory_space<vmem>>
      tpu.wait_dma2 semaphore(%arg10 : memref<!tpu.dma_semaphore, #tpu.memory_space<semaphore_mem>>) src(%dma_wait3A_357 : memref<384xi32, #tpu.memory_space<vmem>>) dst(%dma_wait3A_355 : memref<384xi32, #tpu.memory_space<vmem_shared>>)
      %add3A_358 = arith.constant 192 : i32
      %add3A_359 = arith.addi %add3A_358, %arg1 : i32
      %mul3A_360 = arith.constant 384 : i32
      %mul3A_361 = arith.muli %add3A_359, %mul3A_360 : i32
      %dma_wait3A_362 = arith.constant 4608 : i32
      %dma_wait3A_363 = tpu.memref_slice %arg11[%dma_wait3A_362] : memref<6528xi32, #tpu.memory_space<vmem>> -> memref<384xi32, #tpu.memory_space<vmem>>
      %dma_wait3A_364 = tpu.memref_slice %arg25[%mul3A_361] : memref<98304xi32, #tpu.memory_space<vmem_shared>> -> memref<384xi32, #tpu.memory_space<vmem_shared>>
      %dma_wait3A_365 = tpu.memref_slice %arg25[%mul3A_361] : memref<98304xi32, #tpu.memory_space<vmem_shared>> -> memref<384xi32, #tpu.memory_space<vmem_shared>>
      %dma_wait3A_366 = arith.constant 4608 : i32
      %dma_wait3A_367 = tpu.memref_slice %arg11[%dma_wait3A_366] : memref<6528xi32, #tpu.memory_space<vmem>> -> memref<384xi32, #tpu.memory_space<vmem>>
      tpu.wait_dma2 semaphore(%arg10 : memref<!tpu.dma_semaphore, #tpu.memory_space<semaphore_mem>>) src(%dma_wait3A_367 : memref<384xi32, #tpu.memory_space<vmem>>) dst(%dma_wait3A_365 : memref<384xi32, #tpu.memory_space<vmem_shared>>)
      %add3A_368 = arith.constant 208 : i32
      %add3A_369 = arith.addi %add3A_368, %arg1 : i32
      %mul3A_370 = arith.constant 384 : i32
      %mul3A_371 = arith.muli %add3A_369, %mul3A_370 : i32
      %dma_wait3A_372 = arith.constant 4992 : i32
      %dma_wait3A_373 = tpu.memref_slice %arg11[%dma_wait3A_372] : memref<6528xi32, #tpu.memory_space<vmem>> -> memref<384xi32, #tpu.memory_space<vmem>>
      %dma_wait3A_374 = tpu.memref_slice %arg25[%mul3A_371] : memref<98304xi32, #tpu.memory_space<vmem_shared>> -> memref<384xi32, #tpu.memory_space<vmem_shared>>
      %dma_wait3A_375 = tpu.memref_slice %arg25[%mul3A_371] : memref<98304xi32, #tpu.memory_space<vmem_shared>> -> memref<384xi32, #tpu.memory_space<vmem_shared>>
      %dma_wait3A_376 = arith.constant 4992 : i32
      %dma_wait3A_377 = tpu.memref_slice %arg11[%dma_wait3A_376] : memref<6528xi32, #tpu.memory_space<vmem>> -> memref<384xi32, #tpu.memory_space<vmem>>
      tpu.wait_dma2 semaphore(%arg10 : memref<!tpu.dma_semaphore, #tpu.memory_space<semaphore_mem>>) src(%dma_wait3A_377 : memref<384xi32, #tpu.memory_space<vmem>>) dst(%dma_wait3A_375 : memref<384xi32, #tpu.memory_space<vmem_shared>>)
      %add3A_378 = arith.constant 224 : i32
      %add3A_379 = arith.addi %add3A_378, %arg1 : i32
      %mul3A_380 = arith.constant 384 : i32
      %mul3A_381 = arith.muli %add3A_379, %mul3A_380 : i32
      %dma_wait3A_382 = arith.constant 5376 : i32
      %dma_wait3A_383 = tpu.memref_slice %arg11[%dma_wait3A_382] : memref<6528xi32, #tpu.memory_space<vmem>> -> memref<384xi32, #tpu.memory_space<vmem>>
      %dma_wait3A_384 = tpu.memref_slice %arg25[%mul3A_381] : memref<98304xi32, #tpu.memory_space<vmem_shared>> -> memref<384xi32, #tpu.memory_space<vmem_shared>>
      %dma_wait3A_385 = tpu.memref_slice %arg25[%mul3A_381] : memref<98304xi32, #tpu.memory_space<vmem_shared>> -> memref<384xi32, #tpu.memory_space<vmem_shared>>
      %dma_wait3A_386 = arith.constant 5376 : i32
      %dma_wait3A_387 = tpu.memref_slice %arg11[%dma_wait3A_386] : memref<6528xi32, #tpu.memory_space<vmem>> -> memref<384xi32, #tpu.memory_space<vmem>>
      tpu.wait_dma2 semaphore(%arg10 : memref<!tpu.dma_semaphore, #tpu.memory_space<semaphore_mem>>) src(%dma_wait3A_387 : memref<384xi32, #tpu.memory_space<vmem>>) dst(%dma_wait3A_385 : memref<384xi32, #tpu.memory_space<vmem_shared>>)
      %add3A_388 = arith.constant 240 : i32
      %add3A_389 = arith.addi %add3A_388, %arg1 : i32
      %mul3A_390 = arith.constant 384 : i32
      %mul3A_391 = arith.muli %add3A_389, %mul3A_390 : i32
      %dma_wait3A_392 = arith.constant 5760 : i32
      %dma_wait3A_393 = tpu.memref_slice %arg11[%dma_wait3A_392] : memref<6528xi32, #tpu.memory_space<vmem>> -> memref<384xi32, #tpu.memory_space<vmem>>
      %dma_wait3A_394 = tpu.memref_slice %arg25[%mul3A_391] : memref<98304xi32, #tpu.memory_space<vmem_shared>> -> memref<384xi32, #tpu.memory_space<vmem_shared>>
      %dma_wait3A_395 = tpu.memref_slice %arg25[%mul3A_391] : memref<98304xi32, #tpu.memory_space<vmem_shared>> -> memref<384xi32, #tpu.memory_space<vmem_shared>>
      %dma_wait3A_396 = arith.constant 5760 : i32
      %dma_wait3A_397 = tpu.memref_slice %arg11[%dma_wait3A_396] : memref<6528xi32, #tpu.memory_space<vmem>> -> memref<384xi32, #tpu.memory_space<vmem>>
      tpu.wait_dma2 semaphore(%arg10 : memref<!tpu.dma_semaphore, #tpu.memory_space<semaphore_mem>>) src(%dma_wait3A_397 : memref<384xi32, #tpu.memory_space<vmem>>) dst(%dma_wait3A_395 : memref<384xi32, #tpu.memory_space<vmem_shared>>)
      %mul3A_398 = arith.constant 16 : i32
      %mul3A_399 = arith.muli %arg1, %mul3A_398 : i32
      "tpu.region"() ({
        %run_scoped3A = tpu.sem_alloc : memref<!tpu.dma_semaphore, #tpu.memory_space<semaphore_mem>>
        %dma_start3A_797 = arith.constant 0 : i32
        %dma_start3A_798 = tpu.memref_slice %arg13[%dma_start3A_797] : memref<32xi32, #tpu.memory_space<vmem>> -> memref<16xi32, #tpu.memory_space<vmem>>
        %dma_start3A_799 = tpu.memref_slice %arg26[%mul3A_399] : memref<256xi32, #tpu.memory_space<vmem_shared>> -> memref<16xi32, #tpu.memory_space<vmem_shared>>
        %dma_start3A_800 = tpu.memref_slice %arg26[%mul3A_399] : memref<256xi32, #tpu.memory_space<vmem_shared>> -> memref<16xi32, #tpu.memory_space<vmem_shared>>
        %dma_start3A_801 = arith.constant 0 : i32
        %dma_start3A_802 = tpu.memref_slice %arg13[%dma_start3A_801] : memref<32xi32, #tpu.memory_space<vmem>> -> memref<16xi32, #tpu.memory_space<vmem>>
        tpu.enqueue_dma source(%dma_start3A_802 : memref<16xi32, #tpu.memory_space<vmem>>) target(%dma_start3A_800 : memref<16xi32, #tpu.memory_space<vmem_shared>>) target_semaphore(%run_scoped3A : memref<!tpu.dma_semaphore, #tpu.memory_space<semaphore_mem>>)
        %dma_wait3A_803 = arith.constant 0 : i32
        %dma_wait3A_804 = tpu.memref_slice %arg13[%dma_wait3A_803] : memref<32xi32, #tpu.memory_space<vmem>> -> memref<16xi32, #tpu.memory_space<vmem>>
        %dma_wait3A_805 = tpu.memref_slice %arg26[%mul3A_399] : memref<256xi32, #tpu.memory_space<vmem_shared>> -> memref<16xi32, #tpu.memory_space<vmem_shared>>
        %dma_wait3A_806 = tpu.memref_slice %arg26[%mul3A_399] : memref<256xi32, #tpu.memory_space<vmem_shared>> -> memref<16xi32, #tpu.memory_space<vmem_shared>>
        %dma_wait3A_807 = arith.constant 0 : i32
        %dma_wait3A_808 = tpu.memref_slice %arg13[%dma_wait3A_807] : memref<32xi32, #tpu.memory_space<vmem>> -> memref<16xi32, #tpu.memory_space<vmem>>
        tpu.wait_dma2 semaphore(%run_scoped3A : memref<!tpu.dma_semaphore, #tpu.memory_space<semaphore_mem>>) src(%dma_wait3A_808 : memref<16xi32, #tpu.memory_space<vmem>>) dst(%dma_wait3A_806 : memref<16xi32, #tpu.memory_space<vmem_shared>>)
        tpu.yield
      }) : () -> ()
      %barrier3A = arith.constant 0 : index
      tpu.barrier barrier_id(%barrier3A)
      %mul3A_400 = arith.constant 16 : i32
      %mul3A_401 = arith.muli %arg1, %mul3A_400 : i32
      %mul3A_402 = arith.constant 384 : i32
      %mul3A_403 = arith.muli %mul3A_401, %mul3A_402 : i32
      "tpu.region"() ({
        %run_scoped3A = tpu.sem_alloc : memref<!tpu.dma_semaphore, #tpu.memory_space<semaphore_mem>>
        %dma_start3A_797 = tpu.memref_slice %arg25[%mul3A_403] : memref<98304xi32, #tpu.memory_space<vmem_shared>> -> memref<6144xi32, #tpu.memory_space<vmem_shared>>
        %dma_start3A_798 = tpu.memref_slice %arg25[%mul3A_403] : memref<98304xi32, #tpu.memory_space<vmem_shared>> -> memref<6144xi32, #tpu.memory_space<vmem_shared>>
        tpu.enqueue_dma source(%dma_start3A_798 : memref<6144xi32, #tpu.memory_space<vmem_shared>>) target(%arg12 : memref<6144xi32, #tpu.memory_space<vmem>>) target_semaphore(%run_scoped3A : memref<!tpu.dma_semaphore, #tpu.memory_space<semaphore_mem>>)
        %dma_wait3A_799 = tpu.memref_slice %arg25[%mul3A_403] : memref<98304xi32, #tpu.memory_space<vmem_shared>> -> memref<6144xi32, #tpu.memory_space<vmem_shared>>
        %dma_wait3A_800 = tpu.memref_slice %arg25[%mul3A_403] : memref<98304xi32, #tpu.memory_space<vmem_shared>> -> memref<6144xi32, #tpu.memory_space<vmem_shared>>
        tpu.wait_dma2 semaphore(%run_scoped3A : memref<!tpu.dma_semaphore, #tpu.memory_space<semaphore_mem>>) src(%dma_wait3A_800 : memref<6144xi32, #tpu.memory_space<vmem_shared>>) dst(%arg12 : memref<6144xi32, #tpu.memory_space<vmem>>)
        tpu.yield
      }) : () -> ()
      "tpu.region"() ({
        %run_scoped3A = tpu.sem_alloc : memref<!tpu.dma_semaphore, #tpu.memory_space<semaphore_mem>>
        tpu.enqueue_dma source(%arg26 : memref<256xi32, #tpu.memory_space<vmem_shared>>) target(%arg14 : memref<256xi32, #tpu.memory_space<vmem>>) target_semaphore(%run_scoped3A : memref<!tpu.dma_semaphore, #tpu.memory_space<semaphore_mem>>)
        tpu.wait_dma2 semaphore(%run_scoped3A : memref<!tpu.dma_semaphore, #tpu.memory_space<semaphore_mem>>) src(%arg26 : memref<256xi32, #tpu.memory_space<vmem_shared>>) dst(%arg14 : memref<256xi32, #tpu.memory_space<vmem>>)
        tpu.yield
      }) : () -> ()
      %scan3A_404 = arith.constant 0 : i32
      %scan3A_405 = arith.constant 16 : i32
      %scan3A_406 = arith.addi %scan3A_404, %scan3A_405 : i32
      %scan3A_407 = arith.constant 1 : i32
      %scan3A_408 = scf.for %scan3A_797 = %scan3A_404 to %scan3A_406 step %scan3A_407 iter_args(%scan3A_798 = %broadcast_in_dim3A_1) -> (vector<16xi32>)  : i32 {
        %scan3A_799 = arith.constant 0 : i32
        %scan3A_800 = arith.constant 8 : i32
        %scan3A_801 = arith.addi %scan3A_799, %scan3A_800 : i32
        %scan3A_802 = arith.constant 1 : i32
        %scan3A_803 = scf.for %scan3A_809 = %scan3A_799 to %scan3A_801 step %scan3A_802 iter_args(%scan3A_810 = %broadcast_in_dim3A_1) -> (vector<16xi32>)  : i32 {
          %mul3A_811 = arith.constant 16 : i32
          %mul3A_812 = arith.muli %scan3A_809, %mul3A_811 : i32
          %add3A_813 = vector.broadcast %mul3A_812 : i32 to vector<16xi32>
          %add3A_814 = arith.addi %add3A_813, %iota3A : vector<16xi32>
          %mul3A_815 = arith.constant 16 : i32
          %mul3A_816 = arith.muli %scan3A_797, %mul3A_815 : i32
          %add3A_817 = vector.broadcast %mul3A_816 : i32 to vector<16xi32>
          %add3A_818 = arith.addi %broadcast_in_dim3A_1, %add3A_817 : vector<16xi32>
          %add3A_819 = vector.broadcast %arg1 : i32 to vector<16xi32>
          %add3A_820 = arith.addi %add3A_818, %add3A_819 : vector<16xi32>
          %gather3A = tpu.vector_load_idx %arg14[%add3A_820] : memref<256xi32, #tpu.memory_space<vmem>>[vector<16xi32>], vector<16xi32>,
          %lt3A_821 = arith.cmpi slt, %add3A_814, %gather3A : vector<16xi32>
          %mul3A_822 = arith.constant 128 : i32
          %mul3A_823 = arith.muli %scan3A_797, %mul3A_822 : i32
          %add3A_824 = vector.broadcast %mul3A_823 : i32 to vector<16xi32>
          %add3A_825 = arith.addi %add3A_824, %add3A_814 : vector<16xi32>
          %mul3A_826 = arith.constant 3 : i32
          %mul3A_827 = vector.broadcast %mul3A_826 : i32 to vector<16xi32>
          %mul3A_828 = arith.muli %add3A_825, %mul3A_827 : vector<16xi32>
          %gather3A_829 = tpu.vector_load_idx %arg12[%mul3A_828] masked %lt3A_821 : memref<6144xi32, #tpu.memory_space<vmem>>[vector<16xi32>], vector<16xi32>, vector<16xi1>
          %bitcast3A = vector.bitcast %gather3A_829 : vector<16xi32> to vector<16xf32>
          %add3A_830 = arith.constant 1 : i32
          %add3A_831 = vector.broadcast %add3A_830 : i32 to vector<16xi32>
          %add3A_832 = arith.addi %mul3A_828, %add3A_831 : vector<16xi32>
          %gather3A_833 = tpu.vector_load_idx %arg12[%add3A_832] masked %lt3A_821 : memref<6144xi32, #tpu.memory_space<vmem>>[vector<16xi32>], vector<16xi32>, vector<16xi1>
          %add3A_834 = arith.constant 2 : i32
          %add3A_835 = vector.broadcast %add3A_834 : i32 to vector<16xi32>
          %add3A_836 = arith.addi %mul3A_828, %add3A_835 : vector<16xi32>
          %gather3A_837 = tpu.vector_load_idx %arg12[%add3A_836] masked %lt3A_821 : memref<6144xi32, #tpu.memory_space<vmem>>[vector<16xi32>], vector<16xi32>, vector<16xi1>
          %jit3A = arith.constant 0 : i32
          %broadcast_in_dim3A_838 = vector.broadcast %jit3A : i32 to vector<16xi32>
          %select_n3A = arith.select %lt3A_821, %gather3A_833, %broadcast_in_dim3A_838 : vector<16xi1>, vector<16xi32>
          %jit3A_839 = arith.constant 0 : i32
          %broadcast_in_dim3A_840 = vector.broadcast %jit3A_839 : i32 to vector<16xi32>
          %select_n3A_841 = arith.select %lt3A_821, %gather3A_837, %broadcast_in_dim3A_840 : vector<16xi1>, vector<16xi32>
          %jit3A_842 = arith.constant 0.000000e+00 : f32
          %broadcast_in_dim3A_843 = vector.broadcast %jit3A_842 : f32 to vector<16xf32>
          %select_n3A_844 = arith.select %lt3A_821, %bitcast3A, %broadcast_in_dim3A_843 : vector<16xi1>, vector<16xf32>
          %jit3A_845 = arith.constant 1 : i32
          %jit3A_846 = arith.constant 0 : i32
          %broadcast_in_dim3A_847 = vector.broadcast %jit3A_845 : i32 to vector<16xi32>
          %broadcast_in_dim3A_848 = vector.broadcast %jit3A_846 : i32 to vector<16xi32>
          %select_n3A_849 = arith.select %lt3A_821, %broadcast_in_dim3A_847, %broadcast_in_dim3A_848 : vector<16xi1>, vector<16xi32>
          %ne3A = arith.constant 0 : i32
          %ne3A_850 = vector.broadcast %ne3A : i32 to vector<16xi32>
          %ne3A_851 = arith.cmpi ne, %select_n3A_849, %ne3A_850 : vector<16xi32>
          %exp3A = math.exp %select_n3A_844 : vector<16xf32>
          tpu.vector_store_idx %arg22[%select_n3A], %iota3A masked %ne3A_851 : memref<3136xi32, #tpu.memory_space<vmem>>[vector<16xi32>], vector<16xi32>, vector<16xi1>
          %gather3A_852 = tpu.vector_load_idx %arg22[%select_n3A] masked %ne3A_851 : memref<3136xi32, #tpu.memory_space<vmem>>[vector<16xi32>], vector<16xi32>, vector<16xi1>
          %eq3A = arith.cmpi eq, %gather3A_852, %iota3A : vector<16xi32>
          %and3A = arith.andi %ne3A_851, %eq3A : vector<16xi1>
          %gather3A_853 = tpu.vector_load_idx %arg20[%select_n3A] masked %and3A : memref<3136xf32, #tpu.memory_space<vmem>>[vector<16xi32>], vector<16xf32>, vector<16xi1>
          %add3A_854 = arith.addf %gather3A_853, %exp3A : vector<16xf32>
          tpu.vector_store_idx %arg20[%select_n3A], %add3A_854 masked %and3A : memref<3136xf32, #tpu.memory_space<vmem>>[vector<16xi32>], vector<16xf32>, vector<16xi1>
          %gather3A_855 = tpu.vector_load_idx %arg21[%select_n3A] masked %and3A : memref<3136xi32, #tpu.memory_space<vmem>>[vector<16xi32>], vector<16xi32>, vector<16xi1>
          %add3A_856 = arith.constant 1 : i32
          %add3A_857 = vector.broadcast %add3A_856 : i32 to vector<16xi32>
          %add3A_858 = arith.addi %gather3A_855, %add3A_857 : vector<16xi32>
          tpu.vector_store_idx %arg21[%select_n3A], %add3A_858 masked %and3A : memref<3136xi32, #tpu.memory_space<vmem>>[vector<16xi32>], vector<16xi32>, vector<16xi1>
          %gather3A_859 = tpu.vector_load_idx %arg16[%select_n3A] masked %and3A : memref<3136xf32, #tpu.memory_space<vmem>>[vector<16xi32>], vector<16xf32>, vector<16xi1>
          %gather3A_860 = tpu.vector_load_idx %arg17[%select_n3A] masked %and3A : memref<3136xi32, #tpu.memory_space<vmem>>[vector<16xi32>], vector<16xi32>, vector<16xi1>
          %gather3A_861 = tpu.vector_load_idx %arg18[%select_n3A] masked %and3A : memref<3136xf32, #tpu.memory_space<vmem>>[vector<16xi32>], vector<16xf32>, vector<16xi1>
          %gather3A_862 = tpu.vector_load_idx %arg19[%select_n3A] masked %and3A : memref<3136xi32, #tpu.memory_space<vmem>>[vector<16xi32>], vector<16xi32>, vector<16xi1>
          %lt3A_863 = arith.cmpf olt, %select_n3A_844, %gather3A_859 : vector<16xf32>
          %eq3A_864 = arith.cmpf oeq, %select_n3A_844, %gather3A_859 : vector<16xf32>
          %lt3A_865 = arith.cmpi slt, %select_n3A_841, %gather3A_860 : vector<16xi32>
          %and3A_866 = arith.andi %eq3A_864, %lt3A_865 : vector<16xi1>
          %or3A_867 = arith.ori %lt3A_863, %and3A_866 : vector<16xi1>
          %lt3A_868 = arith.cmpf olt, %select_n3A_844, %gather3A_861 : vector<16xf32>
          %eq3A_869 = arith.cmpf oeq, %select_n3A_844, %gather3A_861 : vector<16xf32>
          %lt3A_870 = arith.cmpi slt, %select_n3A_841, %gather3A_862 : vector<16xi32>
          %and3A_871 = arith.andi %eq3A_869, %lt3A_870 : vector<16xi1>
          %or3A_872 = arith.ori %lt3A_868, %and3A_871 : vector<16xi1>
          %select_n3A_873 = arith.select %or3A_867, %select_n3A_844, %gather3A_859 : vector<16xi1>, vector<16xf32>
          %select_n3A_874 = arith.select %or3A_867, %select_n3A_841, %gather3A_860 : vector<16xi1>, vector<16xi32>
          %select_n3A_875 = arith.select %or3A_872, %select_n3A_844, %gather3A_861 : vector<16xi1>, vector<16xf32>
          %select_n3A_876 = arith.select %or3A_867, %gather3A_859, %select_n3A_875 : vector<16xi1>, vector<16xf32>
          %select_n3A_877 = arith.select %or3A_872, %select_n3A_841, %gather3A_862 : vector<16xi1>, vector<16xi32>
          %select_n3A_878 = arith.select %or3A_867, %gather3A_860, %select_n3A_877 : vector<16xi1>, vector<16xi32>
          tpu.vector_store_idx %arg16[%select_n3A], %select_n3A_873 masked %and3A : memref<3136xf32, #tpu.memory_space<vmem>>[vector<16xi32>], vector<16xf32>, vector<16xi1>
          tpu.vector_store_idx %arg17[%select_n3A], %select_n3A_874 masked %and3A : memref<3136xi32, #tpu.memory_space<vmem>>[vector<16xi32>], vector<16xi32>, vector<16xi1>
          tpu.vector_store_idx %arg18[%select_n3A], %select_n3A_876 masked %and3A : memref<3136xf32, #tpu.memory_space<vmem>>[vector<16xi32>], vector<16xf32>, vector<16xi1>
          tpu.vector_store_idx %arg19[%select_n3A], %select_n3A_878 masked %and3A : memref<3136xi32, #tpu.memory_space<vmem>>[vector<16xi32>], vector<16xi32>, vector<16xi1>
          %jit3A_879 = arith.constant 0 : i32
          %broadcast_in_dim3A_880 = vector.broadcast %jit3A_879 : i32 to vector<16xi32>
          %select_n3A_881 = arith.select %and3A, %broadcast_in_dim3A_880, %select_n3A_849 : vector<16xi1>, vector<16xi32>
          %mul3A_882 = arith.constant 8 : i32
          %mul3A_883 = arith.muli %scan3A_797, %mul3A_882 : i32
          %add3A_884 = arith.addi %mul3A_883, %scan3A_809 : i32
          %mul3A_885 = arith.constant 16 : i32
          %mul3A_886 = arith.muli %add3A_884, %mul3A_885 : i32
          %swap3A_887 = arith.index_cast %mul3A_886 : i32 to index
          %swap3A_888 = tpu.vector_load %arg23[%swap3A_887] {strides = array<i32>} : memref<2048xi32, #tpu.memory_space<vmem>>, vector<16xi32>,
          tpu.vector_store %arg23[%swap3A_887], %select_n3A_881 {strides = array<i32>} : memref<2048xi32, #tpu.memory_space<vmem>>, vector<16xi32>,
          %or3A_889 = arith.ori %scan3A_810, %select_n3A_881 : vector<16xi32>
          scf.yield %or3A_889 : vector<16xi32>
        }
        %scan3A_804 = arith.constant 8 : i32
        %mul3A_805 = arith.constant 16 : i32
        %mul3A_806 = arith.muli %scan3A_797, %mul3A_805 : i32
        %swap3A_807 = arith.index_cast %mul3A_806 : i32 to index
        %swap3A_808 = tpu.vector_load %arg24[%swap3A_807] {strides = array<i32>} : memref<256xi32, #tpu.memory_space<vmem>>, vector<16xi32>,
        tpu.vector_store %arg24[%swap3A_807], %scan3A_803 {strides = array<i32>} : memref<256xi32, #tpu.memory_space<vmem>>, vector<16xi32>,
        %or3A = arith.ori %scan3A_798, %scan3A_803 : vector<16xi32>
        scf.yield %or3A : vector<16xi32>
      }
      %scan3A_409 = arith.constant 16 : i32
      %scan3A_410 = arith.constant 0 : i32
      %scan3A_411 = arith.constant 0 : i32
      %scan3A_412 = arith.constant 16 : i32
      %scan3A_413 = arith.addi %scan3A_411, %scan3A_412 : i32
      %scan3A_414 = arith.constant 1 : i32
      scf.for %scan3A_797 = %scan3A_411 to %scan3A_413 step %scan3A_414  : i32 {
        %mul3A_798 = arith.constant 16 : i32
        %mul3A_799 = arith.muli %scan3A_797, %mul3A_798 : i32
        %get3A = arith.index_cast %mul3A_799 : i32 to index
        %get3A_800 = tpu.vector_load %arg24[%get3A] {strides = array<i32>} : memref<256xi32, #tpu.memory_space<vmem>>, vector<16xi32>,
        %ne3A = arith.constant 0 : i32
        %ne3A_801 = vector.broadcast %ne3A : i32 to vector<16xi32>
        %ne3A_802 = arith.cmpi ne, %get3A_800, %ne3A_801 : vector<16xi32>
        %reduce_or3A = arith.constant 1.000000e+00 : f32
        %reduce_or3A_803 = arith.constant 0.000000e+00 : f32
        %reduce_or3A_804 = vector.broadcast %reduce_or3A : f32 to vector<16xf32>
        %reduce_or3A_805 = vector.broadcast %reduce_or3A_803 : f32 to vector<16xf32>
        %reduce_or3A_806 = arith.select %ne3A_802, %reduce_or3A_804, %reduce_or3A_805 : vector<16xi1>, vector<16xf32>
        %reduce_or3A_807 = arith.constant true
        %reduce_or3A_808 = vector.broadcast %reduce_or3A_807 : i1 to vector<16xi1>
        %reduce_or3A_809 = tpu.scan <max>, %reduce_or3A_806 masked %reduce_or3A_808 : vector<16xf32>, vector<16xi1> -> vector<16xf32>
        %reduce_or3A_810 = vector.extract %reduce_or3A_809[15] : f32 from vector<16xf32>
        %reduce_or3A_811 = arith.constant 0.000000e+00 : f32
        %reduce_or3A_812 = arith.cmpf ogt, %reduce_or3A_810, %reduce_or3A_811 : f32
        %convert_element_type3A_813 = arith.extui %reduce_or3A_812 : i1 to i32
        %cond3A_814 = arith.constant 0 : i32
        %cond3A_815 = arith.cmpi ne, %convert_element_type3A_813, %cond3A_814 : i32
        scf.if %cond3A_815 {
          %scan3A_816 = arith.constant 0 : i32
          %scan3A_817 = arith.constant 0 : i32
          %scan3A_818 = arith.constant 8 : i32
          %scan3A_819 = arith.addi %scan3A_817, %scan3A_818 : i32
          %scan3A_820 = arith.constant 1 : i32
          scf.for %scan3A_822 = %scan3A_817 to %scan3A_819 step %scan3A_820  : i32 {
            %mul3A_823 = arith.constant 8 : i32
            %mul3A_824 = arith.muli %scan3A_797, %mul3A_823 : i32
            %add3A_825 = arith.addi %mul3A_824, %scan3A_822 : i32
            %mul3A_826 = arith.constant 16 : i32
            %mul3A_827 = arith.muli %add3A_825, %mul3A_826 : i32
            %get3A_828 = arith.index_cast %mul3A_827 : i32 to index
            %get3A_829 = tpu.vector_load %arg23[%get3A_828] {strides = array<i32>} : memref<2048xi32, #tpu.memory_space<vmem>>, vector<16xi32>,
            %while3A = scf.while (%while3A_830 = %get3A_829) : (vector<16xi32>) -> vector<16xi32> {
              %ne3A_831 = arith.constant 0 : i32
              %ne3A_832 = vector.broadcast %ne3A_831 : i32 to vector<16xi32>
              %ne3A_833 = arith.cmpi ne, %while3A_830, %ne3A_832 : vector<16xi32>
              %reduce_or3A_834 = arith.constant 1.000000e+00 : f32
              %reduce_or3A_835 = arith.constant 0.000000e+00 : f32
              %reduce_or3A_836 = vector.broadcast %reduce_or3A_834 : f32 to vector<16xf32>
              %reduce_or3A_837 = vector.broadcast %reduce_or3A_835 : f32 to vector<16xf32>
              %reduce_or3A_838 = arith.select %ne3A_833, %reduce_or3A_836, %reduce_or3A_837 : vector<16xi1>, vector<16xf32>
              %reduce_or3A_839 = arith.constant true
              %reduce_or3A_840 = vector.broadcast %reduce_or3A_839 : i1 to vector<16xi1>
              %reduce_or3A_841 = tpu.scan <max>, %reduce_or3A_838 masked %reduce_or3A_840 : vector<16xf32>, vector<16xi1> -> vector<16xf32>
              %reduce_or3A_842 = vector.extract %reduce_or3A_841[15] : f32 from vector<16xf32>
              %reduce_or3A_843 = arith.constant 0.000000e+00 : f32
              %reduce_or3A_844 = arith.cmpf ogt, %reduce_or3A_842, %reduce_or3A_843 : f32
              scf.condition(%reduce_or3A_844) %while3A_830 : vector<16xi32>
            } do {
            ^bb0(%while3A_830: vector<16xi32>):
              %mul3A_831 = arith.constant 16 : i32
              %mul3A_832 = arith.muli %scan3A_822, %mul3A_831 : i32
              %add3A_833 = vector.broadcast %mul3A_832 : i32 to vector<16xi32>
              %add3A_834 = arith.addi %add3A_833, %iota3A : vector<16xi32>
              %mul3A_835 = arith.constant 16 : i32
              %mul3A_836 = arith.muli %scan3A_797, %mul3A_835 : i32
              %add3A_837 = vector.broadcast %mul3A_836 : i32 to vector<16xi32>
              %add3A_838 = arith.addi %broadcast_in_dim3A_1, %add3A_837 : vector<16xi32>
              %add3A_839 = vector.broadcast %arg1 : i32 to vector<16xi32>
              %add3A_840 = arith.addi %add3A_838, %add3A_839 : vector<16xi32>
              %gather3A = tpu.vector_load_idx %arg14[%add3A_840] : memref<256xi32, #tpu.memory_space<vmem>>[vector<16xi32>], vector<16xi32>,
              %lt3A_841 = arith.cmpi slt, %add3A_834, %gather3A : vector<16xi32>
              %mul3A_842 = arith.constant 128 : i32
              %mul3A_843 = arith.muli %scan3A_797, %mul3A_842 : i32
              %add3A_844 = vector.broadcast %mul3A_843 : i32 to vector<16xi32>
              %add3A_845 = arith.addi %add3A_844, %add3A_834 : vector<16xi32>
              %mul3A_846 = arith.constant 3 : i32
              %mul3A_847 = vector.broadcast %mul3A_846 : i32 to vector<16xi32>
              %mul3A_848 = arith.muli %add3A_845, %mul3A_847 : vector<16xi32>
              %gather3A_849 = tpu.vector_load_idx %arg12[%mul3A_848] masked %lt3A_841 : memref<6144xi32, #tpu.memory_space<vmem>>[vector<16xi32>], vector<16xi32>, vector<16xi1>
              %bitcast3A = vector.bitcast %gather3A_849 : vector<16xi32> to vector<16xf32>
              %add3A_850 = arith.constant 1 : i32
              %add3A_851 = vector.broadcast %add3A_850 : i32 to vector<16xi32>
              %add3A_852 = arith.addi %mul3A_848, %add3A_851 : vector<16xi32>
              %gather3A_853 = tpu.vector_load_idx %arg12[%add3A_852] masked %lt3A_841 : memref<6144xi32, #tpu.memory_space<vmem>>[vector<16xi32>], vector<16xi32>, vector<16xi1>
              %add3A_854 = arith.constant 2 : i32
              %add3A_855 = vector.broadcast %add3A_854 : i32 to vector<16xi32>
              %add3A_856 = arith.addi %mul3A_848, %add3A_855 : vector<16xi32>
              %gather3A_857 = tpu.vector_load_idx %arg12[%add3A_856] masked %lt3A_841 : memref<6144xi32, #tpu.memory_space<vmem>>[vector<16xi32>], vector<16xi32>, vector<16xi1>
              %jit3A = arith.constant 0 : i32
              %broadcast_in_dim3A_858 = vector.broadcast %jit3A : i32 to vector<16xi32>
              %select_n3A = arith.select %lt3A_841, %gather3A_853, %broadcast_in_dim3A_858 : vector<16xi1>, vector<16xi32>
              %jit3A_859 = arith.constant 0 : i32
              %broadcast_in_dim3A_860 = vector.broadcast %jit3A_859 : i32 to vector<16xi32>
              %select_n3A_861 = arith.select %lt3A_841, %gather3A_857, %broadcast_in_dim3A_860 : vector<16xi1>, vector<16xi32>
              %jit3A_862 = arith.constant 0.000000e+00 : f32
              %broadcast_in_dim3A_863 = vector.broadcast %jit3A_862 : f32 to vector<16xf32>
              %select_n3A_864 = arith.select %lt3A_841, %bitcast3A, %broadcast_in_dim3A_863 : vector<16xi1>, vector<16xf32>
              %ne3A_865 = arith.constant 0 : i32
              %ne3A_866 = vector.broadcast %ne3A_865 : i32 to vector<16xi32>
              %ne3A_867 = arith.cmpi ne, %while3A_830, %ne3A_866 : vector<16xi32>
              %exp3A = math.exp %select_n3A_864 : vector<16xf32>
              tpu.vector_store_idx %arg22[%select_n3A], %iota3A masked %ne3A_867 : memref<3136xi32, #tpu.memory_space<vmem>>[vector<16xi32>], vector<16xi32>, vector<16xi1>
              %gather3A_868 = tpu.vector_load_idx %arg22[%select_n3A] masked %ne3A_867 : memref<3136xi32, #tpu.memory_space<vmem>>[vector<16xi32>], vector<16xi32>, vector<16xi1>
              %eq3A = arith.cmpi eq, %gather3A_868, %iota3A : vector<16xi32>
              %and3A = arith.andi %ne3A_867, %eq3A : vector<16xi1>
              %gather3A_869 = tpu.vector_load_idx %arg20[%select_n3A] masked %and3A : memref<3136xf32, #tpu.memory_space<vmem>>[vector<16xi32>], vector<16xf32>, vector<16xi1>
              %add3A_870 = arith.addf %gather3A_869, %exp3A : vector<16xf32>
              tpu.vector_store_idx %arg20[%select_n3A], %add3A_870 masked %and3A : memref<3136xf32, #tpu.memory_space<vmem>>[vector<16xi32>], vector<16xf32>, vector<16xi1>
              %gather3A_871 = tpu.vector_load_idx %arg21[%select_n3A] masked %and3A : memref<3136xi32, #tpu.memory_space<vmem>>[vector<16xi32>], vector<16xi32>, vector<16xi1>
              %add3A_872 = arith.constant 1 : i32
              %add3A_873 = vector.broadcast %add3A_872 : i32 to vector<16xi32>
              %add3A_874 = arith.addi %gather3A_871, %add3A_873 : vector<16xi32>
              tpu.vector_store_idx %arg21[%select_n3A], %add3A_874 masked %and3A : memref<3136xi32, #tpu.memory_space<vmem>>[vector<16xi32>], vector<16xi32>, vector<16xi1>
              %gather3A_875 = tpu.vector_load_idx %arg16[%select_n3A] masked %and3A : memref<3136xf32, #tpu.memory_space<vmem>>[vector<16xi32>], vector<16xf32>, vector<16xi1>
              %gather3A_876 = tpu.vector_load_idx %arg17[%select_n3A] masked %and3A : memref<3136xi32, #tpu.memory_space<vmem>>[vector<16xi32>], vector<16xi32>, vector<16xi1>
              %gather3A_877 = tpu.vector_load_idx %arg18[%select_n3A] masked %and3A : memref<3136xf32, #tpu.memory_space<vmem>>[vector<16xi32>], vector<16xf32>, vector<16xi1>
              %gather3A_878 = tpu.vector_load_idx %arg19[%select_n3A] masked %and3A : memref<3136xi32, #tpu.memory_space<vmem>>[vector<16xi32>], vector<16xi32>, vector<16xi1>
              %lt3A_879 = arith.cmpf olt, %select_n3A_864, %gather3A_875 : vector<16xf32>
              %eq3A_880 = arith.cmpf oeq, %select_n3A_864, %gather3A_875 : vector<16xf32>
              %lt3A_881 = arith.cmpi slt, %select_n3A_861, %gather3A_876 : vector<16xi32>
              %and3A_882 = arith.andi %eq3A_880, %lt3A_881 : vector<16xi1>
              %or3A = arith.ori %lt3A_879, %and3A_882 : vector<16xi1>
              %lt3A_883 = arith.cmpf olt, %select_n3A_864, %gather3A_877 : vector<16xf32>
              %eq3A_884 = arith.cmpf oeq, %select_n3A_864, %gather3A_877 : vector<16xf32>
              %lt3A_885 = arith.cmpi slt, %select_n3A_861, %gather3A_878 : vector<16xi32>
              %and3A_886 = arith.andi %eq3A_884, %lt3A_885 : vector<16xi1>
              %or3A_887 = arith.ori %lt3A_883, %and3A_886 : vector<16xi1>
              %select_n3A_888 = arith.select %or3A, %select_n3A_864, %gather3A_875 : vector<16xi1>, vector<16xf32>
              %select_n3A_889 = arith.select %or3A, %select_n3A_861, %gather3A_876 : vector<16xi1>, vector<16xi32>
              %select_n3A_890 = arith.select %or3A_887, %select_n3A_864, %gather3A_877 : vector<16xi1>, vector<16xf32>
              %select_n3A_891 = arith.select %or3A, %gather3A_875, %select_n3A_890 : vector<16xi1>, vector<16xf32>
              %select_n3A_892 = arith.select %or3A_887, %select_n3A_861, %gather3A_878 : vector<16xi1>, vector<16xi32>
              %select_n3A_893 = arith.select %or3A, %gather3A_876, %select_n3A_892 : vector<16xi1>, vector<16xi32>
              tpu.vector_store_idx %arg16[%select_n3A], %select_n3A_888 masked %and3A : memref<3136xf32, #tpu.memory_space<vmem>>[vector<16xi32>], vector<16xf32>, vector<16xi1>
              tpu.vector_store_idx %arg17[%select_n3A], %select_n3A_889 masked %and3A : memref<3136xi32, #tpu.memory_space<vmem>>[vector<16xi32>], vector<16xi32>, vector<16xi1>
              tpu.vector_store_idx %arg18[%select_n3A], %select_n3A_891 masked %and3A : memref<3136xf32, #tpu.memory_space<vmem>>[vector<16xi32>], vector<16xf32>, vector<16xi1>
              tpu.vector_store_idx %arg19[%select_n3A], %select_n3A_893 masked %and3A : memref<3136xi32, #tpu.memory_space<vmem>>[vector<16xi32>], vector<16xi32>, vector<16xi1>
              %jit3A_894 = arith.constant 0 : i32
              %broadcast_in_dim3A_895 = vector.broadcast %jit3A_894 : i32 to vector<16xi32>
              %select_n3A_896 = arith.select %and3A, %broadcast_in_dim3A_895, %while3A_830 : vector<16xi1>, vector<16xi32>
              scf.yield %select_n3A_896 : vector<16xi32>
            }
          }
          %scan3A_821 = arith.constant 8 : i32
        } else {
        }
      }
      %scan3A_415 = arith.constant 16 : i32
      %barrier3A_416 = arith.constant 0 : index
      tpu.barrier barrier_id(%barrier3A_416)
      %mul3A_417 = arith.constant 2 : i32
      %mul3A_418 = arith.muli %mul3A_417, %scan3A_42 : i32
      %add3A_419 = arith.constant 1 : i32
      %add3A_420 = arith.addi %mul3A_418, %add3A_419 : i32
      %mul3A_421 = arith.constant 2000 : i32
      %mul3A_422 = arith.muli %add3A_420, %mul3A_421 : i32
      %add3A_423 = arith.addi %mul3A_14, %mul3A_422 : i32
      %dma_wait3A_424 = arith.constant 2000 : i32
      %dma_wait3A_425 = tpu.memref_slice %arg7[%dma_wait3A_424] : memref<4000xf32, #tpu.memory_space<vmem>> -> memref<2000xf32, #tpu.memory_space<vmem>>
      %dma_wait3A_426 = arith.constant 0 : i32
      %dma_wait3A_427 = tpu.memref_slice %arg2[%dma_wait3A_426] : memref<1600000xf32, #tpu.memory_space<hbm>> -> memref<2000xf32, #tpu.memory_space<hbm>>
      %dma_wait3A_428 = arith.constant 2000 : i32
      %dma_wait3A_429 = tpu.memref_slice %arg7[%dma_wait3A_428] : memref<4000xf32, #tpu.memory_space<vmem>> -> memref<2000xf32, #tpu.memory_space<vmem>>
      %dma_wait3A_430 = arith.constant 0 : i32
      %dma_wait3A_431 = tpu.memref_slice %arg2[%dma_wait3A_430] : memref<1600000xf32, #tpu.memory_space<hbm>> -> memref<2000xf32, #tpu.memory_space<hbm>>
      tpu.wait_dma2 semaphore(%arg9 : memref<!tpu.dma_semaphore, #tpu.memory_space<semaphore_mem>>) src(%dma_wait3A_431 : memref<2000xf32, #tpu.memory_space<hbm>>) dst(%dma_wait3A_429 : memref<2000xf32, #tpu.memory_space<vmem>>)
      %dma_wait3A_432 = arith.constant 2000 : i32
      %dma_wait3A_433 = tpu.memref_slice %arg8[%dma_wait3A_432] : memref<4000xi32, #tpu.memory_space<vmem>> -> memref<2000xi32, #tpu.memory_space<vmem>>
      %dma_wait3A_434 = arith.constant 0 : i32
      %dma_wait3A_435 = tpu.memref_slice %arg3[%dma_wait3A_434] : memref<1600000xi32, #tpu.memory_space<hbm>> -> memref<2000xi32, #tpu.memory_space<hbm>>
      %dma_wait3A_436 = arith.constant 2000 : i32
      %dma_wait3A_437 = tpu.memref_slice %arg8[%dma_wait3A_436] : memref<4000xi32, #tpu.memory_space<vmem>> -> memref<2000xi32, #tpu.memory_space<vmem>>
      %dma_wait3A_438 = arith.constant 0 : i32
      %dma_wait3A_439 = tpu.memref_slice %arg3[%dma_wait3A_438] : memref<1600000xi32, #tpu.memory_space<hbm>> -> memref<2000xi32, #tpu.memory_space<hbm>>
      tpu.wait_dma2 semaphore(%arg9 : memref<!tpu.dma_semaphore, #tpu.memory_space<semaphore_mem>>) src(%dma_wait3A_439 : memref<2000xi32, #tpu.memory_space<hbm>>) dst(%dma_wait3A_437 : memref<2000xi32, #tpu.memory_space<vmem>>)
      %add3A_440 = arith.constant 1 : i32
      %add3A_441 = arith.addi %add3A_420, %add3A_440 : i32
      %lt3A_442 = arith.constant 50 : i32
      %lt3A_443 = arith.cmpi slt, %add3A_441, %lt3A_442 : i32
      %convert_element_type3A_444 = arith.extui %lt3A_443 : i1 to i32
      %cond3A_445 = arith.constant 0 : i32
      %cond3A_446 = arith.cmpi ne, %convert_element_type3A_444, %cond3A_445 : i32
      scf.if %cond3A_446 {
        %add3A_797 = arith.constant 1 : i32
        %add3A_798 = arith.addi %add3A_420, %add3A_797 : i32
        %mul3A_799 = arith.constant 2000 : i32
        %mul3A_800 = arith.muli %add3A_798, %mul3A_799 : i32
        %add3A_801 = arith.addi %mul3A_14, %mul3A_800 : i32
        %dma_start3A_802 = arith.constant 0 : i32
        %dma_start3A_803 = tpu.memref_slice %arg7[%dma_start3A_802] : memref<4000xf32, #tpu.memory_space<vmem>> -> memref<2000xf32, #tpu.memory_space<vmem>>
        %dma_start3A_804 = tpu.memref_slice %arg2[%add3A_801] : memref<1600000xf32, #tpu.memory_space<hbm>> -> memref<2000xf32, #tpu.memory_space<hbm>>
        %dma_start3A_805 = arith.constant 0 : i32
        %dma_start3A_806 = tpu.memref_slice %arg7[%dma_start3A_805] : memref<4000xf32, #tpu.memory_space<vmem>> -> memref<2000xf32, #tpu.memory_space<vmem>>
        %dma_start3A_807 = tpu.memref_slice %arg2[%add3A_801] : memref<1600000xf32, #tpu.memory_space<hbm>> -> memref<2000xf32, #tpu.memory_space<hbm>>
        tpu.enqueue_dma source(%dma_start3A_807 : memref<2000xf32, #tpu.memory_space<hbm>>) target(%dma_start3A_806 : memref<2000xf32, #tpu.memory_space<vmem>>) target_semaphore(%arg9 : memref<!tpu.dma_semaphore, #tpu.memory_space<semaphore_mem>>)
        %dma_start3A_808 = arith.constant 0 : i32
        %dma_start3A_809 = tpu.memref_slice %arg8[%dma_start3A_808] : memref<4000xi32, #tpu.memory_space<vmem>> -> memref<2000xi32, #tpu.memory_space<vmem>>
        %dma_start3A_810 = tpu.memref_slice %arg3[%add3A_801] : memref<1600000xi32, #tpu.memory_space<hbm>> -> memref<2000xi32, #tpu.memory_space<hbm>>
        %dma_start3A_811 = arith.constant 0 : i32
        %dma_start3A_812 = tpu.memref_slice %arg8[%dma_start3A_811] : memref<4000xi32, #tpu.memory_space<vmem>> -> memref<2000xi32, #tpu.memory_space<vmem>>
        %dma_start3A_813 = tpu.memref_slice %arg3[%add3A_801] : memref<1600000xi32, #tpu.memory_space<hbm>> -> memref<2000xi32, #tpu.memory_space<hbm>>
        tpu.enqueue_dma source(%dma_start3A_813 : memref<2000xi32, #tpu.memory_space<hbm>>) target(%dma_start3A_812 : memref<2000xi32, #tpu.memory_space<vmem>>) target_semaphore(%arg9 : memref<!tpu.dma_semaphore, #tpu.memory_space<semaphore_mem>>)
      } else {
      }
      %swap3A_447 = arith.constant 0 : index
      %swap3A_448 = tpu.vector_load %arg13[%swap3A_447] {strides = array<i32>} : memref<32xi32, #tpu.memory_space<vmem>>, vector<16xi32>,
      tpu.vector_store %arg13[%swap3A_447], %broadcast_in_dim3A_1 {strides = array<i32>} : memref<32xi32, #tpu.memory_space<vmem>>, vector<16xi32>,
      %swap3A_449 = arith.constant 16 : index
      %swap3A_450 = tpu.vector_load %arg13[%swap3A_449] {strides = array<i32>} : memref<32xi32, #tpu.memory_space<vmem>>, vector<16xi32>,
      tpu.vector_store %arg13[%swap3A_449], %broadcast_in_dim3A_1 {strides = array<i32>} : memref<32xi32, #tpu.memory_space<vmem>>, vector<16xi32>,
      %scan3A_451 = arith.constant 0 : i32
      %scan3A_452 = arith.constant 0 : i32
      %scan3A_453 = arith.constant 125 : i32
      %scan3A_454 = arith.addi %scan3A_452, %scan3A_453 : i32
      %scan3A_455 = arith.constant 1 : i32
      scf.for %scan3A_797 = %scan3A_452 to %scan3A_454 step %scan3A_455  : i32 {
        %mul3A_798 = arith.constant 16 : i32
        %mul3A_799 = arith.muli %scan3A_797, %mul3A_798 : i32
        %get3A = arith.constant 2000 : i32
        %get3A_800 = tpu.memref_slice %arg8[%get3A] : memref<4000xi32, #tpu.memory_space<vmem>> -> memref<2000xi32, #tpu.memory_space<vmem>>
        %get3A_801 = arith.index_cast %mul3A_799 : i32 to index
        %get3A_802 = tpu.vector_load %get3A_800[%get3A_801] {strides = array<i32>} : memref<2000xi32, #tpu.memory_space<vmem>>, vector<16xi32>,
        %and3A = arith.constant 1 : i32
        %and3A_803 = vector.broadcast %and3A : i32 to vector<16xi32>
        %and3A_804 = arith.andi %get3A_802, %and3A_803 : vector<16xi32>
        %eq3A = vector.broadcast %arg0 : i32 to vector<16xi32>
        %eq3A_805 = arith.cmpi eq, %and3A_804, %eq3A : vector<16xi32>
        %shift_right_logical3A = arith.constant 1 : i32
        %shift_right_logical3A_806 = vector.broadcast %shift_right_logical3A : i32 to vector<16xi32>
        %shift_right_logical3A_807 = arith.shrui %get3A_802, %shift_right_logical3A_806 : vector<16xi32>
        %and3A_808 = arith.constant 15 : i32
        %and3A_809 = vector.broadcast %and3A_808 : i32 to vector<16xi32>
        %and3A_810 = arith.andi %shift_right_logical3A_807, %and3A_809 : vector<16xi32>
        %jit3A = arith.constant 16 : i32
        %broadcast_in_dim3A_811 = vector.broadcast %jit3A : i32 to vector<16xi32>
        %select_n3A = arith.select %eq3A_805, %and3A_810, %broadcast_in_dim3A_811 : vector<16xi1>, vector<16xi32>
        %masked_sort3A = arith.constant dense<true> : vector<16xi1>
        %masked_sort3A_812 = arith.constant -2147483648 : i32
        %masked_sort3A_813 = vector.broadcast %masked_sort3A_812 : i32 to vector<16xi32>
        %masked_sort3A_814 = arith.xori %select_n3A, %masked_sort3A_813 : vector<16xi32>
        %masked_sort3A_815, %masked_sort3A_816, %masked_sort3A_817 = tpu.sort %masked_sort3A_814, %iota3A masked %masked_sort3A : (vector<16xi32>, vector<16xi32>, vector<16xi1>) -> (vector<16xi1>, vector<16xi32>, vector<16xi32>)
        %masked_sort3A_818 = arith.xori %masked_sort3A_816, %masked_sort3A_813 : vector<16xi32>
        %sub3A = arith.constant 1 : i32
        %sub3A_819 = vector.broadcast %sub3A : i32 to vector<16xi32>
        %sub3A_820 = arith.subi %iota3A, %sub3A_819 : vector<16xi32>
        %max3A = arith.constant 0 : i32
        %max3A_821 = vector.broadcast %max3A : i32 to vector<16xi32>
        %max3A_822 = arith.maxsi %sub3A_820, %max3A_821 : vector<16xi32>
        %broadcast_in_dim3A_823 = vector.shape_cast %max3A_822 : vector<16xi32> to vector<16x1xi32>
        %gather3A = vector.shape_cast %broadcast_in_dim3A_823 : vector<16x1xi32> to vector<16xi32>
        %gather3A_824 = tpu.dynamic_gather %masked_sort3A_818[%gather3A] in [0] : vector<16xi32>, vector<16xi32> -> vector<16xi32>
        %add3A_825 = arith.constant 1 : i32
        %add3A_826 = vector.broadcast %add3A_825 : i32 to vector<16xi32>
        %add3A_827 = arith.addi %iota3A, %add3A_826 : vector<16xi32>
        %min3A = arith.constant 15 : i32
        %min3A_828 = vector.broadcast %min3A : i32 to vector<16xi32>
        %min3A_829 = arith.minsi %add3A_827, %min3A_828 : vector<16xi32>
        %broadcast_in_dim3A_830 = vector.shape_cast %min3A_829 : vector<16xi32> to vector<16x1xi32>
        %gather3A_831 = vector.shape_cast %broadcast_in_dim3A_830 : vector<16x1xi32> to vector<16xi32>
        %gather3A_832 = tpu.dynamic_gather %masked_sort3A_818[%gather3A_831] in [0] : vector<16xi32>, vector<16xi32> -> vector<16xi32>
        %eq3A_833 = arith.constant 0 : i32
        %eq3A_834 = vector.broadcast %eq3A_833 : i32 to vector<16xi32>
        %eq3A_835 = arith.cmpi eq, %iota3A, %eq3A_834 : vector<16xi32>
        %ne3A = arith.cmpi ne, %masked_sort3A_818, %gather3A_824 : vector<16xi32>
        %or3A = arith.ori %eq3A_835, %ne3A : vector<16xi1>
        %eq3A_836 = arith.constant 15 : i32
        %eq3A_837 = vector.broadcast %eq3A_836 : i32 to vector<16xi32>
        %eq3A_838 = arith.cmpi eq, %iota3A, %eq3A_837 : vector<16xi32>
        %ne3A_839 = arith.cmpi ne, %masked_sort3A_818, %gather3A_832 : vector<16xi32>
        %or3A_840 = arith.ori %eq3A_838, %ne3A_839 : vector<16xi1>
        %jit3A_841 = arith.constant 0 : i32
        %broadcast_in_dim3A_842 = vector.broadcast %jit3A_841 : i32 to vector<16xi32>
        %select_n3A_843 = arith.select %or3A, %iota3A, %broadcast_in_dim3A_842 : vector<16xi1>, vector<16xi32>
        %broadcast_in_dim3A_844 = arith.constant true
        %broadcast_in_dim3A_845 = vector.broadcast %broadcast_in_dim3A_844 : i1 to vector<16xi1>
        %masked_cummax3A = arith.constant -2147483648 : i32
        %masked_cummax3A_846 = vector.broadcast %masked_cummax3A : i32 to vector<16xi32>
        %masked_cummax3A_847 = arith.xori %select_n3A_843, %masked_cummax3A_846 : vector<16xi32>
        %masked_cummax3A_848 = tpu.scan <max>, %masked_cummax3A_847 masked %broadcast_in_dim3A_845 : vector<16xi32>, vector<16xi1> -> vector<16xi32>
        %masked_cummax3A_849 = arith.xori %masked_cummax3A_848, %masked_cummax3A_846 : vector<16xi32>
        %sub3A_850 = arith.subi %iota3A, %masked_cummax3A_849 : vector<16xi32>
        %gather3A_851 = tpu.vector_load_idx %arg13[%masked_sort3A_818] : memref<32xi32, #tpu.memory_space<vmem>>[vector<16xi32>], vector<16xi32>,
        %add3A_852 = arith.addi %gather3A_851, %sub3A_850 : vector<16xi32>
        %min3A_853 = arith.constant 127 : i32
        %min3A_854 = vector.broadcast %min3A_853 : i32 to vector<16xi32>
        %min3A_855 = arith.minsi %add3A_852, %min3A_854 : vector<16xi32>
        %add3A_856 = arith.addi %gather3A_851, %sub3A_850 : vector<16xi32>
        %add3A_857 = arith.constant 1 : i32
        %add3A_858 = vector.broadcast %add3A_857 : i32 to vector<16xi32>
        %add3A_859 = arith.addi %add3A_856, %add3A_858 : vector<16xi32>
        %min3A_860 = arith.constant 128 : i32
        %min3A_861 = vector.broadcast %min3A_860 : i32 to vector<16xi32>
        %min3A_862 = arith.minsi %add3A_859, %min3A_861 : vector<16xi32>
        tpu.vector_store_idx %arg13[%masked_sort3A_818], %min3A_862 masked %or3A_840 : memref<32xi32, #tpu.memory_space<vmem>>[vector<16xi32>], vector<16xi32>, vector<16xi1>
        %get3A_863 = arith.constant 2000 : i32
        %get3A_864 = tpu.memref_slice %arg7[%get3A_863] : memref<4000xf32, #tpu.memory_space<vmem>> -> memref<2000xf32, #tpu.memory_space<vmem>>
        %get3A_865 = arith.index_cast %mul3A_799 : i32 to index
        %get3A_866 = tpu.vector_load %get3A_864[%get3A_865] {strides = array<i32>} : memref<2000xf32, #tpu.memory_space<vmem>>, vector<16xf32>,
        %broadcast_in_dim3A_867 = vector.shape_cast %masked_sort3A_817 : vector<16xi32> to vector<16x1xi32>
        %gather3A_868 = vector.shape_cast %broadcast_in_dim3A_867 : vector<16x1xi32> to vector<16xi32>
        %gather3A_869 = tpu.dynamic_gather %get3A_866[%gather3A_868] in [0] : vector<16xf32>, vector<16xi32> -> vector<16xf32>
        %bitcast3A = vector.bitcast %gather3A_869 : vector<16xf32> to vector<16xi32>
        %broadcast_in_dim3A_870 = vector.shape_cast %masked_sort3A_817 : vector<16xi32> to vector<16x1xi32>
        %gather3A_871 = vector.shape_cast %broadcast_in_dim3A_870 : vector<16x1xi32> to vector<16xi32>
        %gather3A_872 = tpu.dynamic_gather %get3A_802[%gather3A_871] in [0] : vector<16xi32>, vector<16xi32> -> vector<16xi32>
        %shift_right_logical3A_873 = arith.constant 5 : i32
        %shift_right_logical3A_874 = vector.broadcast %shift_right_logical3A_873 : i32 to vector<16xi32>
        %shift_right_logical3A_875 = arith.shrui %gather3A_872, %shift_right_logical3A_874 : vector<16xi32>
        %mul3A_876 = arith.constant 16 : i32
        %mul3A_877 = arith.muli %scan3A_797, %mul3A_876 : i32
        %add3A_878 = arith.addi %add3A_423, %mul3A_877 : i32
        %add3A_879 = vector.broadcast %add3A_878 : i32 to vector<16xi32>
        %add3A_880 = arith.addi %add3A_879, %masked_sort3A_817 : vector<16xi32>
        %mul3A_881 = arith.constant 128 : i32
        %mul3A_882 = vector.broadcast %mul3A_881 : i32 to vector<16xi32>
        %mul3A_883 = arith.muli %masked_sort3A_818, %mul3A_882 : vector<16xi32>
        %add3A_884 = arith.addi %mul3A_883, %min3A_855 : vector<16xi32>
        %mul3A_885 = arith.constant 3 : i32
        %mul3A_886 = vector.broadcast %mul3A_885 : i32 to vector<16xi32>
        %mul3A_887 = arith.muli %add3A_884, %mul3A_886 : vector<16xi32>
        tpu.vector_store_idx %arg11[%mul3A_887], %bitcast3A : memref<6528xi32, #tpu.memory_space<vmem>>[vector<16xi32>], vector<16xi32>,
        %add3A_888 = arith.constant 1 : i32
        %add3A_889 = vector.broadcast %add3A_888 : i32 to vector<16xi32>
        %add3A_890 = arith.addi %mul3A_887, %add3A_889 : vector<16xi32>
        tpu.vector_store_idx %arg11[%add3A_890], %shift_right_logical3A_875 : memref<6528xi32, #tpu.memory_space<vmem>>[vector<16xi32>], vector<16xi32>,
        %add3A_891 = arith.constant 2 : i32
        %add3A_892 = vector.broadcast %add3A_891 : i32 to vector<16xi32>
        %add3A_893 = arith.addi %mul3A_887, %add3A_892 : vector<16xi32>
        tpu.vector_store_idx %arg11[%add3A_893], %add3A_880 : memref<6528xi32, #tpu.memory_space<vmem>>[vector<16xi32>], vector<16xi32>,
      }
      %scan3A_456 = arith.constant 125 : i32
      %add3A_457 = arith.constant 0 : i32
      %add3A_458 = arith.addi %add3A_457, %arg1 : i32
      %mul3A_459 = arith.constant 384 : i32
      %mul3A_460 = arith.muli %add3A_458, %mul3A_459 : i32
      %dma_start3A_461 = arith.constant 0 : i32
      %dma_start3A_462 = tpu.memref_slice %arg11[%dma_start3A_461] : memref<6528xi32, #tpu.memory_space<vmem>> -> memref<384xi32, #tpu.memory_space<vmem>>
      %dma_start3A_463 = tpu.memref_slice %arg25[%mul3A_460] : memref<98304xi32, #tpu.memory_space<vmem_shared>> -> memref<384xi32, #tpu.memory_space<vmem_shared>>
      %dma_start3A_464 = tpu.memref_slice %arg25[%mul3A_460] : memref<98304xi32, #tpu.memory_space<vmem_shared>> -> memref<384xi32, #tpu.memory_space<vmem_shared>>
      %dma_start3A_465 = arith.constant 0 : i32
      %dma_start3A_466 = tpu.memref_slice %arg11[%dma_start3A_465] : memref<6528xi32, #tpu.memory_space<vmem>> -> memref<384xi32, #tpu.memory_space<vmem>>
      tpu.enqueue_dma source(%dma_start3A_466 : memref<384xi32, #tpu.memory_space<vmem>>) target(%dma_start3A_464 : memref<384xi32, #tpu.memory_space<vmem_shared>>) target_semaphore(%arg10 : memref<!tpu.dma_semaphore, #tpu.memory_space<semaphore_mem>>)
      %add3A_467 = arith.constant 16 : i32
      %add3A_468 = arith.addi %add3A_467, %arg1 : i32
      %mul3A_469 = arith.constant 384 : i32
      %mul3A_470 = arith.muli %add3A_468, %mul3A_469 : i32
      %dma_start3A_471 = arith.constant 384 : i32
      %dma_start3A_472 = tpu.memref_slice %arg11[%dma_start3A_471] : memref<6528xi32, #tpu.memory_space<vmem>> -> memref<384xi32, #tpu.memory_space<vmem>>
      %dma_start3A_473 = tpu.memref_slice %arg25[%mul3A_470] : memref<98304xi32, #tpu.memory_space<vmem_shared>> -> memref<384xi32, #tpu.memory_space<vmem_shared>>
      %dma_start3A_474 = tpu.memref_slice %arg25[%mul3A_470] : memref<98304xi32, #tpu.memory_space<vmem_shared>> -> memref<384xi32, #tpu.memory_space<vmem_shared>>
      %dma_start3A_475 = arith.constant 384 : i32
      %dma_start3A_476 = tpu.memref_slice %arg11[%dma_start3A_475] : memref<6528xi32, #tpu.memory_space<vmem>> -> memref<384xi32, #tpu.memory_space<vmem>>
      tpu.enqueue_dma source(%dma_start3A_476 : memref<384xi32, #tpu.memory_space<vmem>>) target(%dma_start3A_474 : memref<384xi32, #tpu.memory_space<vmem_shared>>) target_semaphore(%arg10 : memref<!tpu.dma_semaphore, #tpu.memory_space<semaphore_mem>>)
      %add3A_477 = arith.constant 32 : i32
      %add3A_478 = arith.addi %add3A_477, %arg1 : i32
      %mul3A_479 = arith.constant 384 : i32
      %mul3A_480 = arith.muli %add3A_478, %mul3A_479 : i32
      %dma_start3A_481 = arith.constant 768 : i32
      %dma_start3A_482 = tpu.memref_slice %arg11[%dma_start3A_481] : memref<6528xi32, #tpu.memory_space<vmem>> -> memref<384xi32, #tpu.memory_space<vmem>>
      %dma_start3A_483 = tpu.memref_slice %arg25[%mul3A_480] : memref<98304xi32, #tpu.memory_space<vmem_shared>> -> memref<384xi32, #tpu.memory_space<vmem_shared>>
      %dma_start3A_484 = tpu.memref_slice %arg25[%mul3A_480] : memref<98304xi32, #tpu.memory_space<vmem_shared>> -> memref<384xi32, #tpu.memory_space<vmem_shared>>
      %dma_start3A_485 = arith.constant 768 : i32
      %dma_start3A_486 = tpu.memref_slice %arg11[%dma_start3A_485] : memref<6528xi32, #tpu.memory_space<vmem>> -> memref<384xi32, #tpu.memory_space<vmem>>
      tpu.enqueue_dma source(%dma_start3A_486 : memref<384xi32, #tpu.memory_space<vmem>>) target(%dma_start3A_484 : memref<384xi32, #tpu.memory_space<vmem_shared>>) target_semaphore(%arg10 : memref<!tpu.dma_semaphore, #tpu.memory_space<semaphore_mem>>)
      %add3A_487 = arith.constant 48 : i32
      %add3A_488 = arith.addi %add3A_487, %arg1 : i32
      %mul3A_489 = arith.constant 384 : i32
      %mul3A_490 = arith.muli %add3A_488, %mul3A_489 : i32
      %dma_start3A_491 = arith.constant 1152 : i32
      %dma_start3A_492 = tpu.memref_slice %arg11[%dma_start3A_491] : memref<6528xi32, #tpu.memory_space<vmem>> -> memref<384xi32, #tpu.memory_space<vmem>>
      %dma_start3A_493 = tpu.memref_slice %arg25[%mul3A_490] : memref<98304xi32, #tpu.memory_space<vmem_shared>> -> memref<384xi32, #tpu.memory_space<vmem_shared>>
      %dma_start3A_494 = tpu.memref_slice %arg25[%mul3A_490] : memref<98304xi32, #tpu.memory_space<vmem_shared>> -> memref<384xi32, #tpu.memory_space<vmem_shared>>
      %dma_start3A_495 = arith.constant 1152 : i32
      %dma_start3A_496 = tpu.memref_slice %arg11[%dma_start3A_495] : memref<6528xi32, #tpu.memory_space<vmem>> -> memref<384xi32, #tpu.memory_space<vmem>>
      tpu.enqueue_dma source(%dma_start3A_496 : memref<384xi32, #tpu.memory_space<vmem>>) target(%dma_start3A_494 : memref<384xi32, #tpu.memory_space<vmem_shared>>) target_semaphore(%arg10 : memref<!tpu.dma_semaphore, #tpu.memory_space<semaphore_mem>>)
      %add3A_497 = arith.constant 64 : i32
      %add3A_498 = arith.addi %add3A_497, %arg1 : i32
      %mul3A_499 = arith.constant 384 : i32
      %mul3A_500 = arith.muli %add3A_498, %mul3A_499 : i32
      %dma_start3A_501 = arith.constant 1536 : i32
      %dma_start3A_502 = tpu.memref_slice %arg11[%dma_start3A_501] : memref<6528xi32, #tpu.memory_space<vmem>> -> memref<384xi32, #tpu.memory_space<vmem>>
      %dma_start3A_503 = tpu.memref_slice %arg25[%mul3A_500] : memref<98304xi32, #tpu.memory_space<vmem_shared>> -> memref<384xi32, #tpu.memory_space<vmem_shared>>
      %dma_start3A_504 = tpu.memref_slice %arg25[%mul3A_500] : memref<98304xi32, #tpu.memory_space<vmem_shared>> -> memref<384xi32, #tpu.memory_space<vmem_shared>>
      %dma_start3A_505 = arith.constant 1536 : i32
      %dma_start3A_506 = tpu.memref_slice %arg11[%dma_start3A_505] : memref<6528xi32, #tpu.memory_space<vmem>> -> memref<384xi32, #tpu.memory_space<vmem>>
      tpu.enqueue_dma source(%dma_start3A_506 : memref<384xi32, #tpu.memory_space<vmem>>) target(%dma_start3A_504 : memref<384xi32, #tpu.memory_space<vmem_shared>>) target_semaphore(%arg10 : memref<!tpu.dma_semaphore, #tpu.memory_space<semaphore_mem>>)
      %add3A_507 = arith.constant 80 : i32
      %add3A_508 = arith.addi %add3A_507, %arg1 : i32
      %mul3A_509 = arith.constant 384 : i32
      %mul3A_510 = arith.muli %add3A_508, %mul3A_509 : i32
      %dma_start3A_511 = arith.constant 1920 : i32
      %dma_start3A_512 = tpu.memref_slice %arg11[%dma_start3A_511] : memref<6528xi32, #tpu.memory_space<vmem>> -> memref<384xi32, #tpu.memory_space<vmem>>
      %dma_start3A_513 = tpu.memref_slice %arg25[%mul3A_510] : memref<98304xi32, #tpu.memory_space<vmem_shared>> -> memref<384xi32, #tpu.memory_space<vmem_shared>>
      %dma_start3A_514 = tpu.memref_slice %arg25[%mul3A_510] : memref<98304xi32, #tpu.memory_space<vmem_shared>> -> memref<384xi32, #tpu.memory_space<vmem_shared>>
      %dma_start3A_515 = arith.constant 1920 : i32
      %dma_start3A_516 = tpu.memref_slice %arg11[%dma_start3A_515] : memref<6528xi32, #tpu.memory_space<vmem>> -> memref<384xi32, #tpu.memory_space<vmem>>
      tpu.enqueue_dma source(%dma_start3A_516 : memref<384xi32, #tpu.memory_space<vmem>>) target(%dma_start3A_514 : memref<384xi32, #tpu.memory_space<vmem_shared>>) target_semaphore(%arg10 : memref<!tpu.dma_semaphore, #tpu.memory_space<semaphore_mem>>)
      %add3A_517 = arith.constant 96 : i32
      %add3A_518 = arith.addi %add3A_517, %arg1 : i32
      %mul3A_519 = arith.constant 384 : i32
      %mul3A_520 = arith.muli %add3A_518, %mul3A_519 : i32
      %dma_start3A_521 = arith.constant 2304 : i32
      %dma_start3A_522 = tpu.memref_slice %arg11[%dma_start3A_521] : memref<6528xi32, #tpu.memory_space<vmem>> -> memref<384xi32, #tpu.memory_space<vmem>>
      %dma_start3A_523 = tpu.memref_slice %arg25[%mul3A_520] : memref<98304xi32, #tpu.memory_space<vmem_shared>> -> memref<384xi32, #tpu.memory_space<vmem_shared>>
      %dma_start3A_524 = tpu.memref_slice %arg25[%mul3A_520] : memref<98304xi32, #tpu.memory_space<vmem_shared>> -> memref<384xi32, #tpu.memory_space<vmem_shared>>
      %dma_start3A_525 = arith.constant 2304 : i32
      %dma_start3A_526 = tpu.memref_slice %arg11[%dma_start3A_525] : memref<6528xi32, #tpu.memory_space<vmem>> -> memref<384xi32, #tpu.memory_space<vmem>>
      tpu.enqueue_dma source(%dma_start3A_526 : memref<384xi32, #tpu.memory_space<vmem>>) target(%dma_start3A_524 : memref<384xi32, #tpu.memory_space<vmem_shared>>) target_semaphore(%arg10 : memref<!tpu.dma_semaphore, #tpu.memory_space<semaphore_mem>>)
      %add3A_527 = arith.constant 112 : i32
      %add3A_528 = arith.addi %add3A_527, %arg1 : i32
      %mul3A_529 = arith.constant 384 : i32
      %mul3A_530 = arith.muli %add3A_528, %mul3A_529 : i32
      %dma_start3A_531 = arith.constant 2688 : i32
      %dma_start3A_532 = tpu.memref_slice %arg11[%dma_start3A_531] : memref<6528xi32, #tpu.memory_space<vmem>> -> memref<384xi32, #tpu.memory_space<vmem>>
      %dma_start3A_533 = tpu.memref_slice %arg25[%mul3A_530] : memref<98304xi32, #tpu.memory_space<vmem_shared>> -> memref<384xi32, #tpu.memory_space<vmem_shared>>
      %dma_start3A_534 = tpu.memref_slice %arg25[%mul3A_530] : memref<98304xi32, #tpu.memory_space<vmem_shared>> -> memref<384xi32, #tpu.memory_space<vmem_shared>>
      %dma_start3A_535 = arith.constant 2688 : i32
      %dma_start3A_536 = tpu.memref_slice %arg11[%dma_start3A_535] : memref<6528xi32, #tpu.memory_space<vmem>> -> memref<384xi32, #tpu.memory_space<vmem>>
      tpu.enqueue_dma source(%dma_start3A_536 : memref<384xi32, #tpu.memory_space<vmem>>) target(%dma_start3A_534 : memref<384xi32, #tpu.memory_space<vmem_shared>>) target_semaphore(%arg10 : memref<!tpu.dma_semaphore, #tpu.memory_space<semaphore_mem>>)
      %add3A_537 = arith.constant 128 : i32
      %add3A_538 = arith.addi %add3A_537, %arg1 : i32
      %mul3A_539 = arith.constant 384 : i32
      %mul3A_540 = arith.muli %add3A_538, %mul3A_539 : i32
      %dma_start3A_541 = arith.constant 3072 : i32
      %dma_start3A_542 = tpu.memref_slice %arg11[%dma_start3A_541] : memref<6528xi32, #tpu.memory_space<vmem>> -> memref<384xi32, #tpu.memory_space<vmem>>
      %dma_start3A_543 = tpu.memref_slice %arg25[%mul3A_540] : memref<98304xi32, #tpu.memory_space<vmem_shared>> -> memref<384xi32, #tpu.memory_space<vmem_shared>>
      %dma_start3A_544 = tpu.memref_slice %arg25[%mul3A_540] : memref<98304xi32, #tpu.memory_space<vmem_shared>> -> memref<384xi32, #tpu.memory_space<vmem_shared>>
      %dma_start3A_545 = arith.constant 3072 : i32
      %dma_start3A_546 = tpu.memref_slice %arg11[%dma_start3A_545] : memref<6528xi32, #tpu.memory_space<vmem>> -> memref<384xi32, #tpu.memory_space<vmem>>
      tpu.enqueue_dma source(%dma_start3A_546 : memref<384xi32, #tpu.memory_space<vmem>>) target(%dma_start3A_544 : memref<384xi32, #tpu.memory_space<vmem_shared>>) target_semaphore(%arg10 : memref<!tpu.dma_semaphore, #tpu.memory_space<semaphore_mem>>)
      %add3A_547 = arith.constant 144 : i32
      %add3A_548 = arith.addi %add3A_547, %arg1 : i32
      %mul3A_549 = arith.constant 384 : i32
      %mul3A_550 = arith.muli %add3A_548, %mul3A_549 : i32
      %dma_start3A_551 = arith.constant 3456 : i32
      %dma_start3A_552 = tpu.memref_slice %arg11[%dma_start3A_551] : memref<6528xi32, #tpu.memory_space<vmem>> -> memref<384xi32, #tpu.memory_space<vmem>>
      %dma_start3A_553 = tpu.memref_slice %arg25[%mul3A_550] : memref<98304xi32, #tpu.memory_space<vmem_shared>> -> memref<384xi32, #tpu.memory_space<vmem_shared>>
      %dma_start3A_554 = tpu.memref_slice %arg25[%mul3A_550] : memref<98304xi32, #tpu.memory_space<vmem_shared>> -> memref<384xi32, #tpu.memory_space<vmem_shared>>
      %dma_start3A_555 = arith.constant 3456 : i32
      %dma_start3A_556 = tpu.memref_slice %arg11[%dma_start3A_555] : memref<6528xi32, #tpu.memory_space<vmem>> -> memref<384xi32, #tpu.memory_space<vmem>>
      tpu.enqueue_dma source(%dma_start3A_556 : memref<384xi32, #tpu.memory_space<vmem>>) target(%dma_start3A_554 : memref<384xi32, #tpu.memory_space<vmem_shared>>) target_semaphore(%arg10 : memref<!tpu.dma_semaphore, #tpu.memory_space<semaphore_mem>>)
      %add3A_557 = arith.constant 160 : i32
      %add3A_558 = arith.addi %add3A_557, %arg1 : i32
      %mul3A_559 = arith.constant 384 : i32
      %mul3A_560 = arith.muli %add3A_558, %mul3A_559 : i32
      %dma_start3A_561 = arith.constant 3840 : i32
      %dma_start3A_562 = tpu.memref_slice %arg11[%dma_start3A_561] : memref<6528xi32, #tpu.memory_space<vmem>> -> memref<384xi32, #tpu.memory_space<vmem>>
      %dma_start3A_563 = tpu.memref_slice %arg25[%mul3A_560] : memref<98304xi32, #tpu.memory_space<vmem_shared>> -> memref<384xi32, #tpu.memory_space<vmem_shared>>
      %dma_start3A_564 = tpu.memref_slice %arg25[%mul3A_560] : memref<98304xi32, #tpu.memory_space<vmem_shared>> -> memref<384xi32, #tpu.memory_space<vmem_shared>>
      %dma_start3A_565 = arith.constant 3840 : i32
      %dma_start3A_566 = tpu.memref_slice %arg11[%dma_start3A_565] : memref<6528xi32, #tpu.memory_space<vmem>> -> memref<384xi32, #tpu.memory_space<vmem>>
      tpu.enqueue_dma source(%dma_start3A_566 : memref<384xi32, #tpu.memory_space<vmem>>) target(%dma_start3A_564 : memref<384xi32, #tpu.memory_space<vmem_shared>>) target_semaphore(%arg10 : memref<!tpu.dma_semaphore, #tpu.memory_space<semaphore_mem>>)
      %add3A_567 = arith.constant 176 : i32
      %add3A_568 = arith.addi %add3A_567, %arg1 : i32
      %mul3A_569 = arith.constant 384 : i32
      %mul3A_570 = arith.muli %add3A_568, %mul3A_569 : i32
      %dma_start3A_571 = arith.constant 4224 : i32
      %dma_start3A_572 = tpu.memref_slice %arg11[%dma_start3A_571] : memref<6528xi32, #tpu.memory_space<vmem>> -> memref<384xi32, #tpu.memory_space<vmem>>
      %dma_start3A_573 = tpu.memref_slice %arg25[%mul3A_570] : memref<98304xi32, #tpu.memory_space<vmem_shared>> -> memref<384xi32, #tpu.memory_space<vmem_shared>>
      %dma_start3A_574 = tpu.memref_slice %arg25[%mul3A_570] : memref<98304xi32, #tpu.memory_space<vmem_shared>> -> memref<384xi32, #tpu.memory_space<vmem_shared>>
      %dma_start3A_575 = arith.constant 4224 : i32
      %dma_start3A_576 = tpu.memref_slice %arg11[%dma_start3A_575] : memref<6528xi32, #tpu.memory_space<vmem>> -> memref<384xi32, #tpu.memory_space<vmem>>
      tpu.enqueue_dma source(%dma_start3A_576 : memref<384xi32, #tpu.memory_space<vmem>>) target(%dma_start3A_574 : memref<384xi32, #tpu.memory_space<vmem_shared>>) target_semaphore(%arg10 : memref<!tpu.dma_semaphore, #tpu.memory_space<semaphore_mem>>)
      %add3A_577 = arith.constant 192 : i32
      %add3A_578 = arith.addi %add3A_577, %arg1 : i32
      %mul3A_579 = arith.constant 384 : i32
      %mul3A_580 = arith.muli %add3A_578, %mul3A_579 : i32
      %dma_start3A_581 = arith.constant 4608 : i32
      %dma_start3A_582 = tpu.memref_slice %arg11[%dma_start3A_581] : memref<6528xi32, #tpu.memory_space<vmem>> -> memref<384xi32, #tpu.memory_space<vmem>>
      %dma_start3A_583 = tpu.memref_slice %arg25[%mul3A_580] : memref<98304xi32, #tpu.memory_space<vmem_shared>> -> memref<384xi32, #tpu.memory_space<vmem_shared>>
      %dma_start3A_584 = tpu.memref_slice %arg25[%mul3A_580] : memref<98304xi32, #tpu.memory_space<vmem_shared>> -> memref<384xi32, #tpu.memory_space<vmem_shared>>
      %dma_start3A_585 = arith.constant 4608 : i32
      %dma_start3A_586 = tpu.memref_slice %arg11[%dma_start3A_585] : memref<6528xi32, #tpu.memory_space<vmem>> -> memref<384xi32, #tpu.memory_space<vmem>>
      tpu.enqueue_dma source(%dma_start3A_586 : memref<384xi32, #tpu.memory_space<vmem>>) target(%dma_start3A_584 : memref<384xi32, #tpu.memory_space<vmem_shared>>) target_semaphore(%arg10 : memref<!tpu.dma_semaphore, #tpu.memory_space<semaphore_mem>>)
      %add3A_587 = arith.constant 208 : i32
      %add3A_588 = arith.addi %add3A_587, %arg1 : i32
      %mul3A_589 = arith.constant 384 : i32
      %mul3A_590 = arith.muli %add3A_588, %mul3A_589 : i32
      %dma_start3A_591 = arith.constant 4992 : i32
      %dma_start3A_592 = tpu.memref_slice %arg11[%dma_start3A_591] : memref<6528xi32, #tpu.memory_space<vmem>> -> memref<384xi32, #tpu.memory_space<vmem>>
      %dma_start3A_593 = tpu.memref_slice %arg25[%mul3A_590] : memref<98304xi32, #tpu.memory_space<vmem_shared>> -> memref<384xi32, #tpu.memory_space<vmem_shared>>
      %dma_start3A_594 = tpu.memref_slice %arg25[%mul3A_590] : memref<98304xi32, #tpu.memory_space<vmem_shared>> -> memref<384xi32, #tpu.memory_space<vmem_shared>>
      %dma_start3A_595 = arith.constant 4992 : i32
      %dma_start3A_596 = tpu.memref_slice %arg11[%dma_start3A_595] : memref<6528xi32, #tpu.memory_space<vmem>> -> memref<384xi32, #tpu.memory_space<vmem>>
      tpu.enqueue_dma source(%dma_start3A_596 : memref<384xi32, #tpu.memory_space<vmem>>) target(%dma_start3A_594 : memref<384xi32, #tpu.memory_space<vmem_shared>>) target_semaphore(%arg10 : memref<!tpu.dma_semaphore, #tpu.memory_space<semaphore_mem>>)
      %add3A_597 = arith.constant 224 : i32
      %add3A_598 = arith.addi %add3A_597, %arg1 : i32
      %mul3A_599 = arith.constant 384 : i32
      %mul3A_600 = arith.muli %add3A_598, %mul3A_599 : i32
      %dma_start3A_601 = arith.constant 5376 : i32
      %dma_start3A_602 = tpu.memref_slice %arg11[%dma_start3A_601] : memref<6528xi32, #tpu.memory_space<vmem>> -> memref<384xi32, #tpu.memory_space<vmem>>
      %dma_start3A_603 = tpu.memref_slice %arg25[%mul3A_600] : memref<98304xi32, #tpu.memory_space<vmem_shared>> -> memref<384xi32, #tpu.memory_space<vmem_shared>>
      %dma_start3A_604 = tpu.memref_slice %arg25[%mul3A_600] : memref<98304xi32, #tpu.memory_space<vmem_shared>> -> memref<384xi32, #tpu.memory_space<vmem_shared>>
      %dma_start3A_605 = arith.constant 5376 : i32
      %dma_start3A_606 = tpu.memref_slice %arg11[%dma_start3A_605] : memref<6528xi32, #tpu.memory_space<vmem>> -> memref<384xi32, #tpu.memory_space<vmem>>
      tpu.enqueue_dma source(%dma_start3A_606 : memref<384xi32, #tpu.memory_space<vmem>>) target(%dma_start3A_604 : memref<384xi32, #tpu.memory_space<vmem_shared>>) target_semaphore(%arg10 : memref<!tpu.dma_semaphore, #tpu.memory_space<semaphore_mem>>)
      %add3A_607 = arith.constant 240 : i32
      %add3A_608 = arith.addi %add3A_607, %arg1 : i32
      %mul3A_609 = arith.constant 384 : i32
      %mul3A_610 = arith.muli %add3A_608, %mul3A_609 : i32
      %dma_start3A_611 = arith.constant 5760 : i32
      %dma_start3A_612 = tpu.memref_slice %arg11[%dma_start3A_611] : memref<6528xi32, #tpu.memory_space<vmem>> -> memref<384xi32, #tpu.memory_space<vmem>>
      %dma_start3A_613 = tpu.memref_slice %arg25[%mul3A_610] : memref<98304xi32, #tpu.memory_space<vmem_shared>> -> memref<384xi32, #tpu.memory_space<vmem_shared>>
      %dma_start3A_614 = tpu.memref_slice %arg25[%mul3A_610] : memref<98304xi32, #tpu.memory_space<vmem_shared>> -> memref<384xi32, #tpu.memory_space<vmem_shared>>
      %dma_start3A_615 = arith.constant 5760 : i32
      %dma_start3A_616 = tpu.memref_slice %arg11[%dma_start3A_615] : memref<6528xi32, #tpu.memory_space<vmem>> -> memref<384xi32, #tpu.memory_space<vmem>>
      tpu.enqueue_dma source(%dma_start3A_616 : memref<384xi32, #tpu.memory_space<vmem>>) target(%dma_start3A_614 : memref<384xi32, #tpu.memory_space<vmem_shared>>) target_semaphore(%arg10 : memref<!tpu.dma_semaphore, #tpu.memory_space<semaphore_mem>>)
      %add3A_617 = arith.constant 0 : i32
      %add3A_618 = arith.addi %add3A_617, %arg1 : i32
      %mul3A_619 = arith.constant 384 : i32
      %mul3A_620 = arith.muli %add3A_618, %mul3A_619 : i32
      %dma_wait3A_621 = arith.constant 0 : i32
      %dma_wait3A_622 = tpu.memref_slice %arg11[%dma_wait3A_621] : memref<6528xi32, #tpu.memory_space<vmem>> -> memref<384xi32, #tpu.memory_space<vmem>>
      %dma_wait3A_623 = tpu.memref_slice %arg25[%mul3A_620] : memref<98304xi32, #tpu.memory_space<vmem_shared>> -> memref<384xi32, #tpu.memory_space<vmem_shared>>
      %dma_wait3A_624 = tpu.memref_slice %arg25[%mul3A_620] : memref<98304xi32, #tpu.memory_space<vmem_shared>> -> memref<384xi32, #tpu.memory_space<vmem_shared>>
      %dma_wait3A_625 = arith.constant 0 : i32
      %dma_wait3A_626 = tpu.memref_slice %arg11[%dma_wait3A_625] : memref<6528xi32, #tpu.memory_space<vmem>> -> memref<384xi32, #tpu.memory_space<vmem>>
      tpu.wait_dma2 semaphore(%arg10 : memref<!tpu.dma_semaphore, #tpu.memory_space<semaphore_mem>>) src(%dma_wait3A_626 : memref<384xi32, #tpu.memory_space<vmem>>) dst(%dma_wait3A_624 : memref<384xi32, #tpu.memory_space<vmem_shared>>)
      %add3A_627 = arith.constant 16 : i32
      %add3A_628 = arith.addi %add3A_627, %arg1 : i32
      %mul3A_629 = arith.constant 384 : i32
      %mul3A_630 = arith.muli %add3A_628, %mul3A_629 : i32
      %dma_wait3A_631 = arith.constant 384 : i32
      %dma_wait3A_632 = tpu.memref_slice %arg11[%dma_wait3A_631] : memref<6528xi32, #tpu.memory_space<vmem>> -> memref<384xi32, #tpu.memory_space<vmem>>
      %dma_wait3A_633 = tpu.memref_slice %arg25[%mul3A_630] : memref<98304xi32, #tpu.memory_space<vmem_shared>> -> memref<384xi32, #tpu.memory_space<vmem_shared>>
      %dma_wait3A_634 = tpu.memref_slice %arg25[%mul3A_630] : memref<98304xi32, #tpu.memory_space<vmem_shared>> -> memref<384xi32, #tpu.memory_space<vmem_shared>>
      %dma_wait3A_635 = arith.constant 384 : i32
      %dma_wait3A_636 = tpu.memref_slice %arg11[%dma_wait3A_635] : memref<6528xi32, #tpu.memory_space<vmem>> -> memref<384xi32, #tpu.memory_space<vmem>>
      tpu.wait_dma2 semaphore(%arg10 : memref<!tpu.dma_semaphore, #tpu.memory_space<semaphore_mem>>) src(%dma_wait3A_636 : memref<384xi32, #tpu.memory_space<vmem>>) dst(%dma_wait3A_634 : memref<384xi32, #tpu.memory_space<vmem_shared>>)
      %add3A_637 = arith.constant 32 : i32
      %add3A_638 = arith.addi %add3A_637, %arg1 : i32
      %mul3A_639 = arith.constant 384 : i32
      %mul3A_640 = arith.muli %add3A_638, %mul3A_639 : i32
      %dma_wait3A_641 = arith.constant 768 : i32
      %dma_wait3A_642 = tpu.memref_slice %arg11[%dma_wait3A_641] : memref<6528xi32, #tpu.memory_space<vmem>> -> memref<384xi32, #tpu.memory_space<vmem>>
      %dma_wait3A_643 = tpu.memref_slice %arg25[%mul3A_640] : memref<98304xi32, #tpu.memory_space<vmem_shared>> -> memref<384xi32, #tpu.memory_space<vmem_shared>>
      %dma_wait3A_644 = tpu.memref_slice %arg25[%mul3A_640] : memref<98304xi32, #tpu.memory_space<vmem_shared>> -> memref<384xi32, #tpu.memory_space<vmem_shared>>
      %dma_wait3A_645 = arith.constant 768 : i32
      %dma_wait3A_646 = tpu.memref_slice %arg11[%dma_wait3A_645] : memref<6528xi32, #tpu.memory_space<vmem>> -> memref<384xi32, #tpu.memory_space<vmem>>
      tpu.wait_dma2 semaphore(%arg10 : memref<!tpu.dma_semaphore, #tpu.memory_space<semaphore_mem>>) src(%dma_wait3A_646 : memref<384xi32, #tpu.memory_space<vmem>>) dst(%dma_wait3A_644 : memref<384xi32, #tpu.memory_space<vmem_shared>>)
      %add3A_647 = arith.constant 48 : i32
      %add3A_648 = arith.addi %add3A_647, %arg1 : i32
      %mul3A_649 = arith.constant 384 : i32
      %mul3A_650 = arith.muli %add3A_648, %mul3A_649 : i32
      %dma_wait3A_651 = arith.constant 1152 : i32
      %dma_wait3A_652 = tpu.memref_slice %arg11[%dma_wait3A_651] : memref<6528xi32, #tpu.memory_space<vmem>> -> memref<384xi32, #tpu.memory_space<vmem>>
      %dma_wait3A_653 = tpu.memref_slice %arg25[%mul3A_650] : memref<98304xi32, #tpu.memory_space<vmem_shared>> -> memref<384xi32, #tpu.memory_space<vmem_shared>>
      %dma_wait3A_654 = tpu.memref_slice %arg25[%mul3A_650] : memref<98304xi32, #tpu.memory_space<vmem_shared>> -> memref<384xi32, #tpu.memory_space<vmem_shared>>
      %dma_wait3A_655 = arith.constant 1152 : i32
      %dma_wait3A_656 = tpu.memref_slice %arg11[%dma_wait3A_655] : memref<6528xi32, #tpu.memory_space<vmem>> -> memref<384xi32, #tpu.memory_space<vmem>>
      tpu.wait_dma2 semaphore(%arg10 : memref<!tpu.dma_semaphore, #tpu.memory_space<semaphore_mem>>) src(%dma_wait3A_656 : memref<384xi32, #tpu.memory_space<vmem>>) dst(%dma_wait3A_654 : memref<384xi32, #tpu.memory_space<vmem_shared>>)
      %add3A_657 = arith.constant 64 : i32
      %add3A_658 = arith.addi %add3A_657, %arg1 : i32
      %mul3A_659 = arith.constant 384 : i32
      %mul3A_660 = arith.muli %add3A_658, %mul3A_659 : i32
      %dma_wait3A_661 = arith.constant 1536 : i32
      %dma_wait3A_662 = tpu.memref_slice %arg11[%dma_wait3A_661] : memref<6528xi32, #tpu.memory_space<vmem>> -> memref<384xi32, #tpu.memory_space<vmem>>
      %dma_wait3A_663 = tpu.memref_slice %arg25[%mul3A_660] : memref<98304xi32, #tpu.memory_space<vmem_shared>> -> memref<384xi32, #tpu.memory_space<vmem_shared>>
      %dma_wait3A_664 = tpu.memref_slice %arg25[%mul3A_660] : memref<98304xi32, #tpu.memory_space<vmem_shared>> -> memref<384xi32, #tpu.memory_space<vmem_shared>>
      %dma_wait3A_665 = arith.constant 1536 : i32
      %dma_wait3A_666 = tpu.memref_slice %arg11[%dma_wait3A_665] : memref<6528xi32, #tpu.memory_space<vmem>> -> memref<384xi32, #tpu.memory_space<vmem>>
      tpu.wait_dma2 semaphore(%arg10 : memref<!tpu.dma_semaphore, #tpu.memory_space<semaphore_mem>>) src(%dma_wait3A_666 : memref<384xi32, #tpu.memory_space<vmem>>) dst(%dma_wait3A_664 : memref<384xi32, #tpu.memory_space<vmem_shared>>)
      %add3A_667 = arith.constant 80 : i32
      %add3A_668 = arith.addi %add3A_667, %arg1 : i32
      %mul3A_669 = arith.constant 384 : i32
      %mul3A_670 = arith.muli %add3A_668, %mul3A_669 : i32
      %dma_wait3A_671 = arith.constant 1920 : i32
      %dma_wait3A_672 = tpu.memref_slice %arg11[%dma_wait3A_671] : memref<6528xi32, #tpu.memory_space<vmem>> -> memref<384xi32, #tpu.memory_space<vmem>>
      %dma_wait3A_673 = tpu.memref_slice %arg25[%mul3A_670] : memref<98304xi32, #tpu.memory_space<vmem_shared>> -> memref<384xi32, #tpu.memory_space<vmem_shared>>
      %dma_wait3A_674 = tpu.memref_slice %arg25[%mul3A_670] : memref<98304xi32, #tpu.memory_space<vmem_shared>> -> memref<384xi32, #tpu.memory_space<vmem_shared>>
      %dma_wait3A_675 = arith.constant 1920 : i32
      %dma_wait3A_676 = tpu.memref_slice %arg11[%dma_wait3A_675] : memref<6528xi32, #tpu.memory_space<vmem>> -> memref<384xi32, #tpu.memory_space<vmem>>
      tpu.wait_dma2 semaphore(%arg10 : memref<!tpu.dma_semaphore, #tpu.memory_space<semaphore_mem>>) src(%dma_wait3A_676 : memref<384xi32, #tpu.memory_space<vmem>>) dst(%dma_wait3A_674 : memref<384xi32, #tpu.memory_space<vmem_shared>>)
      %add3A_677 = arith.constant 96 : i32
      %add3A_678 = arith.addi %add3A_677, %arg1 : i32
      %mul3A_679 = arith.constant 384 : i32
      %mul3A_680 = arith.muli %add3A_678, %mul3A_679 : i32
      %dma_wait3A_681 = arith.constant 2304 : i32
      %dma_wait3A_682 = tpu.memref_slice %arg11[%dma_wait3A_681] : memref<6528xi32, #tpu.memory_space<vmem>> -> memref<384xi32, #tpu.memory_space<vmem>>
      %dma_wait3A_683 = tpu.memref_slice %arg25[%mul3A_680] : memref<98304xi32, #tpu.memory_space<vmem_shared>> -> memref<384xi32, #tpu.memory_space<vmem_shared>>
      %dma_wait3A_684 = tpu.memref_slice %arg25[%mul3A_680] : memref<98304xi32, #tpu.memory_space<vmem_shared>> -> memref<384xi32, #tpu.memory_space<vmem_shared>>
      %dma_wait3A_685 = arith.constant 2304 : i32
      %dma_wait3A_686 = tpu.memref_slice %arg11[%dma_wait3A_685] : memref<6528xi32, #tpu.memory_space<vmem>> -> memref<384xi32, #tpu.memory_space<vmem>>
      tpu.wait_dma2 semaphore(%arg10 : memref<!tpu.dma_semaphore, #tpu.memory_space<semaphore_mem>>) src(%dma_wait3A_686 : memref<384xi32, #tpu.memory_space<vmem>>) dst(%dma_wait3A_684 : memref<384xi32, #tpu.memory_space<vmem_shared>>)
      %add3A_687 = arith.constant 112 : i32
      %add3A_688 = arith.addi %add3A_687, %arg1 : i32
      %mul3A_689 = arith.constant 384 : i32
      %mul3A_690 = arith.muli %add3A_688, %mul3A_689 : i32
      %dma_wait3A_691 = arith.constant 2688 : i32
      %dma_wait3A_692 = tpu.memref_slice %arg11[%dma_wait3A_691] : memref<6528xi32, #tpu.memory_space<vmem>> -> memref<384xi32, #tpu.memory_space<vmem>>
      %dma_wait3A_693 = tpu.memref_slice %arg25[%mul3A_690] : memref<98304xi32, #tpu.memory_space<vmem_shared>> -> memref<384xi32, #tpu.memory_space<vmem_shared>>
      %dma_wait3A_694 = tpu.memref_slice %arg25[%mul3A_690] : memref<98304xi32, #tpu.memory_space<vmem_shared>> -> memref<384xi32, #tpu.memory_space<vmem_shared>>
      %dma_wait3A_695 = arith.constant 2688 : i32
      %dma_wait3A_696 = tpu.memref_slice %arg11[%dma_wait3A_695] : memref<6528xi32, #tpu.memory_space<vmem>> -> memref<384xi32, #tpu.memory_space<vmem>>
      tpu.wait_dma2 semaphore(%arg10 : memref<!tpu.dma_semaphore, #tpu.memory_space<semaphore_mem>>) src(%dma_wait3A_696 : memref<384xi32, #tpu.memory_space<vmem>>) dst(%dma_wait3A_694 : memref<384xi32, #tpu.memory_space<vmem_shared>>)
      %add3A_697 = arith.constant 128 : i32
      %add3A_698 = arith.addi %add3A_697, %arg1 : i32
      %mul3A_699 = arith.constant 384 : i32
      %mul3A_700 = arith.muli %add3A_698, %mul3A_699 : i32
      %dma_wait3A_701 = arith.constant 3072 : i32
      %dma_wait3A_702 = tpu.memref_slice %arg11[%dma_wait3A_701] : memref<6528xi32, #tpu.memory_space<vmem>> -> memref<384xi32, #tpu.memory_space<vmem>>
      %dma_wait3A_703 = tpu.memref_slice %arg25[%mul3A_700] : memref<98304xi32, #tpu.memory_space<vmem_shared>> -> memref<384xi32, #tpu.memory_space<vmem_shared>>
      %dma_wait3A_704 = tpu.memref_slice %arg25[%mul3A_700] : memref<98304xi32, #tpu.memory_space<vmem_shared>> -> memref<384xi32, #tpu.memory_space<vmem_shared>>
      %dma_wait3A_705 = arith.constant 3072 : i32
      %dma_wait3A_706 = tpu.memref_slice %arg11[%dma_wait3A_705] : memref<6528xi32, #tpu.memory_space<vmem>> -> memref<384xi32, #tpu.memory_space<vmem>>
      tpu.wait_dma2 semaphore(%arg10 : memref<!tpu.dma_semaphore, #tpu.memory_space<semaphore_mem>>) src(%dma_wait3A_706 : memref<384xi32, #tpu.memory_space<vmem>>) dst(%dma_wait3A_704 : memref<384xi32, #tpu.memory_space<vmem_shared>>)
      %add3A_707 = arith.constant 144 : i32
      %add3A_708 = arith.addi %add3A_707, %arg1 : i32
      %mul3A_709 = arith.constant 384 : i32
      %mul3A_710 = arith.muli %add3A_708, %mul3A_709 : i32
      %dma_wait3A_711 = arith.constant 3456 : i32
      %dma_wait3A_712 = tpu.memref_slice %arg11[%dma_wait3A_711] : memref<6528xi32, #tpu.memory_space<vmem>> -> memref<384xi32, #tpu.memory_space<vmem>>
      %dma_wait3A_713 = tpu.memref_slice %arg25[%mul3A_710] : memref<98304xi32, #tpu.memory_space<vmem_shared>> -> memref<384xi32, #tpu.memory_space<vmem_shared>>
      %dma_wait3A_714 = tpu.memref_slice %arg25[%mul3A_710] : memref<98304xi32, #tpu.memory_space<vmem_shared>> -> memref<384xi32, #tpu.memory_space<vmem_shared>>
      %dma_wait3A_715 = arith.constant 3456 : i32
      %dma_wait3A_716 = tpu.memref_slice %arg11[%dma_wait3A_715] : memref<6528xi32, #tpu.memory_space<vmem>> -> memref<384xi32, #tpu.memory_space<vmem>>
      tpu.wait_dma2 semaphore(%arg10 : memref<!tpu.dma_semaphore, #tpu.memory_space<semaphore_mem>>) src(%dma_wait3A_716 : memref<384xi32, #tpu.memory_space<vmem>>) dst(%dma_wait3A_714 : memref<384xi32, #tpu.memory_space<vmem_shared>>)
      %add3A_717 = arith.constant 160 : i32
      %add3A_718 = arith.addi %add3A_717, %arg1 : i32
      %mul3A_719 = arith.constant 384 : i32
      %mul3A_720 = arith.muli %add3A_718, %mul3A_719 : i32
      %dma_wait3A_721 = arith.constant 3840 : i32
      %dma_wait3A_722 = tpu.memref_slice %arg11[%dma_wait3A_721] : memref<6528xi32, #tpu.memory_space<vmem>> -> memref<384xi32, #tpu.memory_space<vmem>>
      %dma_wait3A_723 = tpu.memref_slice %arg25[%mul3A_720] : memref<98304xi32, #tpu.memory_space<vmem_shared>> -> memref<384xi32, #tpu.memory_space<vmem_shared>>
      %dma_wait3A_724 = tpu.memref_slice %arg25[%mul3A_720] : memref<98304xi32, #tpu.memory_space<vmem_shared>> -> memref<384xi32, #tpu.memory_space<vmem_shared>>
      %dma_wait3A_725 = arith.constant 3840 : i32
      %dma_wait3A_726 = tpu.memref_slice %arg11[%dma_wait3A_725] : memref<6528xi32, #tpu.memory_space<vmem>> -> memref<384xi32, #tpu.memory_space<vmem>>
      tpu.wait_dma2 semaphore(%arg10 : memref<!tpu.dma_semaphore, #tpu.memory_space<semaphore_mem>>) src(%dma_wait3A_726 : memref<384xi32, #tpu.memory_space<vmem>>) dst(%dma_wait3A_724 : memref<384xi32, #tpu.memory_space<vmem_shared>>)
      %add3A_727 = arith.constant 176 : i32
      %add3A_728 = arith.addi %add3A_727, %arg1 : i32
      %mul3A_729 = arith.constant 384 : i32
      %mul3A_730 = arith.muli %add3A_728, %mul3A_729 : i32
      %dma_wait3A_731 = arith.constant 4224 : i32
      %dma_wait3A_732 = tpu.memref_slice %arg11[%dma_wait3A_731] : memref<6528xi32, #tpu.memory_space<vmem>> -> memref<384xi32, #tpu.memory_space<vmem>>
      %dma_wait3A_733 = tpu.memref_slice %arg25[%mul3A_730] : memref<98304xi32, #tpu.memory_space<vmem_shared>> -> memref<384xi32, #tpu.memory_space<vmem_shared>>
      %dma_wait3A_734 = tpu.memref_slice %arg25[%mul3A_730] : memref<98304xi32, #tpu.memory_space<vmem_shared>> -> memref<384xi32, #tpu.memory_space<vmem_shared>>
      %dma_wait3A_735 = arith.constant 4224 : i32
      %dma_wait3A_736 = tpu.memref_slice %arg11[%dma_wait3A_735] : memref<6528xi32, #tpu.memory_space<vmem>> -> memref<384xi32, #tpu.memory_space<vmem>>
      tpu.wait_dma2 semaphore(%arg10 : memref<!tpu.dma_semaphore, #tpu.memory_space<semaphore_mem>>) src(%dma_wait3A_736 : memref<384xi32, #tpu.memory_space<vmem>>) dst(%dma_wait3A_734 : memref<384xi32, #tpu.memory_space<vmem_shared>>)
      %add3A_737 = arith.constant 192 : i32
      %add3A_738 = arith.addi %add3A_737, %arg1 : i32
      %mul3A_739 = arith.constant 384 : i32
      %mul3A_740 = arith.muli %add3A_738, %mul3A_739 : i32
      %dma_wait3A_741 = arith.constant 4608 : i32
      %dma_wait3A_742 = tpu.memref_slice %arg11[%dma_wait3A_741] : memref<6528xi32, #tpu.memory_space<vmem>> -> memref<384xi32, #tpu.memory_space<vmem>>
      %dma_wait3A_743 = tpu.memref_slice %arg25[%mul3A_740] : memref<98304xi32, #tpu.memory_space<vmem_shared>> -> memref<384xi32, #tpu.memory_space<vmem_shared>>
      %dma_wait3A_744 = tpu.memref_slice %arg25[%mul3A_740] : memref<98304xi32, #tpu.memory_space<vmem_shared>> -> memref<384xi32, #tpu.memory_space<vmem_shared>>
      %dma_wait3A_745 = arith.constant 4608 : i32
      %dma_wait3A_746 = tpu.memref_slice %arg11[%dma_wait3A_745] : memref<6528xi32, #tpu.memory_space<vmem>> -> memref<384xi32, #tpu.memory_space<vmem>>
      tpu.wait_dma2 semaphore(%arg10 : memref<!tpu.dma_semaphore, #tpu.memory_space<semaphore_mem>>) src(%dma_wait3A_746 : memref<384xi32, #tpu.memory_space<vmem>>) dst(%dma_wait3A_744 : memref<384xi32, #tpu.memory_space<vmem_shared>>)
      %add3A_747 = arith.constant 208 : i32
      %add3A_748 = arith.addi %add3A_747, %arg1 : i32
      %mul3A_749 = arith.constant 384 : i32
      %mul3A_750 = arith.muli %add3A_748, %mul3A_749 : i32
      %dma_wait3A_751 = arith.constant 4992 : i32
      %dma_wait3A_752 = tpu.memref_slice %arg11[%dma_wait3A_751] : memref<6528xi32, #tpu.memory_space<vmem>> -> memref<384xi32, #tpu.memory_space<vmem>>
      %dma_wait3A_753 = tpu.memref_slice %arg25[%mul3A_750] : memref<98304xi32, #tpu.memory_space<vmem_shared>> -> memref<384xi32, #tpu.memory_space<vmem_shared>>
      %dma_wait3A_754 = tpu.memref_slice %arg25[%mul3A_750] : memref<98304xi32, #tpu.memory_space<vmem_shared>> -> memref<384xi32, #tpu.memory_space<vmem_shared>>
      %dma_wait3A_755 = arith.constant 4992 : i32
      %dma_wait3A_756 = tpu.memref_slice %arg11[%dma_wait3A_755] : memref<6528xi32, #tpu.memory_space<vmem>> -> memref<384xi32, #tpu.memory_space<vmem>>
      tpu.wait_dma2 semaphore(%arg10 : memref<!tpu.dma_semaphore, #tpu.memory_space<semaphore_mem>>) src(%dma_wait3A_756 : memref<384xi32, #tpu.memory_space<vmem>>) dst(%dma_wait3A_754 : memref<384xi32, #tpu.memory_space<vmem_shared>>)
      %add3A_757 = arith.constant 224 : i32
      %add3A_758 = arith.addi %add3A_757, %arg1 : i32
      %mul3A_759 = arith.constant 384 : i32
      %mul3A_760 = arith.muli %add3A_758, %mul3A_759 : i32
      %dma_wait3A_761 = arith.constant 5376 : i32
      %dma_wait3A_762 = tpu.memref_slice %arg11[%dma_wait3A_761] : memref<6528xi32, #tpu.memory_space<vmem>> -> memref<384xi32, #tpu.memory_space<vmem>>
      %dma_wait3A_763 = tpu.memref_slice %arg25[%mul3A_760] : memref<98304xi32, #tpu.memory_space<vmem_shared>> -> memref<384xi32, #tpu.memory_space<vmem_shared>>
      %dma_wait3A_764 = tpu.memref_slice %arg25[%mul3A_760] : memref<98304xi32, #tpu.memory_space<vmem_shared>> -> memref<384xi32, #tpu.memory_space<vmem_shared>>
      %dma_wait3A_765 = arith.constant 5376 : i32
      %dma_wait3A_766 = tpu.memref_slice %arg11[%dma_wait3A_765] : memref<6528xi32, #tpu.memory_space<vmem>> -> memref<384xi32, #tpu.memory_space<vmem>>
      tpu.wait_dma2 semaphore(%arg10 : memref<!tpu.dma_semaphore, #tpu.memory_space<semaphore_mem>>) src(%dma_wait3A_766 : memref<384xi32, #tpu.memory_space<vmem>>) dst(%dma_wait3A_764 : memref<384xi32, #tpu.memory_space<vmem_shared>>)
      %add3A_767 = arith.constant 240 : i32
      %add3A_768 = arith.addi %add3A_767, %arg1 : i32
      %mul3A_769 = arith.constant 384 : i32
      %mul3A_770 = arith.muli %add3A_768, %mul3A_769 : i32
      %dma_wait3A_771 = arith.constant 5760 : i32
      %dma_wait3A_772 = tpu.memref_slice %arg11[%dma_wait3A_771] : memref<6528xi32, #tpu.memory_space<vmem>> -> memref<384xi32, #tpu.memory_space<vmem>>
      %dma_wait3A_773 = tpu.memref_slice %arg25[%mul3A_770] : memref<98304xi32, #tpu.memory_space<vmem_shared>> -> memref<384xi32, #tpu.memory_space<vmem_shared>>
      %dma_wait3A_774 = tpu.memref_slice %arg25[%mul3A_770] : memref<98304xi32, #tpu.memory_space<vmem_shared>> -> memref<384xi32, #tpu.memory_space<vmem_shared>>
      %dma_wait3A_775 = arith.constant 5760 : i32
      %dma_wait3A_776 = tpu.memref_slice %arg11[%dma_wait3A_775] : memref<6528xi32, #tpu.memory_space<vmem>> -> memref<384xi32, #tpu.memory_space<vmem>>
      tpu.wait_dma2 semaphore(%arg10 : memref<!tpu.dma_semaphore, #tpu.memory_space<semaphore_mem>>) src(%dma_wait3A_776 : memref<384xi32, #tpu.memory_space<vmem>>) dst(%dma_wait3A_774 : memref<384xi32, #tpu.memory_space<vmem_shared>>)
      %mul3A_777 = arith.constant 16 : i32
      %mul3A_778 = arith.muli %arg1, %mul3A_777 : i32
      "tpu.region"() ({
        %run_scoped3A = tpu.sem_alloc : memref<!tpu.dma_semaphore, #tpu.memory_space<semaphore_mem>>
        %dma_start3A_797 = arith.constant 0 : i32
        %dma_start3A_798 = tpu.memref_slice %arg13[%dma_start3A_797] : memref<32xi32, #tpu.memory_space<vmem>> -> memref<16xi32, #tpu.memory_space<vmem>>
        %dma_start3A_799 = tpu.memref_slice %arg26[%mul3A_778] : memref<256xi32, #tpu.memory_space<vmem_shared>> -> memref<16xi32, #tpu.memory_space<vmem_shared>>
        %dma_start3A_800 = tpu.memref_slice %arg26[%mul3A_778] : memref<256xi32, #tpu.memory_space<vmem_shared>> -> memref<16xi32, #tpu.memory_space<vmem_shared>>
        %dma_start3A_801 = arith.constant 0 : i32
        %dma_start3A_802 = tpu.memref_slice %arg13[%dma_start3A_801] : memref<32xi32, #tpu.memory_space<vmem>> -> memref<16xi32, #tpu.memory_space<vmem>>
        tpu.enqueue_dma source(%dma_start3A_802 : memref<16xi32, #tpu.memory_space<vmem>>) target(%dma_start3A_800 : memref<16xi32, #tpu.memory_space<vmem_shared>>) target_semaphore(%run_scoped3A : memref<!tpu.dma_semaphore, #tpu.memory_space<semaphore_mem>>)
        %dma_wait3A_803 = arith.constant 0 : i32
        %dma_wait3A_804 = tpu.memref_slice %arg13[%dma_wait3A_803] : memref<32xi32, #tpu.memory_space<vmem>> -> memref<16xi32, #tpu.memory_space<vmem>>
        %dma_wait3A_805 = tpu.memref_slice %arg26[%mul3A_778] : memref<256xi32, #tpu.memory_space<vmem_shared>> -> memref<16xi32, #tpu.memory_space<vmem_shared>>
        %dma_wait3A_806 = tpu.memref_slice %arg26[%mul3A_778] : memref<256xi32, #tpu.memory_space<vmem_shared>> -> memref<16xi32, #tpu.memory_space<vmem_shared>>
        %dma_wait3A_807 = arith.constant 0 : i32
        %dma_wait3A_808 = tpu.memref_slice %arg13[%dma_wait3A_807] : memref<32xi32, #tpu.memory_space<vmem>> -> memref<16xi32, #tpu.memory_space<vmem>>
        tpu.wait_dma2 semaphore(%run_scoped3A : memref<!tpu.dma_semaphore, #tpu.memory_space<semaphore_mem>>) src(%dma_wait3A_808 : memref<16xi32, #tpu.memory_space<vmem>>) dst(%dma_wait3A_806 : memref<16xi32, #tpu.memory_space<vmem_shared>>)
        tpu.yield
      }) : () -> ()
      %barrier3A_779 = arith.constant 0 : index
      tpu.barrier barrier_id(%barrier3A_779)
      %mul3A_780 = arith.constant 16 : i32
      %mul3A_781 = arith.muli %arg1, %mul3A_780 : i32
      %mul3A_782 = arith.constant 384 : i32
      %mul3A_783 = arith.muli %mul3A_781, %mul3A_782 : i32
      "tpu.region"() ({
        %run_scoped3A = tpu.sem_alloc : memref<!tpu.dma_semaphore, #tpu.memory_space<semaphore_mem>>
        %dma_start3A_797 = tpu.memref_slice %arg25[%mul3A_783] : memref<98304xi32, #tpu.memory_space<vmem_shared>> -> memref<6144xi32, #tpu.memory_space<vmem_shared>>
        %dma_start3A_798 = tpu.memref_slice %arg25[%mul3A_783] : memref<98304xi32, #tpu.memory_space<vmem_shared>> -> memref<6144xi32, #tpu.memory_space<vmem_shared>>
        tpu.enqueue_dma source(%dma_start3A_798 : memref<6144xi32, #tpu.memory_space<vmem_shared>>) target(%arg12 : memref<6144xi32, #tpu.memory_space<vmem>>) target_semaphore(%run_scoped3A : memref<!tpu.dma_semaphore, #tpu.memory_space<semaphore_mem>>)
        %dma_wait3A_799 = tpu.memref_slice %arg25[%mul3A_783] : memref<98304xi32, #tpu.memory_space<vmem_shared>> -> memref<6144xi32, #tpu.memory_space<vmem_shared>>
        %dma_wait3A_800 = tpu.memref_slice %arg25[%mul3A_783] : memref<98304xi32, #tpu.memory_space<vmem_shared>> -> memref<6144xi32, #tpu.memory_space<vmem_shared>>
        tpu.wait_dma2 semaphore(%run_scoped3A : memref<!tpu.dma_semaphore, #tpu.memory_space<semaphore_mem>>) src(%dma_wait3A_800 : memref<6144xi32, #tpu.memory_space<vmem_shared>>) dst(%arg12 : memref<6144xi32, #tpu.memory_space<vmem>>)
        tpu.yield
      }) : () -> ()
      "tpu.region"() ({
        %run_scoped3A = tpu.sem_alloc : memref<!tpu.dma_semaphore, #tpu.memory_space<semaphore_mem>>
        tpu.enqueue_dma source(%arg26 : memref<256xi32, #tpu.memory_space<vmem_shared>>) target(%arg14 : memref<256xi32, #tpu.memory_space<vmem>>) target_semaphore(%run_scoped3A : memref<!tpu.dma_semaphore, #tpu.memory_space<semaphore_mem>>)
        tpu.wait_dma2 semaphore(%run_scoped3A : memref<!tpu.dma_semaphore, #tpu.memory_space<semaphore_mem>>) src(%arg26 : memref<256xi32, #tpu.memory_space<vmem_shared>>) dst(%arg14 : memref<256xi32, #tpu.memory_space<vmem>>)
        tpu.yield
      }) : () -> ()
      %scan3A_784 = arith.constant 0 : i32
      %scan3A_785 = arith.constant 16 : i32
      %scan3A_786 = arith.addi %scan3A_784, %scan3A_785 : i32
      %scan3A_787 = arith.constant 1 : i32
      %scan3A_788 = scf.for %scan3A_797 = %scan3A_784 to %scan3A_786 step %scan3A_787 iter_args(%scan3A_798 = %broadcast_in_dim3A_1) -> (vector<16xi32>)  : i32 {
        %scan3A_799 = arith.constant 0 : i32
        %scan3A_800 = arith.constant 8 : i32
        %scan3A_801 = arith.addi %scan3A_799, %scan3A_800 : i32
        %scan3A_802 = arith.constant 1 : i32
        %scan3A_803 = scf.for %scan3A_809 = %scan3A_799 to %scan3A_801 step %scan3A_802 iter_args(%scan3A_810 = %broadcast_in_dim3A_1) -> (vector<16xi32>)  : i32 {
          %mul3A_811 = arith.constant 16 : i32
          %mul3A_812 = arith.muli %scan3A_809, %mul3A_811 : i32
          %add3A_813 = vector.broadcast %mul3A_812 : i32 to vector<16xi32>
          %add3A_814 = arith.addi %add3A_813, %iota3A : vector<16xi32>
          %mul3A_815 = arith.constant 16 : i32
          %mul3A_816 = arith.muli %scan3A_797, %mul3A_815 : i32
          %add3A_817 = vector.broadcast %mul3A_816 : i32 to vector<16xi32>
          %add3A_818 = arith.addi %broadcast_in_dim3A_1, %add3A_817 : vector<16xi32>
          %add3A_819 = vector.broadcast %arg1 : i32 to vector<16xi32>
          %add3A_820 = arith.addi %add3A_818, %add3A_819 : vector<16xi32>
          %gather3A = tpu.vector_load_idx %arg14[%add3A_820] : memref<256xi32, #tpu.memory_space<vmem>>[vector<16xi32>], vector<16xi32>,
          %lt3A_821 = arith.cmpi slt, %add3A_814, %gather3A : vector<16xi32>
          %mul3A_822 = arith.constant 128 : i32
          %mul3A_823 = arith.muli %scan3A_797, %mul3A_822 : i32
          %add3A_824 = vector.broadcast %mul3A_823 : i32 to vector<16xi32>
          %add3A_825 = arith.addi %add3A_824, %add3A_814 : vector<16xi32>
          %mul3A_826 = arith.constant 3 : i32
          %mul3A_827 = vector.broadcast %mul3A_826 : i32 to vector<16xi32>
          %mul3A_828 = arith.muli %add3A_825, %mul3A_827 : vector<16xi32>
          %gather3A_829 = tpu.vector_load_idx %arg12[%mul3A_828] masked %lt3A_821 : memref<6144xi32, #tpu.memory_space<vmem>>[vector<16xi32>], vector<16xi32>, vector<16xi1>
          %bitcast3A = vector.bitcast %gather3A_829 : vector<16xi32> to vector<16xf32>
          %add3A_830 = arith.constant 1 : i32
          %add3A_831 = vector.broadcast %add3A_830 : i32 to vector<16xi32>
          %add3A_832 = arith.addi %mul3A_828, %add3A_831 : vector<16xi32>
          %gather3A_833 = tpu.vector_load_idx %arg12[%add3A_832] masked %lt3A_821 : memref<6144xi32, #tpu.memory_space<vmem>>[vector<16xi32>], vector<16xi32>, vector<16xi1>
          %add3A_834 = arith.constant 2 : i32
          %add3A_835 = vector.broadcast %add3A_834 : i32 to vector<16xi32>
          %add3A_836 = arith.addi %mul3A_828, %add3A_835 : vector<16xi32>
          %gather3A_837 = tpu.vector_load_idx %arg12[%add3A_836] masked %lt3A_821 : memref<6144xi32, #tpu.memory_space<vmem>>[vector<16xi32>], vector<16xi32>, vector<16xi1>
          %jit3A = arith.constant 0 : i32
          %broadcast_in_dim3A_838 = vector.broadcast %jit3A : i32 to vector<16xi32>
          %select_n3A = arith.select %lt3A_821, %gather3A_833, %broadcast_in_dim3A_838 : vector<16xi1>, vector<16xi32>
          %jit3A_839 = arith.constant 0 : i32
          %broadcast_in_dim3A_840 = vector.broadcast %jit3A_839 : i32 to vector<16xi32>
          %select_n3A_841 = arith.select %lt3A_821, %gather3A_837, %broadcast_in_dim3A_840 : vector<16xi1>, vector<16xi32>
          %jit3A_842 = arith.constant 0.000000e+00 : f32
          %broadcast_in_dim3A_843 = vector.broadcast %jit3A_842 : f32 to vector<16xf32>
          %select_n3A_844 = arith.select %lt3A_821, %bitcast3A, %broadcast_in_dim3A_843 : vector<16xi1>, vector<16xf32>
          %jit3A_845 = arith.constant 1 : i32
          %jit3A_846 = arith.constant 0 : i32
          %broadcast_in_dim3A_847 = vector.broadcast %jit3A_845 : i32 to vector<16xi32>
          %broadcast_in_dim3A_848 = vector.broadcast %jit3A_846 : i32 to vector<16xi32>
          %select_n3A_849 = arith.select %lt3A_821, %broadcast_in_dim3A_847, %broadcast_in_dim3A_848 : vector<16xi1>, vector<16xi32>
          %ne3A = arith.constant 0 : i32
          %ne3A_850 = vector.broadcast %ne3A : i32 to vector<16xi32>
          %ne3A_851 = arith.cmpi ne, %select_n3A_849, %ne3A_850 : vector<16xi32>
          %exp3A = math.exp %select_n3A_844 : vector<16xf32>
          tpu.vector_store_idx %arg22[%select_n3A], %iota3A masked %ne3A_851 : memref<3136xi32, #tpu.memory_space<vmem>>[vector<16xi32>], vector<16xi32>, vector<16xi1>
          %gather3A_852 = tpu.vector_load_idx %arg22[%select_n3A] masked %ne3A_851 : memref<3136xi32, #tpu.memory_space<vmem>>[vector<16xi32>], vector<16xi32>, vector<16xi1>
          %eq3A = arith.cmpi eq, %gather3A_852, %iota3A : vector<16xi32>
          %and3A = arith.andi %ne3A_851, %eq3A : vector<16xi1>
          %gather3A_853 = tpu.vector_load_idx %arg20[%select_n3A] masked %and3A : memref<3136xf32, #tpu.memory_space<vmem>>[vector<16xi32>], vector<16xf32>, vector<16xi1>
          %add3A_854 = arith.addf %gather3A_853, %exp3A : vector<16xf32>
          tpu.vector_store_idx %arg20[%select_n3A], %add3A_854 masked %and3A : memref<3136xf32, #tpu.memory_space<vmem>>[vector<16xi32>], vector<16xf32>, vector<16xi1>
          %gather3A_855 = tpu.vector_load_idx %arg21[%select_n3A] masked %and3A : memref<3136xi32, #tpu.memory_space<vmem>>[vector<16xi32>], vector<16xi32>, vector<16xi1>
          %add3A_856 = arith.constant 1 : i32
          %add3A_857 = vector.broadcast %add3A_856 : i32 to vector<16xi32>
          %add3A_858 = arith.addi %gather3A_855, %add3A_857 : vector<16xi32>
          tpu.vector_store_idx %arg21[%select_n3A], %add3A_858 masked %and3A : memref<3136xi32, #tpu.memory_space<vmem>>[vector<16xi32>], vector<16xi32>, vector<16xi1>
          %gather3A_859 = tpu.vector_load_idx %arg16[%select_n3A] masked %and3A : memref<3136xf32, #tpu.memory_space<vmem>>[vector<16xi32>], vector<16xf32>, vector<16xi1>
          %gather3A_860 = tpu.vector_load_idx %arg17[%select_n3A] masked %and3A : memref<3136xi32, #tpu.memory_space<vmem>>[vector<16xi32>], vector<16xi32>, vector<16xi1>
          %gather3A_861 = tpu.vector_load_idx %arg18[%select_n3A] masked %and3A : memref<3136xf32, #tpu.memory_space<vmem>>[vector<16xi32>], vector<16xf32>, vector<16xi1>
          %gather3A_862 = tpu.vector_load_idx %arg19[%select_n3A] masked %and3A : memref<3136xi32, #tpu.memory_space<vmem>>[vector<16xi32>], vector<16xi32>, vector<16xi1>
          %lt3A_863 = arith.cmpf olt, %select_n3A_844, %gather3A_859 : vector<16xf32>
          %eq3A_864 = arith.cmpf oeq, %select_n3A_844, %gather3A_859 : vector<16xf32>
          %lt3A_865 = arith.cmpi slt, %select_n3A_841, %gather3A_860 : vector<16xi32>
          %and3A_866 = arith.andi %eq3A_864, %lt3A_865 : vector<16xi1>
          %or3A_867 = arith.ori %lt3A_863, %and3A_866 : vector<16xi1>
          %lt3A_868 = arith.cmpf olt, %select_n3A_844, %gather3A_861 : vector<16xf32>
          %eq3A_869 = arith.cmpf oeq, %select_n3A_844, %gather3A_861 : vector<16xf32>
          %lt3A_870 = arith.cmpi slt, %select_n3A_841, %gather3A_862 : vector<16xi32>
          %and3A_871 = arith.andi %eq3A_869, %lt3A_870 : vector<16xi1>
          %or3A_872 = arith.ori %lt3A_868, %and3A_871 : vector<16xi1>
          %select_n3A_873 = arith.select %or3A_867, %select_n3A_844, %gather3A_859 : vector<16xi1>, vector<16xf32>
          %select_n3A_874 = arith.select %or3A_867, %select_n3A_841, %gather3A_860 : vector<16xi1>, vector<16xi32>
          %select_n3A_875 = arith.select %or3A_872, %select_n3A_844, %gather3A_861 : vector<16xi1>, vector<16xf32>
          %select_n3A_876 = arith.select %or3A_867, %gather3A_859, %select_n3A_875 : vector<16xi1>, vector<16xf32>
          %select_n3A_877 = arith.select %or3A_872, %select_n3A_841, %gather3A_862 : vector<16xi1>, vector<16xi32>
          %select_n3A_878 = arith.select %or3A_867, %gather3A_860, %select_n3A_877 : vector<16xi1>, vector<16xi32>
          tpu.vector_store_idx %arg16[%select_n3A], %select_n3A_873 masked %and3A : memref<3136xf32, #tpu.memory_space<vmem>>[vector<16xi32>], vector<16xf32>, vector<16xi1>
          tpu.vector_store_idx %arg17[%select_n3A], %select_n3A_874 masked %and3A : memref<3136xi32, #tpu.memory_space<vmem>>[vector<16xi32>], vector<16xi32>, vector<16xi1>
          tpu.vector_store_idx %arg18[%select_n3A], %select_n3A_876 masked %and3A : memref<3136xf32, #tpu.memory_space<vmem>>[vector<16xi32>], vector<16xf32>, vector<16xi1>
          tpu.vector_store_idx %arg19[%select_n3A], %select_n3A_878 masked %and3A : memref<3136xi32, #tpu.memory_space<vmem>>[vector<16xi32>], vector<16xi32>, vector<16xi1>
          %jit3A_879 = arith.constant 0 : i32
          %broadcast_in_dim3A_880 = vector.broadcast %jit3A_879 : i32 to vector<16xi32>
          %select_n3A_881 = arith.select %and3A, %broadcast_in_dim3A_880, %select_n3A_849 : vector<16xi1>, vector<16xi32>
          %mul3A_882 = arith.constant 8 : i32
          %mul3A_883 = arith.muli %scan3A_797, %mul3A_882 : i32
          %add3A_884 = arith.addi %mul3A_883, %scan3A_809 : i32
          %mul3A_885 = arith.constant 16 : i32
          %mul3A_886 = arith.muli %add3A_884, %mul3A_885 : i32
          %swap3A_887 = arith.index_cast %mul3A_886 : i32 to index
          %swap3A_888 = tpu.vector_load %arg23[%swap3A_887] {strides = array<i32>} : memref<2048xi32, #tpu.memory_space<vmem>>, vector<16xi32>,
          tpu.vector_store %arg23[%swap3A_887], %select_n3A_881 {strides = array<i32>} : memref<2048xi32, #tpu.memory_space<vmem>>, vector<16xi32>,
          %or3A_889 = arith.ori %scan3A_810, %select_n3A_881 : vector<16xi32>
          scf.yield %or3A_889 : vector<16xi32>
        }
        %scan3A_804 = arith.constant 8 : i32
        %mul3A_805 = arith.constant 16 : i32
        %mul3A_806 = arith.muli %scan3A_797, %mul3A_805 : i32
        %swap3A_807 = arith.index_cast %mul3A_806 : i32 to index
        %swap3A_808 = tpu.vector_load %arg24[%swap3A_807] {strides = array<i32>} : memref<256xi32, #tpu.memory_space<vmem>>, vector<16xi32>,
        tpu.vector_store %arg24[%swap3A_807], %scan3A_803 {strides = array<i32>} : memref<256xi32, #tpu.memory_space<vmem>>, vector<16xi32>,
        %or3A = arith.ori %scan3A_798, %scan3A_803 : vector<16xi32>
        scf.yield %or3A : vector<16xi32>
      }
      %scan3A_789 = arith.constant 16 : i32
      %scan3A_790 = arith.constant 0 : i32
      %scan3A_791 = arith.constant 0 : i32
      %scan3A_792 = arith.constant 16 : i32
      %scan3A_793 = arith.addi %scan3A_791, %scan3A_792 : i32
      %scan3A_794 = arith.constant 1 : i32
      scf.for %scan3A_797 = %scan3A_791 to %scan3A_793 step %scan3A_794  : i32 {
        %mul3A_798 = arith.constant 16 : i32
        %mul3A_799 = arith.muli %scan3A_797, %mul3A_798 : i32
        %get3A = arith.index_cast %mul3A_799 : i32 to index
        %get3A_800 = tpu.vector_load %arg24[%get3A] {strides = array<i32>} : memref<256xi32, #tpu.memory_space<vmem>>, vector<16xi32>,
        %ne3A = arith.constant 0 : i32
        %ne3A_801 = vector.broadcast %ne3A : i32 to vector<16xi32>
        %ne3A_802 = arith.cmpi ne, %get3A_800, %ne3A_801 : vector<16xi32>
        %reduce_or3A = arith.constant 1.000000e+00 : f32
        %reduce_or3A_803 = arith.constant 0.000000e+00 : f32
        %reduce_or3A_804 = vector.broadcast %reduce_or3A : f32 to vector<16xf32>
        %reduce_or3A_805 = vector.broadcast %reduce_or3A_803 : f32 to vector<16xf32>
        %reduce_or3A_806 = arith.select %ne3A_802, %reduce_or3A_804, %reduce_or3A_805 : vector<16xi1>, vector<16xf32>
        %reduce_or3A_807 = arith.constant true
        %reduce_or3A_808 = vector.broadcast %reduce_or3A_807 : i1 to vector<16xi1>
        %reduce_or3A_809 = tpu.scan <max>, %reduce_or3A_806 masked %reduce_or3A_808 : vector<16xf32>, vector<16xi1> -> vector<16xf32>
        %reduce_or3A_810 = vector.extract %reduce_or3A_809[15] : f32 from vector<16xf32>
        %reduce_or3A_811 = arith.constant 0.000000e+00 : f32
        %reduce_or3A_812 = arith.cmpf ogt, %reduce_or3A_810, %reduce_or3A_811 : f32
        %convert_element_type3A_813 = arith.extui %reduce_or3A_812 : i1 to i32
        %cond3A_814 = arith.constant 0 : i32
        %cond3A_815 = arith.cmpi ne, %convert_element_type3A_813, %cond3A_814 : i32
        scf.if %cond3A_815 {
          %scan3A_816 = arith.constant 0 : i32
          %scan3A_817 = arith.constant 0 : i32
          %scan3A_818 = arith.constant 8 : i32
          %scan3A_819 = arith.addi %scan3A_817, %scan3A_818 : i32
          %scan3A_820 = arith.constant 1 : i32
          scf.for %scan3A_822 = %scan3A_817 to %scan3A_819 step %scan3A_820  : i32 {
            %mul3A_823 = arith.constant 8 : i32
            %mul3A_824 = arith.muli %scan3A_797, %mul3A_823 : i32
            %add3A_825 = arith.addi %mul3A_824, %scan3A_822 : i32
            %mul3A_826 = arith.constant 16 : i32
            %mul3A_827 = arith.muli %add3A_825, %mul3A_826 : i32
            %get3A_828 = arith.index_cast %mul3A_827 : i32 to index
            %get3A_829 = tpu.vector_load %arg23[%get3A_828] {strides = array<i32>} : memref<2048xi32, #tpu.memory_space<vmem>>, vector<16xi32>,
            %while3A = scf.while (%while3A_830 = %get3A_829) : (vector<16xi32>) -> vector<16xi32> {
              %ne3A_831 = arith.constant 0 : i32
              %ne3A_832 = vector.broadcast %ne3A_831 : i32 to vector<16xi32>
              %ne3A_833 = arith.cmpi ne, %while3A_830, %ne3A_832 : vector<16xi32>
              %reduce_or3A_834 = arith.constant 1.000000e+00 : f32
              %reduce_or3A_835 = arith.constant 0.000000e+00 : f32
              %reduce_or3A_836 = vector.broadcast %reduce_or3A_834 : f32 to vector<16xf32>
              %reduce_or3A_837 = vector.broadcast %reduce_or3A_835 : f32 to vector<16xf32>
              %reduce_or3A_838 = arith.select %ne3A_833, %reduce_or3A_836, %reduce_or3A_837 : vector<16xi1>, vector<16xf32>
              %reduce_or3A_839 = arith.constant true
              %reduce_or3A_840 = vector.broadcast %reduce_or3A_839 : i1 to vector<16xi1>
              %reduce_or3A_841 = tpu.scan <max>, %reduce_or3A_838 masked %reduce_or3A_840 : vector<16xf32>, vector<16xi1> -> vector<16xf32>
              %reduce_or3A_842 = vector.extract %reduce_or3A_841[15] : f32 from vector<16xf32>
              %reduce_or3A_843 = arith.constant 0.000000e+00 : f32
              %reduce_or3A_844 = arith.cmpf ogt, %reduce_or3A_842, %reduce_or3A_843 : f32
              scf.condition(%reduce_or3A_844) %while3A_830 : vector<16xi32>
            } do {
            ^bb0(%while3A_830: vector<16xi32>):
              %mul3A_831 = arith.constant 16 : i32
              %mul3A_832 = arith.muli %scan3A_822, %mul3A_831 : i32
              %add3A_833 = vector.broadcast %mul3A_832 : i32 to vector<16xi32>
              %add3A_834 = arith.addi %add3A_833, %iota3A : vector<16xi32>
              %mul3A_835 = arith.constant 16 : i32
              %mul3A_836 = arith.muli %scan3A_797, %mul3A_835 : i32
              %add3A_837 = vector.broadcast %mul3A_836 : i32 to vector<16xi32>
              %add3A_838 = arith.addi %broadcast_in_dim3A_1, %add3A_837 : vector<16xi32>
              %add3A_839 = vector.broadcast %arg1 : i32 to vector<16xi32>
              %add3A_840 = arith.addi %add3A_838, %add3A_839 : vector<16xi32>
              %gather3A = tpu.vector_load_idx %arg14[%add3A_840] : memref<256xi32, #tpu.memory_space<vmem>>[vector<16xi32>], vector<16xi32>,
              %lt3A_841 = arith.cmpi slt, %add3A_834, %gather3A : vector<16xi32>
              %mul3A_842 = arith.constant 128 : i32
              %mul3A_843 = arith.muli %scan3A_797, %mul3A_842 : i32
              %add3A_844 = vector.broadcast %mul3A_843 : i32 to vector<16xi32>
              %add3A_845 = arith.addi %add3A_844, %add3A_834 : vector<16xi32>
              %mul3A_846 = arith.constant 3 : i32
              %mul3A_847 = vector.broadcast %mul3A_846 : i32 to vector<16xi32>
              %mul3A_848 = arith.muli %add3A_845, %mul3A_847 : vector<16xi32>
              %gather3A_849 = tpu.vector_load_idx %arg12[%mul3A_848] masked %lt3A_841 : memref<6144xi32, #tpu.memory_space<vmem>>[vector<16xi32>], vector<16xi32>, vector<16xi1>
              %bitcast3A = vector.bitcast %gather3A_849 : vector<16xi32> to vector<16xf32>
              %add3A_850 = arith.constant 1 : i32
              %add3A_851 = vector.broadcast %add3A_850 : i32 to vector<16xi32>
              %add3A_852 = arith.addi %mul3A_848, %add3A_851 : vector<16xi32>
              %gather3A_853 = tpu.vector_load_idx %arg12[%add3A_852] masked %lt3A_841 : memref<6144xi32, #tpu.memory_space<vmem>>[vector<16xi32>], vector<16xi32>, vector<16xi1>
              %add3A_854 = arith.constant 2 : i32
              %add3A_855 = vector.broadcast %add3A_854 : i32 to vector<16xi32>
              %add3A_856 = arith.addi %mul3A_848, %add3A_855 : vector<16xi32>
              %gather3A_857 = tpu.vector_load_idx %arg12[%add3A_856] masked %lt3A_841 : memref<6144xi32, #tpu.memory_space<vmem>>[vector<16xi32>], vector<16xi32>, vector<16xi1>
              %jit3A = arith.constant 0 : i32
              %broadcast_in_dim3A_858 = vector.broadcast %jit3A : i32 to vector<16xi32>
              %select_n3A = arith.select %lt3A_841, %gather3A_853, %broadcast_in_dim3A_858 : vector<16xi1>, vector<16xi32>
              %jit3A_859 = arith.constant 0 : i32
              %broadcast_in_dim3A_860 = vector.broadcast %jit3A_859 : i32 to vector<16xi32>
              %select_n3A_861 = arith.select %lt3A_841, %gather3A_857, %broadcast_in_dim3A_860 : vector<16xi1>, vector<16xi32>
              %jit3A_862 = arith.constant 0.000000e+00 : f32
              %broadcast_in_dim3A_863 = vector.broadcast %jit3A_862 : f32 to vector<16xf32>
              %select_n3A_864 = arith.select %lt3A_841, %bitcast3A, %broadcast_in_dim3A_863 : vector<16xi1>, vector<16xf32>
              %ne3A_865 = arith.constant 0 : i32
              %ne3A_866 = vector.broadcast %ne3A_865 : i32 to vector<16xi32>
              %ne3A_867 = arith.cmpi ne, %while3A_830, %ne3A_866 : vector<16xi32>
              %exp3A = math.exp %select_n3A_864 : vector<16xf32>
              tpu.vector_store_idx %arg22[%select_n3A], %iota3A masked %ne3A_867 : memref<3136xi32, #tpu.memory_space<vmem>>[vector<16xi32>], vector<16xi32>, vector<16xi1>
              %gather3A_868 = tpu.vector_load_idx %arg22[%select_n3A] masked %ne3A_867 : memref<3136xi32, #tpu.memory_space<vmem>>[vector<16xi32>], vector<16xi32>, vector<16xi1>
              %eq3A = arith.cmpi eq, %gather3A_868, %iota3A : vector<16xi32>
              %and3A = arith.andi %ne3A_867, %eq3A : vector<16xi1>
              %gather3A_869 = tpu.vector_load_idx %arg20[%select_n3A] masked %and3A : memref<3136xf32, #tpu.memory_space<vmem>>[vector<16xi32>], vector<16xf32>, vector<16xi1>
              %add3A_870 = arith.addf %gather3A_869, %exp3A : vector<16xf32>
              tpu.vector_store_idx %arg20[%select_n3A], %add3A_870 masked %and3A : memref<3136xf32, #tpu.memory_space<vmem>>[vector<16xi32>], vector<16xf32>, vector<16xi1>
              %gather3A_871 = tpu.vector_load_idx %arg21[%select_n3A] masked %and3A : memref<3136xi32, #tpu.memory_space<vmem>>[vector<16xi32>], vector<16xi32>, vector<16xi1>
              %add3A_872 = arith.constant 1 : i32
              %add3A_873 = vector.broadcast %add3A_872 : i32 to vector<16xi32>
              %add3A_874 = arith.addi %gather3A_871, %add3A_873 : vector<16xi32>
              tpu.vector_store_idx %arg21[%select_n3A], %add3A_874 masked %and3A : memref<3136xi32, #tpu.memory_space<vmem>>[vector<16xi32>], vector<16xi32>, vector<16xi1>
              %gather3A_875 = tpu.vector_load_idx %arg16[%select_n3A] masked %and3A : memref<3136xf32, #tpu.memory_space<vmem>>[vector<16xi32>], vector<16xf32>, vector<16xi1>
              %gather3A_876 = tpu.vector_load_idx %arg17[%select_n3A] masked %and3A : memref<3136xi32, #tpu.memory_space<vmem>>[vector<16xi32>], vector<16xi32>, vector<16xi1>
              %gather3A_877 = tpu.vector_load_idx %arg18[%select_n3A] masked %and3A : memref<3136xf32, #tpu.memory_space<vmem>>[vector<16xi32>], vector<16xf32>, vector<16xi1>
              %gather3A_878 = tpu.vector_load_idx %arg19[%select_n3A] masked %and3A : memref<3136xi32, #tpu.memory_space<vmem>>[vector<16xi32>], vector<16xi32>, vector<16xi1>
              %lt3A_879 = arith.cmpf olt, %select_n3A_864, %gather3A_875 : vector<16xf32>
              %eq3A_880 = arith.cmpf oeq, %select_n3A_864, %gather3A_875 : vector<16xf32>
              %lt3A_881 = arith.cmpi slt, %select_n3A_861, %gather3A_876 : vector<16xi32>
              %and3A_882 = arith.andi %eq3A_880, %lt3A_881 : vector<16xi1>
              %or3A = arith.ori %lt3A_879, %and3A_882 : vector<16xi1>
              %lt3A_883 = arith.cmpf olt, %select_n3A_864, %gather3A_877 : vector<16xf32>
              %eq3A_884 = arith.cmpf oeq, %select_n3A_864, %gather3A_877 : vector<16xf32>
              %lt3A_885 = arith.cmpi slt, %select_n3A_861, %gather3A_878 : vector<16xi32>
              %and3A_886 = arith.andi %eq3A_884, %lt3A_885 : vector<16xi1>
              %or3A_887 = arith.ori %lt3A_883, %and3A_886 : vector<16xi1>
              %select_n3A_888 = arith.select %or3A, %select_n3A_864, %gather3A_875 : vector<16xi1>, vector<16xf32>
              %select_n3A_889 = arith.select %or3A, %select_n3A_861, %gather3A_876 : vector<16xi1>, vector<16xi32>
              %select_n3A_890 = arith.select %or3A_887, %select_n3A_864, %gather3A_877 : vector<16xi1>, vector<16xf32>
              %select_n3A_891 = arith.select %or3A, %gather3A_875, %select_n3A_890 : vector<16xi1>, vector<16xf32>
              %select_n3A_892 = arith.select %or3A_887, %select_n3A_861, %gather3A_878 : vector<16xi1>, vector<16xi32>
              %select_n3A_893 = arith.select %or3A, %gather3A_876, %select_n3A_892 : vector<16xi1>, vector<16xi32>
              tpu.vector_store_idx %arg16[%select_n3A], %select_n3A_888 masked %and3A : memref<3136xf32, #tpu.memory_space<vmem>>[vector<16xi32>], vector<16xf32>, vector<16xi1>
              tpu.vector_store_idx %arg17[%select_n3A], %select_n3A_889 masked %and3A : memref<3136xi32, #tpu.memory_space<vmem>>[vector<16xi32>], vector<16xi32>, vector<16xi1>
              tpu.vector_store_idx %arg18[%select_n3A], %select_n3A_891 masked %and3A : memref<3136xf32, #tpu.memory_space<vmem>>[vector<16xi32>], vector<16xf32>, vector<16xi1>
              tpu.vector_store_idx %arg19[%select_n3A], %select_n3A_893 masked %and3A : memref<3136xi32, #tpu.memory_space<vmem>>[vector<16xi32>], vector<16xi32>, vector<16xi1>
              %jit3A_894 = arith.constant 0 : i32
              %broadcast_in_dim3A_895 = vector.broadcast %jit3A_894 : i32 to vector<16xi32>
              %select_n3A_896 = arith.select %and3A, %broadcast_in_dim3A_895, %while3A_830 : vector<16xi1>, vector<16xi32>
              scf.yield %select_n3A_896 : vector<16xi32>
            }
          }
          %scan3A_821 = arith.constant 8 : i32
        } else {
        }
      }
      %scan3A_795 = arith.constant 16 : i32
      %barrier3A_796 = arith.constant 0 : index
      tpu.barrier barrier_id(%barrier3A_796)
    }
    %scan3A_33 = arith.constant 25 : i32
    %scan3A_34 = arith.constant 0 : i32
    %scan3A_35 = arith.constant 0 : i32
    %scan3A_36 = arith.constant 196 : i32
    %scan3A_37 = arith.addi %scan3A_35, %scan3A_36 : i32
    %scan3A_38 = arith.constant 1 : i32
    scf.for %scan3A_42 = %scan3A_35 to %scan3A_37 step %scan3A_38  : i32 {
      %mul3A_43 = arith.constant 16 : i32
      %mul3A_44 = arith.muli %scan3A_42, %mul3A_43 : i32
      %get3A = arith.index_cast %mul3A_44 : i32 to index
      %get3A_45 = tpu.vector_load %arg21[%get3A] {strides = array<i32>} : memref<3136xi32, #tpu.memory_space<vmem>>, vector<16xi32>,
      %gt3A = arith.constant 8 : i32
      %gt3A_46 = vector.broadcast %gt3A : i32 to vector<16xi32>
      %gt3A_47 = arith.cmpi sgt, %get3A_45, %gt3A_46 : vector<16xi32>
      %get3A_48 = arith.index_cast %mul3A_44 : i32 to index
      %get3A_49 = tpu.vector_load %arg17[%get3A_48] {strides = array<i32>} : memref<3136xi32, #tpu.memory_space<vmem>>, vector<16xi32>,
      %jit3A = arith.constant -1 : i32
      %broadcast_in_dim3A_50 = vector.broadcast %jit3A : i32 to vector<16xi32>
      %select_n3A = arith.select %gt3A_47, %get3A_49, %broadcast_in_dim3A_50 : vector<16xi1>, vector<16xi32>
      %swap3A = arith.index_cast %mul3A_44 : i32 to index
      %swap3A_51 = tpu.vector_load %arg17[%swap3A] {strides = array<i32>} : memref<3136xi32, #tpu.memory_space<vmem>>, vector<16xi32>,
      tpu.vector_store %arg17[%swap3A], %select_n3A {strides = array<i32>} : memref<3136xi32, #tpu.memory_space<vmem>>, vector<16xi32>,
      %get3A_52 = arith.index_cast %mul3A_44 : i32 to index
      %get3A_53 = tpu.vector_load %arg19[%get3A_52] {strides = array<i32>} : memref<3136xi32, #tpu.memory_space<vmem>>, vector<16xi32>,
      %jit3A_54 = arith.constant -1 : i32
      %broadcast_in_dim3A_55 = vector.broadcast %jit3A_54 : i32 to vector<16xi32>
      %select_n3A_56 = arith.select %gt3A_47, %get3A_53, %broadcast_in_dim3A_55 : vector<16xi1>, vector<16xi32>
      %swap3A_57 = arith.index_cast %mul3A_44 : i32 to index
      %swap3A_58 = tpu.vector_load %arg19[%swap3A_57] {strides = array<i32>} : memref<3136xi32, #tpu.memory_space<vmem>>, vector<16xi32>,
      tpu.vector_store %arg19[%swap3A_57], %select_n3A_56 {strides = array<i32>} : memref<3136xi32, #tpu.memory_space<vmem>>, vector<16xi32>,
    }
    %scan3A_39 = arith.constant 196 : i32
    %mul3A_40 = arith.constant 3136 : i32
    %mul3A_41 = arith.muli %add3A, %mul3A_40 : i32
    "tpu.region"() ({
      %run_scoped3A = tpu.sem_alloc : memref<!tpu.dma_semaphore, #tpu.memory_space<semaphore_mem>>
      %dma_start3A_42 = tpu.memref_slice %arg4[%mul3A_41] : memref<100352xf32, #tpu.memory_space<hbm>> -> memref<3136xf32, #tpu.memory_space<hbm>>
      %dma_start3A_43 = tpu.memref_slice %arg4[%mul3A_41] : memref<100352xf32, #tpu.memory_space<hbm>> -> memref<3136xf32, #tpu.memory_space<hbm>>
      tpu.enqueue_dma source(%arg20 : memref<3136xf32, #tpu.memory_space<vmem>>) target(%dma_start3A_43 : memref<3136xf32, #tpu.memory_space<hbm>>) target_semaphore(%run_scoped3A : memref<!tpu.dma_semaphore, #tpu.memory_space<semaphore_mem>>)
      %dma_wait3A = tpu.memref_slice %arg4[%mul3A_41] : memref<100352xf32, #tpu.memory_space<hbm>> -> memref<3136xf32, #tpu.memory_space<hbm>>
      %dma_wait3A_44 = tpu.memref_slice %arg4[%mul3A_41] : memref<100352xf32, #tpu.memory_space<hbm>> -> memref<3136xf32, #tpu.memory_space<hbm>>
      tpu.wait_dma2 semaphore(%run_scoped3A : memref<!tpu.dma_semaphore, #tpu.memory_space<semaphore_mem>>) src(%arg20 : memref<3136xf32, #tpu.memory_space<vmem>>) dst(%dma_wait3A_44 : memref<3136xf32, #tpu.memory_space<hbm>>)
      tpu.yield
    }) : () -> ()
    "tpu.region"() ({
      %run_scoped3A = tpu.sem_alloc : memref<!tpu.dma_semaphore, #tpu.memory_space<semaphore_mem>>
      %dma_start3A_42 = tpu.memref_slice %arg5[%mul3A_41] : memref<100352xi32, #tpu.memory_space<hbm>> -> memref<3136xi32, #tpu.memory_space<hbm>>
      %dma_start3A_43 = tpu.memref_slice %arg5[%mul3A_41] : memref<100352xi32, #tpu.memory_space<hbm>> -> memref<3136xi32, #tpu.memory_space<hbm>>
      tpu.enqueue_dma source(%arg17 : memref<3136xi32, #tpu.memory_space<vmem>>) target(%dma_start3A_43 : memref<3136xi32, #tpu.memory_space<hbm>>) target_semaphore(%run_scoped3A : memref<!tpu.dma_semaphore, #tpu.memory_space<semaphore_mem>>)
      %dma_wait3A = tpu.memref_slice %arg5[%mul3A_41] : memref<100352xi32, #tpu.memory_space<hbm>> -> memref<3136xi32, #tpu.memory_space<hbm>>
      %dma_wait3A_44 = tpu.memref_slice %arg5[%mul3A_41] : memref<100352xi32, #tpu.memory_space<hbm>> -> memref<3136xi32, #tpu.memory_space<hbm>>
      tpu.wait_dma2 semaphore(%run_scoped3A : memref<!tpu.dma_semaphore, #tpu.memory_space<semaphore_mem>>) src(%arg17 : memref<3136xi32, #tpu.memory_space<vmem>>) dst(%dma_wait3A_44 : memref<3136xi32, #tpu.memory_space<hbm>>)
      tpu.yield
    }) : () -> ()
    "tpu.region"() ({
      %run_scoped3A = tpu.sem_alloc : memref<!tpu.dma_semaphore, #tpu.memory_space<semaphore_mem>>
      %dma_start3A_42 = tpu.memref_slice %arg6[%mul3A_41] : memref<100352xi32, #tpu.memory_space<hbm>> -> memref<3136xi32, #tpu.memory_space<hbm>>
      %dma_start3A_43 = tpu.memref_slice %arg6[%mul3A_41] : memref<100352xi32, #tpu.memory_space<hbm>> -> memref<3136xi32, #tpu.memory_space<hbm>>
      tpu.enqueue_dma source(%arg19 : memref<3136xi32, #tpu.memory_space<vmem>>) target(%dma_start3A_43 : memref<3136xi32, #tpu.memory_space<hbm>>) target_semaphore(%run_scoped3A : memref<!tpu.dma_semaphore, #tpu.memory_space<semaphore_mem>>)
      %dma_wait3A = tpu.memref_slice %arg6[%mul3A_41] : memref<100352xi32, #tpu.memory_space<hbm>> -> memref<3136xi32, #tpu.memory_space<hbm>>
      %dma_wait3A_44 = tpu.memref_slice %arg6[%mul3A_41] : memref<100352xi32, #tpu.memory_space<hbm>> -> memref<3136xi32, #tpu.memory_space<hbm>>
      tpu.wait_dma2 semaphore(%run_scoped3A : memref<!tpu.dma_semaphore, #tpu.memory_space<semaphore_mem>>) src(%arg19 : memref<3136xi32, #tpu.memory_space<vmem>>) dst(%dma_wait3A_44 : memref<3136xi32, #tpu.memory_space<hbm>>)
      tpu.yield
    }) : () -> ()
    return
  }
}

#map = affine_map<(d0, d1) -> (0)>
module attributes {stable_mosaic.version = 14 : i64} {
  func.func @_emit(%arg0: i32, %arg1: i32, %arg2: memref<1600000xf32, #tpu.memory_space<hbm>>, %arg3: memref<1600000xi32, #tpu.memory_space<hbm>>, %arg4: memref<100352xf32, #tpu.memory_space<hbm>>, %arg5: memref<100352xi32, #tpu.memory_space<hbm>>, %arg6: memref<100352xi32, #tpu.memory_space<hbm>>, %arg7: memref<1600000xf32, #tpu.memory_space<hbm>>, %arg8: memref<1600000xi32, #tpu.memory_space<hbm>>, %arg9: memref<100352xf32, #tpu.memory_space<vmem>>, %arg10: memref<4000xf32, #tpu.memory_space<vmem>>, %arg11: memref<4000xi32, #tpu.memory_space<vmem>>, %arg12: memref<2000xi32, #tpu.memory_space<vmem>>, %arg13: memref<4000xf32, #tpu.memory_space<vmem>>, %arg14: memref<2000xi32, #tpu.memory_space<vmem>>, %arg15: memref<2000xi32, #tpu.memory_space<vmem>>, %arg16: memref<4000xi32, #tpu.memory_space<vmem>>, %arg17: memref<!tpu.dma_semaphore, #tpu.memory_space<semaphore_mem>>, %arg18: memref<!tpu.dma_semaphore, #tpu.memory_space<semaphore_mem>>, %arg19: memref<!tpu.dma_semaphore, #tpu.memory_space<semaphore_mem>>) attributes {dimension_semantics = [#tpu.dimension_semantics<core_parallel>, #tpu.dimension_semantics<subcore_parallel>], iteration_bounds = array<i64: 2, 16>, scalar_prefetch = 0 : i64, scratch_operands = 11 : i64, tpu.core_type = #tpu.core_type<sc_vector_subcore>, window_params = [{transform_indices = #map}, {transform_indices = #map}, {transform_indices = #map}, {transform_indices = #map}, {transform_indices = #map}, {transform_indices = #map}, {transform_indices = #map}]} {
    %mul3A = arith.constant 2 : i32
    %mul3A_0 = arith.muli %arg1, %mul3A : i32
    %add3A = arith.addi %mul3A_0, %arg0 : i32
    %iota3A = tpu.iota {dimensions = array<i32: 0>} : vector<16xi32>
    "tpu.region"() ({
      %run_scoped3A = tpu.sem_alloc : memref<!tpu.dma_semaphore, #tpu.memory_space<semaphore_mem>>
      tpu.enqueue_dma source(%arg4 : memref<100352xf32, #tpu.memory_space<hbm>>) target(%arg9 : memref<100352xf32, #tpu.memory_space<vmem>>) target_semaphore(%run_scoped3A : memref<!tpu.dma_semaphore, #tpu.memory_space<semaphore_mem>>)
      tpu.wait_dma2 semaphore(%run_scoped3A : memref<!tpu.dma_semaphore, #tpu.memory_space<semaphore_mem>>) src(%arg4 : memref<100352xf32, #tpu.memory_space<hbm>>) dst(%arg9 : memref<100352xf32, #tpu.memory_space<vmem>>)
      tpu.yield
    }) : () -> ()
    %mul3A_1 = arith.constant 50000 : i32
    %mul3A_2 = arith.muli %add3A, %mul3A_1 : i32
    %add3A_3 = arith.constant 0 : i32
    %add3A_4 = arith.addi %mul3A_2, %add3A_3 : i32
    %dma_start3A = arith.constant 0 : i32
    %dma_start3A_5 = tpu.memref_slice %arg10[%dma_start3A] : memref<4000xf32, #tpu.memory_space<vmem>> -> memref<2000xf32, #tpu.memory_space<vmem>>
    %dma_start3A_6 = tpu.memref_slice %arg2[%add3A_4] : memref<1600000xf32, #tpu.memory_space<hbm>> -> memref<2000xf32, #tpu.memory_space<hbm>>
    %dma_start3A_7 = arith.constant 0 : i32
    %dma_start3A_8 = tpu.memref_slice %arg10[%dma_start3A_7] : memref<4000xf32, #tpu.memory_space<vmem>> -> memref<2000xf32, #tpu.memory_space<vmem>>
    %dma_start3A_9 = tpu.memref_slice %arg2[%add3A_4] : memref<1600000xf32, #tpu.memory_space<hbm>> -> memref<2000xf32, #tpu.memory_space<hbm>>
    tpu.enqueue_dma source(%dma_start3A_9 : memref<2000xf32, #tpu.memory_space<hbm>>) target(%dma_start3A_8 : memref<2000xf32, #tpu.memory_space<vmem>>) target_semaphore(%arg17 : memref<!tpu.dma_semaphore, #tpu.memory_space<semaphore_mem>>)
    %dma_start3A_10 = arith.constant 0 : i32
    %dma_start3A_11 = tpu.memref_slice %arg11[%dma_start3A_10] : memref<4000xi32, #tpu.memory_space<vmem>> -> memref<2000xi32, #tpu.memory_space<vmem>>
    %dma_start3A_12 = tpu.memref_slice %arg3[%add3A_4] : memref<1600000xi32, #tpu.memory_space<hbm>> -> memref<2000xi32, #tpu.memory_space<hbm>>
    %dma_start3A_13 = arith.constant 0 : i32
    %dma_start3A_14 = tpu.memref_slice %arg11[%dma_start3A_13] : memref<4000xi32, #tpu.memory_space<vmem>> -> memref<2000xi32, #tpu.memory_space<vmem>>
    %dma_start3A_15 = tpu.memref_slice %arg3[%add3A_4] : memref<1600000xi32, #tpu.memory_space<hbm>> -> memref<2000xi32, #tpu.memory_space<hbm>>
    tpu.enqueue_dma source(%dma_start3A_15 : memref<2000xi32, #tpu.memory_space<hbm>>) target(%dma_start3A_14 : memref<2000xi32, #tpu.memory_space<vmem>>) target_semaphore(%arg17 : memref<!tpu.dma_semaphore, #tpu.memory_space<semaphore_mem>>)
    %scan3A = arith.constant 0 : i32
    %scan3A_16 = arith.constant 0 : i32
    %scan3A_17 = arith.constant 12 : i32
    %scan3A_18 = arith.addi %scan3A_16, %scan3A_17 : i32
    %scan3A_19 = arith.constant 1 : i32
    scf.for %scan3A_118 = %scan3A_16 to %scan3A_18 step %scan3A_19  : i32 {
      %mul3A_119 = arith.constant 2 : i32
      %mul3A_120 = arith.muli %mul3A_119, %scan3A_118 : i32
      %add3A_121 = arith.constant 0 : i32
      %add3A_122 = arith.addi %mul3A_120, %add3A_121 : i32
      %mul3A_123 = arith.constant 2000 : i32
      %mul3A_124 = arith.muli %add3A_122, %mul3A_123 : i32
      %add3A_125 = arith.addi %mul3A_2, %mul3A_124 : i32
      %dma_wait3A_126 = arith.constant 0 : i32
      %dma_wait3A_127 = tpu.memref_slice %arg10[%dma_wait3A_126] : memref<4000xf32, #tpu.memory_space<vmem>> -> memref<2000xf32, #tpu.memory_space<vmem>>
      %dma_wait3A_128 = arith.constant 0 : i32
      %dma_wait3A_129 = tpu.memref_slice %arg2[%dma_wait3A_128] : memref<1600000xf32, #tpu.memory_space<hbm>> -> memref<2000xf32, #tpu.memory_space<hbm>>
      %dma_wait3A_130 = arith.constant 0 : i32
      %dma_wait3A_131 = tpu.memref_slice %arg10[%dma_wait3A_130] : memref<4000xf32, #tpu.memory_space<vmem>> -> memref<2000xf32, #tpu.memory_space<vmem>>
      %dma_wait3A_132 = arith.constant 0 : i32
      %dma_wait3A_133 = tpu.memref_slice %arg2[%dma_wait3A_132] : memref<1600000xf32, #tpu.memory_space<hbm>> -> memref<2000xf32, #tpu.memory_space<hbm>>
      tpu.wait_dma2 semaphore(%arg17 : memref<!tpu.dma_semaphore, #tpu.memory_space<semaphore_mem>>) src(%dma_wait3A_133 : memref<2000xf32, #tpu.memory_space<hbm>>) dst(%dma_wait3A_131 : memref<2000xf32, #tpu.memory_space<vmem>>)
      %dma_wait3A_134 = arith.constant 0 : i32
      %dma_wait3A_135 = tpu.memref_slice %arg11[%dma_wait3A_134] : memref<4000xi32, #tpu.memory_space<vmem>> -> memref<2000xi32, #tpu.memory_space<vmem>>
      %dma_wait3A_136 = arith.constant 0 : i32
      %dma_wait3A_137 = tpu.memref_slice %arg3[%dma_wait3A_136] : memref<1600000xi32, #tpu.memory_space<hbm>> -> memref<2000xi32, #tpu.memory_space<hbm>>
      %dma_wait3A_138 = arith.constant 0 : i32
      %dma_wait3A_139 = tpu.memref_slice %arg11[%dma_wait3A_138] : memref<4000xi32, #tpu.memory_space<vmem>> -> memref<2000xi32, #tpu.memory_space<vmem>>
      %dma_wait3A_140 = arith.constant 0 : i32
      %dma_wait3A_141 = tpu.memref_slice %arg3[%dma_wait3A_140] : memref<1600000xi32, #tpu.memory_space<hbm>> -> memref<2000xi32, #tpu.memory_space<hbm>>
      tpu.wait_dma2 semaphore(%arg17 : memref<!tpu.dma_semaphore, #tpu.memory_space<semaphore_mem>>) src(%dma_wait3A_141 : memref<2000xi32, #tpu.memory_space<hbm>>) dst(%dma_wait3A_139 : memref<2000xi32, #tpu.memory_space<vmem>>)
      %add3A_142 = arith.constant 1 : i32
      %add3A_143 = arith.addi %add3A_122, %add3A_142 : i32
      %lt3A = arith.constant 25 : i32
      %lt3A_144 = arith.cmpi slt, %add3A_143, %lt3A : i32
      %convert_element_type3A = arith.extui %lt3A_144 : i1 to i32
      %cond3A = arith.constant 0 : i32
      %cond3A_145 = arith.cmpi ne, %convert_element_type3A, %cond3A : i32
      scf.if %cond3A_145 {
        %add3A_249 = arith.constant 1 : i32
        %add3A_250 = arith.addi %add3A_122, %add3A_249 : i32
        %mul3A_251 = arith.constant 2000 : i32
        %mul3A_252 = arith.muli %add3A_250, %mul3A_251 : i32
        %add3A_253 = arith.addi %mul3A_2, %mul3A_252 : i32
        %dma_start3A_254 = arith.constant 2000 : i32
        %dma_start3A_255 = tpu.memref_slice %arg10[%dma_start3A_254] : memref<4000xf32, #tpu.memory_space<vmem>> -> memref<2000xf32, #tpu.memory_space<vmem>>
        %dma_start3A_256 = tpu.memref_slice %arg2[%add3A_253] : memref<1600000xf32, #tpu.memory_space<hbm>> -> memref<2000xf32, #tpu.memory_space<hbm>>
        %dma_start3A_257 = arith.constant 2000 : i32
        %dma_start3A_258 = tpu.memref_slice %arg10[%dma_start3A_257] : memref<4000xf32, #tpu.memory_space<vmem>> -> memref<2000xf32, #tpu.memory_space<vmem>>
        %dma_start3A_259 = tpu.memref_slice %arg2[%add3A_253] : memref<1600000xf32, #tpu.memory_space<hbm>> -> memref<2000xf32, #tpu.memory_space<hbm>>
        tpu.enqueue_dma source(%dma_start3A_259 : memref<2000xf32, #tpu.memory_space<hbm>>) target(%dma_start3A_258 : memref<2000xf32, #tpu.memory_space<vmem>>) target_semaphore(%arg17 : memref<!tpu.dma_semaphore, #tpu.memory_space<semaphore_mem>>)
        %dma_start3A_260 = arith.constant 2000 : i32
        %dma_start3A_261 = tpu.memref_slice %arg11[%dma_start3A_260] : memref<4000xi32, #tpu.memory_space<vmem>> -> memref<2000xi32, #tpu.memory_space<vmem>>
        %dma_start3A_262 = tpu.memref_slice %arg3[%add3A_253] : memref<1600000xi32, #tpu.memory_space<hbm>> -> memref<2000xi32, #tpu.memory_space<hbm>>
        %dma_start3A_263 = arith.constant 2000 : i32
        %dma_start3A_264 = tpu.memref_slice %arg11[%dma_start3A_263] : memref<4000xi32, #tpu.memory_space<vmem>> -> memref<2000xi32, #tpu.memory_space<vmem>>
        %dma_start3A_265 = tpu.memref_slice %arg3[%add3A_253] : memref<1600000xi32, #tpu.memory_space<hbm>> -> memref<2000xi32, #tpu.memory_space<hbm>>
        tpu.enqueue_dma source(%dma_start3A_265 : memref<2000xi32, #tpu.memory_space<hbm>>) target(%dma_start3A_264 : memref<2000xi32, #tpu.memory_space<vmem>>) target_semaphore(%arg17 : memref<!tpu.dma_semaphore, #tpu.memory_space<semaphore_mem>>)
      } else {
      }
      %ge3A = arith.constant 2 : i32
      %ge3A_146 = arith.cmpi sge, %add3A_122, %ge3A : i32
      %convert_element_type3A_147 = arith.extui %ge3A_146 : i1 to i32
      %cond3A_148 = arith.constant 0 : i32
      %cond3A_149 = arith.cmpi ne, %convert_element_type3A_147, %cond3A_148 : i32
      scf.if %cond3A_149 {
        %dma_wait3A_249 = arith.constant 0 : i32
        %dma_wait3A_250 = tpu.memref_slice %arg13[%dma_wait3A_249] : memref<4000xf32, #tpu.memory_space<vmem>> -> memref<2000xf32, #tpu.memory_space<vmem>>
        %dma_wait3A_251 = arith.constant 0 : i32
        %dma_wait3A_252 = tpu.memref_slice %arg7[%dma_wait3A_251] : memref<1600000xf32, #tpu.memory_space<hbm>> -> memref<2000xf32, #tpu.memory_space<hbm>>
        %dma_wait3A_253 = arith.constant 0 : i32
        %dma_wait3A_254 = tpu.memref_slice %arg7[%dma_wait3A_253] : memref<1600000xf32, #tpu.memory_space<hbm>> -> memref<2000xf32, #tpu.memory_space<hbm>>
        %dma_wait3A_255 = arith.constant 0 : i32
        %dma_wait3A_256 = tpu.memref_slice %arg13[%dma_wait3A_255] : memref<4000xf32, #tpu.memory_space<vmem>> -> memref<2000xf32, #tpu.memory_space<vmem>>
        tpu.wait_dma2 semaphore(%arg19 : memref<!tpu.dma_semaphore, #tpu.memory_space<semaphore_mem>>) src(%dma_wait3A_256 : memref<2000xf32, #tpu.memory_space<vmem>>) dst(%dma_wait3A_254 : memref<2000xf32, #tpu.memory_space<hbm>>)
        %dma_wait3A_257 = arith.constant 0 : i32
        %dma_wait3A_258 = tpu.memref_slice %arg16[%dma_wait3A_257] : memref<4000xi32, #tpu.memory_space<vmem>> -> memref<2000xi32, #tpu.memory_space<vmem>>
        %dma_wait3A_259 = arith.constant 0 : i32
        %dma_wait3A_260 = tpu.memref_slice %arg8[%dma_wait3A_259] : memref<1600000xi32, #tpu.memory_space<hbm>> -> memref<2000xi32, #tpu.memory_space<hbm>>
        %dma_wait3A_261 = arith.constant 0 : i32
        %dma_wait3A_262 = tpu.memref_slice %arg8[%dma_wait3A_261] : memref<1600000xi32, #tpu.memory_space<hbm>> -> memref<2000xi32, #tpu.memory_space<hbm>>
        %dma_wait3A_263 = arith.constant 0 : i32
        %dma_wait3A_264 = tpu.memref_slice %arg16[%dma_wait3A_263] : memref<4000xi32, #tpu.memory_space<vmem>> -> memref<2000xi32, #tpu.memory_space<vmem>>
        tpu.wait_dma2 semaphore(%arg19 : memref<!tpu.dma_semaphore, #tpu.memory_space<semaphore_mem>>) src(%dma_wait3A_264 : memref<2000xi32, #tpu.memory_space<vmem>>) dst(%dma_wait3A_262 : memref<2000xi32, #tpu.memory_space<hbm>>)
      } else {
      }
      %scan3A_150 = arith.constant 0 : i32
      %scan3A_151 = arith.constant 0 : i32
      %scan3A_152 = arith.constant 125 : i32
      %scan3A_153 = arith.addi %scan3A_151, %scan3A_152 : i32
      %scan3A_154 = arith.constant 1 : i32
      scf.for %scan3A_249 = %scan3A_151 to %scan3A_153 step %scan3A_154  : i32 {
        %mul3A_250 = arith.constant 16 : i32
        %mul3A_251 = arith.muli %scan3A_249, %mul3A_250 : i32
        %get3A = arith.constant 0 : i32
        %get3A_252 = tpu.memref_slice %arg11[%get3A] : memref<4000xi32, #tpu.memory_space<vmem>> -> memref<2000xi32, #tpu.memory_space<vmem>>
        %get3A_253 = arith.index_cast %mul3A_251 : i32 to index
        %get3A_254 = tpu.vector_load %get3A_252[%get3A_253] {strides = array<i32>} : memref<2000xi32, #tpu.memory_space<vmem>>, vector<16xi32>,
        %and3A = arith.constant 31 : i32
        %and3A_255 = vector.broadcast %and3A : i32 to vector<16xi32>
        %and3A_256 = arith.andi %get3A_254, %and3A_255 : vector<16xi32>
        %mul3A_257 = arith.constant 3136 : i32
        %mul3A_258 = vector.broadcast %mul3A_257 : i32 to vector<16xi32>
        %mul3A_259 = arith.muli %and3A_256, %mul3A_258 : vector<16xi32>
        %shift_right_logical3A = arith.constant 5 : i32
        %shift_right_logical3A_260 = vector.broadcast %shift_right_logical3A : i32 to vector<16xi32>
        %shift_right_logical3A_261 = arith.shrui %get3A_254, %shift_right_logical3A_260 : vector<16xi32>
        %add3A_262 = arith.addi %mul3A_259, %shift_right_logical3A_261 : vector<16xi32>
        %swap3A = arith.index_cast %mul3A_251 : i32 to index
        %swap3A_263 = tpu.vector_load %arg12[%swap3A] {strides = array<i32>} : memref<2000xi32, #tpu.memory_space<vmem>>, vector<16xi32>,
        tpu.vector_store %arg12[%swap3A], %add3A_262 {strides = array<i32>} : memref<2000xi32, #tpu.memory_space<vmem>>, vector<16xi32>,
        %gather3A = tpu.vector_load_idx %arg9[%add3A_262] : memref<100352xf32, #tpu.memory_space<vmem>>[vector<16xi32>], vector<16xf32>,
        %get3A_264 = arith.constant 0 : i32
        %get3A_265 = tpu.memref_slice %arg10[%get3A_264] : memref<4000xf32, #tpu.memory_space<vmem>> -> memref<2000xf32, #tpu.memory_space<vmem>>
        %get3A_266 = arith.index_cast %mul3A_251 : i32 to index
        %get3A_267 = tpu.vector_load %get3A_265[%get3A_266] {strides = array<i32>} : memref<2000xf32, #tpu.memory_space<vmem>>, vector<16xf32>,
        %exp3A = math.exp %get3A_267 : vector<16xf32>
        %div3A = arith.divf %exp3A, %gather3A : vector<16xf32>
        %swap3A_268 = arith.constant 0 : i32
        %swap3A_269 = tpu.memref_slice %arg13[%swap3A_268] : memref<4000xf32, #tpu.memory_space<vmem>> -> memref<2000xf32, #tpu.memory_space<vmem>>
        %swap3A_270 = arith.index_cast %mul3A_251 : i32 to index
        %swap3A_271 = tpu.vector_load %swap3A_269[%swap3A_270] {strides = array<i32>} : memref<2000xf32, #tpu.memory_space<vmem>>, vector<16xf32>,
        tpu.vector_store %swap3A_269[%swap3A_270], %div3A {strides = array<i32>} : memref<2000xf32, #tpu.memory_space<vmem>>, vector<16xf32>,
      }
      %scan3A_155 = arith.constant 125 : i32
      %dma_start3A_156 = arith.constant 0 : i32
      %dma_start3A_157 = tpu.memref_slice %arg5[%dma_start3A_156] : memref<100352xi32, #tpu.memory_space<hbm>> -> memref<100352xi32, #tpu.memory_space<hbm>>
      tpu.enqueue_indirect_dma source(%dma_start3A_157 : memref<100352xi32, #tpu.memory_space<hbm>>) target(%arg14 : memref<2000xi32, #tpu.memory_space<vmem>>) offsets(%arg12 : memref<2000xi32, #tpu.memory_space<vmem>>) semaphore(%arg18 : memref<!tpu.dma_semaphore, #tpu.memory_space<semaphore_mem>>)
      %dma_start3A_158 = arith.constant 0 : i32
      %dma_start3A_159 = tpu.memref_slice %arg6[%dma_start3A_158] : memref<100352xi32, #tpu.memory_space<hbm>> -> memref<100352xi32, #tpu.memory_space<hbm>>
      tpu.enqueue_indirect_dma source(%dma_start3A_159 : memref<100352xi32, #tpu.memory_space<hbm>>) target(%arg15 : memref<2000xi32, #tpu.memory_space<vmem>>) offsets(%arg12 : memref<2000xi32, #tpu.memory_space<vmem>>) semaphore(%arg18 : memref<!tpu.dma_semaphore, #tpu.memory_space<semaphore_mem>>)
      %dma_wait3A_160 = arith.constant 0 : i32
      %dma_wait3A_161 = tpu.memref_slice %arg5[%dma_wait3A_160] : memref<100352xi32, #tpu.memory_space<hbm>> -> memref<100352xi32, #tpu.memory_space<hbm>>
      tpu.wait_indirect_dma semaphore(%arg18 : memref<!tpu.dma_semaphore, #tpu.memory_space<semaphore_mem>>) src(%dma_wait3A_161 : memref<100352xi32, #tpu.memory_space<hbm>>) dst(%arg14 : memref<2000xi32, #tpu.memory_space<vmem>>)
      %dma_wait3A_162 = arith.constant 0 : i32
      %dma_wait3A_163 = tpu.memref_slice %arg6[%dma_wait3A_162] : memref<100352xi32, #tpu.memory_space<hbm>> -> memref<100352xi32, #tpu.memory_space<hbm>>
      tpu.wait_indirect_dma semaphore(%arg18 : memref<!tpu.dma_semaphore, #tpu.memory_space<semaphore_mem>>) src(%dma_wait3A_163 : memref<100352xi32, #tpu.memory_space<hbm>>) dst(%arg15 : memref<2000xi32, #tpu.memory_space<vmem>>)
      %scan3A_164 = arith.constant 0 : i32
      %scan3A_165 = arith.constant 0 : i32
      %scan3A_166 = arith.constant 125 : i32
      %scan3A_167 = arith.addi %scan3A_165, %scan3A_166 : i32
      %scan3A_168 = arith.constant 1 : i32
      scf.for %scan3A_249 = %scan3A_165 to %scan3A_167 step %scan3A_168  : i32 {
        %mul3A_250 = arith.constant 16 : i32
        %mul3A_251 = arith.muli %scan3A_249, %mul3A_250 : i32
        %mul3A_252 = arith.constant 16 : i32
        %mul3A_253 = arith.muli %scan3A_249, %mul3A_252 : i32
        %add3A_254 = arith.addi %add3A_125, %mul3A_253 : i32
        %add3A_255 = vector.broadcast %add3A_254 : i32 to vector<16xi32>
        %add3A_256 = arith.addi %add3A_255, %iota3A : vector<16xi32>
        %get3A = arith.index_cast %mul3A_251 : i32 to index
        %get3A_257 = tpu.vector_load %arg14[%get3A] {strides = array<i32>} : memref<2000xi32, #tpu.memory_space<vmem>>, vector<16xi32>,
        %ne3A = arith.cmpi ne, %add3A_256, %get3A_257 : vector<16xi32>
        %get3A_258 = arith.index_cast %mul3A_251 : i32 to index
        %get3A_259 = tpu.vector_load %arg15[%get3A_258] {strides = array<i32>} : memref<2000xi32, #tpu.memory_space<vmem>>, vector<16xi32>,
        %ne3A_260 = arith.cmpi ne, %add3A_256, %get3A_259 : vector<16xi32>
        %and3A = arith.andi %ne3A, %ne3A_260 : vector<16xi1>
        %jit3A = arith.constant 1 : i32
        %jit3A_261 = arith.constant 0 : i32
        %broadcast_in_dim3A = vector.broadcast %jit3A : i32 to vector<16xi32>
        %broadcast_in_dim3A_262 = vector.broadcast %jit3A_261 : i32 to vector<16xi32>
        %select_n3A = arith.select %and3A, %broadcast_in_dim3A, %broadcast_in_dim3A_262 : vector<16xi1>, vector<16xi32>
        %swap3A = arith.constant 0 : i32
        %swap3A_263 = tpu.memref_slice %arg16[%swap3A] : memref<4000xi32, #tpu.memory_space<vmem>> -> memref<2000xi32, #tpu.memory_space<vmem>>
        %swap3A_264 = arith.index_cast %mul3A_251 : i32 to index
        %swap3A_265 = tpu.vector_load %swap3A_263[%swap3A_264] {strides = array<i32>} : memref<2000xi32, #tpu.memory_space<vmem>>, vector<16xi32>,
        tpu.vector_store %swap3A_263[%swap3A_264], %select_n3A {strides = array<i32>} : memref<2000xi32, #tpu.memory_space<vmem>>, vector<16xi32>,
      }
      %scan3A_169 = arith.constant 125 : i32
      %dma_start3A_170 = arith.constant 0 : i32
      %dma_start3A_171 = tpu.memref_slice %arg13[%dma_start3A_170] : memref<4000xf32, #tpu.memory_space<vmem>> -> memref<2000xf32, #tpu.memory_space<vmem>>
      %dma_start3A_172 = tpu.memref_slice %arg7[%add3A_125] : memref<1600000xf32, #tpu.memory_space<hbm>> -> memref<2000xf32, #tpu.memory_space<hbm>>
      %dma_start3A_173 = tpu.memref_slice %arg7[%add3A_125] : memref<1600000xf32, #tpu.memory_space<hbm>> -> memref<2000xf32, #tpu.memory_space<hbm>>
      %dma_start3A_174 = arith.constant 0 : i32
      %dma_start3A_175 = tpu.memref_slice %arg13[%dma_start3A_174] : memref<4000xf32, #tpu.memory_space<vmem>> -> memref<2000xf32, #tpu.memory_space<vmem>>
      tpu.enqueue_dma source(%dma_start3A_175 : memref<2000xf32, #tpu.memory_space<vmem>>) target(%dma_start3A_173 : memref<2000xf32, #tpu.memory_space<hbm>>) target_semaphore(%arg19 : memref<!tpu.dma_semaphore, #tpu.memory_space<semaphore_mem>>)
      %dma_start3A_176 = arith.constant 0 : i32
      %dma_start3A_177 = tpu.memref_slice %arg16[%dma_start3A_176] : memref<4000xi32, #tpu.memory_space<vmem>> -> memref<2000xi32, #tpu.memory_space<vmem>>
      %dma_start3A_178 = tpu.memref_slice %arg8[%add3A_125] : memref<1600000xi32, #tpu.memory_space<hbm>> -> memref<2000xi32, #tpu.memory_space<hbm>>
      %dma_start3A_179 = tpu.memref_slice %arg8[%add3A_125] : memref<1600000xi32, #tpu.memory_space<hbm>> -> memref<2000xi32, #tpu.memory_space<hbm>>
      %dma_start3A_180 = arith.constant 0 : i32
      %dma_start3A_181 = tpu.memref_slice %arg16[%dma_start3A_180] : memref<4000xi32, #tpu.memory_space<vmem>> -> memref<2000xi32, #tpu.memory_space<vmem>>
      tpu.enqueue_dma source(%dma_start3A_181 : memref<2000xi32, #tpu.memory_space<vmem>>) target(%dma_start3A_179 : memref<2000xi32, #tpu.memory_space<hbm>>) target_semaphore(%arg19 : memref<!tpu.dma_semaphore, #tpu.memory_space<semaphore_mem>>)
      %mul3A_182 = arith.constant 2 : i32
      %mul3A_183 = arith.muli %mul3A_182, %scan3A_118 : i32
      %add3A_184 = arith.constant 1 : i32
      %add3A_185 = arith.addi %mul3A_183, %add3A_184 : i32
      %mul3A_186 = arith.constant 2000 : i32
      %mul3A_187 = arith.muli %add3A_185, %mul3A_186 : i32
      %add3A_188 = arith.addi %mul3A_2, %mul3A_187 : i32
      %dma_wait3A_189 = arith.constant 2000 : i32
      %dma_wait3A_190 = tpu.memref_slice %arg10[%dma_wait3A_189] : memref<4000xf32, #tpu.memory_space<vmem>> -> memref<2000xf32, #tpu.memory_space<vmem>>
      %dma_wait3A_191 = arith.constant 0 : i32
      %dma_wait3A_192 = tpu.memref_slice %arg2[%dma_wait3A_191] : memref<1600000xf32, #tpu.memory_space<hbm>> -> memref<2000xf32, #tpu.memory_space<hbm>>
      %dma_wait3A_193 = arith.constant 2000 : i32
      %dma_wait3A_194 = tpu.memref_slice %arg10[%dma_wait3A_193] : memref<4000xf32, #tpu.memory_space<vmem>> -> memref<2000xf32, #tpu.memory_space<vmem>>
      %dma_wait3A_195 = arith.constant 0 : i32
      %dma_wait3A_196 = tpu.memref_slice %arg2[%dma_wait3A_195] : memref<1600000xf32, #tpu.memory_space<hbm>> -> memref<2000xf32, #tpu.memory_space<hbm>>
      tpu.wait_dma2 semaphore(%arg17 : memref<!tpu.dma_semaphore, #tpu.memory_space<semaphore_mem>>) src(%dma_wait3A_196 : memref<2000xf32, #tpu.memory_space<hbm>>) dst(%dma_wait3A_194 : memref<2000xf32, #tpu.memory_space<vmem>>)
      %dma_wait3A_197 = arith.constant 2000 : i32
      %dma_wait3A_198 = tpu.memref_slice %arg11[%dma_wait3A_197] : memref<4000xi32, #tpu.memory_space<vmem>> -> memref<2000xi32, #tpu.memory_space<vmem>>
      %dma_wait3A_199 = arith.constant 0 : i32
      %dma_wait3A_200 = tpu.memref_slice %arg3[%dma_wait3A_199] : memref<1600000xi32, #tpu.memory_space<hbm>> -> memref<2000xi32, #tpu.memory_space<hbm>>
      %dma_wait3A_201 = arith.constant 2000 : i32
      %dma_wait3A_202 = tpu.memref_slice %arg11[%dma_wait3A_201] : memref<4000xi32, #tpu.memory_space<vmem>> -> memref<2000xi32, #tpu.memory_space<vmem>>
      %dma_wait3A_203 = arith.constant 0 : i32
      %dma_wait3A_204 = tpu.memref_slice %arg3[%dma_wait3A_203] : memref<1600000xi32, #tpu.memory_space<hbm>> -> memref<2000xi32, #tpu.memory_space<hbm>>
      tpu.wait_dma2 semaphore(%arg17 : memref<!tpu.dma_semaphore, #tpu.memory_space<semaphore_mem>>) src(%dma_wait3A_204 : memref<2000xi32, #tpu.memory_space<hbm>>) dst(%dma_wait3A_202 : memref<2000xi32, #tpu.memory_space<vmem>>)
      %add3A_205 = arith.constant 1 : i32
      %add3A_206 = arith.addi %add3A_185, %add3A_205 : i32
      %lt3A_207 = arith.constant 25 : i32
      %lt3A_208 = arith.cmpi slt, %add3A_206, %lt3A_207 : i32
      %convert_element_type3A_209 = arith.extui %lt3A_208 : i1 to i32
      %cond3A_210 = arith.constant 0 : i32
      %cond3A_211 = arith.cmpi ne, %convert_element_type3A_209, %cond3A_210 : i32
      scf.if %cond3A_211 {
        %add3A_249 = arith.constant 1 : i32
        %add3A_250 = arith.addi %add3A_185, %add3A_249 : i32
        %mul3A_251 = arith.constant 2000 : i32
        %mul3A_252 = arith.muli %add3A_250, %mul3A_251 : i32
        %add3A_253 = arith.addi %mul3A_2, %mul3A_252 : i32
        %dma_start3A_254 = arith.constant 0 : i32
        %dma_start3A_255 = tpu.memref_slice %arg10[%dma_start3A_254] : memref<4000xf32, #tpu.memory_space<vmem>> -> memref<2000xf32, #tpu.memory_space<vmem>>
        %dma_start3A_256 = tpu.memref_slice %arg2[%add3A_253] : memref<1600000xf32, #tpu.memory_space<hbm>> -> memref<2000xf32, #tpu.memory_space<hbm>>
        %dma_start3A_257 = arith.constant 0 : i32
        %dma_start3A_258 = tpu.memref_slice %arg10[%dma_start3A_257] : memref<4000xf32, #tpu.memory_space<vmem>> -> memref<2000xf32, #tpu.memory_space<vmem>>
        %dma_start3A_259 = tpu.memref_slice %arg2[%add3A_253] : memref<1600000xf32, #tpu.memory_space<hbm>> -> memref<2000xf32, #tpu.memory_space<hbm>>
        tpu.enqueue_dma source(%dma_start3A_259 : memref<2000xf32, #tpu.memory_space<hbm>>) target(%dma_start3A_258 : memref<2000xf32, #tpu.memory_space<vmem>>) target_semaphore(%arg17 : memref<!tpu.dma_semaphore, #tpu.memory_space<semaphore_mem>>)
        %dma_start3A_260 = arith.constant 0 : i32
        %dma_start3A_261 = tpu.memref_slice %arg11[%dma_start3A_260] : memref<4000xi32, #tpu.memory_space<vmem>> -> memref<2000xi32, #tpu.memory_space<vmem>>
        %dma_start3A_262 = tpu.memref_slice %arg3[%add3A_253] : memref<1600000xi32, #tpu.memory_space<hbm>> -> memref<2000xi32, #tpu.memory_space<hbm>>
        %dma_start3A_263 = arith.constant 0 : i32
        %dma_start3A_264 = tpu.memref_slice %arg11[%dma_start3A_263] : memref<4000xi32, #tpu.memory_space<vmem>> -> memref<2000xi32, #tpu.memory_space<vmem>>
        %dma_start3A_265 = tpu.memref_slice %arg3[%add3A_253] : memref<1600000xi32, #tpu.memory_space<hbm>> -> memref<2000xi32, #tpu.memory_space<hbm>>
        tpu.enqueue_dma source(%dma_start3A_265 : memref<2000xi32, #tpu.memory_space<hbm>>) target(%dma_start3A_264 : memref<2000xi32, #tpu.memory_space<vmem>>) target_semaphore(%arg17 : memref<!tpu.dma_semaphore, #tpu.memory_space<semaphore_mem>>)
      } else {
      }
      %ge3A_212 = arith.constant 2 : i32
      %ge3A_213 = arith.cmpi sge, %add3A_185, %ge3A_212 : i32
      %convert_element_type3A_214 = arith.extui %ge3A_213 : i1 to i32
      %cond3A_215 = arith.constant 0 : i32
      %cond3A_216 = arith.cmpi ne, %convert_element_type3A_214, %cond3A_215 : i32
      scf.if %cond3A_216 {
        %dma_wait3A_249 = arith.constant 2000 : i32
        %dma_wait3A_250 = tpu.memref_slice %arg13[%dma_wait3A_249] : memref<4000xf32, #tpu.memory_space<vmem>> -> memref<2000xf32, #tpu.memory_space<vmem>>
        %dma_wait3A_251 = arith.constant 0 : i32
        %dma_wait3A_252 = tpu.memref_slice %arg7[%dma_wait3A_251] : memref<1600000xf32, #tpu.memory_space<hbm>> -> memref<2000xf32, #tpu.memory_space<hbm>>
        %dma_wait3A_253 = arith.constant 0 : i32
        %dma_wait3A_254 = tpu.memref_slice %arg7[%dma_wait3A_253] : memref<1600000xf32, #tpu.memory_space<hbm>> -> memref<2000xf32, #tpu.memory_space<hbm>>
        %dma_wait3A_255 = arith.constant 2000 : i32
        %dma_wait3A_256 = tpu.memref_slice %arg13[%dma_wait3A_255] : memref<4000xf32, #tpu.memory_space<vmem>> -> memref<2000xf32, #tpu.memory_space<vmem>>
        tpu.wait_dma2 semaphore(%arg19 : memref<!tpu.dma_semaphore, #tpu.memory_space<semaphore_mem>>) src(%dma_wait3A_256 : memref<2000xf32, #tpu.memory_space<vmem>>) dst(%dma_wait3A_254 : memref<2000xf32, #tpu.memory_space<hbm>>)
        %dma_wait3A_257 = arith.constant 2000 : i32
        %dma_wait3A_258 = tpu.memref_slice %arg16[%dma_wait3A_257] : memref<4000xi32, #tpu.memory_space<vmem>> -> memref<2000xi32, #tpu.memory_space<vmem>>
        %dma_wait3A_259 = arith.constant 0 : i32
        %dma_wait3A_260 = tpu.memref_slice %arg8[%dma_wait3A_259] : memref<1600000xi32, #tpu.memory_space<hbm>> -> memref<2000xi32, #tpu.memory_space<hbm>>
        %dma_wait3A_261 = arith.constant 0 : i32
        %dma_wait3A_262 = tpu.memref_slice %arg8[%dma_wait3A_261] : memref<1600000xi32, #tpu.memory_space<hbm>> -> memref<2000xi32, #tpu.memory_space<hbm>>
        %dma_wait3A_263 = arith.constant 2000 : i32
        %dma_wait3A_264 = tpu.memref_slice %arg16[%dma_wait3A_263] : memref<4000xi32, #tpu.memory_space<vmem>> -> memref<2000xi32, #tpu.memory_space<vmem>>
        tpu.wait_dma2 semaphore(%arg19 : memref<!tpu.dma_semaphore, #tpu.memory_space<semaphore_mem>>) src(%dma_wait3A_264 : memref<2000xi32, #tpu.memory_space<vmem>>) dst(%dma_wait3A_262 : memref<2000xi32, #tpu.memory_space<hbm>>)
      } else {
      }
      %scan3A_217 = arith.constant 0 : i32
      %scan3A_218 = arith.constant 0 : i32
      %scan3A_219 = arith.constant 125 : i32
      %scan3A_220 = arith.addi %scan3A_218, %scan3A_219 : i32
      %scan3A_221 = arith.constant 1 : i32
      scf.for %scan3A_249 = %scan3A_218 to %scan3A_220 step %scan3A_221  : i32 {
        %mul3A_250 = arith.constant 16 : i32
        %mul3A_251 = arith.muli %scan3A_249, %mul3A_250 : i32
        %get3A = arith.constant 2000 : i32
        %get3A_252 = tpu.memref_slice %arg11[%get3A] : memref<4000xi32, #tpu.memory_space<vmem>> -> memref<2000xi32, #tpu.memory_space<vmem>>
        %get3A_253 = arith.index_cast %mul3A_251 : i32 to index
        %get3A_254 = tpu.vector_load %get3A_252[%get3A_253] {strides = array<i32>} : memref<2000xi32, #tpu.memory_space<vmem>>, vector<16xi32>,
        %and3A = arith.constant 31 : i32
        %and3A_255 = vector.broadcast %and3A : i32 to vector<16xi32>
        %and3A_256 = arith.andi %get3A_254, %and3A_255 : vector<16xi32>
        %mul3A_257 = arith.constant 3136 : i32
        %mul3A_258 = vector.broadcast %mul3A_257 : i32 to vector<16xi32>
        %mul3A_259 = arith.muli %and3A_256, %mul3A_258 : vector<16xi32>
        %shift_right_logical3A = arith.constant 5 : i32
        %shift_right_logical3A_260 = vector.broadcast %shift_right_logical3A : i32 to vector<16xi32>
        %shift_right_logical3A_261 = arith.shrui %get3A_254, %shift_right_logical3A_260 : vector<16xi32>
        %add3A_262 = arith.addi %mul3A_259, %shift_right_logical3A_261 : vector<16xi32>
        %swap3A = arith.index_cast %mul3A_251 : i32 to index
        %swap3A_263 = tpu.vector_load %arg12[%swap3A] {strides = array<i32>} : memref<2000xi32, #tpu.memory_space<vmem>>, vector<16xi32>,
        tpu.vector_store %arg12[%swap3A], %add3A_262 {strides = array<i32>} : memref<2000xi32, #tpu.memory_space<vmem>>, vector<16xi32>,
        %gather3A = tpu.vector_load_idx %arg9[%add3A_262] : memref<100352xf32, #tpu.memory_space<vmem>>[vector<16xi32>], vector<16xf32>,
        %get3A_264 = arith.constant 2000 : i32
        %get3A_265 = tpu.memref_slice %arg10[%get3A_264] : memref<4000xf32, #tpu.memory_space<vmem>> -> memref<2000xf32, #tpu.memory_space<vmem>>
        %get3A_266 = arith.index_cast %mul3A_251 : i32 to index
        %get3A_267 = tpu.vector_load %get3A_265[%get3A_266] {strides = array<i32>} : memref<2000xf32, #tpu.memory_space<vmem>>, vector<16xf32>,
        %exp3A = math.exp %get3A_267 : vector<16xf32>
        %div3A = arith.divf %exp3A, %gather3A : vector<16xf32>
        %swap3A_268 = arith.constant 2000 : i32
        %swap3A_269 = tpu.memref_slice %arg13[%swap3A_268] : memref<4000xf32, #tpu.memory_space<vmem>> -> memref<2000xf32, #tpu.memory_space<vmem>>
        %swap3A_270 = arith.index_cast %mul3A_251 : i32 to index
        %swap3A_271 = tpu.vector_load %swap3A_269[%swap3A_270] {strides = array<i32>} : memref<2000xf32, #tpu.memory_space<vmem>>, vector<16xf32>,
        tpu.vector_store %swap3A_269[%swap3A_270], %div3A {strides = array<i32>} : memref<2000xf32, #tpu.memory_space<vmem>>, vector<16xf32>,
      }
      %scan3A_222 = arith.constant 125 : i32
      %dma_start3A_223 = arith.constant 0 : i32
      %dma_start3A_224 = tpu.memref_slice %arg5[%dma_start3A_223] : memref<100352xi32, #tpu.memory_space<hbm>> -> memref<100352xi32, #tpu.memory_space<hbm>>
      tpu.enqueue_indirect_dma source(%dma_start3A_224 : memref<100352xi32, #tpu.memory_space<hbm>>) target(%arg14 : memref<2000xi32, #tpu.memory_space<vmem>>) offsets(%arg12 : memref<2000xi32, #tpu.memory_space<vmem>>) semaphore(%arg18 : memref<!tpu.dma_semaphore, #tpu.memory_space<semaphore_mem>>)
      %dma_start3A_225 = arith.constant 0 : i32
      %dma_start3A_226 = tpu.memref_slice %arg6[%dma_start3A_225] : memref<100352xi32, #tpu.memory_space<hbm>> -> memref<100352xi32, #tpu.memory_space<hbm>>
      tpu.enqueue_indirect_dma source(%dma_start3A_226 : memref<100352xi32, #tpu.memory_space<hbm>>) target(%arg15 : memref<2000xi32, #tpu.memory_space<vmem>>) offsets(%arg12 : memref<2000xi32, #tpu.memory_space<vmem>>) semaphore(%arg18 : memref<!tpu.dma_semaphore, #tpu.memory_space<semaphore_mem>>)
      %dma_wait3A_227 = arith.constant 0 : i32
      %dma_wait3A_228 = tpu.memref_slice %arg5[%dma_wait3A_227] : memref<100352xi32, #tpu.memory_space<hbm>> -> memref<100352xi32, #tpu.memory_space<hbm>>
      tpu.wait_indirect_dma semaphore(%arg18 : memref<!tpu.dma_semaphore, #tpu.memory_space<semaphore_mem>>) src(%dma_wait3A_228 : memref<100352xi32, #tpu.memory_space<hbm>>) dst(%arg14 : memref<2000xi32, #tpu.memory_space<vmem>>)
      %dma_wait3A_229 = arith.constant 0 : i32
      %dma_wait3A_230 = tpu.memref_slice %arg6[%dma_wait3A_229] : memref<100352xi32, #tpu.memory_space<hbm>> -> memref<100352xi32, #tpu.memory_space<hbm>>
      tpu.wait_indirect_dma semaphore(%arg18 : memref<!tpu.dma_semaphore, #tpu.memory_space<semaphore_mem>>) src(%dma_wait3A_230 : memref<100352xi32, #tpu.memory_space<hbm>>) dst(%arg15 : memref<2000xi32, #tpu.memory_space<vmem>>)
      %scan3A_231 = arith.constant 0 : i32
      %scan3A_232 = arith.constant 0 : i32
      %scan3A_233 = arith.constant 125 : i32
      %scan3A_234 = arith.addi %scan3A_232, %scan3A_233 : i32
      %scan3A_235 = arith.constant 1 : i32
      scf.for %scan3A_249 = %scan3A_232 to %scan3A_234 step %scan3A_235  : i32 {
        %mul3A_250 = arith.constant 16 : i32
        %mul3A_251 = arith.muli %scan3A_249, %mul3A_250 : i32
        %mul3A_252 = arith.constant 16 : i32
        %mul3A_253 = arith.muli %scan3A_249, %mul3A_252 : i32
        %add3A_254 = arith.addi %add3A_188, %mul3A_253 : i32
        %add3A_255 = vector.broadcast %add3A_254 : i32 to vector<16xi32>
        %add3A_256 = arith.addi %add3A_255, %iota3A : vector<16xi32>
        %get3A = arith.index_cast %mul3A_251 : i32 to index
        %get3A_257 = tpu.vector_load %arg14[%get3A] {strides = array<i32>} : memref<2000xi32, #tpu.memory_space<vmem>>, vector<16xi32>,
        %ne3A = arith.cmpi ne, %add3A_256, %get3A_257 : vector<16xi32>
        %get3A_258 = arith.index_cast %mul3A_251 : i32 to index
        %get3A_259 = tpu.vector_load %arg15[%get3A_258] {strides = array<i32>} : memref<2000xi32, #tpu.memory_space<vmem>>, vector<16xi32>,
        %ne3A_260 = arith.cmpi ne, %add3A_256, %get3A_259 : vector<16xi32>
        %and3A = arith.andi %ne3A, %ne3A_260 : vector<16xi1>
        %jit3A = arith.constant 1 : i32
        %jit3A_261 = arith.constant 0 : i32
        %broadcast_in_dim3A = vector.broadcast %jit3A : i32 to vector<16xi32>
        %broadcast_in_dim3A_262 = vector.broadcast %jit3A_261 : i32 to vector<16xi32>
        %select_n3A = arith.select %and3A, %broadcast_in_dim3A, %broadcast_in_dim3A_262 : vector<16xi1>, vector<16xi32>
        %swap3A = arith.constant 2000 : i32
        %swap3A_263 = tpu.memref_slice %arg16[%swap3A] : memref<4000xi32, #tpu.memory_space<vmem>> -> memref<2000xi32, #tpu.memory_space<vmem>>
        %swap3A_264 = arith.index_cast %mul3A_251 : i32 to index
        %swap3A_265 = tpu.vector_load %swap3A_263[%swap3A_264] {strides = array<i32>} : memref<2000xi32, #tpu.memory_space<vmem>>, vector<16xi32>,
        tpu.vector_store %swap3A_263[%swap3A_264], %select_n3A {strides = array<i32>} : memref<2000xi32, #tpu.memory_space<vmem>>, vector<16xi32>,
      }
      %scan3A_236 = arith.constant 125 : i32
      %dma_start3A_237 = arith.constant 2000 : i32
      %dma_start3A_238 = tpu.memref_slice %arg13[%dma_start3A_237] : memref<4000xf32, #tpu.memory_space<vmem>> -> memref<2000xf32, #tpu.memory_space<vmem>>
      %dma_start3A_239 = tpu.memref_slice %arg7[%add3A_188] : memref<1600000xf32, #tpu.memory_space<hbm>> -> memref<2000xf32, #tpu.memory_space<hbm>>
      %dma_start3A_240 = tpu.memref_slice %arg7[%add3A_188] : memref<1600000xf32, #tpu.memory_space<hbm>> -> memref<2000xf32, #tpu.memory_space<hbm>>
      %dma_start3A_241 = arith.constant 2000 : i32
      %dma_start3A_242 = tpu.memref_slice %arg13[%dma_start3A_241] : memref<4000xf32, #tpu.memory_space<vmem>> -> memref<2000xf32, #tpu.memory_space<vmem>>
      tpu.enqueue_dma source(%dma_start3A_242 : memref<2000xf32, #tpu.memory_space<vmem>>) target(%dma_start3A_240 : memref<2000xf32, #tpu.memory_space<hbm>>) target_semaphore(%arg19 : memref<!tpu.dma_semaphore, #tpu.memory_space<semaphore_mem>>)
      %dma_start3A_243 = arith.constant 2000 : i32
      %dma_start3A_244 = tpu.memref_slice %arg16[%dma_start3A_243] : memref<4000xi32, #tpu.memory_space<vmem>> -> memref<2000xi32, #tpu.memory_space<vmem>>
      %dma_start3A_245 = tpu.memref_slice %arg8[%add3A_188] : memref<1600000xi32, #tpu.memory_space<hbm>> -> memref<2000xi32, #tpu.memory_space<hbm>>
      %dma_start3A_246 = tpu.memref_slice %arg8[%add3A_188] : memref<1600000xi32, #tpu.memory_space<hbm>> -> memref<2000xi32, #tpu.memory_space<hbm>>
      %dma_start3A_247 = arith.constant 2000 : i32
      %dma_start3A_248 = tpu.memref_slice %arg16[%dma_start3A_247] : memref<4000xi32, #tpu.memory_space<vmem>> -> memref<2000xi32, #tpu.memory_space<vmem>>
      tpu.enqueue_dma source(%dma_start3A_248 : memref<2000xi32, #tpu.memory_space<vmem>>) target(%dma_start3A_246 : memref<2000xi32, #tpu.memory_space<hbm>>) target_semaphore(%arg19 : memref<!tpu.dma_semaphore, #tpu.memory_space<semaphore_mem>>)
    }
    %scan3A_20 = arith.constant 12 : i32
    %add3A_21 = arith.constant 48000 : i32
    %add3A_22 = arith.addi %mul3A_2, %add3A_21 : i32
    %dma_wait3A = arith.constant 0 : i32
    %dma_wait3A_23 = tpu.memref_slice %arg10[%dma_wait3A] : memref<4000xf32, #tpu.memory_space<vmem>> -> memref<2000xf32, #tpu.memory_space<vmem>>
    %dma_wait3A_24 = arith.constant 0 : i32
    %dma_wait3A_25 = tpu.memref_slice %arg2[%dma_wait3A_24] : memref<1600000xf32, #tpu.memory_space<hbm>> -> memref<2000xf32, #tpu.memory_space<hbm>>
    %dma_wait3A_26 = arith.constant 0 : i32
    %dma_wait3A_27 = tpu.memref_slice %arg10[%dma_wait3A_26] : memref<4000xf32, #tpu.memory_space<vmem>> -> memref<2000xf32, #tpu.memory_space<vmem>>
    %dma_wait3A_28 = arith.constant 0 : i32
    %dma_wait3A_29 = tpu.memref_slice %arg2[%dma_wait3A_28] : memref<1600000xf32, #tpu.memory_space<hbm>> -> memref<2000xf32, #tpu.memory_space<hbm>>
    tpu.wait_dma2 semaphore(%arg17 : memref<!tpu.dma_semaphore, #tpu.memory_space<semaphore_mem>>) src(%dma_wait3A_29 : memref<2000xf32, #tpu.memory_space<hbm>>) dst(%dma_wait3A_27 : memref<2000xf32, #tpu.memory_space<vmem>>)
    %dma_wait3A_30 = arith.constant 0 : i32
    %dma_wait3A_31 = tpu.memref_slice %arg11[%dma_wait3A_30] : memref<4000xi32, #tpu.memory_space<vmem>> -> memref<2000xi32, #tpu.memory_space<vmem>>
    %dma_wait3A_32 = arith.constant 0 : i32
    %dma_wait3A_33 = tpu.memref_slice %arg3[%dma_wait3A_32] : memref<1600000xi32, #tpu.memory_space<hbm>> -> memref<2000xi32, #tpu.memory_space<hbm>>
    %dma_wait3A_34 = arith.constant 0 : i32
    %dma_wait3A_35 = tpu.memref_slice %arg11[%dma_wait3A_34] : memref<4000xi32, #tpu.memory_space<vmem>> -> memref<2000xi32, #tpu.memory_space<vmem>>
    %dma_wait3A_36 = arith.constant 0 : i32
    %dma_wait3A_37 = tpu.memref_slice %arg3[%dma_wait3A_36] : memref<1600000xi32, #tpu.memory_space<hbm>> -> memref<2000xi32, #tpu.memory_space<hbm>>
    tpu.wait_dma2 semaphore(%arg17 : memref<!tpu.dma_semaphore, #tpu.memory_space<semaphore_mem>>) src(%dma_wait3A_37 : memref<2000xi32, #tpu.memory_space<hbm>>) dst(%dma_wait3A_35 : memref<2000xi32, #tpu.memory_space<vmem>>)
    %dma_wait3A_38 = arith.constant 0 : i32
    %dma_wait3A_39 = tpu.memref_slice %arg13[%dma_wait3A_38] : memref<4000xf32, #tpu.memory_space<vmem>> -> memref<2000xf32, #tpu.memory_space<vmem>>
    %dma_wait3A_40 = arith.constant 0 : i32
    %dma_wait3A_41 = tpu.memref_slice %arg7[%dma_wait3A_40] : memref<1600000xf32, #tpu.memory_space<hbm>> -> memref<2000xf32, #tpu.memory_space<hbm>>
    %dma_wait3A_42 = arith.constant 0 : i32
    %dma_wait3A_43 = tpu.memref_slice %arg7[%dma_wait3A_42] : memref<1600000xf32, #tpu.memory_space<hbm>> -> memref<2000xf32, #tpu.memory_space<hbm>>
    %dma_wait3A_44 = arith.constant 0 : i32
    %dma_wait3A_45 = tpu.memref_slice %arg13[%dma_wait3A_44] : memref<4000xf32, #tpu.memory_space<vmem>> -> memref<2000xf32, #tpu.memory_space<vmem>>
    tpu.wait_dma2 semaphore(%arg19 : memref<!tpu.dma_semaphore, #tpu.memory_space<semaphore_mem>>) src(%dma_wait3A_45 : memref<2000xf32, #tpu.memory_space<vmem>>) dst(%dma_wait3A_43 : memref<2000xf32, #tpu.memory_space<hbm>>)
    %dma_wait3A_46 = arith.constant 0 : i32
    %dma_wait3A_47 = tpu.memref_slice %arg16[%dma_wait3A_46] : memref<4000xi32, #tpu.memory_space<vmem>> -> memref<2000xi32, #tpu.memory_space<vmem>>
    %dma_wait3A_48 = arith.constant 0 : i32
    %dma_wait3A_49 = tpu.memref_slice %arg8[%dma_wait3A_48] : memref<1600000xi32, #tpu.memory_space<hbm>> -> memref<2000xi32, #tpu.memory_space<hbm>>
    %dma_wait3A_50 = arith.constant 0 : i32
    %dma_wait3A_51 = tpu.memref_slice %arg8[%dma_wait3A_50] : memref<1600000xi32, #tpu.memory_space<hbm>> -> memref<2000xi32, #tpu.memory_space<hbm>>
    %dma_wait3A_52 = arith.constant 0 : i32
    %dma_wait3A_53 = tpu.memref_slice %arg16[%dma_wait3A_52] : memref<4000xi32, #tpu.memory_space<vmem>> -> memref<2000xi32, #tpu.memory_space<vmem>>
    tpu.wait_dma2 semaphore(%arg19 : memref<!tpu.dma_semaphore, #tpu.memory_space<semaphore_mem>>) src(%dma_wait3A_53 : memref<2000xi32, #tpu.memory_space<vmem>>) dst(%dma_wait3A_51 : memref<2000xi32, #tpu.memory_space<hbm>>)
    %scan3A_54 = arith.constant 0 : i32
    %scan3A_55 = arith.constant 0 : i32
    %scan3A_56 = arith.constant 125 : i32
    %scan3A_57 = arith.addi %scan3A_55, %scan3A_56 : i32
    %scan3A_58 = arith.constant 1 : i32
    scf.for %scan3A_118 = %scan3A_55 to %scan3A_57 step %scan3A_58  : i32 {
      %mul3A_119 = arith.constant 16 : i32
      %mul3A_120 = arith.muli %scan3A_118, %mul3A_119 : i32
      %get3A = arith.constant 0 : i32
      %get3A_121 = tpu.memref_slice %arg11[%get3A] : memref<4000xi32, #tpu.memory_space<vmem>> -> memref<2000xi32, #tpu.memory_space<vmem>>
      %get3A_122 = arith.index_cast %mul3A_120 : i32 to index
      %get3A_123 = tpu.vector_load %get3A_121[%get3A_122] {strides = array<i32>} : memref<2000xi32, #tpu.memory_space<vmem>>, vector<16xi32>,
      %and3A = arith.constant 31 : i32
      %and3A_124 = vector.broadcast %and3A : i32 to vector<16xi32>
      %and3A_125 = arith.andi %get3A_123, %and3A_124 : vector<16xi32>
      %mul3A_126 = arith.constant 3136 : i32
      %mul3A_127 = vector.broadcast %mul3A_126 : i32 to vector<16xi32>
      %mul3A_128 = arith.muli %and3A_125, %mul3A_127 : vector<16xi32>
      %shift_right_logical3A = arith.constant 5 : i32
      %shift_right_logical3A_129 = vector.broadcast %shift_right_logical3A : i32 to vector<16xi32>
      %shift_right_logical3A_130 = arith.shrui %get3A_123, %shift_right_logical3A_129 : vector<16xi32>
      %add3A_131 = arith.addi %mul3A_128, %shift_right_logical3A_130 : vector<16xi32>
      %swap3A = arith.index_cast %mul3A_120 : i32 to index
      %swap3A_132 = tpu.vector_load %arg12[%swap3A] {strides = array<i32>} : memref<2000xi32, #tpu.memory_space<vmem>>, vector<16xi32>,
      tpu.vector_store %arg12[%swap3A], %add3A_131 {strides = array<i32>} : memref<2000xi32, #tpu.memory_space<vmem>>, vector<16xi32>,
      %gather3A = tpu.vector_load_idx %arg9[%add3A_131] : memref<100352xf32, #tpu.memory_space<vmem>>[vector<16xi32>], vector<16xf32>,
      %get3A_133 = arith.constant 0 : i32
      %get3A_134 = tpu.memref_slice %arg10[%get3A_133] : memref<4000xf32, #tpu.memory_space<vmem>> -> memref<2000xf32, #tpu.memory_space<vmem>>
      %get3A_135 = arith.index_cast %mul3A_120 : i32 to index
      %get3A_136 = tpu.vector_load %get3A_134[%get3A_135] {strides = array<i32>} : memref<2000xf32, #tpu.memory_space<vmem>>, vector<16xf32>,
      %exp3A = math.exp %get3A_136 : vector<16xf32>
      %div3A = arith.divf %exp3A, %gather3A : vector<16xf32>
      %swap3A_137 = arith.constant 0 : i32
      %swap3A_138 = tpu.memref_slice %arg13[%swap3A_137] : memref<4000xf32, #tpu.memory_space<vmem>> -> memref<2000xf32, #tpu.memory_space<vmem>>
      %swap3A_139 = arith.index_cast %mul3A_120 : i32 to index
      %swap3A_140 = tpu.vector_load %swap3A_138[%swap3A_139] {strides = array<i32>} : memref<2000xf32, #tpu.memory_space<vmem>>, vector<16xf32>,
      tpu.vector_store %swap3A_138[%swap3A_139], %div3A {strides = array<i32>} : memref<2000xf32, #tpu.memory_space<vmem>>, vector<16xf32>,
    }
    %scan3A_59 = arith.constant 125 : i32
    %dma_start3A_60 = arith.constant 0 : i32
    %dma_start3A_61 = tpu.memref_slice %arg5[%dma_start3A_60] : memref<100352xi32, #tpu.memory_space<hbm>> -> memref<100352xi32, #tpu.memory_space<hbm>>
    tpu.enqueue_indirect_dma source(%dma_start3A_61 : memref<100352xi32, #tpu.memory_space<hbm>>) target(%arg14 : memref<2000xi32, #tpu.memory_space<vmem>>) offsets(%arg12 : memref<2000xi32, #tpu.memory_space<vmem>>) semaphore(%arg18 : memref<!tpu.dma_semaphore, #tpu.memory_space<semaphore_mem>>)
    %dma_start3A_62 = arith.constant 0 : i32
    %dma_start3A_63 = tpu.memref_slice %arg6[%dma_start3A_62] : memref<100352xi32, #tpu.memory_space<hbm>> -> memref<100352xi32, #tpu.memory_space<hbm>>
    tpu.enqueue_indirect_dma source(%dma_start3A_63 : memref<100352xi32, #tpu.memory_space<hbm>>) target(%arg15 : memref<2000xi32, #tpu.memory_space<vmem>>) offsets(%arg12 : memref<2000xi32, #tpu.memory_space<vmem>>) semaphore(%arg18 : memref<!tpu.dma_semaphore, #tpu.memory_space<semaphore_mem>>)
    %dma_wait3A_64 = arith.constant 0 : i32
    %dma_wait3A_65 = tpu.memref_slice %arg5[%dma_wait3A_64] : memref<100352xi32, #tpu.memory_space<hbm>> -> memref<100352xi32, #tpu.memory_space<hbm>>
    tpu.wait_indirect_dma semaphore(%arg18 : memref<!tpu.dma_semaphore, #tpu.memory_space<semaphore_mem>>) src(%dma_wait3A_65 : memref<100352xi32, #tpu.memory_space<hbm>>) dst(%arg14 : memref<2000xi32, #tpu.memory_space<vmem>>)
    %dma_wait3A_66 = arith.constant 0 : i32
    %dma_wait3A_67 = tpu.memref_slice %arg6[%dma_wait3A_66] : memref<100352xi32, #tpu.memory_space<hbm>> -> memref<100352xi32, #tpu.memory_space<hbm>>
    tpu.wait_indirect_dma semaphore(%arg18 : memref<!tpu.dma_semaphore, #tpu.memory_space<semaphore_mem>>) src(%dma_wait3A_67 : memref<100352xi32, #tpu.memory_space<hbm>>) dst(%arg15 : memref<2000xi32, #tpu.memory_space<vmem>>)
    %scan3A_68 = arith.constant 0 : i32
    %scan3A_69 = arith.constant 0 : i32
    %scan3A_70 = arith.constant 125 : i32
    %scan3A_71 = arith.addi %scan3A_69, %scan3A_70 : i32
    %scan3A_72 = arith.constant 1 : i32
    scf.for %scan3A_118 = %scan3A_69 to %scan3A_71 step %scan3A_72  : i32 {
      %mul3A_119 = arith.constant 16 : i32
      %mul3A_120 = arith.muli %scan3A_118, %mul3A_119 : i32
      %mul3A_121 = arith.constant 16 : i32
      %mul3A_122 = arith.muli %scan3A_118, %mul3A_121 : i32
      %add3A_123 = arith.addi %add3A_22, %mul3A_122 : i32
      %add3A_124 = vector.broadcast %add3A_123 : i32 to vector<16xi32>
      %add3A_125 = arith.addi %add3A_124, %iota3A : vector<16xi32>
      %get3A = arith.index_cast %mul3A_120 : i32 to index
      %get3A_126 = tpu.vector_load %arg14[%get3A] {strides = array<i32>} : memref<2000xi32, #tpu.memory_space<vmem>>, vector<16xi32>,
      %ne3A = arith.cmpi ne, %add3A_125, %get3A_126 : vector<16xi32>
      %get3A_127 = arith.index_cast %mul3A_120 : i32 to index
      %get3A_128 = tpu.vector_load %arg15[%get3A_127] {strides = array<i32>} : memref<2000xi32, #tpu.memory_space<vmem>>, vector<16xi32>,
      %ne3A_129 = arith.cmpi ne, %add3A_125, %get3A_128 : vector<16xi32>
      %and3A = arith.andi %ne3A, %ne3A_129 : vector<16xi1>
      %jit3A = arith.constant 1 : i32
      %jit3A_130 = arith.constant 0 : i32
      %broadcast_in_dim3A = vector.broadcast %jit3A : i32 to vector<16xi32>
      %broadcast_in_dim3A_131 = vector.broadcast %jit3A_130 : i32 to vector<16xi32>
      %select_n3A = arith.select %and3A, %broadcast_in_dim3A, %broadcast_in_dim3A_131 : vector<16xi1>, vector<16xi32>
      %swap3A = arith.constant 0 : i32
      %swap3A_132 = tpu.memref_slice %arg16[%swap3A] : memref<4000xi32, #tpu.memory_space<vmem>> -> memref<2000xi32, #tpu.memory_space<vmem>>
      %swap3A_133 = arith.index_cast %mul3A_120 : i32 to index
      %swap3A_134 = tpu.vector_load %swap3A_132[%swap3A_133] {strides = array<i32>} : memref<2000xi32, #tpu.memory_space<vmem>>, vector<16xi32>,
      tpu.vector_store %swap3A_132[%swap3A_133], %select_n3A {strides = array<i32>} : memref<2000xi32, #tpu.memory_space<vmem>>, vector<16xi32>,
    }
    %scan3A_73 = arith.constant 125 : i32
    %dma_start3A_74 = arith.constant 0 : i32
    %dma_start3A_75 = tpu.memref_slice %arg13[%dma_start3A_74] : memref<4000xf32, #tpu.memory_space<vmem>> -> memref<2000xf32, #tpu.memory_space<vmem>>
    %dma_start3A_76 = tpu.memref_slice %arg7[%add3A_22] : memref<1600000xf32, #tpu.memory_space<hbm>> -> memref<2000xf32, #tpu.memory_space<hbm>>
    %dma_start3A_77 = tpu.memref_slice %arg7[%add3A_22] : memref<1600000xf32, #tpu.memory_space<hbm>> -> memref<2000xf32, #tpu.memory_space<hbm>>
    %dma_start3A_78 = arith.constant 0 : i32
    %dma_start3A_79 = tpu.memref_slice %arg13[%dma_start3A_78] : memref<4000xf32, #tpu.memory_space<vmem>> -> memref<2000xf32, #tpu.memory_space<vmem>>
    tpu.enqueue_dma source(%dma_start3A_79 : memref<2000xf32, #tpu.memory_space<vmem>>) target(%dma_start3A_77 : memref<2000xf32, #tpu.memory_space<hbm>>) target_semaphore(%arg19 : memref<!tpu.dma_semaphore, #tpu.memory_space<semaphore_mem>>)
    %dma_start3A_80 = arith.constant 0 : i32
    %dma_start3A_81 = tpu.memref_slice %arg16[%dma_start3A_80] : memref<4000xi32, #tpu.memory_space<vmem>> -> memref<2000xi32, #tpu.memory_space<vmem>>
    %dma_start3A_82 = tpu.memref_slice %arg8[%add3A_22] : memref<1600000xi32, #tpu.memory_space<hbm>> -> memref<2000xi32, #tpu.memory_space<hbm>>
    %dma_start3A_83 = tpu.memref_slice %arg8[%add3A_22] : memref<1600000xi32, #tpu.memory_space<hbm>> -> memref<2000xi32, #tpu.memory_space<hbm>>
    %dma_start3A_84 = arith.constant 0 : i32
    %dma_start3A_85 = tpu.memref_slice %arg16[%dma_start3A_84] : memref<4000xi32, #tpu.memory_space<vmem>> -> memref<2000xi32, #tpu.memory_space<vmem>>
    tpu.enqueue_dma source(%dma_start3A_85 : memref<2000xi32, #tpu.memory_space<vmem>>) target(%dma_start3A_83 : memref<2000xi32, #tpu.memory_space<hbm>>) target_semaphore(%arg19 : memref<!tpu.dma_semaphore, #tpu.memory_space<semaphore_mem>>)
    %dma_wait3A_86 = arith.constant 0 : i32
    %dma_wait3A_87 = tpu.memref_slice %arg13[%dma_wait3A_86] : memref<4000xf32, #tpu.memory_space<vmem>> -> memref<2000xf32, #tpu.memory_space<vmem>>
    %dma_wait3A_88 = arith.constant 0 : i32
    %dma_wait3A_89 = tpu.memref_slice %arg7[%dma_wait3A_88] : memref<1600000xf32, #tpu.memory_space<hbm>> -> memref<2000xf32, #tpu.memory_space<hbm>>
    %dma_wait3A_90 = arith.constant 0 : i32
    %dma_wait3A_91 = tpu.memref_slice %arg7[%dma_wait3A_90] : memref<1600000xf32, #tpu.memory_space<hbm>> -> memref<2000xf32, #tpu.memory_space<hbm>>
    %dma_wait3A_92 = arith.constant 0 : i32
    %dma_wait3A_93 = tpu.memref_slice %arg13[%dma_wait3A_92] : memref<4000xf32, #tpu.memory_space<vmem>> -> memref<2000xf32, #tpu.memory_space<vmem>>
    tpu.wait_dma2 semaphore(%arg19 : memref<!tpu.dma_semaphore, #tpu.memory_space<semaphore_mem>>) src(%dma_wait3A_93 : memref<2000xf32, #tpu.memory_space<vmem>>) dst(%dma_wait3A_91 : memref<2000xf32, #tpu.memory_space<hbm>>)
    %dma_wait3A_94 = arith.constant 0 : i32
    %dma_wait3A_95 = tpu.memref_slice %arg13[%dma_wait3A_94] : memref<4000xf32, #tpu.memory_space<vmem>> -> memref<2000xf32, #tpu.memory_space<vmem>>
    %dma_wait3A_96 = arith.constant 0 : i32
    %dma_wait3A_97 = tpu.memref_slice %arg7[%dma_wait3A_96] : memref<1600000xf32, #tpu.memory_space<hbm>> -> memref<2000xf32, #tpu.memory_space<hbm>>
    %dma_wait3A_98 = arith.constant 0 : i32
    %dma_wait3A_99 = tpu.memref_slice %arg7[%dma_wait3A_98] : memref<1600000xf32, #tpu.memory_space<hbm>> -> memref<2000xf32, #tpu.memory_space<hbm>>
    %dma_wait3A_100 = arith.constant 0 : i32
    %dma_wait3A_101 = tpu.memref_slice %arg13[%dma_wait3A_100] : memref<4000xf32, #tpu.memory_space<vmem>> -> memref<2000xf32, #tpu.memory_space<vmem>>
    tpu.wait_dma2 semaphore(%arg19 : memref<!tpu.dma_semaphore, #tpu.memory_space<semaphore_mem>>) src(%dma_wait3A_101 : memref<2000xf32, #tpu.memory_space<vmem>>) dst(%dma_wait3A_99 : memref<2000xf32, #tpu.memory_space<hbm>>)
    %dma_wait3A_102 = arith.constant 0 : i32
    %dma_wait3A_103 = tpu.memref_slice %arg13[%dma_wait3A_102] : memref<4000xf32, #tpu.memory_space<vmem>> -> memref<2000xf32, #tpu.memory_space<vmem>>
    %dma_wait3A_104 = arith.constant 0 : i32
    %dma_wait3A_105 = tpu.memref_slice %arg7[%dma_wait3A_104] : memref<1600000xf32, #tpu.memory_space<hbm>> -> memref<2000xf32, #tpu.memory_space<hbm>>
    %dma_wait3A_106 = arith.constant 0 : i32
    %dma_wait3A_107 = tpu.memref_slice %arg7[%dma_wait3A_106] : memref<1600000xf32, #tpu.memory_space<hbm>> -> memref<2000xf32, #tpu.memory_space<hbm>>
    %dma_wait3A_108 = arith.constant 0 : i32
    %dma_wait3A_109 = tpu.memref_slice %arg13[%dma_wait3A_108] : memref<4000xf32, #tpu.memory_space<vmem>> -> memref<2000xf32, #tpu.memory_space<vmem>>
    tpu.wait_dma2 semaphore(%arg19 : memref<!tpu.dma_semaphore, #tpu.memory_space<semaphore_mem>>) src(%dma_wait3A_109 : memref<2000xf32, #tpu.memory_space<vmem>>) dst(%dma_wait3A_107 : memref<2000xf32, #tpu.memory_space<hbm>>)
    %dma_wait3A_110 = arith.constant 0 : i32
    %dma_wait3A_111 = tpu.memref_slice %arg13[%dma_wait3A_110] : memref<4000xf32, #tpu.memory_space<vmem>> -> memref<2000xf32, #tpu.memory_space<vmem>>
    %dma_wait3A_112 = arith.constant 0 : i32
    %dma_wait3A_113 = tpu.memref_slice %arg7[%dma_wait3A_112] : memref<1600000xf32, #tpu.memory_space<hbm>> -> memref<2000xf32, #tpu.memory_space<hbm>>
    %dma_wait3A_114 = arith.constant 0 : i32
    %dma_wait3A_115 = tpu.memref_slice %arg7[%dma_wait3A_114] : memref<1600000xf32, #tpu.memory_space<hbm>> -> memref<2000xf32, #tpu.memory_space<hbm>>
    %dma_wait3A_116 = arith.constant 0 : i32
    %dma_wait3A_117 = tpu.memref_slice %arg13[%dma_wait3A_116] : memref<4000xf32, #tpu.memory_space<vmem>> -> memref<2000xf32, #tpu.memory_space<vmem>>
    tpu.wait_dma2 semaphore(%arg19 : memref<!tpu.dma_semaphore, #tpu.memory_space<semaphore_mem>>) src(%dma_wait3A_117 : memref<2000xf32, #tpu.memory_space<vmem>>) dst(%dma_wait3A_115 : memref<2000xf32, #tpu.memory_space<hbm>>)
    return
  }
}

</mosaic_0001>

<sc_bundles>
// kernel: kernel.4.cloned.1.call-start
scs
__scs_entry_jumppad:
0x0: {  	(pc) =	sbr.rel $0x88, $3  }
0x1: {  	(tag) =	ssettag $0x0;
	lr =	simm.s32 $0x1  }
0x2: {  	[smem:$0x3F9F] =	sst lr;
	_ =	strace $0xD0000000  }
0x3: {  	_ = 	snop  }
0x4: {  	_ = 	snop  }
0x5: {  	_ = 	snop  }
0x6: {  	_ = 	snop  }
0x7: {  	_ = 	snop  }
__scs_overlays_trampoline_lowered:
0x8: {  	[smem:$0x3FAE] =	sst s0  }
0x9: {  	[smem:$0x3FAF] =	sst s1  }
0xa: {  	[smem:$0x3FB0] =	sst s2  }
0xb: {  	[smem:$0x3FB1] =	sst s3  }
0xc: {  	[smem:$0x3FB2] =	sst s4  }
0xd: {  	[smem:$0x3FB3] =	sst s5  }
0xe: {  	[smem:$0x3FB4] =	sst s6  }
0xf: {  	[smem:$0x3FB5] =	sst s7  }
0x10: {  	[smem:$0x3FB6] =	sst s8  }
0x11: {  	[smem:$0x3FB7] =	sst s9;
	s0 =	simm.s32 @!p0 $0x0  }
0x12: {  	s1 =	sld [smem:$0x3F9D];
	s0 =	simm.s32 @p0 $0x1  }
0x13: {  	[smem:$0x3FB8] =	sst s0;
	s0 =	simm.s32 @!p1 $0x0  }
0x14: {  	s2 =	sld [smem:$0x3F9C];
	s0 =	simm.s32 @p1 $0x1  }
0x15: {  	[smem:$0x3FB9] =	sst s0;
	s0 =	simm.s32 @!p2 $0x0  }
0x16: {  	s3 =	sld [smem:$0x3FDB];
	s0 =	simm.s32 @p2 $0x1  }
0x17: {  	s4 =	simm.s32 $0x1BF5;
	[smem:$0x3FBB] =	sst s0  }
0x18: {  	s0 =	sld [smem:$0x3F9E];
	_ =	swait.ge [sflag:s4], $0x0  }
0x19: {  	s7 =	sld [smem:$0x3F9F]  }
0x1a: {  	s8 =	sadd.s32 $0xFFFFE003, lr  }
0x1b: {  	s9 =	sadd.s32 $0xFFFFFEF7, lr;
	s5 =	simm.s32 $0xFFFFFFFF;
	p2 =	slt.u32 s8, $0xFFFFF086  }
0x1c: {  	p1 =	slt.u32 s9, $0xF7A;
	s5 =	simm.s32 @!p2 $0x0  }
0x1d: {  	s5 =	simm.s32 @p1 $0x1;
	p0 =	seq.s32 s7, s2  }
0x1e: {  	s7 =	smul.u32 @!p0 $0xF7A, s2;
	p2 =	seq.s32 @!p0 s5, $0x0  }
0x1f: {  	s9 =	smul.u32 $0xF7A, s1;
	s8 =	simm.s32 @!p0 $0x1BF5;
	p2 =	por !p2, p0  }
0x20: {  	[sflag:s8] =	ssyncset.s32 @!p0 $0xFFFFF086;
	s6 =	sadd.s32 @!p0 s3, s7;
	s7 =	simm.s32 @!p0 $0x108  }
0x21: {  	s3 =	sadd.s32 s3, s9;
	s6 =	sadd.s32 @!p0 $0x88, s6;
	s7 =	simm.s32 @p2 $0x1082  }
0x22: {  	[simem:s7], [sflag:s8] =	dma.local @!p0 [hbm:s6], $0xF7A  }
0x23: {  	s9 =	sor.u32 $0xD0000000, s2;
	s6 =	simm.s32 $0x108;
	_ =	swait.ge @!p0 [sflag:s8], $0x0  }
0x24: {  	s3 =	sadd.s32 $0x88, s3;
	s6 =	simm.s32 @!p1 $0x1082;
	[sflag:s4] =	ssyncset.s32 $0xFFFFF086  }
0x25: {  	[simem:s6], [sflag:s4] =	dma.local [hbm:s3], $0xF7A  }
0x26: {  	[smem:$0x3F9F] =	sst s1;
	(tag) =	ssettag s2;
	_ =	strace s9  }
0x27: {  	s1 =	sld [smem:$0x3FAF]  }
0x28: {  	s2 =	sld [smem:$0x3FB0]  }
0x29: {  	s4 =	sld [smem:$0x3FB2]  }
0x2a: {  	p0 =	seq.s32 s5, $0x0;
	s5 =	sld [smem:$0x3FB3]  }
0x2b: {  	s6 =	sld [smem:$0x3FB4]  }
0x2c: {  	s7 =	sld [smem:$0x3FB5]  }
0x2d: {  	s3 =	simm.s32 $0x108;
	s8 =	sld [smem:$0x3FB6]  }
0x2e: {  	s3 =	simm.s32 @!p0 $0x1082;
	s9 =	sld [smem:$0x3FB7]  }
0x2f: {  	lr =	sadd.s32 s0, s3;
	s0 =	sld [smem:$0x3FAE]  }
0x30: {  	s3 =	sld [smem:$0x3FB1]  }
0x31: {  	[smem:$0x3FBA] =	sst s10  }
0x32: {  	s10 =	sld [smem:$0x3FB8];
	_ =	sdelay $0x3  }
0x33: {  	p0 =	seq.s32 s10, $0x1;
	s10 =	sld [smem:$0x3FBA];
	_ =	sdelay $0x3  }
0x34: {  	[smem:$0x3FBA] =	sst s10  }
0x35: {  	s10 =	sld [smem:$0x3FB9];
	_ =	sdelay $0x3  }
0x36: {  	p1 =	seq.s32 s10, $0x1;
	s10 =	sld [smem:$0x3FBA];
	_ =	sdelay $0x3  }
0x37: {  	[smem:$0x3FBA] =	sst s10  }
0x38: {  	s10 =	sld [smem:$0x3FBB]  }
0x39: {  	_ = 	snop;
	(pc) =	sbr.ind lr, $3  }
0x3a: {  	_ = 	snop  }
0x3b: {  	_ = 	snop  }
0x3c: {  	p2 =	seq.s32 s10, $0x1;
	s10 =	sld [smem:$0x3FBA]  }
0x3d: {  	_ =	shalt  }
0x3e: {  	_ =	shalt  }
0x3f: {  	_ =	shalt  }
0x40: {  	_ =	shalt  }
0x41: {  	_ =	shalt  }
0x42: {  	_ =	shalt  }
0x43: {  	_ =	shalt  }
0x44: {  	_ =	shalt  }
0x45: {  	_ =	shalt  }
0x46: {  	_ =	shalt  }
0x47: {  	_ =	shalt  }
0x48: {  	_ =	shalt  }
0x49: {  	_ =	shalt  }
0x4a: {  	_ =	shalt  }
0x4b: {  	_ =	shalt  }
0x4c: {  	_ =	shalt  }
0x4d: {  	_ =	shalt  }
0x4e: {  	_ =	shalt  }
0x4f: {  	_ =	shalt  }
0x50: {  	_ =	shalt  }
0x51: {  	_ =	shalt  }
0x52: {  	_ =	shalt  }
0x53: {  	_ =	shalt  }
0x54: {  	_ =	shalt  }
0x55: {  	_ =	shalt  }
0x56: {  	_ =	shalt  }
0x57: {  	_ =	shalt  }
0x58: {  	_ =	shalt  }
0x59: {  	_ =	shalt  }
0x5a: {  	_ =	shalt  }
0x5b: {  	_ =	shalt  }
0x5c: {  	_ =	shalt  }
0x5d: {  	_ =	shalt  }
0x5e: {  	_ =	shalt  }
0x5f: {  	_ =	shalt  }
0x60: {  	_ =	shalt  }
0x61: {  	_ =	shalt  }
0x62: {  	_ =	shalt  }
0x63: {  	_ =	shalt  }
0x64: {  	_ =	shalt  }
0x65: {  	_ =	shalt  }
0x66: {  	_ =	shalt  }
0x67: {  	_ =	shalt  }
0x68: {  	_ =	shalt  }
0x69: {  	_ =	shalt  }
0x6a: {  	_ =	shalt  }
0x6b: {  	_ =	shalt  }
0x6c: {  	_ =	shalt  }
0x6d: {  	_ =	shalt  }
0x6e: {  	_ =	shalt  }
0x6f: {  	_ =	shalt  }
0x70: {  	_ =	shalt  }
0x71: {  	_ =	shalt  }
0x72: {  	_ =	shalt  }
0x73: {  	_ =	shalt  }
0x74: {  	_ =	shalt  }
0x75: {  	_ =	shalt  }
0x76: {  	_ =	shalt  }
0x77: {  	_ =	shalt  }
0x78: {  	_ =	shalt  }
0x79: {  	_ =	shalt  }
0x7a: {  	_ =	shalt  }
0x7b: {  	_ =	shalt  }
0x7c: {  	_ =	shalt  }
0x7d: {  	_ =	shalt  }
0x7e: {  	_ =	shalt  }
0x7f: {  	_ =	shalt  }
0x80: {  	_ =	shalt  }
0x81: {  	_ =	shalt  }
0x82: {  	_ =	shalt  }
0x83: {  	_ =	shalt  }
0x84: {  	_ =	shalt  }
0x85: {  	_ =	shalt  }
0x86: {  	_ =	shalt  }
0x87: {  	_ =	shalt  }
.Lfunc_end0:
.L_simem_size_0:
called_computation_lowered:
.L_overlay_start_0:
0x88: {  	s2 =	sld [smem:$0x3FD9]  }
0x89: {  	s3 =	sld [smem:$0x3FFE];
	_ =	sdelay $0x1  }
0x8a: {  	s1 =	srdreg.scid  }
0x8b: {  	s0 =	sand.u32 $0x1, s1  }
0x8c: {  	s14 =	sshll.u32 s0, $0xA;
	s2 =	sadd.s32 s3, s2  }
0x8d: {  	s2 =	sadd.s32 s2, s14  }
0x8e: {  	[smem:$0x3FC6] =	sst s2  }
0x8f: {  	_ = 	snop  }
0x90: {  	s2 =	sld [smem:$0x3FD0];
	_ =	sdelay $0x2  }
0x91: {  	s4 =	simm.s32 $0xA;
	s5 =	simm.s32 $0x10;
	s15 =	sld [smem:$0x3FC9]  }
0x92: {  	[smem:s5], [sflag:s4] =	dma.local [hbm:s2], $0x1  }
0x93: {  	_ =	swait.eq [sflag:s4], $0x1  }
0x94: {  	[sflag:s4] =	ssyncset.done $0x0  }
0x95: {  	[sflag:s4] =	ssyncadd.s32 $0xFFFFFFFF  }
0x96: {  	s16 =	sld [smem:$0x10];
	(tm) =	ssettm $0x1  }
0x97: {  	s17 =	sld [smem:$0x3FFB];
	_ =	sdelay $0x3  }
0x98: {  	_ =	strace s17  }
0x99: {  	s4 =	sld [smem:$0x3FFC];
	_ =	sdelay $0x3  }
0x9a: {  	_ =	strace s4  }
0x9b: {  	s4 =	sld [smem:$0x3FFD];
	_ =	sdelay $0x3  }
0x9c: {  	_ =	strace s4  }
0x9d: {  	_ =	strace $0x8FFFFFFF  }
0x9e: {  	s18 =	sld [smem:$0x3FDB];
	_ =	sdelay $0x1  }
0x9f: {  	s19 =	simm.s32 $_scs_section_size  }
0xa0: {  	s6 =	simm.s32 $_size__tile_overlayer_lowered;
	s7 =	simm.s32 $_tile_overlayer_lowered  }
0xa1: {  	s22 =	simm.s32 $0x1BFF;
	s21 =	sshll.u32 s7, $0x1;
	s4 =	sadd.s32 s19, s18  }
0xa2: {  	s8 =	simm.s32 $0x0;
	s20 =	sshll.u32 s6, $0x1;
	s6 =	sadd.s32 s21, s4  }
0xa3: {  	[timem:s8], [sflag:s22] =	dma.local [hbm:s6], s20  }
0xa4: {  	_ =	swait.ge [sflag:s22], s20  }
0xa5: {  	s5 =	ssub.s32 $0x0, s20;
	[sflag:s22] =	ssyncset.done $0x0  }
0xa6: {  	[sflag:s22] =	ssyncadd.s32 s5;
	_ =	sdelay $0x1  }
0xa7: {  	s23 =	simm.s32 $0x1B8B  }
0xa8: {  	_ =	swait.ge [sflag:s23], $0x1  }
0xa9: {  	[sflag:s23] =	ssyncset.done $0x0  }
0xaa: {  	s25 =	simm.s32 $0x1B8E;
	s24 =	sld [smem:$0x3FFE];
	[sflag:s23] =	ssyncadd.s32 $0xFFFFFFFF  }
0xab: {  	s26 =	simm.s32 $execute0_lowered;
	[smem:$0x3FD2] =	sst s25  }
0xac: {  	s6 =	sshll.u32 s26, $0x1;
	_ =	strace $0x80000046;
	[dreg:$0x1] =	wrdreg $0xFFFFFFFF  }
0xad: {  	s28 =	simm.s32 $_size_execute0_lowered;
	s4 =	sadd.s32 s4, s6;
	[dreg:$0x0] =	wrdreg $0x0  }
0xae: {  	s6 =	sshll.u32 s28, $0x1;
	[dreg:$0x2] =	wrdreg s4  }
0xaf: {  	[dreg:$0x3] =	wrdreg s6  }
0xb0: {  	[dreg:$0x4] =	wrdreg $0xC0  }
0xb1: {  	_ =	task [dreg:s8], $0x5FFFF  }
0xb2: {  	[dreg:$0x1] =	wrdreg $0xFFFFFFFF  }
0xb3: {  	[dreg:$0x0] =	wrdreg $0x60  }
0xb4: {  	[dreg:$0x2] =	wrdreg s15  }
0xb5: {  	[dreg:$0x3] =	wrdreg s24  }
0xb6: {  	[dreg:$0x4] =	wrdreg s16  }
0xb7: {  	[dreg:$0x5] =	wrdreg $0xB3800  }
0xb8: {  	[dreg:$0x6] =	wrdreg $0xCB800  }
0xb9: {  	[dreg:$0x7] =	wrdreg $0x9  }
0xba: {  	_ =	task.clear_ibuf [dreg:s8], $0x8FFFF;
	_ =	strace $0x90000046  }
0xbb: {  	s29 =	simm.s32 $0x9;
	_ =	strace $0x80000048  }
0xbc: {  	_ =	swait.ge [sflag:s29], $0x1  }
0xbd: {  	[sflag:s29] =	ssyncadd.s32 $0xFFFFFFFF  }
0xbe: {  	_ =	strace $0x90000048  }
0xbf: {  	_ =	sfence  }
0xc0: {  	s30 =	sld [smem:$0x0];
	_ =	sdelay $0x2  }
0xc1: {  	s31 =	sshll.u32 s1, $0xD;
	s1 =	sshrl.u32 s1, $0x2  }
0xc2: {  	s3 =	sand.u32 $0x4000, s31;
	s1 =	sadd.s32 s1, s30  }
0xc3: {  	s0 =	sor.u32 s3, s0;
	s1 =	sshll.u32 s1, $0x11  }
0xc4: {  	s0 =	sor.u32 s1, s0  }
0xc5: {  	s0 =	sadd.s32 $0x8F2B, s0  }
0xc6: {  	[sflag:s0] =	ssyncadd.remote.s32 $0x1  }
0xc7: {  	_ =	sfence.sel $0xFFFF  }
0xc8: {  	[dreg:$0x0] =	wrdreg $0xFFFFFFFF;
	(pc) =	sbr.abs _section_cstart, $3  }
0xc9: {  	[dreg:$0x1] =	wrdreg $0xFFFFFFFF  }
0xca: {  	_ =	task.clear_ibuf [dreg:s8], $0x2FFFF;
	_ =	strace $0x9FFFFFFF  }
0xcb: {  	(tm) =	ssettm $0x7FFFFFFF  }
tec
execute0_lowered:
.L_overlay_start_1:
0x0: {  	(tag) =	ssettag $0x1  }
0x1: {  	s20 =	rddreg [dreg:$0x0]  }
0x2: {  	s2 =	rddreg [dreg:$0x1]  }
0x3: {  	s3 =	rddreg [dreg:$0x2];
	s1 =	srdreg.scid  }
0x4: {  	s0 =	stileid.u32;
	s4 =	rddreg [dreg:$0x3]  }
0x5: {  	s10 =	rddreg [dreg:$0x4];
	s6 =	simm.s32 $0x0;
	s1 =	sand.u32 $0x1, s1  }
0x6: {  	s5 =	sshll.u32 s0, $0x1;
	[smem:$0x7FF] =	sst s6;
	s11 =	smul.u32 $0x186A0, s0  }
0x7: {  	s21 =	smul.u32 $0x600, s0;
	s12 =	sadd.s32 $0xC00, s2;
	s17 =	sshll.u32 s0, $0x4  }
0x8: {  	s5 =	sor.u32 s1, s5;
	_ =	strace $0x80000047;
	s7 =	ssub.s32 $0x2, s1  }
0x9: {  	[dreg:$0x7] =	wrdreg s12;
	s19 =	sadd.s32 s17, s10;
	s10 =	simm.s32 $0x3  }
0xa: {  	v1 =	vmov s1;
	s1 =	simm.s32 $0x9E00;
	s5 =	smul.u32 $0x188, s5;
	[dreg:$0x14] =	wrdreg s19  }
0xb: {  	s9 =	sshrl.u32 s11, $0x3;
	s24 =	sadd.s32 $0x7D0, s11;
	[dreg:$0x6] =	wrdreg s11  }
0xc: {  	s6 =	sshrl.u32 s21, $0x2;
	s22 =	sadd.s32 s20, s9;
	[dreg:$0xa] =	wrdreg s24  }
0xd: {  	s13 =	sadd.s32 s6, s4;
	s23 =	sadd.s32 s12, s9;
	[dreg:$0x8] =	wrdreg s22  }
0xe: {  	s8 =	sshrl.u32 s7, $0x1;
	[dreg:$0x9] =	wrdreg s23;
	s25 =	sadd.s32 $0x1800, s13  }
0xf: {  	s7 =	ssub.s32 s7, s8;
	s26 =	sadd.s32 $0x3000, s13;
	[dreg:$0xb] =	wrdreg s25  }
0x10: {  	s9 =	smul.u32 $0x6000, s0;
	s8 =	sadd.s32 $0x4800, s13;
	[dreg:$0xc] =	wrdreg s26  }
0x11: {  	s2 =	sadd.s32 s5, s2;
	s12 =	sadd.s32 $0x6000, s13;
	[dreg:$0xd] =	wrdreg s8  }
0x12: {  	s14 =	sadd.s32 $0x7800, s13;
	s15 =	sadd.s32 $0x9000, s13;
	[dreg:$0xe] =	wrdreg s12  }
0x13: {  	s16 =	sadd.s32 $0xA800, s13;
	s18 =	sadd.s32 $0xC000, s13;
	[dreg:$0xf] =	wrdreg s14  }
0x14: {  	s3 =	sadd.s32 s3, s5;
	s22 =	smax.u32 s7, $0x1;
	[dreg:$0x10] =	wrdreg s15  }
0x15: {  	s23 =	sadd.s32 $0xD800, s13;
	s24 =	sadd.s32 $0xF000, s13;
	[dreg:$0x11] =	wrdreg s16  }
0x16: {  	s28 =	sadd.s32 $0x10800, s13;
	s29 =	sadd.s32 $0x12000, s13;
	[dreg:$0x13] =	wrdreg s18  }
0x17: {  	s30 =	sadd.s32 $0x13800, s13;
	s31 =	sadd.s32 $0x15000, s13;
	[dreg:$0x15] =	wrdreg s3  }
0x18: {  	v0 =	vimm.f32 $1.000000020e+30;
	s7 =	simm.s32 $0x9180;
	s5 =	simm.s32 $0x5300;
	[dreg:$0x18] =	wrdreg s22  }
0x19: {  	v2 =	vimm.s32 $0x65432100;
	v3 =	vimm.s32 $0xEDCBA987;
	s6 =	sshrl.u32 s9, $0x2;
	s21 =	sadd.s32 $0x31A00, s2;
	[dreg:$0x19] =	wrdreg s23  }
0x1a: {  	v4 =	vimm.s32 $0xFFEDCBA9;
	vm0 =	vcmask $0x3F3C;
	v5 =	vunpack.c.l.s4.s8 v3;
	s2 =	sadd.s32 $0x34C00, s2;
	[dreg:$0x1a] =	wrdreg s24;
	s26 =	smov.u32 s13  }
0x1b: {  	v10 =	vimm.f32 $1.000000000e+00;
	v3 =	vimm.s32 $0x87654321;
	v6 =	vunpack.c.l.s4.s8 v2;
	s25 =	sadd.s32 $0xFA0, s11;
	s9 =	simm.s32 $0x1;
	s23 =	simm.s32 $0x5180  }
0x1c: {  	v4 =	vunpack.c.l.s4.s8 v4;
	v7 =	vunpack.c.l.s4.s8 v3;
	v8 =	vunpack.c.0.s8.s32 v5;
	s24 =	simm.s32 $0x2000;
	s22 =	simm.s32 $0x5200;
	s3 =	simm.s32 $0x8500  }
0x1d: {  	v2 =	vimm.s32 $0x186A00;
	v3 =	vimm.f32 $0.0e+00;
	v6 =	vunpack.c.0.s8.s32 v6;
	s11 =	simm.s32 $0x6C00;
	s12 =	simm.s32 $0x7880;
	[dreg:$0x16] =	wrdreg s21  }
0x1e: {  	v9 =	vunpack.c.0.s8.s32 v4;
	v7 =	vunpack.c.0.s8.s32 v7;
	v8 =	vand.u32 $0xF, v8;
	s4 =	sadd.s32 s6, s4;
	[dreg:$0x17] =	wrdreg s2;
	s2 =	sadd.s32 $0x16800, s13  }
0x1f: {  	v4 =	vimm.s32 $0x0;
	v5 =	vlaneseq.u32;
	v6 =	vcombine.low v6, v8;
	[dreg:$0x1b] =	wrdreg s25;
	s21 =	simm.s32 $0x3980;
	s6 =	simm.s32 $0x5F80  }
0x20: {  	v7 =	vcombine.low v7, v9;
	v8 =	vor.u32 $0x80000000, v5;
	v9 =	vadd.s32 $0x1, v5;
	s13 =	simm.s32 $0x0;
	[dreg:$0x12] =	wrdreg s4;
	s4 =	simm.s32 $0x2  }
.LBB2_1:
0x21: {  	s8 =	simm.s32 $0x0  }
0x22: {  	[tilespmem:s8+$0x9180] =	vst v4  }
0x23: {  	[tilespmem:s8+$0x5300] =	vst v0  }
0x24: {  	[tilespmem:s8+$0x6C00] =	vst v0  }
0x25: {  	[tilespmem:s8+$0x5F80] =	vst v2  }
0x26: {  	[dreg:$0x1c] =	wrdreg s13;
	s13 =	simm.s32 $0x40;
	[tilespmem:s8+$0x7880] =	vst v2  }
.LBB2_2:
0x27: {  	p0 =	sne.s32 s13, $0x30C0;
	[tilespmem:s8+$0x8500] =	vst v3;
	s8 =	sshra.s32 s13, $0x2;
	s13 =	sadd.s32 $0x40, s13  }
.Ltmp0:
0x28: {  	[tilespmem:s8+$0x9180] =	vst v4;
	(pc) =	sbr.rel @p0 .LBB2_2-.Ltmp0, $4  }
0x29: {  	[tilespmem:s8+$0x5300] =	vst v0  }
0x2a: {  	[tilespmem:s8+$0x6C00] =	vst v0  }
0x2b: {  	[tilespmem:s8+$0x5F80] =	vst v2  }
0x2c: {  	[tilespmem:s8+$0x7880] =	vst v2  }
0x2d: {  	[tilespmem:s8+$0x8500] =	vst v3;
	s8 =	simm.s32 $0x40;
	s13 =	simm.s32 $0x0  }
.LBB2_4:
0x2e: {  	p0 =	sne.s32 s8, $0x65C0;
	[tilespmem:s13+$0x2000] =	vst v4;
	s13 =	smov.u32 s8;
	s8 =	sadd.s32 $0x40, s8  }
.Ltmp1:
0x2f: {  	(pc) =	sbr.rel @p0 .LBB2_4-.Ltmp1, $2  }
0x30: {  	_ =	sdelay $0x2  }
0x31: {  	s13 =	sshra.s32 s13, $0x2  }
0x32: {  	s8 =	rddreg [dreg:$0x8]  }
.Ltmp2:
0x33: {  	s19 =	rddreg [dreg:$0x9];
	(pc) =	sbr.rel .LBB2_6-.Ltmp2, $4  }
0x34: {  	[tilespmem:s13+$0x2000] =	vst v4;
	s14 =	simm.s32 $0x0;
	s13 =	rddreg [dreg:$0xa]  }
0x35: {  	[tilespmem:s14], [sflag:$0x1] =	stream.linear.gather [hbm4b:s8+s14], $0x7D0, $0x38;
	[tilespmem:$0xCB90] =	vst v63  }
0x36: {  	s25 =	simm.s32 $0x1000;
	s16 =	rddreg [dreg:$0x6];
	s15 =	simm.s32 $0x0  }
0x37: {  	[tilespmem:s25], [sflag:$0x1] =	stream.linear.gather [hbm4b:s19+s14], $0x7D0, $0x38;
	[tilespmem:$0xCB90] =	vst v63  }
.LBB2_34:
0x38: {  	s15 =	sadd.s32 $0x1, s15  }
0x39: {  	p0 =	sne.s32 s15, $0x19  }
.Ltmp3:
0x3a: {  	_ = 	snop;
	(pc) =	sbr.rel @!p0 .LBB2_35-.Ltmp3, $3  }
0x3b: {  	_ =	sdelay $0x1  }
0x3c: {  	[bflag:$0x0] =	sbarrier.arrive $0xFFFF  }
0x3d: {  	s16 =	sadd.s32 $0xFA0, s16;
	s13 =	sadd.s32 $0xFA0, s13  }
.LBB2_6:
0x3e: {  	_ =	swait.ge [sflag:s9], $0x7D0  }
0x3f: {  	[sflag:s9] =	ssyncset.done $0x0  }
0x40: {  	[sflag:s9] =	ssyncadd.s32 $0xFFFFF830  }
0x41: {  	s8 =	smul.u32 $0xFA0, s15;
	_ =	swait.ge [sflag:s9], $0x7D0  }
0x42: {  	s14 =	rddreg [dreg:$0xa]  }
0x43: {  	s25 =	smov.u32 s20;
	s18 =	simm.s32 $0x7D0;
	s14 =	sadd.s32 s8, s14  }
0x44: {  	s19 =	simm.s32 $0x0;
	[sflag:s9] =	ssyncset.done $0x0;
	s14 =	sshrl.u32 s14, $0x3  }
0x45: {  	[sflag:s9] =	ssyncadd.s32 $0xFFFFF830;
	s17 =	sadd.s32 s20, s14;
	s20 =	rddreg [dreg:$0x7]  }
0x46: {  	[tilespmem:s18], [sflag:$0x1] =	stream.linear.gather [hbm4b:s17+s19], $0x7D0, $0x38;
	[tilespmem:$0xCB90] =	vst v63  }
0x47: {  	s14 =	sadd.s32 s20, s14;
	s18 =	simm.s32 $0x17D0  }
0x48: {  	[tilespmem:s18], [sflag:$0x1] =	stream.linear.gather [hbm4b:s14+s19], $0x7D0, $0x38;
	[tilespmem:$0xCB90] =	vst v63  }
0x49: {  	[tilespmem:$0x5180] =	vst v4  }
0x4a: {  	s20 =	simm.s32 $0x0;
	[tilespmem:$0x5190] =	vst v4  }
0x4b: {  	v11 =	vld [tilespmem:s20+$0x1000];
	_ =	sdelay $0x4  }
0x4c: {  	v12 =	vshrl.u32 v11, $0x1  }
0x4d: {  	v13 =	vand.u32 $0x1, v11;
	v12 =	vand.u32 $0xF, v12  }
0x4e: {  	vm1 =	veq.s32 v13, v1;
	v12 =	vor.u32 $0x80000000, v12  }
0x4f: {  	v12 =	vnsel vm1, $0x80000010, v12  }
0x50: {  	(xrf1) =	vsort.ascd.msk.u32 $0xffff, v12, v5;
	_ =	sdelay $0xd  }
0x51: {  	v12, v13, _ =	vpop (xrf1)  }
0x52: {  	v14 =	vxor.u32 $0x80000000, v12  }
0x53: {  	v15 =	vperm.xlane v14, v6;
	_ =	sdelay $0x1  }
0x54: {  	vm1 =	veq.s32 v14, v15  }
0x55: {  	v15 =	vsel vm1, $0x80000000, v8  }
0x56: {  	(xrf0) =	vmax.scan.msk.u32 $0xffff, v15;
	_ =	sdelay $0x1  }
0x57: {  	v15 =	vperm.xlane v14, v7  }
0x58: {  	v16 =	vld.idx.msk [tilespmem:v14+s23+$0x0], $0xffff;
	_ =	sdelay $0x1  }
0x59: {  	vm1 =	vne.s32 v14, v15  }
0x5a: {  	vm1 =	vmor vm1, vm0;
	v15, _, _ =	vpop (xrf0)  }
0x5b: {  	v15 =	vxor.u32 $0x80000000, v15  }
0x5c: {  	v15 =	vsub.s32 v16, v15  }
0x5d: {  	v16 =	vadd.s32 v9, v15  }
0x5e: {  	v15 =	vadd.s32 v5, v15;
	vm2 =	vlt.s32 v16, $0x80  }
0x5f: {  	vm3 =	vlt.s32 v15, $0x7F;
	v16 =	vnsel vm2, $0x80, v16  }
0x60: {  	v12 =	vshll.u32 v12, $0x7;
	v15 =	vnsel vm3, $0x7F, v15;
	[tilespmem:v14+s23+$0x0] =	vst.idx.msk vm1, v16  }
0x61: {  	v12 =	vadd.s32 v12, v15;
	v14 =	vld [tilespmem:s20+$0x0]  }
0x62: {  	v12 =	vmul.u32 $0x3, v12;
	_ =	sdelay $0x1  }
0x63: {  	v11 =	vperm.xlane v11, v13;
	v15 =	vadd.s32 $0x1, v12;
	_ =	sdelay $0x1  }
0x64: {  	v63 =	vshrl.u32 v11, $0x5;
	v11 =	vadd.s32 $0x2, v12;
	v14 =	vperm.xlane v14, v13;
	_ =	sdelay $0x1  }
0x65: {  	[tilespmem:v12+s24+$0x0] =	vst.idx.msk $0xffff, v14  }
0x66: {  	s17 =	simm.s32 $0x40;
	s14 =	smov.u32 s16;
	s20 =	simm.s32 $0x80;
	v12 =	vadd.s32 s16, v13;
	[tilespmem:v15+s24+$0x0] =	vst.idx.msk $0xffff, v63  }
.LBB2_7:
0x67: {  	s19 =	sshra.s32 s17, $0x2  }
0x68: {  	[tilespmem:v11+s24+$0x0] =	vst.idx.msk $0xffff, v12;
	s14 =	sadd.s32 $0x10, s14;
	s17 =	smov.u32 s20;
	s18 =	sadd.s32 $0x40, s20  }
0x69: {  	p0 =	sne.s32 s20, $0x1F00;
	v11 =	vld [tilespmem:s19+$0x1000];
	_ =	sdelay $0x4  }
0x6a: {  	v12 =	vand.u32 $0x1, v11;
	v13 =	vshrl.u32 v11, $0x1  }
0x6b: {  	v13 =	vand.u32 $0xF, v13  }
0x6c: {  	vm1 =	veq.s32 v12, v1;
	v12 =	vor.u32 $0x80000000, v13  }
0x6d: {  	v12 =	vnsel vm1, $0x80000010, v12  }
0x6e: {  	(xrf1) =	vsort.ascd.msk.u32 $0xffff, v12, v5;
	_ =	sdelay $0xd  }
0x6f: {  	v12, v13, _ =	vpop (xrf1)  }
0x70: {  	v14 =	vxor.u32 $0x80000000, v12;
	v15 =	vperm.xlane v11, v13  }
0x71: {  	v11 =	vperm.xlane v14, v6;
	v16 =	vperm.xlane v14, v7;
	_ =	sdelay $0x1  }
0x72: {  	vm1 =	veq.s32 v14, v11;
	vm2 =	vne.s32 v14, v16  }
0x73: {  	v11 =	vsel vm1, $0x80000000, v8  }
0x74: {  	(xrf0) =	vmax.scan.msk.u32 $0xffff, v11;
	_ =	sdelay $0x1  }
0x75: {  	v11 =	vld.idx.msk [tilespmem:v14+s23+$0x0], $0xffff;
	_ =	sdelay $0x3  }
0x76: {  	vm1 =	vmor vm2, vm0;
	v16, _, _ =	vpop (xrf0)  }
0x77: {  	v16 =	vxor.u32 $0x80000000, v16  }
0x78: {  	v11 =	vsub.s32 v11, v16  }
0x79: {  	v16 =	vadd.s32 v5, v11;
	v11 =	vadd.s32 v9, v11  }
0x7a: {  	vm2 =	vlt.s32 v16, $0x7F;
	vm3 =	vlt.s32 v11, $0x80  }
0x7b: {  	v12 =	vshll.u32 v12, $0x7;
	v16 =	vnsel vm2, $0x7F, v16;
	v11 =	vnsel vm3, $0x80, v11  }
0x7c: {  	[tilespmem:v14+s23+$0x0] =	vst.idx.msk vm1, v11;
	v11 =	vadd.s32 v12, v16  }
0x7d: {  	v12 =	vld [tilespmem:s19+$0x0]  }
0x7e: {  	v14 =	vmul.u32 $0x3, v11;
	_ =	sdelay $0x1  }
0x7f: {  	v16 =	vadd.s32 $0x1, v14  }
.Ltmp4:
0x80: {  	v11 =	vadd.s32 $0x2, v14;
	(pc) =	sbr.rel @p0 .LBB2_7-.Ltmp4, $3  }
0x81: {  	v12 =	vperm.xlane v12, v13;
	_ =	sdelay $0x1  }
0x82: {  	v15 =	vshrl.u32 v15, $0x5;
	[tilespmem:v14+s24+$0x0] =	vst.idx.msk $0xffff, v12  }
0x83: {  	s20 =	smov.u32 s18;
	v12 =	vadd.s32 s14, v13;
	[tilespmem:v16+s24+$0x0] =	vst.idx.msk $0xffff, v15  }
0x84: {  	_ =	sdelay $0x3  }
0x85: {  	s17 =	sshra.s32 s17, $0x2;
	[tilespmem:v11+s24+$0x0] =	vst.idx.msk $0xffff, v12  }
0x86: {  	v11 =	vld [tilespmem:s17+$0x1000];
	_ =	sdelay $0x4  }
0x87: {  	v57 =	vshrl.u32 v11, $0x1  }
0x88: {  	v13 =	vand.u32 $0x1, v11;
	v12 =	vand.u32 $0xF, v57  }
0x89: {  	vm1 =	veq.s32 v13, v1;
	v12 =	vor.u32 $0x80000000, v12  }
0x8a: {  	v12 =	vnsel vm1, $0x80000010, v12  }
0x8b: {  	(xrf1) =	vsort.ascd.msk.u32 $0xffff, v12, v5;
	_ =	sdelay $0xd  }
0x8c: {  	v12, v58, _ =	vpop (xrf1)  }
0x8d: {  	v14 =	vxor.u32 $0x80000000, v12  }
0x8e: {  	v15 =	vperm.xlane v14, v6;
	_ =	sdelay $0x1  }
0x8f: {  	vm1 =	veq.s32 v14, v15  }
0x90: {  	v15 =	vsel vm1, $0x80000000, v8  }
0x91: {  	(xrf0) =	vmax.scan.msk.u32 $0xffff, v15;
	_ =	sdelay $0x2  }
0x92: {  	v59 =	vperm.xlane v14, v7;
	v16 =	vld.idx.msk [tilespmem:v14+s23+$0x0], $0xffff;
	_ =	sdelay $0x1  }
0x93: {  	vm1 =	vne.s32 v14, v59  }
0x94: {  	vm1 =	vmor vm1, vm0;
	v60, _, _ =	vpop (xrf0)  }
0x95: {  	v15 =	vxor.u32 $0x80000000, v60  }
0x96: {  	v15 =	vsub.s32 v16, v15  }
0x97: {  	v16 =	vadd.s32 v9, v15  }
0x98: {  	v15 =	vadd.s32 v5, v15;
	vm2 =	vlt.s32 v16, $0x80  }
0x99: {  	vm3 =	vlt.s32 v15, $0x7F;
	v16 =	vnsel vm2, $0x80, v16  }
0x9a: {  	v12 =	vshll.u32 v12, $0x7;
	v15 =	vnsel vm3, $0x7F, v15;
	[tilespmem:v14+s23+$0x0] =	vst.idx.msk vm1, v16  }
0x9b: {  	v12 =	vadd.s32 v12, v15;
	v14 =	vld [tilespmem:s17+$0x0]  }
0x9c: {  	v12 =	vmul.u32 $0x3, v12;
	_ =	sdelay $0x1  }
0x9d: {  	v61 =	vadd.s32 $0x1, v12  }
0x9e: {  	v62 =	vadd.s32 $0x2, v12  }
0x9f: {  	v11 =	vperm.xlane v11, v58;
	v14 =	vperm.xlane v14, v58;
	_ =	sdelay $0x1  }
0xa0: {  	s14 =	sadd.s32 $0x10, s14;
	v11 =	vshrl.u32 v11, $0x5;
	[tilespmem:v12+s24+$0x0] =	vst.idx.msk $0xffff, v14  }
0xa1: {  	v63 =	vadd.s32 s14, v58;
	[tilespmem:v61+s24+$0x0] =	vst.idx.msk $0xffff, v11  }
0xa2: {  	[tilespmem:v62+s24+$0x0] =	vst.idx.msk $0xffff, v63  }
0xa3: {  	[spmem:s26] =	stream.linear.scatter [tilespmem:s24], [sflag:$0x2], $0x180, $0x38;
	[tilespmem:$0xCB90] =	vst v63  }
0xa4: {  	s18 =	simm.s32 $0x2180;
	s17 =	rddreg [dreg:$0xb]  }
0xa5: {  	[spmem:s17] =	stream.linear.scatter [tilespmem:s18], [sflag:$0x2], $0x180, $0x38;
	[tilespmem:$0xCB90] =	vst v63  }
0xa6: {  	s19 =	rddreg [dreg:$0xc];
	s20 =	simm.s32 $0x2300  }
0xa7: {  	[spmem:s19] =	stream.linear.scatter [tilespmem:s20], [sflag:$0x2], $0x180, $0x38;
	[tilespmem:$0xCB90] =	vst v63  }
0xa8: {  	s17 =	rddreg [dreg:$0xd];
	s18 =	simm.s32 $0x2480  }
0xa9: {  	[spmem:s17] =	stream.linear.scatter [tilespmem:s18], [sflag:$0x2], $0x180, $0x38;
	[tilespmem:$0xCB90] =	vst v63  }
0xaa: {  	s19 =	rddreg [dreg:$0xe];
	s20 =	simm.s32 $0x2600  }
0xab: {  	[spmem:s19] =	stream.linear.scatter [tilespmem:s20], [sflag:$0x2], $0x180, $0x38;
	[tilespmem:$0xCB90] =	vst v63  }
0xac: {  	s17 =	rddreg [dreg:$0xf];
	s18 =	simm.s32 $0x2780  }
0xad: {  	[spmem:s17] =	stream.linear.scatter [tilespmem:s18], [sflag:$0x2], $0x180, $0x38;
	[tilespmem:$0xCB90] =	vst v63  }
0xae: {  	s19 =	rddreg [dreg:$0x10];
	s20 =	simm.s32 $0x2900  }
0xaf: {  	[spmem:s19] =	stream.linear.scatter [tilespmem:s20], [sflag:$0x2], $0x180, $0x38;
	[tilespmem:$0xCB90] =	vst v63  }
0xb0: {  	s17 =	rddreg [dreg:$0x11];
	s18 =	simm.s32 $0x2A80  }
0xb1: {  	[spmem:s17] =	stream.linear.scatter [tilespmem:s18], [sflag:$0x2], $0x180, $0x38;
	[tilespmem:$0xCB90] =	vst v63  }
0xb2: {  	s19 =	rddreg [dreg:$0x13];
	s20 =	simm.s32 $0x2C00  }
0xb3: {  	[spmem:s19] =	stream.linear.scatter [tilespmem:s20], [sflag:$0x2], $0x180, $0x38;
	[tilespmem:$0xCB90] =	vst v63  }
0xb4: {  	s17 =	rddreg [dreg:$0x19];
	s18 =	simm.s32 $0x2D80  }
0xb5: {  	[spmem:s17] =	stream.linear.scatter [tilespmem:s18], [sflag:$0x2], $0x180, $0x38;
	[tilespmem:$0xCB90] =	vst v63  }
0xb6: {  	s19 =	rddreg [dreg:$0x1a];
	s20 =	simm.s32 $0x2F00  }
0xb7: {  	[spmem:s19] =	stream.linear.scatter [tilespmem:s20], [sflag:$0x2], $0x180, $0x38;
	[tilespmem:$0xCB90] =	vst v63  }
0xb8: {  	s17 =	simm.s32 $0x3080  }
0xb9: {  	[spmem:s28] =	stream.linear.scatter [tilespmem:s17], [sflag:$0x2], $0x180, $0x38;
	[tilespmem:$0xCB90] =	vst v63  }
0xba: {  	s18 =	simm.s32 $0x3200  }
0xbb: {  	[spmem:s29] =	stream.linear.scatter [tilespmem:s18], [sflag:$0x2], $0x180, $0x38;
	[tilespmem:$0xCB90] =	vst v63  }
0xbc: {  	s19 =	simm.s32 $0x3380  }
0xbd: {  	[spmem:s30] =	stream.linear.scatter [tilespmem:s19], [sflag:$0x2], $0x180, $0x38;
	[tilespmem:$0xCB90] =	vst v63  }
0xbe: {  	s20 =	simm.s32 $0x3500  }
0xbf: {  	[spmem:s31] =	stream.linear.scatter [tilespmem:s20], [sflag:$0x2], $0x180, $0x38;
	[tilespmem:$0xCB90] =	vst v63  }
0xc0: {  	s17 =	simm.s32 $0x3680  }
0xc1: {  	[spmem:s2] =	stream.linear.scatter [tilespmem:s17], [sflag:$0x2], $0x180, $0x38;
	[tilespmem:$0xCB90] =	vst v63  }
0xc2: {  	_ =	swait.ge [sflag:s4], $0x180  }
0xc3: {  	[sflag:s4] =	ssyncset.done $0x0  }
0xc4: {  	[sflag:s4] =	ssyncadd.s32 $0xFFFFFE80  }
0xc5: {  	_ =	swait.ge [sflag:s4], $0x180  }
0xc6: {  	[sflag:s4] =	ssyncset.done $0x0  }
0xc7: {  	[sflag:s4] =	ssyncadd.s32 $0xFFFFFE80  }
0xc8: {  	_ =	swait.ge [sflag:s4], $0x180  }
0xc9: {  	[sflag:s4] =	ssyncset.done $0x0  }
0xca: {  	[sflag:s4] =	ssyncadd.s32 $0xFFFFFE80  }
0xcb: {  	_ =	swait.ge [sflag:s4], $0x180  }
0xcc: {  	[sflag:s4] =	ssyncset.done $0x0  }
0xcd: {  	[sflag:s4] =	ssyncadd.s32 $0xFFFFFE80  }
0xce: {  	_ =	swait.ge [sflag:s4], $0x180  }
0xcf: {  	[sflag:s4] =	ssyncset.done $0x0  }
0xd0: {  	[sflag:s4] =	ssyncadd.s32 $0xFFFFFE80  }
0xd1: {  	_ =	swait.ge [sflag:s4], $0x180  }
0xd2: {  	[sflag:s4] =	ssyncset.done $0x0  }
0xd3: {  	[sflag:s4] =	ssyncadd.s32 $0xFFFFFE80  }
0xd4: {  	_ =	swait.ge [sflag:s4], $0x180  }
0xd5: {  	[sflag:s4] =	ssyncset.done $0x0  }
0xd6: {  	[sflag:s4] =	ssyncadd.s32 $0xFFFFFE80  }
0xd7: {  	_ =	swait.ge [sflag:s4], $0x180  }
0xd8: {  	[sflag:s4] =	ssyncset.done $0x0  }
0xd9: {  	[sflag:s4] =	ssyncadd.s32 $0xFFFFFE80  }
0xda: {  	_ =	swait.ge [sflag:s4], $0x180  }
0xdb: {  	[sflag:s4] =	ssyncset.done $0x0  }
0xdc: {  	[sflag:s4] =	ssyncadd.s32 $0xFFFFFE80  }
0xdd: {  	_ =	swait.ge [sflag:s4], $0x180  }
0xde: {  	[sflag:s4] =	ssyncset.done $0x0  }
0xdf: {  	[sflag:s4] =	ssyncadd.s32 $0xFFFFFE80  }
0xe0: {  	_ =	swait.ge [sflag:s4], $0x180  }
0xe1: {  	[sflag:s4] =	ssyncset.done $0x0  }
0xe2: {  	[sflag:s4] =	ssyncadd.s32 $0xFFFFFE80  }
0xe3: {  	_ =	swait.ge [sflag:s4], $0x180  }
0xe4: {  	[sflag:s4] =	ssyncset.done $0x0  }
0xe5: {  	[sflag:s4] =	ssyncadd.s32 $0xFFFFFE80  }
0xe6: {  	_ =	swait.ge [sflag:s4], $0x180  }
0xe7: {  	[sflag:s4] =	ssyncset.done $0x0  }
0xe8: {  	[sflag:s4] =	ssyncadd.s32 $0xFFFFFE80  }
0xe9: {  	_ =	swait.ge [sflag:s4], $0x180  }
0xea: {  	[sflag:s4] =	ssyncset.done $0x0  }
0xeb: {  	[sflag:s4] =	ssyncadd.s32 $0xFFFFFE80  }
0xec: {  	_ =	swait.ge [sflag:s4], $0x180  }
0xed: {  	[sflag:s4] =	ssyncset.done $0x0  }
0xee: {  	[sflag:s4] =	ssyncadd.s32 $0xFFFFFE80  }
0xef: {  	_ =	swait.ge [sflag:s4], $0x180  }
0xf0: {  	[sflag:s4] =	ssyncset.done $0x0  }
0xf1: {  	s18 =	rddreg [dreg:$0x14];
	[sflag:s4] =	ssyncadd.s32 $0xFFFFFE80  }
0xf2: {  	[spmem:s18] =	stream.linear.scatter [tilespmem:s23], [sflag:$0x3], $0x10, $0x38;
	[tilespmem:$0xCB90] =	vst v63  }
0xf3: {  	_ =	swait.ge [sflag:s10], $0x10  }
0xf4: {  	[sflag:s10] =	ssyncset.done $0x0  }
0xf5: {  	[sflag:s10] =	ssyncadd.s32 $0xFFFFFFF0  }
0xf6: {  	[bflag:$0x0] =	sbarrier.arrive $0xFFFF  }
0xf7: {  	s19 =	rddreg [dreg:$0x12]  }
0xf8: {  	[tilespmem:s21], [sflag:$0x3] =	stream.linear.gather [spmem:s19], $0x1800, $0x38;
	[tilespmem:$0xCB90] =	vst v63  }
0xf9: {  	_ =	swait.ge [sflag:s10], $0x1800  }
0xfa: {  	[sflag:s10] =	ssyncset.done $0x0  }
0xfb: {  	[sflag:s10] =	ssyncadd.s32 $0xFFFFE800  }
0xfc: {  	s20 =	rddreg [dreg:$0x4]  }
0xfd: {  	[tilespmem:s22], [sflag:$0x3] =	stream.linear.gather [spmem:s20], $0x100, $0x38;
	[tilespmem:$0xCB90] =	vst v63  }
0xfe: {  	_ =	swait.ge [sflag:s10], $0x100  }
0xff: {  	[sflag:s10] =	ssyncset.done $0x0  }
0x100: {  	s14 =	simm.s32 $0x0;
	s17 =	simm.s32 $0xAA80;
	[sflag:s10] =	ssyncadd.s32 $0xFFFFFF00  }
.LBB2_9:
0x101: {  	s18 =	sshll.u32 s14, $0x4  }
0x102: {  	s19 =	sor.u32 s0, s18  }
0x103: {  	v12 =	vmov s19;
	_ =	sdelay $0x2  }
0x104: {  	s20 =	sshll.u32 s14, $0x7  }
0x105: {  	v11 =	vimm.s32 $0x0;
	v13 =	vor.u32 s20, v5;
	s20 =	simm.s32 $0x0;
	s19 =	smov.u32 s17  }
.LBB2_10:
0x106: {  	v14 =	vld.idx.msk [tilespmem:v12+s22+$0x0], $0xffff;
	_ =	sdelay $0x2  }
0x107: {  	v15 =	vor.u32 s20, v13  }
0x108: {  	v16 =	vor.u32 s20, v5;
	v15 =	vmul.u32 $0x3, v15  }
0x109: {  	vm1 =	vlt.s32 v16, v14  }
0x10a: {  	v14 =	vadd.s32 $0x1, v15;
	_ =	sdelay $0x4  }
0x10b: {  	v14 =	vld.idx.msk [tilespmem:v14+s21+$0x0], vm1;
	_ =	sdelay $0x4  }
0x10c: {  	v61 =	vadd.s32 $0x2, v15;
	v14 =	vnsel vm1, $0x0, v14;
	_ =	sdelay $0x3  }
0x10d: {  	v15 =	vld.idx.msk [tilespmem:v15+s21+$0x0], vm1  }
0x10e: {  	v16 =	vld.idx.msk [tilespmem:v61+s21+$0x0], vm1;
	[tilespmem:v14+s1+$0x0] =	vst.idx.msk vm1, v5  }
0x10f: {  	v17 =	vld.idx.msk [tilespmem:v14+s1+$0x0], vm1;
	_ =	sdelay $0x3  }
0x110: {  	v15 =	vnsel vm1, $0x0, v15  }
0x111: {  	v18 =	vmul.f32 $1.442695020e+00, v15;
	vm2 =	veq.s32 v17, v5  }
0x112: {  	vm2 =	vmand vm1, vm2  }
0x113: {  	(erf) = vpow2.f32 v18;
	_ =	sdelay $0x4  }
0x114: {  	v62 =	vld.idx.msk [tilespmem:v14+s3+$0x0], vm2;
	_ =	sdelay $0x3  }
0x115: {  	v18 =	vpop (erf)  }
0x116: {  	v17 =	vadd.f32 v62, v18;
	_ =	sdelay $0x1  }
0x117: {  	[tilespmem:v14+s3+$0x0] =	vst.idx.msk vm2, v17  }
0x118: {  	v17 =	vld.idx.msk [tilespmem:v14+s7+$0x0], vm2;
	_ =	sdelay $0x4  }
0x119: {  	v17 =	vadd.s32 $0x1, v17  }
0x11a: {  	[tilespmem:v14+s7+$0x0] =	vst.idx.msk vm2, v17  }
0x11b: {  	v17 =	vld.idx.msk [tilespmem:v14+s5+$0x0], vm2  }
0x11c: {  	v63 =	vld.idx.msk [tilespmem:v14+s6+$0x0], vm2  }
0x11d: {  	v19 =	vld.idx.msk [tilespmem:v14+s11+$0x0], vm2  }
0x11e: {  	v20 =	vld.idx.msk [tilespmem:v14+s12+$0x0], vm2;
	_ =	sdelay $0x2  }
0x11f: {  	v16 =	vnsel vm1, $0x0, v16  }
0x120: {  	vm3 =	vlt.f32 v15, v17;
	vm4 =	veq.f32 v15, v17;
	vm5 =	vlt.s32 v16, v63  }
0x121: {  	vm14 =	veq.f32 v15, v19;
	vm6 =	vlt.s32 v16, v20;
	vm4 =	vmand vm4, vm5  }
0x122: {  	vm15 =	vlt.f32 v15, v19;
	vm5 =	vmand vm14, vm6;
	vm3 =	vmor vm3, vm4  }
0x123: {  	p0 =	sne.s32 s20, $0x70;
	vm4 =	vmor vm15, vm5;
	v21 =	vsel vm3, v15, v17  }
.Ltmp5:
0x124: {  	v22 =	vsel vm3, v16, v63;
	v15 =	vsel vm4, v15, v19;
	[tilespmem:v14+s5+$0x0] =	vst.idx.msk vm2, v21;
	(pc) =	sbr.rel @p0 .LBB2_10-.Ltmp5, $4  }
0x125: {  	v16 =	vsel vm4, v16, v20;
	v15 =	vsel vm3, v17, v15;
	[tilespmem:v14+s6+$0x0] =	vst.idx.msk vm2, v22  }
0x126: {  	vm1 =	vmxor vm1, vm2;
	v16 =	vsel vm3, v63, v16;
	[tilespmem:v14+s11+$0x0] =	vst.idx.msk vm2, v15  }
0x127: {  	[tilespmem:v14+s12+$0x0] =	vst.idx.msk vm2, v16;
	v14 =	vsel vm1, $0x1, v4  }
0x128: {  	s20 =	sadd.s32 $0x10, s20;
	[tilespmem:s19+$0x0] =	vst v14;
	v11 =	vor.u32 v14, v11;
	s19 =	sadd.s32 $0x10, s19  }
0x129: {  	s14 =	sadd.s32 $0x1, s14  }
0x12a: {  	p0 =	sne.s32 s14, $0x10  }
.Ltmp6:
0x12b: {  	_ = 	snop;
	(pc) =	sbr.rel @p0 .LBB2_9-.Ltmp6, $3  }
0x12c: {  	_ =	sdelay $0x1  }
0x12d: {  	s18 =	sand.u32 $0x3FFFFFF0, s18  }
0x12e: {  	s17 =	sadd.s32 $0x80, s17;
	[tilespmem:s18+$0xB280] =	vst v11  }
.Ltmp7:
0x12f: {  	(pc) =	sbr.rel .LBB2_13-.Ltmp7, $2  }
0x130: {  	_ =	sdelay $0x2  }
0x131: {  	s14 =	simm.s32 $0x0;
	s20 =	smov.u32 s25  }
.LBB2_19:
0x132: {  	s14 =	sadd.s32 $0x1, s14  }
0x133: {  	p0 =	sne.s32 s14, $0x10  }
.Ltmp8:
0x134: {  	_ = 	snop;
	(pc) =	sbr.rel @!p0 .LBB2_20-.Ltmp8, $1  }
0x135: {  	_ =	sdelay $0x3  }
.LBB2_13:
0x136: {  	s17 =	sshll.u32 s14, $0x4  }
0x137: {  	v11 =	vld [tilespmem:s17+$0xB280];
	_ =	sdelay $0x4  }
0x138: {  	vm1 =	veq.s32 v11, $0x0  }
0x139: {  	v11 =	vsel vm1, $0x0, v10  }
0x13a: {  	(xrf0) =	vmax.scan.msk.f32 $0xffff, v11;
	_ =	sdelay $0x5  }
0x13b: {  	v11, _, _ =	vpop (xrf0)  }
0x13c: {  	(v2sf) =	vpush v11, $0xF;
	_ =	sdelay $0xe  }
0x13d: {  	s18 =	spop (v2sf)  }
0x13e: {  	p0 =	sgt.f32 s18, $0.0e+00  }
.Ltmp9:
0x13f: {  	_ = 	snop;
	(pc) =	sbr.rel @!p0 .LBB2_19-.Ltmp9, $1  }
0x140: {  	_ =	sdelay $0x3  }
0x141: {  	s17 =	sadd.s32 s0, s17  }
.Ltmp10:
0x142: {  	v11 =	vmov s17;
	(pc) =	sbr.rel .LBB2_15-.Ltmp10, $4  }
0x143: {  	s18 =	sshll.u32 s14, $0x7  }
0x144: {  	s19 =	sand.u32 $0x3FFFFF80, s18  }
0x145: {  	s19 =	sadd.s32 $0xAA80, s19  }
0x146: {  	v12 =	vor.u32 s18, v5;
	s17 =	simm.s32 $0x0;
	v13 =	vmov s19  }
.LBB2_18:
0x147: {  	s17 =	sadd.s32 $0x1, s17  }
0x148: {  	p0 =	sne.s32 s17, $0x8  }
.Ltmp11:
0x149: {  	_ = 	snop;
	(pc) =	sbr.rel @!p0 .LBB2_19-.Ltmp11, $1  }
0x14a: {  	_ =	sdelay $0x3  }
.LBB2_15:
0x14b: {  	_ =	sdelay $0x1  }
0x14c: {  	s18 =	sshll.u32 s17, $0x4  }
0x14d: {  	s19 =	sand.u32 $0x3FFFFFF0, s18  }
0x14e: {  	v14 =	vld.idx.msk [tilespmem:v13+s19+$0x0 ss:$0x1], $0xffff;
	_ =	sdelay $0x4  }
0x14f: {  	vm1 =	vne.s32 v14, $0x0  }
0x150: {  	v15 =	vsel vm1, $0x3F800000, v3  }
0x151: {  	(xrf0) =	vmax.scan.msk.f32 $0xffff, v15;
	_ =	sdelay $0x5  }
0x152: {  	v15, _, _ =	vpop (xrf0)  }
0x153: {  	(v2sf) =	vpush v15, $0xF;
	_ =	sdelay $0xe  }
0x154: {  	s25 =	spop (v2sf)  }
0x155: {  	p0 =	sgt.f32 s25, $0.0e+00  }
.Ltmp12:
0x156: {  	_ = 	snop;
	(pc) =	sbr.rel @!p0 .LBB2_18-.Ltmp12, $1  }
0x157: {  	_ =	sdelay $0x3  }
0x158: {  	v15 =	vor.u32 s18, v12  }
0x159: {  	v15 =	vmul.u32 $0x3, v15;
	_ =	sdelay $0x1  }
0x15a: {  	v16 =	vor.u32 s18, v5;
	v17 =	vadd.s32 $0x1, v15;
	v18 =	vadd.s32 $0x2, v15  }
.LBB2_17:
0x15b: {  	v19 =	vld.idx.msk [tilespmem:v11+s22+$0x0], $0xffff;
	_ =	sdelay $0x4  }
0x15c: {  	vm3 =	vlt.s32 v16, v19;
	_ =	sdelay $0x5  }
0x15d: {  	v19 =	vld.idx.msk [tilespmem:v17+s21+$0x0], vm3;
	_ =	sdelay $0x4  }
0x15e: {  	v19 =	vnsel vm3, $0x0, v19;
	_ =	sdelay $0x3  }
0x15f: {  	v20 =	vld.idx.msk [tilespmem:v15+s21+$0x0], vm3  }
0x160: {  	v21 =	vld.idx.msk [tilespmem:v18+s21+$0x0], vm3;
	[tilespmem:v19+s1+$0x0] =	vst.idx.msk vm1, v5  }
0x161: {  	v22 =	vld.idx.msk [tilespmem:v19+s1+$0x0], vm1;
	_ =	sdelay $0x3  }
0x162: {  	v20 =	vnsel vm3, $0x0, v20  }
0x163: {  	v23 =	vmul.f32 $1.442695020e+00, v20;
	vm4 =	veq.s32 v22, v5  }
0x164: {  	vm2 =	vmand vm1, vm4  }
0x165: {  	(erf) = vpow2.f32 v23;
	_ =	sdelay $0x2  }
0x166: {  	v14 =	vsel vm4, $0x0, v14  }
0x167: {  	vm1 =	vne.s32 v14, $0x0  }
0x168: {  	v61 =	vsel vm1, $0x3F800000, v3;
	v60 =	vld.idx.msk [tilespmem:v19+s3+$0x0], vm2  }
0x169: {  	(xrf0) =	vmax.scan.msk.f32 $0xffff, v61;
	_ =	sdelay $0x2  }
0x16a: {  	v24 =	vpop (erf)  }
0x16b: {  	v22 =	vadd.f32 v60, v24;
	_ =	sdelay $0x1  }
0x16c: {  	v23, _, _ =	vpop (xrf0);
	[tilespmem:v19+s3+$0x0] =	vst.idx.msk vm2, v22  }
0x16d: {  	(v2sf) =	vpush v23, $0xF;
	v22 =	vld.idx.msk [tilespmem:v19+s7+$0x0], vm2;
	_ =	sdelay $0x4  }
0x16e: {  	v22 =	vadd.s32 $0x1, v22  }
0x16f: {  	[tilespmem:v19+s7+$0x0] =	vst.idx.msk vm2, v22  }
0x170: {  	v22 =	vld.idx.msk [tilespmem:v19+s5+$0x0], vm2  }
0x171: {  	v62 =	vld.idx.msk [tilespmem:v19+s6+$0x0], vm2  }
0x172: {  	v63 =	vld.idx.msk [tilespmem:v19+s11+$0x0], vm2  }
0x173: {  	v25 =	vld.idx.msk [tilespmem:v19+s12+$0x0], vm2;
	_ =	sdelay $0x2  }
0x174: {  	v21 =	vnsel vm3, $0x0, v21  }
0x175: {  	vm3 =	vlt.f32 v20, v22;
	vm13 =	veq.f32 v20, v22;
	vm5 =	vlt.s32 v21, v62  }
0x176: {  	s18 =	spop (v2sf);
	vm14 =	veq.f32 v20, v63;
	vm6 =	vlt.s32 v21, v25;
	vm4 =	vmand vm13, vm5  }
0x177: {  	vm15 =	vlt.f32 v20, v63;
	p0 =	sgt.f32 s18, $0.0e+00;
	vm5 =	vmand vm14, vm6;
	vm3 =	vmor vm3, vm4  }
.Ltmp13:
0x178: {  	vm4 =	vmor vm15, vm5;
	v26 =	vsel vm3, v20, v22;
	(pc) =	sbr.rel @p0 .LBB2_17-.Ltmp13, $4  }
0x179: {  	v27 =	vsel vm3, v21, v62;
	v20 =	vsel vm4, v20, v63;
	[tilespmem:v19+s5+$0x0] =	vst.idx.msk vm2, v26  }
0x17a: {  	v21 =	vsel vm4, v21, v25;
	v20 =	vsel vm3, v22, v20;
	[tilespmem:v19+s6+$0x0] =	vst.idx.msk vm2, v27  }
0x17b: {  	v21 =	vsel vm3, v62, v21;
	[tilespmem:v19+s11+$0x0] =	vst.idx.msk vm2, v20  }
0x17c: {  	[tilespmem:v19+s12+$0x0] =	vst.idx.msk vm2, v21  }
.Ltmp14:
0x17d: {  	_ = 	snop;
	(pc) =	sbr.rel .LBB2_18-.Ltmp14, $1  }
0x17e: {  	_ =	sdelay $0x3  }
.LBB2_20:
0x17f: {  	[bflag:$0x0] =	sbarrier.arrive $0xFFFF  }
0x180: {  	_ =	swait.ge [sflag:s9], $0x7D0  }
0x181: {  	[sflag:s9] =	ssyncset.done $0x0  }
0x182: {  	[sflag:s9] =	ssyncadd.s32 $0xFFFFF830  }
0x183: {  	_ =	swait.ge [sflag:s9], $0x7D0  }
0x184: {  	p0 =	seq.s32 s15, $0x18;
	s14 =	rddreg [dreg:$0x1b]  }
0x185: {  	s8 =	sadd.s32 @!p0 s8, s14  }
0x186: {  	[sflag:s9] =	ssyncset.done $0x0;
	s8 =	sshrl.u32 @!p0 s8, $0x3  }
0x187: {  	s17 =	simm.s32 @!p0 $0x0;
	[sflag:s9] =	ssyncadd.s32 $0xFFFFF830;
	s14 =	sadd.s32 @!p0 s20, s8  }
0x188: {  	[tilespmem:s17], [sflag:$0x1] =	stream.linear.gather @!p0 [hbm4b:s14+s17], $0x7D0, $0x38;
	[tilespmem:$0xCB90] =	vst v63  }
0x189: {  	s14 =	rddreg [dreg:$0x7]  }
0x18a: {  	s8 =	sadd.s32 @!p0 s14, s8;
	s14 =	simm.s32 @!p0 $0x1000  }
0x18b: {  	[tilespmem:s14], [sflag:$0x1] =	stream.linear.gather @!p0 [hbm4b:s8+s17], $0x7D0, $0x38;
	[tilespmem:$0xCB90] =	vst v63  }
0x18c: {  	[tilespmem:$0x5180] =	vst v4  }
0x18d: {  	s25 =	simm.s32 $0x0;
	[tilespmem:$0x5190] =	vst v4  }
0x18e: {  	v11 =	vld [tilespmem:s25+$0x17D0];
	_ =	sdelay $0x4  }
0x18f: {  	v12 =	vshrl.u32 v11, $0x1  }
0x190: {  	v13 =	vand.u32 $0x1, v11;
	v12 =	vand.u32 $0xF, v12  }
0x191: {  	vm1 =	veq.s32 v13, v1;
	v12 =	vor.u32 $0x80000000, v12  }
0x192: {  	v12 =	vnsel vm1, $0x80000010, v12  }
0x193: {  	(xrf1) =	vsort.ascd.msk.u32 $0xffff, v12, v5;
	_ =	sdelay $0xd  }
0x194: {  	v12, v13, _ =	vpop (xrf1)  }
0x195: {  	v14 =	vxor.u32 $0x80000000, v12  }
0x196: {  	v15 =	vperm.xlane v14, v6;
	_ =	sdelay $0x1  }
0x197: {  	vm1 =	veq.s32 v14, v15  }
0x198: {  	v15 =	vsel vm1, $0x80000000, v8  }
0x199: {  	(xrf0) =	vmax.scan.msk.u32 $0xffff, v15;
	_ =	sdelay $0x1  }
0x19a: {  	v15 =	vperm.xlane v14, v7  }
0x19b: {  	v16 =	vld.idx.msk [tilespmem:v14+s23+$0x0], $0xffff;
	_ =	sdelay $0x1  }
0x19c: {  	vm1 =	vne.s32 v14, v15  }
0x19d: {  	vm1 =	vmor vm1, vm0;
	v15, _, _ =	vpop (xrf0)  }
0x19e: {  	v15 =	vxor.u32 $0x80000000, v15  }
0x19f: {  	v15 =	vsub.s32 v16, v15  }
0x1a0: {  	v16 =	vadd.s32 v9, v15  }
0x1a1: {  	v15 =	vadd.s32 v5, v15;
	vm2 =	vlt.s32 v16, $0x80  }
0x1a2: {  	vm3 =	vlt.s32 v15, $0x7F;
	v16 =	vnsel vm2, $0x80, v16  }
0x1a3: {  	v12 =	vshll.u32 v12, $0x7;
	v15 =	vnsel vm3, $0x7F, v15;
	[tilespmem:v14+s23+$0x0] =	vst.idx.msk vm1, v16  }
0x1a4: {  	v12 =	vadd.s32 v12, v15;
	v14 =	vld [tilespmem:s25+$0x7D0]  }
0x1a5: {  	v12 =	vmul.u32 $0x3, v12;
	_ =	sdelay $0x1  }
0x1a6: {  	v11 =	vperm.xlane v11, v13;
	v15 =	vadd.s32 $0x1, v12;
	_ =	sdelay $0x1  }
0x1a7: {  	v63 =	vshrl.u32 v11, $0x5;
	v11 =	vadd.s32 $0x2, v12;
	v14 =	vperm.xlane v14, v13;
	_ =	sdelay $0x1  }
0x1a8: {  	[tilespmem:v12+s24+$0x0] =	vst.idx.msk $0xffff, v14  }
0x1a9: {  	s19 =	simm.s32 $0x80;
	s14 =	simm.s32 $0x40;
	s8 =	smov.u32 s13;
	v12 =	vadd.s32 s13, v13;
	[tilespmem:v15+s24+$0x0] =	vst.idx.msk $0xffff, v63  }
.LBB2_21:
0x1aa: {  	s18 =	sshra.s32 s14, $0x2  }
0x1ab: {  	[tilespmem:v11+s24+$0x0] =	vst.idx.msk $0xffff, v12;
	s8 =	sadd.s32 $0x10, s8;
	s14 =	smov.u32 s19;
	s17 =	sadd.s32 $0x40, s19  }
0x1ac: {  	p0 =	sne.s32 s19, $0x1F00;
	v11 =	vld [tilespmem:s18+$0x17D0];
	_ =	sdelay $0x4  }
0x1ad: {  	v12 =	vand.u32 $0x1, v11;
	v13 =	vshrl.u32 v11, $0x1  }
0x1ae: {  	v13 =	vand.u32 $0xF, v13  }
0x1af: {  	vm1 =	veq.s32 v12, v1;
	v12 =	vor.u32 $0x80000000, v13  }
0x1b0: {  	v12 =	vnsel vm1, $0x80000010, v12  }
0x1b1: {  	(xrf1) =	vsort.ascd.msk.u32 $0xffff, v12, v5;
	_ =	sdelay $0xd  }
0x1b2: {  	v12, v13, _ =	vpop (xrf1)  }
0x1b3: {  	v14 =	vxor.u32 $0x80000000, v12;
	v15 =	vperm.xlane v11, v13  }
0x1b4: {  	v11 =	vperm.xlane v14, v6;
	v16 =	vperm.xlane v14, v7;
	_ =	sdelay $0x1  }
0x1b5: {  	vm1 =	veq.s32 v14, v11;
	vm2 =	vne.s32 v14, v16  }
0x1b6: {  	v11 =	vsel vm1, $0x80000000, v8  }
0x1b7: {  	(xrf0) =	vmax.scan.msk.u32 $0xffff, v11;
	_ =	sdelay $0x1  }
0x1b8: {  	v11 =	vld.idx.msk [tilespmem:v14+s23+$0x0], $0xffff;
	_ =	sdelay $0x3  }
0x1b9: {  	vm1 =	vmor vm2, vm0;
	v16, _, _ =	vpop (xrf0)  }
0x1ba: {  	v16 =	vxor.u32 $0x80000000, v16  }
0x1bb: {  	v11 =	vsub.s32 v11, v16  }
0x1bc: {  	v16 =	vadd.s32 v5, v11;
	v11 =	vadd.s32 v9, v11  }
0x1bd: {  	vm2 =	vlt.s32 v16, $0x7F;
	vm3 =	vlt.s32 v11, $0x80  }
0x1be: {  	v12 =	vshll.u32 v12, $0x7;
	v16 =	vnsel vm2, $0x7F, v16;
	v11 =	vnsel vm3, $0x80, v11  }
0x1bf: {  	[tilespmem:v14+s23+$0x0] =	vst.idx.msk vm1, v11;
	v11 =	vadd.s32 v12, v16  }
0x1c0: {  	v12 =	vld [tilespmem:s18+$0x7D0]  }
0x1c1: {  	v14 =	vmul.u32 $0x3, v11;
	_ =	sdelay $0x1  }
0x1c2: {  	v16 =	vadd.s32 $0x1, v14  }
.Ltmp15:
0x1c3: {  	v11 =	vadd.s32 $0x2, v14;
	(pc) =	sbr.rel @p0 .LBB2_21-.Ltmp15, $3  }
0x1c4: {  	v12 =	vperm.xlane v12, v13;
	_ =	sdelay $0x1  }
0x1c5: {  	v15 =	vshrl.u32 v15, $0x5;
	[tilespmem:v14+s24+$0x0] =	vst.idx.msk $0xffff, v12  }
0x1c6: {  	s19 =	smov.u32 s17;
	v12 =	vadd.s32 s8, v13;
	[tilespmem:v16+s24+$0x0] =	vst.idx.msk $0xffff, v15  }
0x1c7: {  	_ =	sdelay $0x3  }
0x1c8: {  	s14 =	sshra.s32 s14, $0x2;
	[tilespmem:v11+s24+$0x0] =	vst.idx.msk $0xffff, v12  }
0x1c9: {  	v11 =	vld [tilespmem:s14+$0x17D0];
	_ =	sdelay $0x4  }
0x1ca: {  	v57 =	vshrl.u32 v11, $0x1  }
0x1cb: {  	v13 =	vand.u32 $0x1, v11;
	v12 =	vand.u32 $0xF, v57  }
0x1cc: {  	vm1 =	veq.s32 v13, v1;
	v12 =	vor.u32 $0x80000000, v12  }
0x1cd: {  	v12 =	vnsel vm1, $0x80000010, v12  }
0x1ce: {  	(xrf1) =	vsort.ascd.msk.u32 $0xffff, v12, v5;
	_ =	sdelay $0xd  }
0x1cf: {  	v12, v58, _ =	vpop (xrf1)  }
0x1d0: {  	v14 =	vxor.u32 $0x80000000, v12  }
0x1d1: {  	v15 =	vperm.xlane v14, v6;
	_ =	sdelay $0x1  }
0x1d2: {  	vm1 =	veq.s32 v14, v15  }
0x1d3: {  	v15 =	vsel vm1, $0x80000000, v8  }
0x1d4: {  	(xrf0) =	vmax.scan.msk.u32 $0xffff, v15;
	_ =	sdelay $0x2  }
0x1d5: {  	v59 =	vperm.xlane v14, v7;
	v16 =	vld.idx.msk [tilespmem:v14+s23+$0x0], $0xffff;
	_ =	sdelay $0x1  }
0x1d6: {  	vm1 =	vne.s32 v14, v59  }
0x1d7: {  	vm1 =	vmor vm1, vm0;
	v60, _, _ =	vpop (xrf0)  }
0x1d8: {  	v15 =	vxor.u32 $0x80000000, v60  }
0x1d9: {  	v15 =	vsub.s32 v16, v15  }
0x1da: {  	v16 =	vadd.s32 v9, v15  }
0x1db: {  	v15 =	vadd.s32 v5, v15;
	vm2 =	vlt.s32 v16, $0x80  }
0x1dc: {  	vm3 =	vlt.s32 v15, $0x7F;
	v16 =	vnsel vm2, $0x80, v16  }
0x1dd: {  	v12 =	vshll.u32 v12, $0x7;
	v15 =	vnsel vm3, $0x7F, v15;
	[tilespmem:v14+s23+$0x0] =	vst.idx.msk vm1, v16  }
0x1de: {  	v12 =	vadd.s32 v12, v15;
	v14 =	vld [tilespmem:s14+$0x7D0]  }
0x1df: {  	v12 =	vmul.u32 $0x3, v12;
	_ =	sdelay $0x1  }
0x1e0: {  	v61 =	vadd.s32 $0x1, v12  }
0x1e1: {  	v62 =	vadd.s32 $0x2, v12  }
0x1e2: {  	v11 =	vperm.xlane v11, v58;
	v14 =	vperm.xlane v14, v58;
	_ =	sdelay $0x1  }
0x1e3: {  	s8 =	sadd.s32 $0x10, s8;
	v11 =	vshrl.u32 v11, $0x5;
	[tilespmem:v12+s24+$0x0] =	vst.idx.msk $0xffff, v14  }
0x1e4: {  	v63 =	vadd.s32 s8, v58;
	[tilespmem:v61+s24+$0x0] =	vst.idx.msk $0xffff, v11  }
0x1e5: {  	[tilespmem:v62+s24+$0x0] =	vst.idx.msk $0xffff, v63  }
0x1e6: {  	[spmem:s26] =	stream.linear.scatter [tilespmem:s24], [sflag:$0x2], $0x180, $0x38;
	[tilespmem:$0xCB90] =	vst v63  }
0x1e7: {  	s19 =	rddreg [dreg:$0xb];
	s25 =	simm.s32 $0x2180  }
0x1e8: {  	[spmem:s19] =	stream.linear.scatter [tilespmem:s25], [sflag:$0x2], $0x180, $0x38;
	[tilespmem:$0xCB90] =	vst v63  }
0x1e9: {  	s17 =	rddreg [dreg:$0xc];
	s18 =	simm.s32 $0x2300  }
0x1ea: {  	[spmem:s17] =	stream.linear.scatter [tilespmem:s18], [sflag:$0x2], $0x180, $0x38;
	[tilespmem:$0xCB90] =	vst v63  }
0x1eb: {  	s19 =	rddreg [dreg:$0xd];
	s25 =	simm.s32 $0x2480  }
0x1ec: {  	[spmem:s19] =	stream.linear.scatter [tilespmem:s25], [sflag:$0x2], $0x180, $0x38;
	[tilespmem:$0xCB90] =	vst v63  }
0x1ed: {  	s17 =	rddreg [dreg:$0xe];
	s18 =	simm.s32 $0x2600  }
0x1ee: {  	[spmem:s17] =	stream.linear.scatter [tilespmem:s18], [sflag:$0x2], $0x180, $0x38;
	[tilespmem:$0xCB90] =	vst v63  }
0x1ef: {  	s19 =	rddreg [dreg:$0xf];
	s25 =	simm.s32 $0x2780  }
0x1f0: {  	[spmem:s19] =	stream.linear.scatter [tilespmem:s25], [sflag:$0x2], $0x180, $0x38;
	[tilespmem:$0xCB90] =	vst v63  }
0x1f1: {  	s17 =	rddreg [dreg:$0x10];
	s18 =	simm.s32 $0x2900  }
0x1f2: {  	[spmem:s17] =	stream.linear.scatter [tilespmem:s18], [sflag:$0x2], $0x180, $0x38;
	[tilespmem:$0xCB90] =	vst v63  }
0x1f3: {  	s19 =	rddreg [dreg:$0x11];
	s25 =	simm.s32 $0x2A80  }
0x1f4: {  	[spmem:s19] =	stream.linear.scatter [tilespmem:s25], [sflag:$0x2], $0x180, $0x38;
	[tilespmem:$0xCB90] =	vst v63  }
0x1f5: {  	s17 =	rddreg [dreg:$0x13];
	s18 =	simm.s32 $0x2C00  }
0x1f6: {  	[spmem:s17] =	stream.linear.scatter [tilespmem:s18], [sflag:$0x2], $0x180, $0x38;
	[tilespmem:$0xCB90] =	vst v63  }
0x1f7: {  	s19 =	rddreg [dreg:$0x19];
	s25 =	simm.s32 $0x2D80  }
0x1f8: {  	[spmem:s19] =	stream.linear.scatter [tilespmem:s25], [sflag:$0x2], $0x180, $0x38;
	[tilespmem:$0xCB90] =	vst v63  }
0x1f9: {  	s14 =	rddreg [dreg:$0x1a];
	s17 =	simm.s32 $0x2F00  }
0x1fa: {  	[spmem:s14] =	stream.linear.scatter [tilespmem:s17], [sflag:$0x2], $0x180, $0x38;
	[tilespmem:$0xCB90] =	vst v63  }
0x1fb: {  	s18 =	simm.s32 $0x3080  }
0x1fc: {  	[spmem:s28] =	stream.linear.scatter [tilespmem:s18], [sflag:$0x2], $0x180, $0x38;
	[tilespmem:$0xCB90] =	vst v63  }
0x1fd: {  	s19 =	simm.s32 $0x3200  }
0x1fe: {  	[spmem:s29] =	stream.linear.scatter [tilespmem:s19], [sflag:$0x2], $0x180, $0x38;
	[tilespmem:$0xCB90] =	vst v63  }
0x1ff: {  	s25 =	simm.s32 $0x3380  }
0x200: {  	[spmem:s30] =	stream.linear.scatter [tilespmem:s25], [sflag:$0x2], $0x180, $0x38;
	[tilespmem:$0xCB90] =	vst v63  }
0x201: {  	s14 =	simm.s32 $0x3500  }
0x202: {  	[spmem:s31] =	stream.linear.scatter [tilespmem:s14], [sflag:$0x2], $0x180, $0x38;
	[tilespmem:$0xCB90] =	vst v63  }
0x203: {  	s17 =	simm.s32 $0x3680  }
0x204: {  	[spmem:s2] =	stream.linear.scatter [tilespmem:s17], [sflag:$0x2], $0x180, $0x38;
	[tilespmem:$0xCB90] =	vst v63  }
0x205: {  	_ =	swait.ge [sflag:s4], $0x180  }
0x206: {  	[sflag:s4] =	ssyncset.done $0x0  }
0x207: {  	[sflag:s4] =	ssyncadd.s32 $0xFFFFFE80  }
0x208: {  	_ =	swait.ge [sflag:s4], $0x180  }
0x209: {  	[sflag:s4] =	ssyncset.done $0x0  }
0x20a: {  	[sflag:s4] =	ssyncadd.s32 $0xFFFFFE80  }
0x20b: {  	_ =	swait.ge [sflag:s4], $0x180  }
0x20c: {  	[sflag:s4] =	ssyncset.done $0x0  }
0x20d: {  	[sflag:s4] =	ssyncadd.s32 $0xFFFFFE80  }
0x20e: {  	_ =	swait.ge [sflag:s4], $0x180  }
0x20f: {  	[sflag:s4] =	ssyncset.done $0x0  }
0x210: {  	[sflag:s4] =	ssyncadd.s32 $0xFFFFFE80  }
0x211: {  	_ =	swait.ge [sflag:s4], $0x180  }
0x212: {  	[sflag:s4] =	ssyncset.done $0x0  }
0x213: {  	[sflag:s4] =	ssyncadd.s32 $0xFFFFFE80  }
0x214: {  	_ =	swait.ge [sflag:s4], $0x180  }
0x215: {  	[sflag:s4] =	ssyncset.done $0x0  }
0x216: {  	[sflag:s4] =	ssyncadd.s32 $0xFFFFFE80  }
0x217: {  	_ =	swait.ge [sflag:s4], $0x180  }
0x218: {  	[sflag:s4] =	ssyncset.done $0x0  }
0x219: {  	[sflag:s4] =	ssyncadd.s32 $0xFFFFFE80  }
0x21a: {  	_ =	swait.ge [sflag:s4], $0x180  }
0x21b: {  	[sflag:s4] =	ssyncset.done $0x0  }
0x21c: {  	[sflag:s4] =	ssyncadd.s32 $0xFFFFFE80  }
0x21d: {  	_ =	swait.ge [sflag:s4], $0x180  }
0x21e: {  	[sflag:s4] =	ssyncset.done $0x0  }
0x21f: {  	[sflag:s4] =	ssyncadd.s32 $0xFFFFFE80  }
0x220: {  	_ =	swait.ge [sflag:s4], $0x180  }
0x221: {  	[sflag:s4] =	ssyncset.done $0x0  }
0x222: {  	[sflag:s4] =	ssyncadd.s32 $0xFFFFFE80  }
0x223: {  	_ =	swait.ge [sflag:s4], $0x180  }
0x224: {  	[sflag:s4] =	ssyncset.done $0x0  }
0x225: {  	[sflag:s4] =	ssyncadd.s32 $0xFFFFFE80  }
0x226: {  	_ =	swait.ge [sflag:s4], $0x180  }
0x227: {  	[sflag:s4] =	ssyncset.done $0x0  }
0x228: {  	[sflag:s4] =	ssyncadd.s32 $0xFFFFFE80  }
0x229: {  	_ =	swait.ge [sflag:s4], $0x180  }
0x22a: {  	[sflag:s4] =	ssyncset.done $0x0  }
0x22b: {  	[sflag:s4] =	ssyncadd.s32 $0xFFFFFE80  }
0x22c: {  	_ =	swait.ge [sflag:s4], $0x180  }
0x22d: {  	[sflag:s4] =	ssyncset.done $0x0  }
0x22e: {  	[sflag:s4] =	ssyncadd.s32 $0xFFFFFE80  }
0x22f: {  	_ =	swait.ge [sflag:s4], $0x180  }
0x230: {  	[sflag:s4] =	ssyncset.done $0x0  }
0x231: {  	[sflag:s4] =	ssyncadd.s32 $0xFFFFFE80  }
0x232: {  	_ =	swait.ge [sflag:s4], $0x180  }
0x233: {  	[sflag:s4] =	ssyncset.done $0x0  }
0x234: {  	s18 =	rddreg [dreg:$0x14];
	[sflag:s4] =	ssyncadd.s32 $0xFFFFFE80  }
0x235: {  	[spmem:s18] =	stream.linear.scatter [tilespmem:s23], [sflag:$0x3], $0x10, $0x38;
	[tilespmem:$0xCB90] =	vst v63  }
0x236: {  	_ =	swait.ge [sflag:s10], $0x10  }
0x237: {  	[sflag:s10] =	ssyncset.done $0x0  }
0x238: {  	[sflag:s10] =	ssyncadd.s32 $0xFFFFFFF0  }
0x239: {  	[bflag:$0x0] =	sbarrier.arrive $0xFFFF  }
0x23a: {  	s19 =	rddreg [dreg:$0x12]  }
0x23b: {  	[tilespmem:s21], [sflag:$0x3] =	stream.linear.gather [spmem:s19], $0x1800, $0x38;
	[tilespmem:$0xCB90] =	vst v63  }
0x23c: {  	_ =	swait.ge [sflag:s10], $0x1800  }
0x23d: {  	[sflag:s10] =	ssyncset.done $0x0  }
0x23e: {  	[sflag:s10] =	ssyncadd.s32 $0xFFFFE800  }
0x23f: {  	s25 =	rddreg [dreg:$0x4]  }
0x240: {  	[tilespmem:s22], [sflag:$0x3] =	stream.linear.gather [spmem:s25], $0x100, $0x38;
	[tilespmem:$0xCB90] =	vst v63  }
0x241: {  	_ =	swait.ge [sflag:s10], $0x100  }
0x242: {  	[sflag:s10] =	ssyncset.done $0x0  }
0x243: {  	s8 =	simm.s32 $0x0;
	s14 =	simm.s32 $0xAA80;
	[sflag:s10] =	ssyncadd.s32 $0xFFFFFF00  }
.LBB2_23:
0x244: {  	s17 =	sshll.u32 s8, $0x4  }
0x245: {  	s18 =	sor.u32 s0, s17  }
0x246: {  	v12 =	vmov s18;
	_ =	sdelay $0x2  }
0x247: {  	s19 =	sshll.u32 s8, $0x7  }
0x248: {  	v11 =	vimm.s32 $0x0;
	v13 =	vor.u32 s19, v5;
	s19 =	simm.s32 $0x0;
	s18 =	smov.u32 s14  }
.LBB2_24:
0x249: {  	v14 =	vld.idx.msk [tilespmem:v12+s22+$0x0], $0xffff;
	_ =	sdelay $0x2  }
0x24a: {  	v15 =	vor.u32 s19, v13  }
0x24b: {  	v16 =	vor.u32 s19, v5;
	v15 =	vmul.u32 $0x3, v15  }
0x24c: {  	vm1 =	vlt.s32 v16, v14  }
0x24d: {  	v14 =	vadd.s32 $0x1, v15;
	_ =	sdelay $0x4  }
0x24e: {  	v14 =	vld.idx.msk [tilespmem:v14+s21+$0x0], vm1;
	_ =	sdelay $0x4  }
0x24f: {  	v61 =	vadd.s32 $0x2, v15;
	v14 =	vnsel vm1, $0x0, v14;
	_ =	sdelay $0x3  }
0x250: {  	v15 =	vld.idx.msk [tilespmem:v15+s21+$0x0], vm1  }
0x251: {  	v16 =	vld.idx.msk [tilespmem:v61+s21+$0x0], vm1;
	[tilespmem:v14+s1+$0x0] =	vst.idx.msk vm1, v5  }
0x252: {  	v17 =	vld.idx.msk [tilespmem:v14+s1+$0x0], vm1;
	_ =	sdelay $0x3  }
0x253: {  	v15 =	vnsel vm1, $0x0, v15  }
0x254: {  	v18 =	vmul.f32 $1.442695020e+00, v15;
	vm2 =	veq.s32 v17, v5  }
0x255: {  	vm2 =	vmand vm1, vm2  }
0x256: {  	(erf) = vpow2.f32 v18;
	_ =	sdelay $0x4  }
0x257: {  	v62 =	vld.idx.msk [tilespmem:v14+s3+$0x0], vm2;
	_ =	sdelay $0x3  }
0x258: {  	v18 =	vpop (erf)  }
0x259: {  	v17 =	vadd.f32 v62, v18;
	_ =	sdelay $0x1  }
0x25a: {  	[tilespmem:v14+s3+$0x0] =	vst.idx.msk vm2, v17  }
0x25b: {  	v17 =	vld.idx.msk [tilespmem:v14+s7+$0x0], vm2;
	_ =	sdelay $0x4  }
0x25c: {  	v17 =	vadd.s32 $0x1, v17  }
0x25d: {  	[tilespmem:v14+s7+$0x0] =	vst.idx.msk vm2, v17  }
0x25e: {  	v17 =	vld.idx.msk [tilespmem:v14+s5+$0x0], vm2  }
0x25f: {  	v63 =	vld.idx.msk [tilespmem:v14+s6+$0x0], vm2  }
0x260: {  	v19 =	vld.idx.msk [tilespmem:v14+s11+$0x0], vm2  }
0x261: {  	v20 =	vld.idx.msk [tilespmem:v14+s12+$0x0], vm2;
	_ =	sdelay $0x2  }
0x262: {  	v16 =	vnsel vm1, $0x0, v16  }
0x263: {  	vm3 =	vlt.f32 v15, v17;
	vm4 =	veq.f32 v15, v17;
	vm5 =	vlt.s32 v16, v63  }
0x264: {  	vm14 =	veq.f32 v15, v19;
	vm6 =	vlt.s32 v16, v20;
	vm4 =	vmand vm4, vm5  }
0x265: {  	vm15 =	vlt.f32 v15, v19;
	vm5 =	vmand vm14, vm6;
	vm3 =	vmor vm3, vm4  }
0x266: {  	p0 =	sne.s32 s19, $0x70;
	vm4 =	vmor vm15, vm5;
	v21 =	vsel vm3, v15, v17  }
.Ltmp16:
0x267: {  	v22 =	vsel vm3, v16, v63;
	v15 =	vsel vm4, v15, v19;
	[tilespmem:v14+s5+$0x0] =	vst.idx.msk vm2, v21;
	(pc) =	sbr.rel @p0 .LBB2_24-.Ltmp16, $4  }
0x268: {  	v16 =	vsel vm4, v16, v20;
	v15 =	vsel vm3, v17, v15;
	[tilespmem:v14+s6+$0x0] =	vst.idx.msk vm2, v22  }
0x269: {  	vm1 =	vmxor vm1, vm2;
	v16 =	vsel vm3, v63, v16;
	[tilespmem:v14+s11+$0x0] =	vst.idx.msk vm2, v15  }
0x26a: {  	[tilespmem:v14+s12+$0x0] =	vst.idx.msk vm2, v16;
	v14 =	vsel vm1, $0x1, v4  }
0x26b: {  	s19 =	sadd.s32 $0x10, s19;
	[tilespmem:s18+$0x0] =	vst v14;
	v11 =	vor.u32 v14, v11;
	s18 =	sadd.s32 $0x10, s18  }
0x26c: {  	s8 =	sadd.s32 $0x1, s8  }
0x26d: {  	p0 =	sne.s32 s8, $0x10  }
.Ltmp17:
0x26e: {  	_ = 	snop;
	(pc) =	sbr.rel @p0 .LBB2_23-.Ltmp17, $3  }
0x26f: {  	_ =	sdelay $0x1  }
0x270: {  	s17 =	sand.u32 $0x3FFFFFF0, s17  }
0x271: {  	s14 =	sadd.s32 $0x80, s14;
	[tilespmem:s17+$0xB280] =	vst v11  }
.Ltmp18:
0x272: {  	(pc) =	sbr.rel .LBB2_27-.Ltmp18, $2  }
0x273: {  	_ =	sdelay $0x2  }
0x274: {  	s8 =	simm.s32 $0x0  }
.LBB2_33:
0x275: {  	s8 =	sadd.s32 $0x1, s8  }
0x276: {  	p0 =	sne.s32 s8, $0x10  }
.Ltmp19:
0x277: {  	_ = 	snop;
	(pc) =	sbr.rel @!p0 .LBB2_34-.Ltmp19, $1  }
0x278: {  	_ =	sdelay $0x3  }
.LBB2_27:
0x279: {  	s14 =	sshll.u32 s8, $0x4  }
0x27a: {  	v11 =	vld [tilespmem:s14+$0xB280];
	_ =	sdelay $0x4  }
0x27b: {  	vm1 =	veq.s32 v11, $0x0  }
0x27c: {  	v11 =	vsel vm1, $0x0, v10  }
0x27d: {  	(xrf0) =	vmax.scan.msk.f32 $0xffff, v11;
	_ =	sdelay $0x5  }
0x27e: {  	v11, _, _ =	vpop (xrf0)  }
0x27f: {  	(v2sf) =	vpush v11, $0xF;
	_ =	sdelay $0xe  }
0x280: {  	s17 =	spop (v2sf)  }
0x281: {  	p0 =	sgt.f32 s17, $0.0e+00  }
.Ltmp20:
0x282: {  	_ = 	snop;
	(pc) =	sbr.rel @!p0 .LBB2_33-.Ltmp20, $1  }
0x283: {  	_ =	sdelay $0x3  }
0x284: {  	s14 =	sadd.s32 s0, s14  }
.Ltmp21:
0x285: {  	v11 =	vmov s14;
	(pc) =	sbr.rel .LBB2_29-.Ltmp21, $4  }
0x286: {  	s17 =	sshll.u32 s8, $0x7  }
0x287: {  	s18 =	sand.u32 $0x3FFFFF80, s17  }
0x288: {  	s18 =	sadd.s32 $0xAA80, s18  }
0x289: {  	v12 =	vor.u32 s17, v5;
	s14 =	simm.s32 $0x0;
	v13 =	vmov s18  }
.LBB2_32:
0x28a: {  	s14 =	sadd.s32 $0x1, s14  }
0x28b: {  	p0 =	sne.s32 s14, $0x8  }
.Ltmp22:
0x28c: {  	_ = 	snop;
	(pc) =	sbr.rel @!p0 .LBB2_33-.Ltmp22, $1  }
0x28d: {  	_ =	sdelay $0x3  }
.LBB2_29:
0x28e: {  	_ =	sdelay $0x1  }
0x28f: {  	s17 =	sshll.u32 s14, $0x4  }
0x290: {  	s18 =	sand.u32 $0x3FFFFFF0, s17  }
0x291: {  	v14 =	vld.idx.msk [tilespmem:v13+s18+$0x0 ss:$0x1], $0xffff;
	_ =	sdelay $0x4  }
0x292: {  	vm1 =	vne.s32 v14, $0x0  }
0x293: {  	v15 =	vsel vm1, $0x3F800000, v3  }
0x294: {  	(xrf0) =	vmax.scan.msk.f32 $0xffff, v15;
	_ =	sdelay $0x5  }
0x295: {  	v15, _, _ =	vpop (xrf0)  }
0x296: {  	(v2sf) =	vpush v15, $0xF;
	_ =	sdelay $0xe  }
0x297: {  	s25 =	spop (v2sf)  }
0x298: {  	p0 =	sgt.f32 s25, $0.0e+00  }
.Ltmp23:
0x299: {  	_ = 	snop;
	(pc) =	sbr.rel @!p0 .LBB2_32-.Ltmp23, $1  }
0x29a: {  	_ =	sdelay $0x3  }
0x29b: {  	v15 =	vor.u32 s17, v12  }
0x29c: {  	v15 =	vmul.u32 $0x3, v15;
	_ =	sdelay $0x1  }
0x29d: {  	v16 =	vor.u32 s17, v5;
	v17 =	vadd.s32 $0x1, v15;
	v18 =	vadd.s32 $0x2, v15  }
.LBB2_31:
0x29e: {  	v19 =	vld.idx.msk [tilespmem:v11+s22+$0x0], $0xffff;
	_ =	sdelay $0x4  }
0x29f: {  	vm3 =	vlt.s32 v16, v19;
	_ =	sdelay $0x5  }
0x2a0: {  	v19 =	vld.idx.msk [tilespmem:v17+s21+$0x0], vm3;
	_ =	sdelay $0x4  }
0x2a1: {  	v19 =	vnsel vm3, $0x0, v19;
	_ =	sdelay $0x3  }
0x2a2: {  	v20 =	vld.idx.msk [tilespmem:v15+s21+$0x0], vm3  }
0x2a3: {  	v21 =	vld.idx.msk [tilespmem:v18+s21+$0x0], vm3;
	[tilespmem:v19+s1+$0x0] =	vst.idx.msk vm1, v5  }
0x2a4: {  	v22 =	vld.idx.msk [tilespmem:v19+s1+$0x0], vm1;
	_ =	sdelay $0x3  }
0x2a5: {  	v20 =	vnsel vm3, $0x0, v20  }
0x2a6: {  	v23 =	vmul.f32 $1.442695020e+00, v20;
	vm4 =	veq.s32 v22, v5  }
0x2a7: {  	vm2 =	vmand vm1, vm4  }
0x2a8: {  	(erf) = vpow2.f32 v23;
	_ =	sdelay $0x2  }
0x2a9: {  	v14 =	vsel vm4, $0x0, v14  }
0x2aa: {  	vm1 =	vne.s32 v14, $0x0  }
0x2ab: {  	v61 =	vsel vm1, $0x3F800000, v3;
	v60 =	vld.idx.msk [tilespmem:v19+s3+$0x0], vm2  }
0x2ac: {  	(xrf0) =	vmax.scan.msk.f32 $0xffff, v61;
	_ =	sdelay $0x2  }
0x2ad: {  	v24 =	vpop (erf)  }
0x2ae: {  	v22 =	vadd.f32 v60, v24;
	_ =	sdelay $0x1  }
0x2af: {  	v23, _, _ =	vpop (xrf0);
	[tilespmem:v19+s3+$0x0] =	vst.idx.msk vm2, v22  }
0x2b0: {  	(v2sf) =	vpush v23, $0xF;
	v22 =	vld.idx.msk [tilespmem:v19+s7+$0x0], vm2;
	_ =	sdelay $0x4  }
0x2b1: {  	v22 =	vadd.s32 $0x1, v22  }
0x2b2: {  	[tilespmem:v19+s7+$0x0] =	vst.idx.msk vm2, v22  }
0x2b3: {  	v22 =	vld.idx.msk [tilespmem:v19+s5+$0x0], vm2  }
0x2b4: {  	v62 =	vld.idx.msk [tilespmem:v19+s6+$0x0], vm2  }
0x2b5: {  	v63 =	vld.idx.msk [tilespmem:v19+s11+$0x0], vm2  }
0x2b6: {  	v25 =	vld.idx.msk [tilespmem:v19+s12+$0x0], vm2;
	_ =	sdelay $0x2  }
0x2b7: {  	v21 =	vnsel vm3, $0x0, v21  }
0x2b8: {  	vm3 =	vlt.f32 v20, v22;
	vm13 =	veq.f32 v20, v22;
	vm5 =	vlt.s32 v21, v62  }
0x2b9: {  	s17 =	spop (v2sf);
	vm14 =	veq.f32 v20, v63;
	vm6 =	vlt.s32 v21, v25;
	vm4 =	vmand vm13, vm5  }
0x2ba: {  	vm15 =	vlt.f32 v20, v63;
	p0 =	sgt.f32 s17, $0.0e+00;
	vm5 =	vmand vm14, vm6;
	vm3 =	vmor vm3, vm4  }
.Ltmp24:
0x2bb: {  	vm4 =	vmor vm15, vm5;
	v26 =	vsel vm3, v20, v22;
	(pc) =	sbr.rel @p0 .LBB2_31-.Ltmp24, $4  }
0x2bc: {  	v27 =	vsel vm3, v21, v62;
	v20 =	vsel vm4, v20, v63;
	[tilespmem:v19+s5+$0x0] =	vst.idx.msk vm2, v26  }
0x2bd: {  	v21 =	vsel vm4, v21, v25;
	v20 =	vsel vm3, v22, v20;
	[tilespmem:v19+s6+$0x0] =	vst.idx.msk vm2, v27  }
0x2be: {  	v21 =	vsel vm3, v62, v21;
	[tilespmem:v19+s11+$0x0] =	vst.idx.msk vm2, v20  }
0x2bf: {  	[tilespmem:v19+s12+$0x0] =	vst.idx.msk vm2, v21  }
.Ltmp25:
0x2c0: {  	_ = 	snop;
	(pc) =	sbr.rel .LBB2_32-.Ltmp25, $1  }
0x2c1: {  	_ =	sdelay $0x3  }
.LBB2_35:
0x2c2: {  	s8 =	simm.s32 $0x0  }
0x2c3: {  	v11 =	vld [tilespmem:s8+$0x9180]  }
0x2c4: {  	v12 =	vld [tilespmem:s8+$0x5F80]  }
0x2c5: {  	v13 =	vld [tilespmem:s8+$0x7880];
	_ =	sdelay $0x2  }
0x2c6: {  	vm1 =	vgt.s32 v11, $0x8  }
0x2c7: {  	s13 =	simm.s32 $0x10;
	v12 =	vnsel vm1, $0xFFFFFFFF, v12  }
0x2c8: {  	s14 =	simm.s32 $0x80;
	v11 =	vld [tilespmem:s13+$0x9180];
	[tilespmem:s8+$0x5F80] =	vst v12;
	v12 =	vnsel vm1, $0xFFFFFFFF, v13  }
.LBB2_36:
0x2c9: {  	p0 =	sne.s32 s14, $0x30C0;
	v13 =	vld [tilespmem:s13+$0x5F80];
	[tilespmem:s8+$0x7880] =	vst v12;
	s8 =	smov.u32 s13  }
0x2ca: {  	v12 =	vld [tilespmem:s8+$0x7880]  }
.Ltmp26:
0x2cb: {  	(pc) =	sbr.rel @p0 .LBB2_36-.Ltmp26, $4  }
0x2cc: {  	_ = 	snop  }
0x2cd: {  	vm1 =	vgt.s32 v11, $0x8  }
0x2ce: {  	s13 =	sshra.s32 s14, $0x2;
	v13 =	vnsel vm1, $0xFFFFFFFF, v13  }
0x2cf: {  	s14 =	sadd.s32 $0x40, s14;
	v11 =	vld [tilespmem:s13+$0x9180];
	[tilespmem:s8+$0x5F80] =	vst v13;
	v12 =	vnsel vm1, $0xFFFFFFFF, v12  }
0x2d0: {  	v13 =	vld [tilespmem:s13+$0x5F80];
	[tilespmem:s8+$0x7880] =	vst v12  }
0x2d1: {  	v12 =	vld [tilespmem:s13+$0x7880];
	_ =	sdelay $0x2  }
0x2d2: {  	vm1 =	vgt.s32 v11, $0x8  }
0x2d3: {  	v11 =	vnsel vm1, $0xFFFFFFFF, v13  }
0x2d4: {  	[tilespmem:s13+$0x5F80] =	vst v11;
	v11 =	vnsel vm1, $0xFFFFFFFF, v12  }
0x2d5: {  	s15 =	simm.s32 $0x0;
	s16 =	rddreg [dreg:$0x15];
	[tilespmem:s13+$0x7880] =	vst v11  }
0x2d6: {  	[hbm4b:s16+s15] =	stream.linear.scatter [tilespmem:s3], [sflag:$0x3], $0xC40, $0x38;
	[tilespmem:$0xCB90] =	vst v63  }
0x2d7: {  	_ =	swait.ge [sflag:s10], $0xC40  }
0x2d8: {  	[sflag:s10] =	ssyncset.done $0x0  }
0x2d9: {  	s17 =	rddreg [dreg:$0x16];
	[sflag:s10] =	ssyncadd.s32 $0xFFFFF3C0  }
0x2da: {  	[hbm4b:s17+s15] =	stream.linear.scatter [tilespmem:s6], [sflag:$0x3], $0xC40, $0x38;
	[tilespmem:$0xCB90] =	vst v63  }
0x2db: {  	_ =	swait.ge [sflag:s10], $0xC40  }
0x2dc: {  	[sflag:s10] =	ssyncset.done $0x0  }
0x2dd: {  	s18 =	rddreg [dreg:$0x17];
	[sflag:s10] =	ssyncadd.s32 $0xFFFFF3C0  }
0x2de: {  	[hbm4b:s18+s15] =	stream.linear.scatter [tilespmem:s12], [sflag:$0x3], $0xC40, $0x38;
	[tilespmem:$0xCB90] =	vst v63  }
0x2df: {  	_ =	swait.ge [sflag:s10], $0xC40  }
0x2e0: {  	s19 =	rddreg [dreg:$0x1c]  }
0x2e1: {  	s25 =	rddreg [dreg:$0x18];
	s13 =	sadd.s32 $0x1, s19  }
0x2e2: {  	p0 =	sne.s32 s13, s25  }
.Ltmp27:
0x2e3: {  	_ = 	snop;
	(pc) =	sbr.rel @p0 .LBB2_1-.Ltmp27, $3  }
0x2e4: {  	_ =	sdelay $0x1  }
0x2e5: {  	[sflag:s10] =	ssyncset.done $0x0  }
0x2e6: {  	[sflag:s10] =	ssyncadd.s32 $0xFFFFF3C0  }
0x2e7: {  	_ =	sfence.sel $0x180000  }
0x2e8: {  	[bflag:$0x0] =	sbarrier.arrive $0xFFFF  }
0x2e9: {  	_ =	strace $0x90000047  }
0x2ea: {  	[bflag:$0x2] =	sbarrier.arrive $0xFFFF  }
0x2eb: {  	p0 =	sne.s32 s0, $0x0;
	s0 =	rddreg [dreg:$0x5]  }
0x2ec: {  	s0 =	sadd.s32 @!p0 $0x100000, s0  }
0x2ed: {  	[sflag:s0] =	ssyncadd.tile.s32 @!p0 $0x1;
	_ =	shalt  }
.Lfunc_end2:
_tile_overlayer_lowered:
.L_overlay_start_2:
0x2ee: {  	(tag) =	ssettag $0x2  }
0x2ef: {  	s0 =	rddreg [dreg:$0x0];
	s2 =	stileid.u32  }
0x2f0: {  	s1 =	rddreg [dreg:$0x1];
	p0 =	sne.s32 s2, $0x0  }
0x2f1: {  	s3 =	rddreg [dreg:$0x2];
	[bflag:$0x3] =	sbarrier.arrive $0xFFFF;
	s2 =	simm.s32 @!p0 $0x1C03  }
0x2f2: {  	[timem:s3], [sflag:s2] =	dma.local @!p0 [hbm:s0], s1  }
0x2f3: {  	s0 =	simm.s32 @!p0 $0x3  }
0x2f4: {  	_ =	swait.ge @!p0 [sflag:s0], s1  }
0x2f5: {  	s1 =	ssub.s32 @!p0 $0x0, s1;
	[sflag:s0] =	ssyncset.done @!p0 $0x0  }
0x2f6: {  	[sflag:s0] =	ssyncadd.s32 @!p0 s1  }
0x2f7: {  	[bflag:$0x3] =	sbarrier.arrive $0xFFFF  }
0x2f8: {  	_ =	shalt  }

// kernel: kernel.7.cloned.1.call-start
scs
__scs_entry_jumppad:
0x0: {  	(pc) =	sbr.rel $0x88, $3  }
0x1: {  	(tag) =	ssettag $0x0;
	lr =	simm.s32 $0x1  }
0x2: {  	[smem:$0x3F9F] =	sst lr;
	_ =	strace $0xD0000000  }
0x3: {  	_ = 	snop  }
0x4: {  	_ = 	snop  }
0x5: {  	_ = 	snop  }
0x6: {  	_ = 	snop  }
0x7: {  	_ = 	snop  }
__scs_overlays_trampoline_lowered:
0x8: {  	[smem:$0x3FAE] =	sst s0  }
0x9: {  	[smem:$0x3FAF] =	sst s1  }
0xa: {  	[smem:$0x3FB0] =	sst s2  }
0xb: {  	[smem:$0x3FB1] =	sst s3  }
0xc: {  	[smem:$0x3FB2] =	sst s4  }
0xd: {  	[smem:$0x3FB3] =	sst s5  }
0xe: {  	[smem:$0x3FB4] =	sst s6  }
0xf: {  	[smem:$0x3FB5] =	sst s7  }
0x10: {  	[smem:$0x3FB6] =	sst s8  }
0x11: {  	[smem:$0x3FB7] =	sst s9;
	s0 =	simm.s32 @!p0 $0x0  }
0x12: {  	s1 =	sld [smem:$0x3F9D];
	s0 =	simm.s32 @p0 $0x1  }
0x13: {  	[smem:$0x3FB8] =	sst s0;
	s0 =	simm.s32 @!p1 $0x0  }
0x14: {  	s2 =	sld [smem:$0x3F9C];
	s0 =	simm.s32 @p1 $0x1  }
0x15: {  	[smem:$0x3FB9] =	sst s0;
	s0 =	simm.s32 @!p2 $0x0  }
0x16: {  	s3 =	sld [smem:$0x3FDB];
	s0 =	simm.s32 @p2 $0x1  }
0x17: {  	s4 =	simm.s32 $0x1BF5;
	[smem:$0x3FBB] =	sst s0  }
0x18: {  	s0 =	sld [smem:$0x3F9E];
	_ =	swait.ge [sflag:s4], $0x0  }
0x19: {  	s7 =	sld [smem:$0x3F9F]  }
0x1a: {  	s8 =	sadd.s32 $0xFFFFE003, lr  }
0x1b: {  	s9 =	sadd.s32 $0xFFFFFEF7, lr;
	s5 =	simm.s32 $0xFFFFFFFF;
	p2 =	slt.u32 s8, $0xFFFFF086  }
0x1c: {  	p1 =	slt.u32 s9, $0xF7A;
	s5 =	simm.s32 @!p2 $0x0  }
0x1d: {  	s5 =	simm.s32 @p1 $0x1;
	p0 =	seq.s32 s7, s2  }
0x1e: {  	s7 =	smul.u32 @!p0 $0xF7A, s2;
	p2 =	seq.s32 @!p0 s5, $0x0  }
0x1f: {  	s9 =	smul.u32 $0xF7A, s1;
	s8 =	simm.s32 @!p0 $0x1BF5;
	p2 =	por !p2, p0  }
0x20: {  	[sflag:s8] =	ssyncset.s32 @!p0 $0xFFFFF086;
	s6 =	sadd.s32 @!p0 s3, s7;
	s7 =	simm.s32 @!p0 $0x108  }
0x21: {  	s3 =	sadd.s32 s3, s9;
	s6 =	sadd.s32 @!p0 $0x88, s6;
	s7 =	simm.s32 @p2 $0x1082  }
0x22: {  	[simem:s7], [sflag:s8] =	dma.local @!p0 [hbm:s6], $0xF7A  }
0x23: {  	s9 =	sor.u32 $0xD0000000, s2;
	s6 =	simm.s32 $0x108;
	_ =	swait.ge @!p0 [sflag:s8], $0x0  }
0x24: {  	s3 =	sadd.s32 $0x88, s3;
	s6 =	simm.s32 @!p1 $0x1082;
	[sflag:s4] =	ssyncset.s32 $0xFFFFF086  }
0x25: {  	[simem:s6], [sflag:s4] =	dma.local [hbm:s3], $0xF7A  }
0x26: {  	[smem:$0x3F9F] =	sst s1;
	(tag) =	ssettag s2;
	_ =	strace s9  }
0x27: {  	s1 =	sld [smem:$0x3FAF]  }
0x28: {  	s2 =	sld [smem:$0x3FB0]  }
0x29: {  	s4 =	sld [smem:$0x3FB2]  }
0x2a: {  	p0 =	seq.s32 s5, $0x0;
	s5 =	sld [smem:$0x3FB3]  }
0x2b: {  	s6 =	sld [smem:$0x3FB4]  }
0x2c: {  	s7 =	sld [smem:$0x3FB5]  }
0x2d: {  	s3 =	simm.s32 $0x108;
	s8 =	sld [smem:$0x3FB6]  }
0x2e: {  	s3 =	simm.s32 @!p0 $0x1082;
	s9 =	sld [smem:$0x3FB7]  }
0x2f: {  	lr =	sadd.s32 s0, s3;
	s0 =	sld [smem:$0x3FAE]  }
0x30: {  	s3 =	sld [smem:$0x3FB1]  }
0x31: {  	[smem:$0x3FBA] =	sst s10  }
0x32: {  	s10 =	sld [smem:$0x3FB8];
	_ =	sdelay $0x3  }
0x33: {  	p0 =	seq.s32 s10, $0x1;
	s10 =	sld [smem:$0x3FBA];
	_ =	sdelay $0x3  }
0x34: {  	[smem:$0x3FBA] =	sst s10  }
0x35: {  	s10 =	sld [smem:$0x3FB9];
	_ =	sdelay $0x3  }
0x36: {  	p1 =	seq.s32 s10, $0x1;
	s10 =	sld [smem:$0x3FBA];
	_ =	sdelay $0x3  }
0x37: {  	[smem:$0x3FBA] =	sst s10  }
0x38: {  	s10 =	sld [smem:$0x3FBB]  }
0x39: {  	_ = 	snop;
	(pc) =	sbr.ind lr, $3  }
0x3a: {  	_ = 	snop  }
0x3b: {  	_ = 	snop  }
0x3c: {  	p2 =	seq.s32 s10, $0x1;
	s10 =	sld [smem:$0x3FBA]  }
0x3d: {  	_ =	shalt  }
0x3e: {  	_ =	shalt  }
0x3f: {  	_ =	shalt  }
0x40: {  	_ =	shalt  }
0x41: {  	_ =	shalt  }
0x42: {  	_ =	shalt  }
0x43: {  	_ =	shalt  }
0x44: {  	_ =	shalt  }
0x45: {  	_ =	shalt  }
0x46: {  	_ =	shalt  }
0x47: {  	_ =	shalt  }
0x48: {  	_ =	shalt  }
0x49: {  	_ =	shalt  }
0x4a: {  	_ =	shalt  }
0x4b: {  	_ =	shalt  }
0x4c: {  	_ =	shalt  }
0x4d: {  	_ =	shalt  }
0x4e: {  	_ =	shalt  }
0x4f: {  	_ =	shalt  }
0x50: {  	_ =	shalt  }
0x51: {  	_ =	shalt  }
0x52: {  	_ =	shalt  }
0x53: {  	_ =	shalt  }
0x54: {  	_ =	shalt  }
0x55: {  	_ =	shalt  }
0x56: {  	_ =	shalt  }
0x57: {  	_ =	shalt  }
0x58: {  	_ =	shalt  }
0x59: {  	_ =	shalt  }
0x5a: {  	_ =	shalt  }
0x5b: {  	_ =	shalt  }
0x5c: {  	_ =	shalt  }
0x5d: {  	_ =	shalt  }
0x5e: {  	_ =	shalt  }
0x5f: {  	_ =	shalt  }
0x60: {  	_ =	shalt  }
0x61: {  	_ =	shalt  }
0x62: {  	_ =	shalt  }
0x63: {  	_ =	shalt  }
0x64: {  	_ =	shalt  }
0x65: {  	_ =	shalt  }
0x66: {  	_ =	shalt  }
0x67: {  	_ =	shalt  }
0x68: {  	_ =	shalt  }
0x69: {  	_ =	shalt  }
0x6a: {  	_ =	shalt  }
0x6b: {  	_ =	shalt  }
0x6c: {  	_ =	shalt  }
0x6d: {  	_ =	shalt  }
0x6e: {  	_ =	shalt  }
0x6f: {  	_ =	shalt  }
0x70: {  	_ =	shalt  }
0x71: {  	_ =	shalt  }
0x72: {  	_ =	shalt  }
0x73: {  	_ =	shalt  }
0x74: {  	_ =	shalt  }
0x75: {  	_ =	shalt  }
0x76: {  	_ =	shalt  }
0x77: {  	_ =	shalt  }
0x78: {  	_ =	shalt  }
0x79: {  	_ =	shalt  }
0x7a: {  	_ =	shalt  }
0x7b: {  	_ =	shalt  }
0x7c: {  	_ =	shalt  }
0x7d: {  	_ =	shalt  }
0x7e: {  	_ =	shalt  }
0x7f: {  	_ =	shalt  }
0x80: {  	_ =	shalt  }
0x81: {  	_ =	shalt  }
0x82: {  	_ =	shalt  }
0x83: {  	_ =	shalt  }
0x84: {  	_ =	shalt  }
0x85: {  	_ =	shalt  }
0x86: {  	_ =	shalt  }
0x87: {  	_ =	shalt  }
.Lfunc_end0:
.L_simem_size_0:
called_computation.1_lowered:
.L_overlay_start_0:
0x88: {  	s2 =	sld [smem:$0x3FD9]  }
0x89: {  	s3 =	sld [smem:$0x3FFE];
	_ =	sdelay $0x1  }
0x8a: {  	s1 =	srdreg.scid  }
0x8b: {  	s0 =	sand.u32 $0x1, s1  }
0x8c: {  	s14 =	sshll.u32 s0, $0xA;
	s2 =	sadd.s32 s3, s2  }
0x8d: {  	s2 =	sadd.s32 s2, s14  }
0x8e: {  	[smem:$0x3FC6] =	sst s2  }
0x8f: {  	_ = 	snop  }
0x90: {  	s2 =	sld [smem:$0x3FD0];
	_ =	sdelay $0x2  }
0x91: {  	s4 =	simm.s32 $0xA;
	s5 =	simm.s32 $0x10;
	s15 =	sld [smem:$0x3FC9]  }
0x92: {  	[smem:s5], [sflag:s4] =	dma.local [hbm:s2], $0x1  }
0x93: {  	_ =	swait.eq [sflag:s4], $0x1  }
0x94: {  	[sflag:s4] =	ssyncset.done $0x0  }
0x95: {  	s16 =	sld [smem:$0x10];
	[sflag:s4] =	ssyncadd.s32 $0xFFFFFFFF  }
0x96: {  	s17 =	sld [smem:$0x11];
	(tm) =	ssettm $0x1  }
0x97: {  	s18 =	sld [smem:$0x3FFB];
	_ =	sdelay $0x3  }
0x98: {  	_ =	strace s18  }
0x99: {  	s5 =	sld [smem:$0x3FFC];
	_ =	sdelay $0x3  }
0x9a: {  	_ =	strace s5  }
0x9b: {  	s5 =	sld [smem:$0x3FFD];
	_ =	sdelay $0x3  }
0x9c: {  	_ =	strace s5  }
0x9d: {  	_ =	strace $0x8FFFFFFF  }
0x9e: {  	s19 =	sld [smem:$0x3FDB];
	_ =	sdelay $0x1  }
0x9f: {  	s6 =	simm.s32 $_scs_section_size  }
0xa0: {  	s7 =	simm.s32 $_size__tile_overlayer_lowered;
	s8 =	simm.s32 $_tile_overlayer_lowered  }
0xa1: {  	s22 =	simm.s32 $0x1BFF;
	s21 =	sshll.u32 s8, $0x1;
	s5 =	sadd.s32 s6, s19  }
0xa2: {  	s9 =	simm.s32 $0x0;
	s20 =	sshll.u32 s7, $0x1;
	s7 =	sadd.s32 s21, s5  }
0xa3: {  	[timem:s9], [sflag:s22] =	dma.local [hbm:s7], s20  }
0xa4: {  	_ =	swait.ge [sflag:s22], s20  }
0xa5: {  	s6 =	ssub.s32 $0x0, s20;
	[sflag:s22] =	ssyncset.done $0x0  }
0xa6: {  	[sflag:s22] =	ssyncadd.s32 s6;
	_ =	sdelay $0x1  }
0xa7: {  	s23 =	simm.s32 $0x1B8B  }
0xa8: {  	_ =	swait.ge [sflag:s23], $0x1  }
0xa9: {  	[sflag:s23] =	ssyncset.done $0x0  }
0xaa: {  	s25 =	simm.s32 $0x1B8E;
	s24 =	sld [smem:$0x3FFE];
	[sflag:s23] =	ssyncadd.s32 $0xFFFFFFFF  }
0xab: {  	s26 =	simm.s32 $execute0_lowered;
	[smem:$0x3FD2] =	sst s25  }
0xac: {  	s7 =	sshll.u32 s26, $0x1;
	_ =	strace $0x80000049;
	[dreg:$0x1] =	wrdreg $0xFFFFFFFF  }
0xad: {  	s28 =	simm.s32 $_size_execute0_lowered;
	s5 =	sadd.s32 s5, s7;
	[dreg:$0x0] =	wrdreg $0x0  }
0xae: {  	s7 =	sshll.u32 s28, $0x1;
	[dreg:$0x2] =	wrdreg s5  }
0xaf: {  	[dreg:$0x3] =	wrdreg s7  }
0xb0: {  	[dreg:$0x4] =	wrdreg $0xC0  }
0xb1: {  	_ =	task [dreg:s9], $0x5FFFF  }
0xb2: {  	[dreg:$0x1] =	wrdreg $0xFFFFFFFF  }
0xb3: {  	[dreg:$0x0] =	wrdreg $0x60  }
0xb4: {  	[dreg:$0x2] =	wrdreg s15  }
0xb5: {  	[dreg:$0x3] =	wrdreg s24  }
0xb6: {  	[dreg:$0x4] =	wrdreg s16  }
0xb7: {  	[dreg:$0x5] =	wrdreg s17  }
0xb8: {  	[dreg:$0x6] =	wrdreg $0x9  }
0xb9: {  	_ =	task.clear_ibuf [dreg:s9], $0x7FFFF;
	_ =	strace $0x90000049  }
0xba: {  	s29 =	simm.s32 $0x9;
	_ =	strace $0x8000004B  }
0xbb: {  	_ =	swait.ge [sflag:s29], $0x1  }
0xbc: {  	[sflag:s29] =	ssyncadd.s32 $0xFFFFFFFF  }
0xbd: {  	_ =	strace $0x9000004B  }
0xbe: {  	_ =	sfence  }
0xbf: {  	s30 =	sld [smem:$0x0];
	_ =	sdelay $0x2  }
0xc0: {  	s31 =	sshll.u32 s1, $0xD;
	s1 =	sshrl.u32 s1, $0x2  }
0xc1: {  	s3 =	sand.u32 $0x4000, s31;
	s1 =	sadd.s32 s1, s30  }
0xc2: {  	s0 =	sor.u32 s3, s0;
	s1 =	sshll.u32 s1, $0x11  }
0xc3: {  	s0 =	sor.u32 s1, s0  }
0xc4: {  	s0 =	sadd.s32 $0x8F2B, s0  }
0xc5: {  	[sflag:s0] =	ssyncadd.remote.s32 $0x1  }
0xc6: {  	_ =	sfence.sel $0xFFFF  }
0xc7: {  	[dreg:$0x0] =	wrdreg $0xFFFFFFFF;
	(pc) =	sbr.abs _section_cstart, $3  }
0xc8: {  	[dreg:$0x1] =	wrdreg $0xFFFFFFFF  }
0xc9: {  	_ =	task.clear_ibuf [dreg:s9], $0x2FFFF;
	_ =	strace $0x9FFFFFFF  }
0xca: {  	(tm) =	ssettm $0x7FFFFFFF  }
0xcb: {  	_ =	shalt  }
tec
execute0_lowered:
.L_overlay_start_1:
0x0: {  	(tag) =	ssettag $0x1  }
0x1: {  	s1 =	rddreg [dreg:$0x0]  }
0x2: {  	s0 =	rddreg [dreg:$0x1]  }
0x3: {  	s4 =	rddreg [dreg:$0x3];
	s5 =	simm.s32 $0x0;
	s2 =	srdreg.scid  }
0x4: {  	s12 =	stileid.u32;
	s28 =	simm.s32 $0x7D0;
	s29 =	simm.s32 $0x1A800  }
0x5: {  	s30 =	simm.s32 $0x1C000;
	s31 =	simm.s32 $0x1C800;
	s14 =	simm.s32 $0x0  }
0x6: {  	[smem:$0x7FF] =	sst s5;
	s2 =	sand.u32 $0x1, s2;
	s3 =	sshll.u32 s12, $0x1  }
0x7: {  	s6 =	sadd.s32 $0xC00, s0;
	s7 =	sadd.s32 $0x31A00, s0;
	s12 =	smul.u32 $0x186A0, s12  }
0x8: {  	s3 =	sor.u32 s2, s3;
	s20 =	ssub.s32 $0x2, s2;
	s2 =	smul.u32 $0xC350, s2  }
0x9: {  	s9 =	sadd.s32 $0x34C00, s0;
	s8 =	smul.u32 $0xC350, s3;
	s21 =	sshrl.u32 s20, $0x1  }
0xa: {  	s10 =	sadd.s32 $0x37E00, s0;
	_ =	strace $0x8000004A;
	s0 =	ssub.s32 s20, s21  }
0xb: {  	s2 =	sadd.s32 s2, s12;
	s12 =	simm.s32 $0x1D7D0;
	s11 =	sshrl.u32 s8, $0x3  }
0xc: {  	s13 =	sadd.s32 $0xFA0, s8;
	s0 =	smax.u32 s0, $0x1;
	[dreg:$0x9] =	wrdreg s2  }
0xd: {  	s18 =	sadd.s32 $0x7D0, s8;
	s25 =	sadd.s32 $0x7D0, s2;
	[dreg:$0xa] =	wrdreg s0  }
0xe: {  	s26 =	sadd.s32 $0xBB80, s2;
	s2 =	simm.s32 $0x1D000;
	[dreg:$0xb] =	wrdreg s25  }
0xf: {  	s22 =	sadd.s32 s1, s11;
	s23 =	sadd.s32 s6, s11;
	[dreg:$0xc] =	wrdreg s26  }
0x10: {  	s24 =	sadd.s32 $0x1770, s11;
	s0 =	simm.s32 $0x2;
	[dreg:$0x5] =	wrdreg s22  }
0x11: {  	[dreg:$0x6] =	wrdreg s23;
	s11 =	sadd.s32 s4, s24;
	s3 =	sadd.s32 s10, s24  }
0x12: {  	s22 =	simm.s32 $0x18800;
	s23 =	simm.s32 $0x19800;
	[dreg:$0x7] =	wrdreg s11  }
0x13: {  	v0 =	vlaneseq.u32;
	v1 =	vimm.s32 $0x0;
	s24 =	simm.s32 $0x1;
	[dreg:$0x8] =	wrdreg s3;
	s3 =	simm.s32 $0x1B000  }
.LBB2_1:
0x14: {  	[dreg:$0xd] =	wrdreg s14  }
0x15: {  	s11 =	rddreg [dreg:$0x2];
	s21 =	simm.s32 $0x4  }
0x16: {  	[tilespmem:s5], [sflag:$0x4] =	stream.linear.gather [hbm4b:s11+s5], $0x18800, $0x38;
	[tilespmem:$0x1E000] =	vst v63  }
0x17: {  	_ =	swait.ge [sflag:s21], $0x18800  }
0x18: {  	s25 =	rddreg [dreg:$0x5]  }
0x19: {  	[sflag:s21] =	ssyncset.done $0x0;
	s26 =	rddreg [dreg:$0x6]  }
0x1a: {  	s19 =	rddreg [dreg:$0xb];
	[sflag:s21] =	ssyncadd.s32 $0xFFFE7800  }
0x1b: {  	[tilespmem:s22], [sflag:$0x1] =	stream.linear.gather [hbm4b:s25+s5], $0x7D0, $0x38;
	[tilespmem:$0x1E000] =	vst v63  }
0x1c: {  	s20 =	simm.s32 $0x0;
	s16 =	rddreg [dreg:$0x9]  }
0x1d: {  	[tilespmem:s23], [sflag:$0x1] =	stream.linear.gather [hbm4b:s26+s5], $0x7D0, $0x38;
	[tilespmem:$0x1E000] =	vst v63  }
.LBB2_2:
0x1e: {  	_ =	swait.ge [sflag:s24], $0x7D0  }
0x1f: {  	s21 =	smul.u32 $0xFA0, s20;
	[sflag:s24] =	ssyncset.done $0x0  }
0x20: {  	[sflag:s24] =	ssyncadd.s32 $0xFFFFF830  }
0x21: {  	s14 =	sadd.s32 s18, s21;
	_ =	swait.ge [sflag:s24], $0x7D0  }
0x22: {  	s11 =	simm.s32 $0x18FD0;
	s17 =	sshrl.u32 s14, $0x3;
	[sflag:s24] =	ssyncset.done $0x0  }
0x23: {  	p0 =	seq.s32 s20, $0x0;
	s14 =	sadd.s32 s1, s17;
	[sflag:s24] =	ssyncadd.s32 $0xFFFFF830  }
0x24: {  	[tilespmem:s11], [sflag:$0x1] =	stream.linear.gather [hbm4b:s14+s5], $0x7D0, $0x38;
	[tilespmem:$0x1E000] =	vst v63  }
0x25: {  	s26 =	simm.s32 $0x19FD0;
	s25 =	sadd.s32 s6, s17;
	s14 =	simm.s32 @!p0 $0x3  }
0x26: {  	[tilespmem:s26], [sflag:$0x1] =	stream.linear.gather [hbm4b:s25+s5], $0x7D0, $0x38;
	[tilespmem:$0x1E000] =	vst v63  }
0x27: {  	_ =	swait.ge @!p0 [sflag:s14], $0x7D0  }
0x28: {  	[sflag:s14] =	ssyncset.done @!p0 $0x0  }
0x29: {  	[sflag:s14] =	ssyncadd.s32 @!p0 $0xFFFFF830  }
0x2a: {  	_ =	swait.ge @!p0 [sflag:s14], $0x7D0  }
0x2b: {  	[sflag:s14] =	ssyncset.done @!p0 $0x0  }
0x2c: {  	[sflag:s14] =	ssyncadd.s32 @!p0 $0xFFFFF830;
	s14 =	simm.s32 $0x0  }
0x2d: {  	v2 =	vld [tilespmem:s14+$0x19800];
	_ =	sdelay $0x4  }
0x2e: {  	v3 =	vand.u32 $0x1F, v2  }
0x2f: {  	v3 =	vmul.u32 $0xC40, v3  }
0x30: {  	v2 =	vshrl.u32 v2, $0x5  }
0x31: {  	v2 =	vadd.s32 v2, v3;
	_ =	sdelay $0x1  }
0x32: {  	v3 =	vld [tilespmem:s14+$0x18800];
	_ =	sdelay $0x1  }
0x33: {  	[tilespmem:s14+$0x1A800] =	vst v2  }
0x34: {  	v2 =	vld.idx.msk [tilespmem:v2+s5+$0x0], $0xffff;
	_ =	sdelay $0x1  }
0x35: {  	v3 =	vmul.f32 $1.442695020e+00, v3;
	_ =	sdelay $0x1  }
0x36: {  	s15 =	sadd.s32 s8, s21;
	s25 =	simm.s32 $0x10;
	s26 =	simm.s32 $0x80;
	(erf) = vpow2.f32 v3  }
.LBB2_3:
0x37: {  	p1 =	sne.s32 s26, $0x1F00;
	v3 =	vld [tilespmem:s25+$0x19800];
	(erf) = vrcp.f32 v2;
	_ =	sdelay $0x4  }
0x38: {  	v2 =	vand.u32 $0x1F, v3  }
0x39: {  	v2 =	vmul.u32 $0xC40, v2  }
0x3a: {  	v5 =	vshrl.u32 v3, $0x5  }
0x3b: {  	v2 =	vadd.s32 v5, v2;
	v3 =	vpop (erf)  }
0x3c: {  	v4 =	vpop (erf)  }
0x3d: {  	v3 =	vmul.f32 v3, v4  }
0x3e: {  	[tilespmem:s25+$0x1A800] =	vst v2;
	v4 =	vld [tilespmem:s25+$0x18800]  }
0x3f: {  	[tilespmem:s14+$0x1B000] =	vst v3;
	s14 =	smov.u32 s25  }
0x40: {  	v2 =	vld.idx.msk [tilespmem:v2+s5+$0x0], $0xffff  }
.Ltmp0:
0x41: {  	(pc) =	sbr.rel @p1 .LBB2_3-.Ltmp0, $3  }
0x42: {  	_ = 	snop  }
0x43: {  	v3 =	vmul.f32 $1.442695020e+00, v4;
	_ =	sdelay $0x1  }
0x44: {  	s25 =	sshra.s32 s26, $0x2;
	s26 =	sadd.s32 $0x40, s26;
	(erf) = vpow2.f32 v3  }
0x45: {  	v3 =	vld [tilespmem:s25+$0x19800];
	(erf) = vrcp.f32 v2;
	_ =	sdelay $0x4  }
0x46: {  	v2 =	vand.u32 $0x1F, v3;
	v3 =	vshrl.u32 v3, $0x5  }
0x47: {  	v2 =	vmul.u32 $0xC40, v2;
	_ =	sdelay $0x1  }
0x48: {  	v2 =	vadd.s32 v3, v2;
	v3 =	vpop (erf)  }
0x49: {  	v4 =	vpop (erf)  }
0x4a: {  	v3 =	vmul.f32 v3, v4;
	v4 =	vld [tilespmem:s25+$0x18800]  }
0x4b: {  	[tilespmem:s25+$0x1A800] =	vst v2  }
0x4c: {  	[tilespmem:s14+$0x1B000] =	vst v3  }
0x4d: {  	v2 =	vld.idx.msk [tilespmem:v2+s5+$0x0], $0xffff;
	_ =	sdelay $0x1  }
0x4e: {  	v3 =	vmul.f32 $1.442695020e+00, v4;
	_ =	sdelay $0x1  }
0x4f: {  	(erf) = vpow2.f32 v3  }
0x50: {  	(erf) = vrcp.f32 v2;
	_ =	sdelay $0x7  }
0x51: {  	v2 =	vpop (erf)  }
0x52: {  	v3 =	vpop (erf)  }
0x53: {  	v2 =	vmul.f32 v2, v3;
	_ =	sdelay $0x1  }
0x54: {  	[tilespmem:s25+$0x1B000] =	vst v2  }
0x55: {  	[tilespmem:s30], [sflag:$0x2] =	stream.indirect.gather [hbm4b:s7+s28], $0x1, s29, s28, $0xb8;
	[tilespmem:$0x1E000] =	vst v63  }
0x56: {  	_ = 	snop  }
0x57: {  	[tilespmem:s31], [sflag:$0x2] =	stream.indirect.gather [hbm4b:s9+s28], $0x1, s29, s28, $0xb8;
	[tilespmem:$0x1E000] =	vst v63  }
0x58: {  	_ =	swait.ge [sflag:s0], $0x7D0  }
0x59: {  	[sflag:s0] =	ssyncset.done $0x0  }
0x5a: {  	[sflag:s0] =	ssyncadd.s32 $0xFFFFF830  }
0x5b: {  	_ =	swait.ge [sflag:s0], $0x7D0  }
0x5c: {  	[sflag:s0] =	ssyncset.done $0x0  }
0x5d: {  	s14 =	simm.s32 $0x0;
	[sflag:s0] =	ssyncadd.s32 $0xFFFFF830  }
0x5e: {  	v2 =	vld [tilespmem:s14+$0x1C000]  }
0x5f: {  	v3 =	vld [tilespmem:s14+$0x1C800];
	_ =	sdelay $0x2  }
0x60: {  	s26 =	smov.u32 s16;
	s25 =	simm.s32 $0x40  }
.LBB2_5:
0x61: {  	s11 =	sshra.s32 s25, $0x2;
	v4 =	vor.u32 s26, v0;
	p1 =	sne.s32 s25, $0x1F00  }
.Ltmp1:
0x62: {  	s25 =	sadd.s32 $0x40, s25;
	vm0 =	vne.s32 v4, v2;
	v2 =	vld [tilespmem:s11+$0x1C000];
	vm1 =	vne.s32 v4, v3;
	(pc) =	sbr.rel @p1 .LBB2_5-.Ltmp1, $4  }
0x63: {  	v3 =	vld [tilespmem:s11+$0x1C800];
	vm0 =	vmand vm0, vm1  }
0x64: {  	v4 =	vsel vm0, $0x1, v1  }
0x65: {  	[tilespmem:s14+$0x1D000] =	vst v4;
	s14 =	smov.u32 s11  }
0x66: {  	s26 =	sadd.s32 $0x10, s26  }
0x67: {  	v4 =	vor.u32 s26, v0  }
0x68: {  	vm0 =	vne.s32 v4, v2;
	vm1 =	vne.s32 v4, v3  }
0x69: {  	vm0 =	vmand vm0, vm1  }
0x6a: {  	s11 =	sshrl.u32 s15, $0x3;
	v2 =	vsel vm0, $0x1, v1  }
0x6b: {  	s15 =	sadd.s32 s4, s11;
	[tilespmem:s14+$0x1D000] =	vst v2  }
0x6c: {  	[hbm4b:s15+s5] =	stream.linear.scatter [tilespmem:s3], [sflag:$0x3], $0x7D0, $0x38;
	[tilespmem:$0x1E000] =	vst v63  }
0x6d: {  	s11 =	sadd.s32 s10, s11  }
0x6e: {  	[hbm4b:s11+s5] =	stream.linear.scatter [tilespmem:s2], [sflag:$0x3], $0x7D0, $0x38;
	[tilespmem:$0x1E000] =	vst v63  }
0x6f: {  	_ =	swait.ge [sflag:s24], $0x7D0  }
0x70: {  	[sflag:s24] =	ssyncset.done $0x0  }
0x71: {  	[sflag:s24] =	ssyncadd.s32 $0xFFFFF830  }
0x72: {  	s25 =	sadd.s32 s21, s13;
	_ =	swait.ge [sflag:s24], $0x7D0  }
0x73: {  	s11 =	sshrl.u32 s25, $0x3;
	[sflag:s24] =	ssyncset.done $0x0  }
0x74: {  	s26 =	sadd.s32 s1, s11;
	[sflag:s24] =	ssyncadd.s32 $0xFFFFF830  }
0x75: {  	[tilespmem:s22], [sflag:$0x1] =	stream.linear.gather [hbm4b:s26+s5], $0x7D0, $0x38;
	[tilespmem:$0x1E000] =	vst v63  }
0x76: {  	s11 =	sadd.s32 s6, s11  }
0x77: {  	[tilespmem:s23], [sflag:$0x1] =	stream.linear.gather [hbm4b:s11+s5], $0x7D0, $0x38;
	[tilespmem:$0x1E000] =	vst v63  }
0x78: {  	s11 =	simm.s32 @!p0 $0x3  }
0x79: {  	_ =	swait.ge @!p0 [sflag:s11], $0x7D0  }
0x7a: {  	[sflag:s11] =	ssyncset.done @!p0 $0x0  }
0x7b: {  	[sflag:s11] =	ssyncadd.s32 @!p0 $0xFFFFF830  }
0x7c: {  	_ =	swait.ge @!p0 [sflag:s11], $0x7D0  }
0x7d: {  	[sflag:s11] =	ssyncset.done @!p0 $0x0  }
0x7e: {  	s14 =	simm.s32 $0x0;
	[sflag:s11] =	ssyncadd.s32 @!p0 $0xFFFFF830  }
0x7f: {  	v2 =	vld [tilespmem:s14+$0x19FD0];
	_ =	sdelay $0x4  }
0x80: {  	v3 =	vand.u32 $0x1F, v2  }
0x81: {  	v3 =	vmul.u32 $0xC40, v3  }
0x82: {  	v2 =	vshrl.u32 v2, $0x5  }
0x83: {  	v2 =	vadd.s32 v2, v3;
	_ =	sdelay $0x1  }
0x84: {  	v3 =	vld [tilespmem:s14+$0x18FD0];
	_ =	sdelay $0x1  }
0x85: {  	[tilespmem:s14+$0x1A800] =	vst v2  }
0x86: {  	v2 =	vld.idx.msk [tilespmem:v2+s5+$0x0], $0xffff;
	_ =	sdelay $0x1  }
0x87: {  	v3 =	vmul.f32 $1.442695020e+00, v3;
	_ =	sdelay $0x1  }
0x88: {  	s21 =	simm.s32 $0x80;
	s15 =	simm.s32 $0x10;
	(erf) = vpow2.f32 v3  }
.LBB2_7:
0x89: {  	p0 =	sne.s32 s21, $0x1F00;
	v3 =	vld [tilespmem:s15+$0x19FD0];
	(erf) = vrcp.f32 v2;
	_ =	sdelay $0x4  }
0x8a: {  	v2 =	vand.u32 $0x1F, v3  }
0x8b: {  	v2 =	vmul.u32 $0xC40, v2  }
0x8c: {  	v5 =	vshrl.u32 v3, $0x5  }
0x8d: {  	v2 =	vadd.s32 v5, v2;
	v3 =	vpop (erf)  }
0x8e: {  	v4 =	vpop (erf)  }
0x8f: {  	v3 =	vmul.f32 v3, v4  }
0x90: {  	[tilespmem:s15+$0x1A800] =	vst v2;
	v4 =	vld [tilespmem:s15+$0x18FD0]  }
0x91: {  	[tilespmem:s14+$0x1B7D0] =	vst v3;
	s14 =	smov.u32 s15  }
0x92: {  	v2 =	vld.idx.msk [tilespmem:v2+s5+$0x0], $0xffff  }
.Ltmp2:
0x93: {  	(pc) =	sbr.rel @p0 .LBB2_7-.Ltmp2, $3  }
0x94: {  	_ = 	snop  }
0x95: {  	v3 =	vmul.f32 $1.442695020e+00, v4;
	_ =	sdelay $0x1  }
0x96: {  	s15 =	sshra.s32 s21, $0x2;
	s21 =	sadd.s32 $0x40, s21;
	(erf) = vpow2.f32 v3  }
0x97: {  	v3 =	vld [tilespmem:s15+$0x19FD0];
	(erf) = vrcp.f32 v2;
	_ =	sdelay $0x4  }
0x98: {  	v2 =	vand.u32 $0x1F, v3;
	v3 =	vshrl.u32 v3, $0x5  }
0x99: {  	v2 =	vmul.u32 $0xC40, v2;
	_ =	sdelay $0x1  }
0x9a: {  	v2 =	vadd.s32 v3, v2;
	v3 =	vpop (erf)  }
0x9b: {  	v4 =	vpop (erf)  }
0x9c: {  	v3 =	vmul.f32 v3, v4;
	v4 =	vld [tilespmem:s15+$0x18FD0]  }
0x9d: {  	[tilespmem:s15+$0x1A800] =	vst v2  }
0x9e: {  	[tilespmem:s14+$0x1B7D0] =	vst v3  }
0x9f: {  	v2 =	vld.idx.msk [tilespmem:v2+s5+$0x0], $0xffff;
	_ =	sdelay $0x1  }
0xa0: {  	v3 =	vmul.f32 $1.442695020e+00, v4;
	_ =	sdelay $0x1  }
0xa1: {  	(erf) = vpow2.f32 v3  }
0xa2: {  	(erf) = vrcp.f32 v2;
	_ =	sdelay $0x7  }
0xa3: {  	v2 =	vpop (erf)  }
0xa4: {  	v3 =	vpop (erf)  }
0xa5: {  	v2 =	vmul.f32 v2, v3;
	_ =	sdelay $0x1  }
0xa6: {  	[tilespmem:s15+$0x1B7D0] =	vst v2  }
0xa7: {  	[tilespmem:s30], [sflag:$0x2] =	stream.indirect.gather [hbm4b:s7+s28], $0x1, s29, s28, $0xb8;
	[tilespmem:$0x1E000] =	vst v63  }
0xa8: {  	_ = 	snop  }
0xa9: {  	[tilespmem:s31], [sflag:$0x2] =	stream.indirect.gather [hbm4b:s9+s28], $0x1, s29, s28, $0xb8;
	[tilespmem:$0x1E000] =	vst v63  }
0xaa: {  	_ =	swait.ge [sflag:s0], $0x7D0  }
0xab: {  	[sflag:s0] =	ssyncset.done $0x0  }
0xac: {  	[sflag:s0] =	ssyncadd.s32 $0xFFFFF830  }
0xad: {  	_ =	swait.ge [sflag:s0], $0x7D0  }
0xae: {  	[sflag:s0] =	ssyncset.done $0x0  }
0xaf: {  	s14 =	simm.s32 $0x0;
	[sflag:s0] =	ssyncadd.s32 $0xFFFFF830  }
0xb0: {  	v2 =	vld [tilespmem:s14+$0x1C000]  }
0xb1: {  	v3 =	vld [tilespmem:s14+$0x1C800];
	_ =	sdelay $0x2  }
0xb2: {  	s21 =	smov.u32 s19;
	s15 =	simm.s32 $0x40  }
.LBB2_9:
0xb3: {  	s11 =	sshra.s32 s15, $0x2;
	v4 =	vor.u32 s21, v0;
	p0 =	sne.s32 s15, $0x1F00  }
.Ltmp3:
0xb4: {  	s15 =	sadd.s32 $0x40, s15;
	vm0 =	vne.s32 v4, v2;
	v2 =	vld [tilespmem:s11+$0x1C000];
	vm1 =	vne.s32 v4, v3;
	(pc) =	sbr.rel @p0 .LBB2_9-.Ltmp3, $4  }
0xb5: {  	v3 =	vld [tilespmem:s11+$0x1C800];
	vm0 =	vmand vm0, vm1  }
0xb6: {  	v4 =	vsel vm0, $0x1, v1  }
0xb7: {  	[tilespmem:s14+$0x1D7D0] =	vst v4;
	s14 =	smov.u32 s11  }
0xb8: {  	s21 =	sadd.s32 $0x10, s21  }
0xb9: {  	v4 =	vor.u32 s21, v0  }
0xba: {  	s20 =	sadd.s32 $0x1, s20;
	vm0 =	vne.s32 v4, v2;
	vm1 =	vne.s32 v4, v3  }
0xbb: {  	p0 =	sne.s32 s20, $0xC;
	vm0 =	vmand vm0, vm1  }
.Ltmp4:
0xbc: {  	v2 =	vsel vm0, $0x1, v1;
	(pc) =	sbr.rel @p0 .LBB2_2-.Ltmp4, $4  }
0xbd: {  	s11 =	sadd.s32 s4, s17;
	s25 =	simm.s32 $0x1B7D0;
	[tilespmem:s14+$0x1D7D0] =	vst v2  }
0xbe: {  	[hbm4b:s11+s5] =	stream.linear.scatter [tilespmem:s25], [sflag:$0x3], $0x7D0, $0x38;
	[tilespmem:$0x1E000] =	vst v63  }
0xbf: {  	s26 =	sadd.s32 s10, s17;
	s16 =	sadd.s32 $0xFA0, s16;
	s19 =	sadd.s32 $0xFA0, s19  }
0xc0: {  	[hbm4b:s26+s5] =	stream.linear.scatter [tilespmem:s12], [sflag:$0x3], $0x7D0, $0x38;
	[tilespmem:$0x1E000] =	vst v63  }
0xc1: {  	_ =	swait.ge [sflag:s24], $0x7D0  }
0xc2: {  	[sflag:s24] =	ssyncset.done $0x0  }
0xc3: {  	[sflag:s24] =	ssyncadd.s32 $0xFFFFF830  }
0xc4: {  	_ =	swait.ge [sflag:s24], $0x7D0  }
0xc5: {  	[sflag:s24] =	ssyncset.done $0x0  }
0xc6: {  	s17 =	simm.s32 $0x3;
	[sflag:s24] =	ssyncadd.s32 $0xFFFFF830  }
0xc7: {  	_ =	swait.ge [sflag:s17], $0x7D0  }
0xc8: {  	[sflag:s17] =	ssyncset.done $0x0  }
0xc9: {  	[sflag:s17] =	ssyncadd.s32 $0xFFFFF830  }
0xca: {  	_ =	swait.ge [sflag:s17], $0x7D0  }
0xcb: {  	[sflag:s17] =	ssyncset.done $0x0  }
0xcc: {  	s14 =	simm.s32 $0x0;
	[sflag:s17] =	ssyncadd.s32 $0xFFFFF830  }
0xcd: {  	v2 =	vld [tilespmem:s14+$0x19800];
	_ =	sdelay $0x4  }
0xce: {  	v3 =	vand.u32 $0x1F, v2  }
0xcf: {  	v3 =	vmul.u32 $0xC40, v3  }
0xd0: {  	v2 =	vshrl.u32 v2, $0x5  }
0xd1: {  	v2 =	vadd.s32 v2, v3;
	_ =	sdelay $0x1  }
0xd2: {  	v3 =	vld [tilespmem:s14+$0x18800];
	_ =	sdelay $0x1  }
0xd3: {  	[tilespmem:s14+$0x1A800] =	vst v2  }
0xd4: {  	v2 =	vld.idx.msk [tilespmem:v2+s5+$0x0], $0xffff;
	_ =	sdelay $0x1  }
0xd5: {  	v3 =	vmul.f32 $1.442695020e+00, v3;
	_ =	sdelay $0x1  }
0xd6: {  	s15 =	simm.s32 $0x10;
	s16 =	simm.s32 $0x80;
	(erf) = vpow2.f32 v3  }
.LBB2_12:
0xd7: {  	p0 =	sne.s32 s16, $0x1F00;
	v3 =	vld [tilespmem:s15+$0x19800];
	(erf) = vrcp.f32 v2;
	_ =	sdelay $0x4  }
0xd8: {  	v2 =	vand.u32 $0x1F, v3  }
0xd9: {  	v2 =	vmul.u32 $0xC40, v2  }
0xda: {  	v5 =	vshrl.u32 v3, $0x5  }
0xdb: {  	v2 =	vadd.s32 v5, v2;
	v3 =	vpop (erf)  }
0xdc: {  	v4 =	vpop (erf)  }
0xdd: {  	v3 =	vmul.f32 v3, v4  }
0xde: {  	[tilespmem:s15+$0x1A800] =	vst v2;
	v4 =	vld [tilespmem:s15+$0x18800]  }
0xdf: {  	[tilespmem:s14+$0x1B000] =	vst v3;
	s14 =	smov.u32 s15  }
0xe0: {  	v2 =	vld.idx.msk [tilespmem:v2+s5+$0x0], $0xffff  }
.Ltmp5:
0xe1: {  	(pc) =	sbr.rel @p0 .LBB2_12-.Ltmp5, $3  }
0xe2: {  	_ = 	snop  }
0xe3: {  	v3 =	vmul.f32 $1.442695020e+00, v4;
	_ =	sdelay $0x1  }
0xe4: {  	s15 =	sshra.s32 s16, $0x2;
	s16 =	sadd.s32 $0x40, s16;
	(erf) = vpow2.f32 v3  }
0xe5: {  	v3 =	vld [tilespmem:s15+$0x19800];
	(erf) = vrcp.f32 v2;
	_ =	sdelay $0x4  }
0xe6: {  	v2 =	vand.u32 $0x1F, v3;
	v3 =	vshrl.u32 v3, $0x5  }
0xe7: {  	v2 =	vmul.u32 $0xC40, v2;
	_ =	sdelay $0x1  }
0xe8: {  	v2 =	vadd.s32 v3, v2;
	v3 =	vpop (erf)  }
0xe9: {  	v4 =	vpop (erf)  }
0xea: {  	v3 =	vmul.f32 v3, v4;
	v4 =	vld [tilespmem:s15+$0x18800]  }
0xeb: {  	[tilespmem:s15+$0x1A800] =	vst v2  }
0xec: {  	[tilespmem:s14+$0x1B000] =	vst v3  }
0xed: {  	v2 =	vld.idx.msk [tilespmem:v2+s5+$0x0], $0xffff;
	_ =	sdelay $0x1  }
0xee: {  	v3 =	vmul.f32 $1.442695020e+00, v4;
	_ =	sdelay $0x1  }
0xef: {  	(erf) = vpow2.f32 v3  }
0xf0: {  	(erf) = vrcp.f32 v2;
	_ =	sdelay $0x7  }
0xf1: {  	v2 =	vpop (erf)  }
0xf2: {  	v3 =	vpop (erf)  }
0xf3: {  	v2 =	vmul.f32 v2, v3;
	_ =	sdelay $0x1  }
0xf4: {  	[tilespmem:s15+$0x1B000] =	vst v2  }
0xf5: {  	[tilespmem:s30], [sflag:$0x2] =	stream.indirect.gather [hbm4b:s7+s28], $0x1, s29, s28, $0xb8;
	[tilespmem:$0x1E000] =	vst v63  }
0xf6: {  	_ = 	snop  }
0xf7: {  	[tilespmem:s31], [sflag:$0x2] =	stream.indirect.gather [hbm4b:s9+s28], $0x1, s29, s28, $0xb8;
	[tilespmem:$0x1E000] =	vst v63  }
0xf8: {  	_ =	swait.ge [sflag:s0], $0x7D0  }
0xf9: {  	[sflag:s0] =	ssyncset.done $0x0  }
0xfa: {  	[sflag:s0] =	ssyncadd.s32 $0xFFFFF830  }
0xfb: {  	_ =	swait.ge [sflag:s0], $0x7D0  }
0xfc: {  	[sflag:s0] =	ssyncset.done $0x0  }
0xfd: {  	s14 =	simm.s32 $0x0;
	[sflag:s0] =	ssyncadd.s32 $0xFFFFF830  }
0xfe: {  	v2 =	vld [tilespmem:s14+$0x1C000]  }
0xff: {  	v3 =	vld [tilespmem:s14+$0x1C800];
	_ =	sdelay $0x2  }
0x100: {  	s15 =	simm.s32 $0x40;
	s16 =	rddreg [dreg:$0xc]  }
.LBB2_14:
0x101: {  	s11 =	sshra.s32 s15, $0x2;
	v4 =	vor.u32 s16, v0;
	p0 =	sne.s32 s15, $0x1F00  }
.Ltmp6:
0x102: {  	s15 =	sadd.s32 $0x40, s15;
	vm0 =	vne.s32 v4, v2;
	v2 =	vld [tilespmem:s11+$0x1C000];
	vm1 =	vne.s32 v4, v3;
	(pc) =	sbr.rel @p0 .LBB2_14-.Ltmp6, $4  }
0x103: {  	v3 =	vld [tilespmem:s11+$0x1C800];
	vm0 =	vmand vm0, vm1  }
0x104: {  	v4 =	vsel vm0, $0x1, v1  }
0x105: {  	[tilespmem:s14+$0x1D000] =	vst v4;
	s14 =	smov.u32 s11  }
0x106: {  	s16 =	sadd.s32 $0x10, s16  }
0x107: {  	v4 =	vor.u32 s16, v0  }
0x108: {  	vm0 =	vne.s32 v4, v2;
	vm1 =	vne.s32 v4, v3  }
0x109: {  	vm0 =	vmand vm0, vm1  }
0x10a: {  	v2 =	vsel vm0, $0x1, v1  }
0x10b: {  	s11 =	rddreg [dreg:$0x7];
	[tilespmem:s14+$0x1D000] =	vst v2  }
0x10c: {  	[hbm4b:s11+s5] =	stream.linear.scatter [tilespmem:s3], [sflag:$0x3], $0x7D0, $0x38;
	[tilespmem:$0x1E000] =	vst v63  }
0x10d: {  	s21 =	rddreg [dreg:$0x8]  }
0x10e: {  	[hbm4b:s21+s5] =	stream.linear.scatter [tilespmem:s2], [sflag:$0x3], $0x7D0, $0x38;
	[tilespmem:$0x1E000] =	vst v63  }
0x10f: {  	_ =	swait.ge [sflag:s17], $0x7D0  }
0x110: {  	[sflag:s17] =	ssyncset.done $0x0  }
0x111: {  	[sflag:s17] =	ssyncadd.s32 $0xFFFFF830  }
0x112: {  	_ =	swait.ge [sflag:s17], $0x7D0  }
0x113: {  	[sflag:s17] =	ssyncset.done $0x0  }
0x114: {  	[sflag:s17] =	ssyncadd.s32 $0xFFFFF830  }
0x115: {  	_ =	swait.ge [sflag:s17], $0x7D0  }
0x116: {  	[sflag:s17] =	ssyncset.done $0x0  }
0x117: {  	[sflag:s17] =	ssyncadd.s32 $0xFFFFF830  }
0x118: {  	_ =	swait.ge [sflag:s17], $0x7D0  }
0x119: {  	s25 =	rddreg [dreg:$0xd]  }
0x11a: {  	s26 =	rddreg [dreg:$0xa];
	s14 =	sadd.s32 $0x1, s25  }
0x11b: {  	p0 =	sne.s32 s14, s26  }
.Ltmp7:
0x11c: {  	_ = 	snop;
	(pc) =	sbr.rel @p0 .LBB2_1-.Ltmp7, $3  }
0x11d: {  	_ =	sdelay $0x1  }
0x11e: {  	[sflag:s17] =	ssyncset.done $0x0  }
0x11f: {  	[sflag:s17] =	ssyncadd.s32 $0xFFFFF830  }
0x120: {  	_ =	sfence.sel $0x180000  }
0x121: {  	[bflag:$0x0] =	sbarrier.arrive $0xFFFF  }
0x122: {  	_ =	strace $0x9000004A  }
0x123: {  	s0 =	stileid.u32;
	[bflag:$0x2] =	sbarrier.arrive $0xFFFF  }
0x124: {  	p0 =	sne.s32 s0, $0x0;
	s0 =	rddreg [dreg:$0x4]  }
0x125: {  	s0 =	sadd.s32 @!p0 $0x100000, s0  }
0x126: {  	[sflag:s0] =	ssyncadd.tile.s32 @!p0 $0x1;
	_ =	shalt  }
.Lfunc_end2:
_tile_overlayer_lowered:
.L_overlay_start_2:
0x127: {  	(tag) =	ssettag $0x2  }
0x128: {  	s0 =	rddreg [dreg:$0x0];
	s2 =	stileid.u32  }
0x129: {  	s1 =	rddreg [dreg:$0x1];
	p0 =	sne.s32 s2, $0x0  }
0x12a: {  	s3 =	rddreg [dreg:$0x2];
	[bflag:$0x3] =	sbarrier.arrive $0xFFFF;
	s2 =	simm.s32 @!p0 $0x1C04  }
0x12b: {  	[timem:s3], [sflag:s2] =	dma.local @!p0 [hbm:s0], s1  }
0x12c: {  	s0 =	simm.s32 @!p0 $0x4  }
0x12d: {  	_ =	swait.ge @!p0 [sflag:s0], s1  }
0x12e: {  	s1 =	ssub.s32 @!p0 $0x0, s1;
	[sflag:s0] =	ssyncset.done @!p0 $0x0  }
0x12f: {  	[sflag:s0] =	ssyncadd.s32 @!p0 s1  }
0x130: {  	[bflag:$0x3] =	sbarrier.arrive $0xFFFF  }
0x131: {  	_ =	shalt  }

</sc_bundles>
